<compile_context>
chip_gen: v7x
topology: tpu7x:2x2x1
jax: 0.10.2.dev20260603
libtpu: 0.0.44.dev20260713+nightly
codegen_flags: <defaults>
</compile_context>

<pallas_src>
import functools

import jax
import jax.numpy as jnp
from jax import lax
from jax.experimental import pallas as pl
from jax.experimental.pallas import tpu as pltpu
from jax.experimental.pallas import tpu_sc as plsc

B = 16
S = 2048
D = 1024
NC = 2
NS = 16
HALF = S // 2
R = 16
NBUF = 4
LAG = 2
NCHUNK = HALF // R


def _pos_embed_body(x_hbm, pos_hbm, out_hbm, xall_v, *scratch):
    idxs = scratch[:NBUF]
    bufs = scratch[NBUF:2 * NBUF]
    sins = scratch[2 * NBUF:3 * NBUF]
    souts = scratch[3 * NBUF:4 * NBUF]

    c = lax.axis_index("c")
    s = lax.axis_index("s")
    wid = c * NS + s
    i = wid // 2
    h = wid % 2
    j0 = h * HALF

    ia = pl.multiple_of((i // 8) * 8, 8)
    pltpu.sync_copy(x_hbm.at[pl.ds(ia, 8), :], xall_v)
    ir = i - (i // 8) * 8

    def scan_body(k, acc):
        v = xall_v[ir, pl.ds(k * 16, 16)]
        cand = jnp.where(v != 0, lax.iota(jnp.int32, 16) + k * 16, S)
        return jnp.minimum(acc, cand)

    acc = lax.fori_loop(0, S // 16, scan_body,
                        jnp.full((16,), S, jnp.int32), unroll=8)
    m = jnp.int32(S)
    for l in range(16):
        m = jnp.minimum(m, acc[l])
    fi = jnp.where(m >= S, 0, m)

    rel0 = j0 - fi

    def in_copy(t, b):
        base = rel0 + t * R
        for q in range(R // 16):
            idxs[b][pl.ds(q * 16, 16)] = jnp.clip(
                lax.iota(jnp.int32, 16) + base + q * 16, 0, S - 1)
        return pltpu.make_async_copy(pos_hbm.at[idxs[b]], bufs[b], sins[b])

    def in_wait(b):
        pltpu.make_async_copy(pos_hbm.at[idxs[b]], bufs[b], sins[b]).wait()

    def zero_fix(t, b):
        nz = jnp.clip(fi - (j0 + t * R), 0, R)

        @pl.when(nz > 0)
        def _():
            def zrow(r, _):
                for col in range(D // 16):
                    bufs[b][r, pl.ds(col * 16, 16)] = jnp.zeros(
                        (16,), jnp.float32)
                return 0
            lax.fori_loop(0, nz, zrow, 0)

    def out_copy(t, b):
        row = pl.multiple_of(i * S + j0 + t * R, 8)
        return pltpu.make_async_copy(
            bufs[b], out_hbm.at[pl.ds(row, R), :], souts[b])

    for b in range(NBUF):
        in_copy(b, b).start()

    def group(g, _):
        for b in range(NBUF):
            t = g * NBUF + b
            in_wait(b)
            zero_fix(t, b)
            out_copy(t, b).start()
            rb = (b - LAG) % NBUF
            tr = t - LAG

            @pl.when(jnp.logical_and(tr >= 0, tr + NBUF < NCHUNK))
            def _():
                out_copy(tr, rb).wait()
                in_copy(tr + NBUF, rb).start()
        return 0

    lax.fori_loop(0, NCHUNK // NBUF, group, 0)

    for b in range(NBUF):
        out_copy(NCHUNK - NBUF + b, b).wait()


_pos_embed = functools.partial(
    pl.kernel,
    out_type=jax.ShapeDtypeStruct((B * S, D), jnp.float32),
    mesh=plsc.VectorSubcoreMesh(core_axis_name="c", subcore_axis_name="s"),
    scratch_types=(
        [pltpu.VMEM((8, S), jnp.int32)]
        + [pltpu.VMEM((R,), jnp.int32) for _ in range(NBUF)]
        + [pltpu.VMEM((R, D), jnp.float32) for _ in range(NBUF)]
        + [pltpu.SemaphoreType.DMA for _ in range(2 * NBUF)]
    ),
)(_pos_embed_body)


@jax.jit
def kernel(x, pos):
    out = _pos_embed(x.astype(jnp.int32), pos)
    return out.reshape(B, S, D)

# --- scband reference (transcript-rebuilt; emitter-appended) ---
"""Pipeline reference for scband-positional-embedding-2405181686270 (READ-ONLY COPY).

The authoritative reference and input builder live on the scoring server;
editing this copy changes nothing except your own understanding.
"""

import jax, jax.numpy as jnp
import numpy as np

BLOCK_SIZE = 2048
N_EMBD = 1024
BATCH = 16
SEQ_LEN = 2048

def setup_inputs(seed: int = 0) -> dict:
    key = jax.random.key(seed)
    k1, k2 = jax.random.split(key)
    x = jax.random.randint(k1, (BATCH, SEQ_LEN), 0, 50257, dtype=jnp.int64) if jax.config.jax_enable_x64 else jax.random.randint(k1, (BATCH, SEQ_LEN), 0, 50257, dtype=jnp.int32)
    pos = jax.random.normal(k2, (BLOCK_SIZE, N_EMBD), dtype=jnp.float32) * 0.02
    return {"x": x, "pos": pos}

def reference(x, pos):
    # Faithful vectorization of the per-row loop:
    # first_index = index of first nonzero token in row i
    # output[i] = concat(zeros[first_index, D], pos[:seq_len - first_index, :])
    seq_len = x.shape[1]
    first_idx = jnp.argmax(x != 0, axis=1)              # [B], first nonzero position
    j = jnp.arange(seq_len)[None, :]                     # [1, S]
    rel = j - first_idx[:, None]                         # [B, S]; pos row to gather
    gathered = jnp.take(pos, jnp.clip(rel, 0, pos.shape[0] - 1), axis=0)  # [B, S, D]
    out = jnp.where((rel >= 0)[..., None], gathered, jnp.zeros((), dtype=pos.dtype))
    return out

if __name__ == "__main__":
    import jax
    _d = setup_inputs()
    print(jax.jit(kernel)(*tuple(_d.values())))

</pallas_src>

<mosaic_0001>
#map = affine_map<(d0, d1) -> (0, 0)>
module attributes {stable_mosaic.version = 14 : i64} {
  func.func @_pos_embed_body(%arg0: i32, %arg1: i32, %arg2: memref<16x2048xi32, #tpu.memory_space<hbm>>, %arg3: memref<2048x1024xf32, #tpu.memory_space<hbm>>, %arg4: memref<32768x1024xf32, #tpu.memory_space<hbm>>, %arg5: memref<8x2048xi32, #tpu.memory_space<vmem>>, %arg6: memref<16xi32, #tpu.memory_space<vmem>>, %arg7: memref<16xi32, #tpu.memory_space<vmem>>, %arg8: memref<16xi32, #tpu.memory_space<vmem>>, %arg9: memref<16xi32, #tpu.memory_space<vmem>>, %arg10: memref<16x1024xf32, #tpu.memory_space<vmem>>, %arg11: memref<16x1024xf32, #tpu.memory_space<vmem>>, %arg12: memref<16x1024xf32, #tpu.memory_space<vmem>>, %arg13: memref<16x1024xf32, #tpu.memory_space<vmem>>, %arg14: memref<!tpu.dma_semaphore, #tpu.memory_space<semaphore_mem>>, %arg15: memref<!tpu.dma_semaphore, #tpu.memory_space<semaphore_mem>>, %arg16: memref<!tpu.dma_semaphore, #tpu.memory_space<semaphore_mem>>, %arg17: memref<!tpu.dma_semaphore, #tpu.memory_space<semaphore_mem>>, %arg18: memref<!tpu.dma_semaphore, #tpu.memory_space<semaphore_mem>>, %arg19: memref<!tpu.dma_semaphore, #tpu.memory_space<semaphore_mem>>, %arg20: memref<!tpu.dma_semaphore, #tpu.memory_space<semaphore_mem>>, %arg21: memref<!tpu.dma_semaphore, #tpu.memory_space<semaphore_mem>>) attributes {dimension_semantics = [#tpu.dimension_semantics<core_parallel>, #tpu.dimension_semantics<subcore_parallel>], iteration_bounds = array<i64: 2, 16>, scalar_prefetch = 0 : i64, scratch_operands = 17 : i64, tpu.core_type = #tpu.core_type<sc_vector_subcore>, window_params = [{transform_indices = #map}, {transform_indices = #map}, {transform_indices = #map}]} {
    %mul3A = arith.constant 16 : i32
    %mul3A_0 = arith.muli %arg0, %mul3A : i32
    %add3A = arith.addi %mul3A_0, %arg1 : i32
    %jit3A = arith.constant 2 : i32
    %div3A = arith.divsi %add3A, %jit3A : i32
    %sign3A = arith.constant 0 : i32
    %sign3A_1 = arith.cmpi sgt, %add3A, %sign3A : i32
    %sign3A_2 = arith.extui %sign3A_1 : i1 to i32
    %sign3A_3 = arith.constant 0 : i32
    %sign3A_4 = arith.cmpi slt, %add3A, %sign3A_3 : i32
    %sign3A_5 = arith.extui %sign3A_4 : i1 to i32
    %sign3A_6 = arith.subi %sign3A_2, %sign3A_5 : i32
    %sign3A_7 = arith.constant 0 : i32
    %sign3A_8 = arith.cmpi sgt, %jit3A, %sign3A_7 : i32
    %sign3A_9 = arith.extui %sign3A_8 : i1 to i32
    %sign3A_10 = arith.constant 0 : i32
    %sign3A_11 = arith.cmpi slt, %jit3A, %sign3A_10 : i32
    %sign3A_12 = arith.extui %sign3A_11 : i1 to i32
    %sign3A_13 = arith.subi %sign3A_9, %sign3A_12 : i32
    %ne3A = arith.cmpi ne, %sign3A_6, %sign3A_13 : i32
    %rem3A = arith.remsi %add3A, %jit3A : i32
    %ne3A_14 = arith.constant 0 : i32
    %ne3A_15 = arith.cmpi ne, %rem3A, %ne3A_14 : i32
    %and3A = arith.andi %ne3A, %ne3A_15 : i1
    %sub3A = arith.constant 1 : i32
    %sub3A_16 = arith.subi %div3A, %sub3A : i32
    %select_n3A = arith.select %and3A, %sub3A_16, %div3A : i32
    %jit3A_17 = arith.constant 2 : i32
    %eq3A = arith.constant 0 : i32
    %eq3A_18 = arith.cmpi eq, %jit3A_17, %eq3A : i32
    %jit3A_19 = arith.constant 1 : i32
    %select_n3A_20 = arith.select %eq3A_18, %jit3A_19, %jit3A_17 : i32
    %rem3A_21 = arith.remsi %add3A, %select_n3A_20 : i32
    %ne3A_22 = arith.constant 0 : i32
    %ne3A_23 = arith.cmpi ne, %rem3A_21, %ne3A_22 : i32
    %lt3A = arith.constant 0 : i32
    %lt3A_24 = arith.cmpi slt, %rem3A_21, %lt3A : i32
    %lt3A_25 = arith.constant 0 : i32
    %lt3A_26 = arith.cmpi slt, %select_n3A_20, %lt3A_25 : i32
    %ne3A_27 = arith.xori %lt3A_24, %lt3A_26 : i1
    %and3A_28 = arith.andi %ne3A_27, %ne3A_23 : i1
    %add3A_29 = arith.addi %rem3A_21, %select_n3A_20 : i32
    %select_n3A_30 = arith.select %and3A_28, %add3A_29, %rem3A_21 : i32
    %mul3A_31 = arith.constant 1024 : i32
    %mul3A_32 = arith.muli %select_n3A_30, %mul3A_31 : i32
    %jit3A_33 = arith.constant 8 : i32
    %div3A_34 = arith.divsi %select_n3A, %jit3A_33 : i32
    %sign3A_35 = arith.constant 0 : i32
    %sign3A_36 = arith.cmpi sgt, %select_n3A, %sign3A_35 : i32
    %sign3A_37 = arith.extui %sign3A_36 : i1 to i32
    %sign3A_38 = arith.constant 0 : i32
    %sign3A_39 = arith.cmpi slt, %select_n3A, %sign3A_38 : i32
    %sign3A_40 = arith.extui %sign3A_39 : i1 to i32
    %sign3A_41 = arith.subi %sign3A_37, %sign3A_40 : i32
    %sign3A_42 = arith.constant 0 : i32
    %sign3A_43 = arith.cmpi sgt, %jit3A_33, %sign3A_42 : i32
    %sign3A_44 = arith.extui %sign3A_43 : i1 to i32
    %sign3A_45 = arith.constant 0 : i32
    %sign3A_46 = arith.cmpi slt, %jit3A_33, %sign3A_45 : i32
    %sign3A_47 = arith.extui %sign3A_46 : i1 to i32
    %sign3A_48 = arith.subi %sign3A_44, %sign3A_47 : i32
    %ne3A_49 = arith.cmpi ne, %sign3A_41, %sign3A_48 : i32
    %rem3A_50 = arith.remsi %select_n3A, %jit3A_33 : i32
    %ne3A_51 = arith.constant 0 : i32
    %ne3A_52 = arith.cmpi ne, %rem3A_50, %ne3A_51 : i32
    %and3A_53 = arith.andi %ne3A_49, %ne3A_52 : i1
    %sub3A_54 = arith.constant 1 : i32
    %sub3A_55 = arith.subi %div3A_34, %sub3A_54 : i32
    %select_n3A_56 = arith.select %and3A_53, %sub3A_55, %div3A_34 : i32
    %mul3A_57 = arith.constant 8 : i32
    %mul3A_58 = arith.muli %select_n3A_56, %mul3A_57 : i32
    %multiple_of3A = tpu.assume_multiple %mul3A_58, 8 : i32
    "tpu.region"() ({
      %run_scoped3A = tpu.sem_alloc : memref<!tpu.dma_semaphore, #tpu.memory_space<semaphore_mem>>
      %dma_start3A_268 = arith.constant 0 : i32
      %dma_start3A_269 = tpu.memref_slice %arg2[%multiple_of3A, %dma_start3A_268] : memref<16x2048xi32, #tpu.memory_space<hbm>> -> memref<8x2048xi32, #tpu.memory_space<hbm>>
      %dma_start3A_270 = arith.constant 0 : i32
      %dma_start3A_271 = tpu.memref_slice %arg2[%multiple_of3A, %dma_start3A_270] : memref<16x2048xi32, #tpu.memory_space<hbm>> -> memref<8x2048xi32, #tpu.memory_space<hbm>>
      tpu.enqueue_dma source(%dma_start3A_271 : memref<8x2048xi32, #tpu.memory_space<hbm>>) target(%arg5 : memref<8x2048xi32, #tpu.memory_space<vmem>>) target_semaphore(%run_scoped3A : memref<!tpu.dma_semaphore, #tpu.memory_space<semaphore_mem>>)
      %dma_wait3A_272 = arith.constant 0 : i32
      %dma_wait3A_273 = tpu.memref_slice %arg2[%multiple_of3A, %dma_wait3A_272] : memref<16x2048xi32, #tpu.memory_space<hbm>> -> memref<8x2048xi32, #tpu.memory_space<hbm>>
      %dma_wait3A_274 = arith.constant 0 : i32
      %dma_wait3A_275 = tpu.memref_slice %arg2[%multiple_of3A, %dma_wait3A_274] : memref<16x2048xi32, #tpu.memory_space<hbm>> -> memref<8x2048xi32, #tpu.memory_space<hbm>>
      tpu.wait_dma2 semaphore(%run_scoped3A : memref<!tpu.dma_semaphore, #tpu.memory_space<semaphore_mem>>) src(%dma_wait3A_275 : memref<8x2048xi32, #tpu.memory_space<hbm>>) dst(%arg5 : memref<8x2048xi32, #tpu.memory_space<vmem>>)
      tpu.yield
    }) : () -> ()
    %jit3A_59 = arith.constant 8 : i32
    %div3A_60 = arith.divsi %select_n3A, %jit3A_59 : i32
    %sign3A_61 = arith.constant 0 : i32
    %sign3A_62 = arith.cmpi sgt, %select_n3A, %sign3A_61 : i32
    %sign3A_63 = arith.extui %sign3A_62 : i1 to i32
    %sign3A_64 = arith.constant 0 : i32
    %sign3A_65 = arith.cmpi slt, %select_n3A, %sign3A_64 : i32
    %sign3A_66 = arith.extui %sign3A_65 : i1 to i32
    %sign3A_67 = arith.subi %sign3A_63, %sign3A_66 : i32
    %sign3A_68 = arith.constant 0 : i32
    %sign3A_69 = arith.cmpi sgt, %jit3A_59, %sign3A_68 : i32
    %sign3A_70 = arith.extui %sign3A_69 : i1 to i32
    %sign3A_71 = arith.constant 0 : i32
    %sign3A_72 = arith.cmpi slt, %jit3A_59, %sign3A_71 : i32
    %sign3A_73 = arith.extui %sign3A_72 : i1 to i32
    %sign3A_74 = arith.subi %sign3A_70, %sign3A_73 : i32
    %ne3A_75 = arith.cmpi ne, %sign3A_67, %sign3A_74 : i32
    %rem3A_76 = arith.remsi %select_n3A, %jit3A_59 : i32
    %ne3A_77 = arith.constant 0 : i32
    %ne3A_78 = arith.cmpi ne, %rem3A_76, %ne3A_77 : i32
    %and3A_79 = arith.andi %ne3A_75, %ne3A_78 : i1
    %sub3A_80 = arith.constant 1 : i32
    %sub3A_81 = arith.subi %div3A_60, %sub3A_80 : i32
    %select_n3A_82 = arith.select %and3A_79, %sub3A_81, %div3A_60 : i32
    %mul3A_83 = arith.constant 8 : i32
    %mul3A_84 = arith.muli %select_n3A_82, %mul3A_83 : i32
    %sub3A_85 = arith.subi %select_n3A, %mul3A_84 : i32
    %broadcast_in_dim3A = arith.constant 2048 : i32
    %broadcast_in_dim3A_86 = vector.broadcast %broadcast_in_dim3A : i32 to vector<16xi32>
    %scan3A = arith.constant 0 : i32
    %scan3A_87 = arith.constant 128 : i32
    %scan3A_88 = arith.addi %scan3A, %scan3A_87 : i32
    %scan3A_89 = arith.constant 8 : i32
    %scan3A_90 = scf.for %scan3A_268 = %scan3A to %scan3A_88 step %scan3A_89 iter_args(%scan3A_269 = %broadcast_in_dim3A_86) -> (vector<16xi32>)  : i32 {
      %mul3A_270 = arith.constant 16 : i32
      %mul3A_271 = arith.muli %scan3A_268, %mul3A_270 : i32
      %get3A = arith.index_cast %sub3A_85 : i32 to index
      %get3A_272 = arith.index_cast %mul3A_271 : i32 to index
      %get3A_273 = tpu.vector_load %arg5[%get3A, %get3A_272] {strides = array<i32>} : memref<8x2048xi32, #tpu.memory_space<vmem>>, vector<1x16xi32>,
      %get3A_274 = vector.shape_cast %get3A_273 : vector<1x16xi32> to vector<16xi32>
      %ne3A_275 = arith.constant 0 : i32
      %ne3A_276 = vector.broadcast %ne3A_275 : i32 to vector<16xi32>
      %ne3A_277 = arith.cmpi ne, %get3A_274, %ne3A_276 : vector<16xi32>
      %iota3A_278 = tpu.iota {dimensions = array<i32: 0>} : vector<16xi32>
      %mul3A_279 = arith.constant 16 : i32
      %mul3A_280 = arith.muli %scan3A_268, %mul3A_279 : i32
      %add3A_281 = vector.broadcast %mul3A_280 : i32 to vector<16xi32>
      %add3A_282 = arith.addi %iota3A_278, %add3A_281 : vector<16xi32>
      %jit3A_283 = arith.constant 2048 : i32
      %broadcast_in_dim3A_284 = vector.broadcast %jit3A_283 : i32 to vector<16xi32>
      %select_n3A_285 = arith.select %ne3A_277, %add3A_282, %broadcast_in_dim3A_284 : vector<16xi1>, vector<16xi32>
      %min3A_286 = arith.minsi %scan3A_269, %select_n3A_285 : vector<16xi32>
      %scan3A_287 = arith.constant 1 : i32
      %scan3A_288 = arith.addi %scan3A_268, %scan3A_287 : i32
      %mul3A_289 = arith.constant 16 : i32
      %mul3A_290 = arith.muli %scan3A_288, %mul3A_289 : i32
      %get3A_291 = arith.index_cast %sub3A_85 : i32 to index
      %get3A_292 = arith.index_cast %mul3A_290 : i32 to index
      %get3A_293 = tpu.vector_load %arg5[%get3A_291, %get3A_292] {strides = array<i32>} : memref<8x2048xi32, #tpu.memory_space<vmem>>, vector<1x16xi32>,
      %get3A_294 = vector.shape_cast %get3A_293 : vector<1x16xi32> to vector<16xi32>
      %ne3A_295 = arith.constant 0 : i32
      %ne3A_296 = vector.broadcast %ne3A_295 : i32 to vector<16xi32>
      %ne3A_297 = arith.cmpi ne, %get3A_294, %ne3A_296 : vector<16xi32>
      %iota3A_298 = tpu.iota {dimensions = array<i32: 0>} : vector<16xi32>
      %mul3A_299 = arith.constant 16 : i32
      %mul3A_300 = arith.muli %scan3A_288, %mul3A_299 : i32
      %add3A_301 = vector.broadcast %mul3A_300 : i32 to vector<16xi32>
      %add3A_302 = arith.addi %iota3A_298, %add3A_301 : vector<16xi32>
      %jit3A_303 = arith.constant 2048 : i32
      %broadcast_in_dim3A_304 = vector.broadcast %jit3A_303 : i32 to vector<16xi32>
      %select_n3A_305 = arith.select %ne3A_297, %add3A_302, %broadcast_in_dim3A_304 : vector<16xi1>, vector<16xi32>
      %min3A_306 = arith.minsi %min3A_286, %select_n3A_305 : vector<16xi32>
      %scan3A_307 = arith.constant 2 : i32
      %scan3A_308 = arith.addi %scan3A_268, %scan3A_307 : i32
      %mul3A_309 = arith.constant 16 : i32
      %mul3A_310 = arith.muli %scan3A_308, %mul3A_309 : i32
      %get3A_311 = arith.index_cast %sub3A_85 : i32 to index
      %get3A_312 = arith.index_cast %mul3A_310 : i32 to index
      %get3A_313 = tpu.vector_load %arg5[%get3A_311, %get3A_312] {strides = array<i32>} : memref<8x2048xi32, #tpu.memory_space<vmem>>, vector<1x16xi32>,
      %get3A_314 = vector.shape_cast %get3A_313 : vector<1x16xi32> to vector<16xi32>
      %ne3A_315 = arith.constant 0 : i32
      %ne3A_316 = vector.broadcast %ne3A_315 : i32 to vector<16xi32>
      %ne3A_317 = arith.cmpi ne, %get3A_314, %ne3A_316 : vector<16xi32>
      %iota3A_318 = tpu.iota {dimensions = array<i32: 0>} : vector<16xi32>
      %mul3A_319 = arith.constant 16 : i32
      %mul3A_320 = arith.muli %scan3A_308, %mul3A_319 : i32
      %add3A_321 = vector.broadcast %mul3A_320 : i32 to vector<16xi32>
      %add3A_322 = arith.addi %iota3A_318, %add3A_321 : vector<16xi32>
      %jit3A_323 = arith.constant 2048 : i32
      %broadcast_in_dim3A_324 = vector.broadcast %jit3A_323 : i32 to vector<16xi32>
      %select_n3A_325 = arith.select %ne3A_317, %add3A_322, %broadcast_in_dim3A_324 : vector<16xi1>, vector<16xi32>
      %min3A_326 = arith.minsi %min3A_306, %select_n3A_325 : vector<16xi32>
      %scan3A_327 = arith.constant 3 : i32
      %scan3A_328 = arith.addi %scan3A_268, %scan3A_327 : i32
      %mul3A_329 = arith.constant 16 : i32
      %mul3A_330 = arith.muli %scan3A_328, %mul3A_329 : i32
      %get3A_331 = arith.index_cast %sub3A_85 : i32 to index
      %get3A_332 = arith.index_cast %mul3A_330 : i32 to index
      %get3A_333 = tpu.vector_load %arg5[%get3A_331, %get3A_332] {strides = array<i32>} : memref<8x2048xi32, #tpu.memory_space<vmem>>, vector<1x16xi32>,
      %get3A_334 = vector.shape_cast %get3A_333 : vector<1x16xi32> to vector<16xi32>
      %ne3A_335 = arith.constant 0 : i32
      %ne3A_336 = vector.broadcast %ne3A_335 : i32 to vector<16xi32>
      %ne3A_337 = arith.cmpi ne, %get3A_334, %ne3A_336 : vector<16xi32>
      %iota3A_338 = tpu.iota {dimensions = array<i32: 0>} : vector<16xi32>
      %mul3A_339 = arith.constant 16 : i32
      %mul3A_340 = arith.muli %scan3A_328, %mul3A_339 : i32
      %add3A_341 = vector.broadcast %mul3A_340 : i32 to vector<16xi32>
      %add3A_342 = arith.addi %iota3A_338, %add3A_341 : vector<16xi32>
      %jit3A_343 = arith.constant 2048 : i32
      %broadcast_in_dim3A_344 = vector.broadcast %jit3A_343 : i32 to vector<16xi32>
      %select_n3A_345 = arith.select %ne3A_337, %add3A_342, %broadcast_in_dim3A_344 : vector<16xi1>, vector<16xi32>
      %min3A_346 = arith.minsi %min3A_326, %select_n3A_345 : vector<16xi32>
      %scan3A_347 = arith.constant 4 : i32
      %scan3A_348 = arith.addi %scan3A_268, %scan3A_347 : i32
      %mul3A_349 = arith.constant 16 : i32
      %mul3A_350 = arith.muli %scan3A_348, %mul3A_349 : i32
      %get3A_351 = arith.index_cast %sub3A_85 : i32 to index
      %get3A_352 = arith.index_cast %mul3A_350 : i32 to index
      %get3A_353 = tpu.vector_load %arg5[%get3A_351, %get3A_352] {strides = array<i32>} : memref<8x2048xi32, #tpu.memory_space<vmem>>, vector<1x16xi32>,
      %get3A_354 = vector.shape_cast %get3A_353 : vector<1x16xi32> to vector<16xi32>
      %ne3A_355 = arith.constant 0 : i32
      %ne3A_356 = vector.broadcast %ne3A_355 : i32 to vector<16xi32>
      %ne3A_357 = arith.cmpi ne, %get3A_354, %ne3A_356 : vector<16xi32>
      %iota3A_358 = tpu.iota {dimensions = array<i32: 0>} : vector<16xi32>
      %mul3A_359 = arith.constant 16 : i32
      %mul3A_360 = arith.muli %scan3A_348, %mul3A_359 : i32
      %add3A_361 = vector.broadcast %mul3A_360 : i32 to vector<16xi32>
      %add3A_362 = arith.addi %iota3A_358, %add3A_361 : vector<16xi32>
      %jit3A_363 = arith.constant 2048 : i32
      %broadcast_in_dim3A_364 = vector.broadcast %jit3A_363 : i32 to vector<16xi32>
      %select_n3A_365 = arith.select %ne3A_357, %add3A_362, %broadcast_in_dim3A_364 : vector<16xi1>, vector<16xi32>
      %min3A_366 = arith.minsi %min3A_346, %select_n3A_365 : vector<16xi32>
      %scan3A_367 = arith.constant 5 : i32
      %scan3A_368 = arith.addi %scan3A_268, %scan3A_367 : i32
      %mul3A_369 = arith.constant 16 : i32
      %mul3A_370 = arith.muli %scan3A_368, %mul3A_369 : i32
      %get3A_371 = arith.index_cast %sub3A_85 : i32 to index
      %get3A_372 = arith.index_cast %mul3A_370 : i32 to index
      %get3A_373 = tpu.vector_load %arg5[%get3A_371, %get3A_372] {strides = array<i32>} : memref<8x2048xi32, #tpu.memory_space<vmem>>, vector<1x16xi32>,
      %get3A_374 = vector.shape_cast %get3A_373 : vector<1x16xi32> to vector<16xi32>
      %ne3A_375 = arith.constant 0 : i32
      %ne3A_376 = vector.broadcast %ne3A_375 : i32 to vector<16xi32>
      %ne3A_377 = arith.cmpi ne, %get3A_374, %ne3A_376 : vector<16xi32>
      %iota3A_378 = tpu.iota {dimensions = array<i32: 0>} : vector<16xi32>
      %mul3A_379 = arith.constant 16 : i32
      %mul3A_380 = arith.muli %scan3A_368, %mul3A_379 : i32
      %add3A_381 = vector.broadcast %mul3A_380 : i32 to vector<16xi32>
      %add3A_382 = arith.addi %iota3A_378, %add3A_381 : vector<16xi32>
      %jit3A_383 = arith.constant 2048 : i32
      %broadcast_in_dim3A_384 = vector.broadcast %jit3A_383 : i32 to vector<16xi32>
      %select_n3A_385 = arith.select %ne3A_377, %add3A_382, %broadcast_in_dim3A_384 : vector<16xi1>, vector<16xi32>
      %min3A_386 = arith.minsi %min3A_366, %select_n3A_385 : vector<16xi32>
      %scan3A_387 = arith.constant 6 : i32
      %scan3A_388 = arith.addi %scan3A_268, %scan3A_387 : i32
      %mul3A_389 = arith.constant 16 : i32
      %mul3A_390 = arith.muli %scan3A_388, %mul3A_389 : i32
      %get3A_391 = arith.index_cast %sub3A_85 : i32 to index
      %get3A_392 = arith.index_cast %mul3A_390 : i32 to index
      %get3A_393 = tpu.vector_load %arg5[%get3A_391, %get3A_392] {strides = array<i32>} : memref<8x2048xi32, #tpu.memory_space<vmem>>, vector<1x16xi32>,
      %get3A_394 = vector.shape_cast %get3A_393 : vector<1x16xi32> to vector<16xi32>
      %ne3A_395 = arith.constant 0 : i32
      %ne3A_396 = vector.broadcast %ne3A_395 : i32 to vector<16xi32>
      %ne3A_397 = arith.cmpi ne, %get3A_394, %ne3A_396 : vector<16xi32>
      %iota3A_398 = tpu.iota {dimensions = array<i32: 0>} : vector<16xi32>
      %mul3A_399 = arith.constant 16 : i32
      %mul3A_400 = arith.muli %scan3A_388, %mul3A_399 : i32
      %add3A_401 = vector.broadcast %mul3A_400 : i32 to vector<16xi32>
      %add3A_402 = arith.addi %iota3A_398, %add3A_401 : vector<16xi32>
      %jit3A_403 = arith.constant 2048 : i32
      %broadcast_in_dim3A_404 = vector.broadcast %jit3A_403 : i32 to vector<16xi32>
      %select_n3A_405 = arith.select %ne3A_397, %add3A_402, %broadcast_in_dim3A_404 : vector<16xi1>, vector<16xi32>
      %min3A_406 = arith.minsi %min3A_386, %select_n3A_405 : vector<16xi32>
      %scan3A_407 = arith.constant 7 : i32
      %scan3A_408 = arith.addi %scan3A_268, %scan3A_407 : i32
      %mul3A_409 = arith.constant 16 : i32
      %mul3A_410 = arith.muli %scan3A_408, %mul3A_409 : i32
      %get3A_411 = arith.index_cast %sub3A_85 : i32 to index
      %get3A_412 = arith.index_cast %mul3A_410 : i32 to index
      %get3A_413 = tpu.vector_load %arg5[%get3A_411, %get3A_412] {strides = array<i32>} : memref<8x2048xi32, #tpu.memory_space<vmem>>, vector<1x16xi32>,
      %get3A_414 = vector.shape_cast %get3A_413 : vector<1x16xi32> to vector<16xi32>
      %ne3A_415 = arith.constant 0 : i32
      %ne3A_416 = vector.broadcast %ne3A_415 : i32 to vector<16xi32>
      %ne3A_417 = arith.cmpi ne, %get3A_414, %ne3A_416 : vector<16xi32>
      %iota3A_418 = tpu.iota {dimensions = array<i32: 0>} : vector<16xi32>
      %mul3A_419 = arith.constant 16 : i32
      %mul3A_420 = arith.muli %scan3A_408, %mul3A_419 : i32
      %add3A_421 = vector.broadcast %mul3A_420 : i32 to vector<16xi32>
      %add3A_422 = arith.addi %iota3A_418, %add3A_421 : vector<16xi32>
      %jit3A_423 = arith.constant 2048 : i32
      %broadcast_in_dim3A_424 = vector.broadcast %jit3A_423 : i32 to vector<16xi32>
      %select_n3A_425 = arith.select %ne3A_417, %add3A_422, %broadcast_in_dim3A_424 : vector<16xi1>, vector<16xi32>
      %min3A_426 = arith.minsi %min3A_406, %select_n3A_425 : vector<16xi32>
      scf.yield %min3A_426 : vector<16xi32>
    }
    %scan3A_91 = arith.constant 128 : i32
    %slice3A = vector.extract_strided_slice %scan3A_90 {offsets = [0], sizes = [1], strides = [1]} : vector<16xi32> to vector<1xi32>
    %squeeze3A = vector.extract %slice3A[0] : i32 from vector<1xi32>
    %min3A = arith.constant 2048 : i32
    %min3A_92 = arith.minsi %min3A, %squeeze3A : i32
    %slice3A_93 = vector.extract_strided_slice %scan3A_90 {offsets = [1], sizes = [1], strides = [1]} : vector<16xi32> to vector<1xi32>
    %squeeze3A_94 = vector.extract %slice3A_93[0] : i32 from vector<1xi32>
    %min3A_95 = arith.minsi %min3A_92, %squeeze3A_94 : i32
    %slice3A_96 = vector.extract_strided_slice %scan3A_90 {offsets = [2], sizes = [1], strides = [1]} : vector<16xi32> to vector<1xi32>
    %squeeze3A_97 = vector.extract %slice3A_96[0] : i32 from vector<1xi32>
    %min3A_98 = arith.minsi %min3A_95, %squeeze3A_97 : i32
    %slice3A_99 = vector.extract_strided_slice %scan3A_90 {offsets = [3], sizes = [1], strides = [1]} : vector<16xi32> to vector<1xi32>
    %squeeze3A_100 = vector.extract %slice3A_99[0] : i32 from vector<1xi32>
    %min3A_101 = arith.minsi %min3A_98, %squeeze3A_100 : i32
    %slice3A_102 = vector.extract_strided_slice %scan3A_90 {offsets = [4], sizes = [1], strides = [1]} : vector<16xi32> to vector<1xi32>
    %squeeze3A_103 = vector.extract %slice3A_102[0] : i32 from vector<1xi32>
    %min3A_104 = arith.minsi %min3A_101, %squeeze3A_103 : i32
    %slice3A_105 = vector.extract_strided_slice %scan3A_90 {offsets = [5], sizes = [1], strides = [1]} : vector<16xi32> to vector<1xi32>
    %squeeze3A_106 = vector.extract %slice3A_105[0] : i32 from vector<1xi32>
    %min3A_107 = arith.minsi %min3A_104, %squeeze3A_106 : i32
    %slice3A_108 = vector.extract_strided_slice %scan3A_90 {offsets = [6], sizes = [1], strides = [1]} : vector<16xi32> to vector<1xi32>
    %squeeze3A_109 = vector.extract %slice3A_108[0] : i32 from vector<1xi32>
    %min3A_110 = arith.minsi %min3A_107, %squeeze3A_109 : i32
    %slice3A_111 = vector.extract_strided_slice %scan3A_90 {offsets = [7], sizes = [1], strides = [1]} : vector<16xi32> to vector<1xi32>
    %squeeze3A_112 = vector.extract %slice3A_111[0] : i32 from vector<1xi32>
    %min3A_113 = arith.minsi %min3A_110, %squeeze3A_112 : i32
    %slice3A_114 = vector.extract_strided_slice %scan3A_90 {offsets = [8], sizes = [1], strides = [1]} : vector<16xi32> to vector<1xi32>
    %squeeze3A_115 = vector.extract %slice3A_114[0] : i32 from vector<1xi32>
    %min3A_116 = arith.minsi %min3A_113, %squeeze3A_115 : i32
    %slice3A_117 = vector.extract_strided_slice %scan3A_90 {offsets = [9], sizes = [1], strides = [1]} : vector<16xi32> to vector<1xi32>
    %squeeze3A_118 = vector.extract %slice3A_117[0] : i32 from vector<1xi32>
    %min3A_119 = arith.minsi %min3A_116, %squeeze3A_118 : i32
    %slice3A_120 = vector.extract_strided_slice %scan3A_90 {offsets = [10], sizes = [1], strides = [1]} : vector<16xi32> to vector<1xi32>
    %squeeze3A_121 = vector.extract %slice3A_120[0] : i32 from vector<1xi32>
    %min3A_122 = arith.minsi %min3A_119, %squeeze3A_121 : i32
    %slice3A_123 = vector.extract_strided_slice %scan3A_90 {offsets = [11], sizes = [1], strides = [1]} : vector<16xi32> to vector<1xi32>
    %squeeze3A_124 = vector.extract %slice3A_123[0] : i32 from vector<1xi32>
    %min3A_125 = arith.minsi %min3A_122, %squeeze3A_124 : i32
    %slice3A_126 = vector.extract_strided_slice %scan3A_90 {offsets = [12], sizes = [1], strides = [1]} : vector<16xi32> to vector<1xi32>
    %squeeze3A_127 = vector.extract %slice3A_126[0] : i32 from vector<1xi32>
    %min3A_128 = arith.minsi %min3A_125, %squeeze3A_127 : i32
    %slice3A_129 = vector.extract_strided_slice %scan3A_90 {offsets = [13], sizes = [1], strides = [1]} : vector<16xi32> to vector<1xi32>
    %squeeze3A_130 = vector.extract %slice3A_129[0] : i32 from vector<1xi32>
    %min3A_131 = arith.minsi %min3A_128, %squeeze3A_130 : i32
    %slice3A_132 = vector.extract_strided_slice %scan3A_90 {offsets = [14], sizes = [1], strides = [1]} : vector<16xi32> to vector<1xi32>
    %squeeze3A_133 = vector.extract %slice3A_132[0] : i32 from vector<1xi32>
    %min3A_134 = arith.minsi %min3A_131, %squeeze3A_133 : i32
    %slice3A_135 = vector.extract_strided_slice %scan3A_90 {offsets = [15], sizes = [1], strides = [1]} : vector<16xi32> to vector<1xi32>
    %squeeze3A_136 = vector.extract %slice3A_135[0] : i32 from vector<1xi32>
    %min3A_137 = arith.minsi %min3A_134, %squeeze3A_136 : i32
    %ge3A = arith.constant 2048 : i32
    %ge3A_138 = arith.cmpi sge, %min3A_137, %ge3A : i32
    %jit3A_139 = arith.constant 0 : i32
    %select_n3A_140 = arith.select %ge3A_138, %jit3A_139, %min3A_137 : i32
    %sub3A_141 = arith.subi %mul3A_32, %select_n3A_140 : i32
    %add3A_142 = arith.constant 0 : i32
    %add3A_143 = arith.addi %sub3A_141, %add3A_142 : i32
    %iota3A = tpu.iota {dimensions = array<i32: 0>} : vector<16xi32>
    %add3A_144 = vector.broadcast %add3A_143 : i32 to vector<16xi32>
    %add3A_145 = arith.addi %iota3A, %add3A_144 : vector<16xi32>
    %add3A_146 = arith.constant 0 : i32
    %add3A_147 = vector.broadcast %add3A_146 : i32 to vector<16xi32>
    %add3A_148 = arith.addi %add3A_145, %add3A_147 : vector<16xi32>
    %jit3A_149 = arith.constant 0 : i32
    %jit3A_150 = arith.constant 2047 : i32
    %max3A = vector.broadcast %jit3A_149 : i32 to vector<16xi32>
    %max3A_151 = arith.maxsi %max3A, %add3A_148 : vector<16xi32>
    %min3A_152 = vector.broadcast %jit3A_150 : i32 to vector<16xi32>
    %min3A_153 = arith.minsi %min3A_152, %max3A_151 : vector<16xi32>
    %swap3A = arith.constant 0 : index
    %swap3A_154 = tpu.vector_load %arg6[%swap3A] {strides = array<i32>} : memref<16xi32, #tpu.memory_space<vmem>>, vector<16xi32>,
    %swap3A_155 = vector.shape_cast %swap3A_154 : vector<16xi32> to vector<16xi32>
    %swap3A_156 = vector.shape_cast %min3A_153 : vector<16xi32> to vector<16xi32>
    tpu.vector_store %arg6[%swap3A], %swap3A_156 {strides = array<i32>} : memref<16xi32, #tpu.memory_space<vmem>>, vector<16xi32>,
    %dma_start3A = arith.constant 0 : i32
    %dma_start3A_157 = arith.constant 0 : i32
    %dma_start3A_158 = tpu.memref_slice %arg3[%dma_start3A, %dma_start3A_157] : memref<2048x1024xf32, #tpu.memory_space<hbm>> -> memref<2048x1024xf32, #tpu.memory_space<hbm>>
    tpu.enqueue_indirect_dma source(%dma_start3A_158 : memref<2048x1024xf32, #tpu.memory_space<hbm>>) target(%arg10 : memref<16x1024xf32, #tpu.memory_space<vmem>>) offsets(%arg6 : memref<16xi32, #tpu.memory_space<vmem>>) semaphore(%arg14 : memref<!tpu.dma_semaphore, #tpu.memory_space<semaphore_mem>>)
    %add3A_159 = arith.constant 16 : i32
    %add3A_160 = arith.addi %sub3A_141, %add3A_159 : i32
    %iota3A_161 = tpu.iota {dimensions = array<i32: 0>} : vector<16xi32>
    %add3A_162 = vector.broadcast %add3A_160 : i32 to vector<16xi32>
    %add3A_163 = arith.addi %iota3A_161, %add3A_162 : vector<16xi32>
    %add3A_164 = arith.constant 0 : i32
    %add3A_165 = vector.broadcast %add3A_164 : i32 to vector<16xi32>
    %add3A_166 = arith.addi %add3A_163, %add3A_165 : vector<16xi32>
    %jit3A_167 = arith.constant 0 : i32
    %jit3A_168 = arith.constant 2047 : i32
    %max3A_169 = vector.broadcast %jit3A_167 : i32 to vector<16xi32>
    %max3A_170 = arith.maxsi %max3A_169, %add3A_166 : vector<16xi32>
    %min3A_171 = vector.broadcast %jit3A_168 : i32 to vector<16xi32>
    %min3A_172 = arith.minsi %min3A_171, %max3A_170 : vector<16xi32>
    %swap3A_173 = arith.constant 0 : index
    %swap3A_174 = tpu.vector_load %arg7[%swap3A_173] {strides = array<i32>} : memref<16xi32, #tpu.memory_space<vmem>>, vector<16xi32>,
    %swap3A_175 = vector.shape_cast %swap3A_174 : vector<16xi32> to vector<16xi32>
    %swap3A_176 = vector.shape_cast %min3A_172 : vector<16xi32> to vector<16xi32>
    tpu.vector_store %arg7[%swap3A_173], %swap3A_176 {strides = array<i32>} : memref<16xi32, #tpu.memory_space<vmem>>, vector<16xi32>,
    %dma_start3A_177 = arith.constant 0 : i32
    %dma_start3A_178 = arith.constant 0 : i32
    %dma_start3A_179 = tpu.memref_slice %arg3[%dma_start3A_177, %dma_start3A_178] : memref<2048x1024xf32, #tpu.memory_space<hbm>> -> memref<2048x1024xf32, #tpu.memory_space<hbm>>
    tpu.enqueue_indirect_dma source(%dma_start3A_179 : memref<2048x1024xf32, #tpu.memory_space<hbm>>) target(%arg11 : memref<16x1024xf32, #tpu.memory_space<vmem>>) offsets(%arg7 : memref<16xi32, #tpu.memory_space<vmem>>) semaphore(%arg15 : memref<!tpu.dma_semaphore, #tpu.memory_space<semaphore_mem>>)
    %add3A_180 = arith.constant 32 : i32
    %add3A_181 = arith.addi %sub3A_141, %add3A_180 : i32
    %iota3A_182 = tpu.iota {dimensions = array<i32: 0>} : vector<16xi32>
    %add3A_183 = vector.broadcast %add3A_181 : i32 to vector<16xi32>
    %add3A_184 = arith.addi %iota3A_182, %add3A_183 : vector<16xi32>
    %add3A_185 = arith.constant 0 : i32
    %add3A_186 = vector.broadcast %add3A_185 : i32 to vector<16xi32>
    %add3A_187 = arith.addi %add3A_184, %add3A_186 : vector<16xi32>
    %jit3A_188 = arith.constant 0 : i32
    %jit3A_189 = arith.constant 2047 : i32
    %max3A_190 = vector.broadcast %jit3A_188 : i32 to vector<16xi32>
    %max3A_191 = arith.maxsi %max3A_190, %add3A_187 : vector<16xi32>
    %min3A_192 = vector.broadcast %jit3A_189 : i32 to vector<16xi32>
    %min3A_193 = arith.minsi %min3A_192, %max3A_191 : vector<16xi32>
    %swap3A_194 = arith.constant 0 : index
    %swap3A_195 = tpu.vector_load %arg8[%swap3A_194] {strides = array<i32>} : memref<16xi32, #tpu.memory_space<vmem>>, vector<16xi32>,
    %swap3A_196 = vector.shape_cast %swap3A_195 : vector<16xi32> to vector<16xi32>
    %swap3A_197 = vector.shape_cast %min3A_193 : vector<16xi32> to vector<16xi32>
    tpu.vector_store %arg8[%swap3A_194], %swap3A_197 {strides = array<i32>} : memref<16xi32, #tpu.memory_space<vmem>>, vector<16xi32>,
    %dma_start3A_198 = arith.constant 0 : i32
    %dma_start3A_199 = arith.constant 0 : i32
    %dma_start3A_200 = tpu.memref_slice %arg3[%dma_start3A_198, %dma_start3A_199] : memref<2048x1024xf32, #tpu.memory_space<hbm>> -> memref<2048x1024xf32, #tpu.memory_space<hbm>>
    tpu.enqueue_indirect_dma source(%dma_start3A_200 : memref<2048x1024xf32, #tpu.memory_space<hbm>>) target(%arg12 : memref<16x1024xf32, #tpu.memory_space<vmem>>) offsets(%arg8 : memref<16xi32, #tpu.memory_space<vmem>>) semaphore(%arg16 : memref<!tpu.dma_semaphore, #tpu.memory_space<semaphore_mem>>)
    %add3A_201 = arith.constant 48 : i32
    %add3A_202 = arith.addi %sub3A_141, %add3A_201 : i32
    %iota3A_203 = tpu.iota {dimensions = array<i32: 0>} : vector<16xi32>
    %add3A_204 = vector.broadcast %add3A_202 : i32 to vector<16xi32>
    %add3A_205 = arith.addi %iota3A_203, %add3A_204 : vector<16xi32>
    %add3A_206 = arith.constant 0 : i32
    %add3A_207 = vector.broadcast %add3A_206 : i32 to vector<16xi32>
    %add3A_208 = arith.addi %add3A_205, %add3A_207 : vector<16xi32>
    %jit3A_209 = arith.constant 0 : i32
    %jit3A_210 = arith.constant 2047 : i32
    %max3A_211 = vector.broadcast %jit3A_209 : i32 to vector<16xi32>
    %max3A_212 = arith.maxsi %max3A_211, %add3A_208 : vector<16xi32>
    %min3A_213 = vector.broadcast %jit3A_210 : i32 to vector<16xi32>
    %min3A_214 = arith.minsi %min3A_213, %max3A_212 : vector<16xi32>
    %swap3A_215 = arith.constant 0 : index
    %swap3A_216 = tpu.vector_load %arg9[%swap3A_215] {strides = array<i32>} : memref<16xi32, #tpu.memory_space<vmem>>, vector<16xi32>,
    %swap3A_217 = vector.shape_cast %swap3A_216 : vector<16xi32> to vector<16xi32>
    %swap3A_218 = vector.shape_cast %min3A_214 : vector<16xi32> to vector<16xi32>
    tpu.vector_store %arg9[%swap3A_215], %swap3A_218 {strides = array<i32>} : memref<16xi32, #tpu.memory_space<vmem>>, vector<16xi32>,
    %dma_start3A_219 = arith.constant 0 : i32
    %dma_start3A_220 = arith.constant 0 : i32
    %dma_start3A_221 = tpu.memref_slice %arg3[%dma_start3A_219, %dma_start3A_220] : memref<2048x1024xf32, #tpu.memory_space<hbm>> -> memref<2048x1024xf32, #tpu.memory_space<hbm>>
    tpu.enqueue_indirect_dma source(%dma_start3A_221 : memref<2048x1024xf32, #tpu.memory_space<hbm>>) target(%arg13 : memref<16x1024xf32, #tpu.memory_space<vmem>>) offsets(%arg9 : memref<16xi32, #tpu.memory_space<vmem>>) semaphore(%arg17 : memref<!tpu.dma_semaphore, #tpu.memory_space<semaphore_mem>>)
    %scan3A_222 = arith.constant 0 : i32
    %scan3A_223 = arith.constant 0 : i32
    %scan3A_224 = arith.constant 16 : i32
    %scan3A_225 = arith.addi %scan3A_223, %scan3A_224 : i32
    %scan3A_226 = arith.constant 1 : i32
    %scan3A_227 = scf.for %scan3A_268 = %scan3A_223 to %scan3A_225 step %scan3A_226 iter_args(%scan3A_269 = %scan3A_222) -> (i32)  : i32 {
      %mul3A_270 = arith.constant 4 : i32
      %mul3A_271 = arith.muli %scan3A_268, %mul3A_270 : i32
      %add3A_272 = arith.constant 0 : i32
      %add3A_273 = arith.addi %mul3A_271, %add3A_272 : i32
      %dma_wait3A_274 = arith.constant 0 : i32
      %dma_wait3A_275 = arith.constant 0 : i32
      %dma_wait3A_276 = tpu.memref_slice %arg3[%dma_wait3A_274, %dma_wait3A_275] : memref<2048x1024xf32, #tpu.memory_space<hbm>> -> memref<2048x1024xf32, #tpu.memory_space<hbm>>
      tpu.wait_indirect_dma semaphore(%arg14 : memref<!tpu.dma_semaphore, #tpu.memory_space<semaphore_mem>>) src(%dma_wait3A_276 : memref<2048x1024xf32, #tpu.memory_space<hbm>>) dst(%arg10 : memref<16x1024xf32, #tpu.memory_space<vmem>>)
      %mul3A_277 = arith.constant 16 : i32
      %mul3A_278 = arith.muli %add3A_273, %mul3A_277 : i32
      %add3A_279 = arith.addi %mul3A_32, %mul3A_278 : i32
      %sub3A_280 = arith.subi %select_n3A_140, %add3A_279 : i32
      %jit3A_281 = arith.constant 0 : i32
      %jit3A_282 = arith.constant 16 : i32
      %max3A_283 = arith.maxsi %jit3A_281, %sub3A_280 : i32
      %min3A_284 = arith.minsi %jit3A_282, %max3A_283 : i32
      %gt3A = arith.constant 0 : i32
      %gt3A_285 = arith.cmpi sgt, %min3A_284, %gt3A : i32
      %convert_element_type3A = arith.extui %gt3A_285 : i1 to i32
      %cond3A = arith.constant 0 : i32
      %cond3A_286 = arith.cmpi ne, %convert_element_type3A, %cond3A : i32
      scf.if %cond3A_286 {
        %while3A = arith.constant 0 : i32
        %while3A_440 = arith.constant 0 : i32
        %while3A_441 = arith.subi %min3A_284, %while3A : i32
        %while3A_442 = arith.addi %while3A, %while3A_441 : i32
        %while3A_443 = arith.constant 1 : i32
        %while3A_444 = arith.divsi %while3A_441, %while3A_443 : i32
        %while3A_445 = arith.muli %while3A_444, %while3A_443 : i32
        %while3A_446 = arith.addi %while3A, %while3A_445 : i32
        %while3A_447 = arith.constant 1 : i32
        %while3A_448 = scf.for %while3A_451 = %while3A to %while3A_446 step %while3A_447 iter_args(%while3A_452 = %while3A_440) -> (i32)  : i32 {
          %broadcast_in_dim3A_453 = arith.constant 0.000000e+00 : f32
          %broadcast_in_dim3A_454 = vector.broadcast %broadcast_in_dim3A_453 : f32 to vector<16xf32>
          %swap3A_455 = arith.index_cast %while3A_451 : i32 to index
          %swap3A_456 = arith.constant 0 : index
          %swap3A_457 = tpu.vector_load %arg10[%swap3A_455, %swap3A_456] {strides = array<i32>} : memref<16x1024xf32, #tpu.memory_space<vmem>>, vector<1x16xf32>,
          %swap3A_458 = vector.shape_cast %swap3A_457 : vector<1x16xf32> to vector<16xf32>
          %swap3A_459 = vector.shape_cast %broadcast_in_dim3A_454 : vector<16xf32> to vector<1x16xf32>
          tpu.vector_store %arg10[%swap3A_455, %swap3A_456], %swap3A_459 {strides = array<i32>} : memref<16x1024xf32, #tpu.memory_space<vmem>>, vector<1x16xf32>,
          %broadcast_in_dim3A_460 = arith.constant 0.000000e+00 : f32
          %broadcast_in_dim3A_461 = vector.broadcast %broadcast_in_dim3A_460 : f32 to vector<16xf32>
          %swap3A_462 = arith.index_cast %while3A_451 : i32 to index
          %swap3A_463 = arith.constant 16 : index
          %swap3A_464 = tpu.vector_load %arg10[%swap3A_462, %swap3A_463] {strides = array<i32>} : memref<16x1024xf32, #tpu.memory_space<vmem>>, vector<1x16xf32>,
          %swap3A_465 = vector.shape_cast %swap3A_464 : vector<1x16xf32> to vector<16xf32>
          %swap3A_466 = vector.shape_cast %broadcast_in_dim3A_461 : vector<16xf32> to vector<1x16xf32>
          tpu.vector_store %arg10[%swap3A_462, %swap3A_463], %swap3A_466 {strides = array<i32>} : memref<16x1024xf32, #tpu.memory_space<vmem>>, vector<1x16xf32>,
          %broadcast_in_dim3A_467 = arith.constant 0.000000e+00 : f32
          %broadcast_in_dim3A_468 = vector.broadcast %broadcast_in_dim3A_467 : f32 to vector<16xf32>
          %swap3A_469 = arith.index_cast %while3A_451 : i32 to index
          %swap3A_470 = arith.constant 32 : index
          %swap3A_471 = tpu.vector_load %arg10[%swap3A_469, %swap3A_470] {strides = array<i32>} : memref<16x1024xf32, #tpu.memory_space<vmem>>, vector<1x16xf32>,
          %swap3A_472 = vector.shape_cast %swap3A_471 : vector<1x16xf32> to vector<16xf32>
          %swap3A_473 = vector.shape_cast %broadcast_in_dim3A_468 : vector<16xf32> to vector<1x16xf32>
          tpu.vector_store %arg10[%swap3A_469, %swap3A_470], %swap3A_473 {strides = array<i32>} : memref<16x1024xf32, #tpu.memory_space<vmem>>, vector<1x16xf32>,
          %broadcast_in_dim3A_474 = arith.constant 0.000000e+00 : f32
          %broadcast_in_dim3A_475 = vector.broadcast %broadcast_in_dim3A_474 : f32 to vector<16xf32>
          %swap3A_476 = arith.index_cast %while3A_451 : i32 to index
          %swap3A_477 = arith.constant 48 : index
          %swap3A_478 = tpu.vector_load %arg10[%swap3A_476, %swap3A_477] {strides = array<i32>} : memref<16x1024xf32, #tpu.memory_space<vmem>>, vector<1x16xf32>,
          %swap3A_479 = vector.shape_cast %swap3A_478 : vector<1x16xf32> to vector<16xf32>
          %swap3A_480 = vector.shape_cast %broadcast_in_dim3A_475 : vector<16xf32> to vector<1x16xf32>
          tpu.vector_store %arg10[%swap3A_476, %swap3A_477], %swap3A_480 {strides = array<i32>} : memref<16x1024xf32, #tpu.memory_space<vmem>>, vector<1x16xf32>,
          %broadcast_in_dim3A_481 = arith.constant 0.000000e+00 : f32
          %broadcast_in_dim3A_482 = vector.broadcast %broadcast_in_dim3A_481 : f32 to vector<16xf32>
          %swap3A_483 = arith.index_cast %while3A_451 : i32 to index
          %swap3A_484 = arith.constant 64 : index
          %swap3A_485 = tpu.vector_load %arg10[%swap3A_483, %swap3A_484] {strides = array<i32>} : memref<16x1024xf32, #tpu.memory_space<vmem>>, vector<1x16xf32>,
          %swap3A_486 = vector.shape_cast %swap3A_485 : vector<1x16xf32> to vector<16xf32>
          %swap3A_487 = vector.shape_cast %broadcast_in_dim3A_482 : vector<16xf32> to vector<1x16xf32>
          tpu.vector_store %arg10[%swap3A_483, %swap3A_484], %swap3A_487 {strides = array<i32>} : memref<16x1024xf32, #tpu.memory_space<vmem>>, vector<1x16xf32>,
          %broadcast_in_dim3A_488 = arith.constant 0.000000e+00 : f32
          %broadcast_in_dim3A_489 = vector.broadcast %broadcast_in_dim3A_488 : f32 to vector<16xf32>
          %swap3A_490 = arith.index_cast %while3A_451 : i32 to index
          %swap3A_491 = arith.constant 80 : index
          %swap3A_492 = tpu.vector_load %arg10[%swap3A_490, %swap3A_491] {strides = array<i32>} : memref<16x1024xf32, #tpu.memory_space<vmem>>, vector<1x16xf32>,
          %swap3A_493 = vector.shape_cast %swap3A_492 : vector<1x16xf32> to vector<16xf32>
          %swap3A_494 = vector.shape_cast %broadcast_in_dim3A_489 : vector<16xf32> to vector<1x16xf32>
          tpu.vector_store %arg10[%swap3A_490, %swap3A_491], %swap3A_494 {strides = array<i32>} : memref<16x1024xf32, #tpu.memory_space<vmem>>, vector<1x16xf32>,
          %broadcast_in_dim3A_495 = arith.constant 0.000000e+00 : f32
          %broadcast_in_dim3A_496 = vector.broadcast %broadcast_in_dim3A_495 : f32 to vector<16xf32>
          %swap3A_497 = arith.index_cast %while3A_451 : i32 to index
          %swap3A_498 = arith.constant 96 : index
          %swap3A_499 = tpu.vector_load %arg10[%swap3A_497, %swap3A_498] {strides = array<i32>} : memref<16x1024xf32, #tpu.memory_space<vmem>>, vector<1x16xf32>,
          %swap3A_500 = vector.shape_cast %swap3A_499 : vector<1x16xf32> to vector<16xf32>
          %swap3A_501 = vector.shape_cast %broadcast_in_dim3A_496 : vector<16xf32> to vector<1x16xf32>
          tpu.vector_store %arg10[%swap3A_497, %swap3A_498], %swap3A_501 {strides = array<i32>} : memref<16x1024xf32, #tpu.memory_space<vmem>>, vector<1x16xf32>,
          %broadcast_in_dim3A_502 = arith.constant 0.000000e+00 : f32
          %broadcast_in_dim3A_503 = vector.broadcast %broadcast_in_dim3A_502 : f32 to vector<16xf32>
          %swap3A_504 = arith.index_cast %while3A_451 : i32 to index
          %swap3A_505 = arith.constant 112 : index
          %swap3A_506 = tpu.vector_load %arg10[%swap3A_504, %swap3A_505] {strides = array<i32>} : memref<16x1024xf32, #tpu.memory_space<vmem>>, vector<1x16xf32>,
          %swap3A_507 = vector.shape_cast %swap3A_506 : vector<1x16xf32> to vector<16xf32>
          %swap3A_508 = vector.shape_cast %broadcast_in_dim3A_503 : vector<16xf32> to vector<1x16xf32>
          tpu.vector_store %arg10[%swap3A_504, %swap3A_505], %swap3A_508 {strides = array<i32>} : memref<16x1024xf32, #tpu.memory_space<vmem>>, vector<1x16xf32>,
          %broadcast_in_dim3A_509 = arith.constant 0.000000e+00 : f32
          %broadcast_in_dim3A_510 = vector.broadcast %broadcast_in_dim3A_509 : f32 to vector<16xf32>
          %swap3A_511 = arith.index_cast %while3A_451 : i32 to index
          %swap3A_512 = arith.constant 128 : index
          %swap3A_513 = tpu.vector_load %arg10[%swap3A_511, %swap3A_512] {strides = array<i32>} : memref<16x1024xf32, #tpu.memory_space<vmem>>, vector<1x16xf32>,
          %swap3A_514 = vector.shape_cast %swap3A_513 : vector<1x16xf32> to vector<16xf32>
          %swap3A_515 = vector.shape_cast %broadcast_in_dim3A_510 : vector<16xf32> to vector<1x16xf32>
          tpu.vector_store %arg10[%swap3A_511, %swap3A_512], %swap3A_515 {strides = array<i32>} : memref<16x1024xf32, #tpu.memory_space<vmem>>, vector<1x16xf32>,
          %broadcast_in_dim3A_516 = arith.constant 0.000000e+00 : f32
          %broadcast_in_dim3A_517 = vector.broadcast %broadcast_in_dim3A_516 : f32 to vector<16xf32>
          %swap3A_518 = arith.index_cast %while3A_451 : i32 to index
          %swap3A_519 = arith.constant 144 : index
          %swap3A_520 = tpu.vector_load %arg10[%swap3A_518, %swap3A_519] {strides = array<i32>} : memref<16x1024xf32, #tpu.memory_space<vmem>>, vector<1x16xf32>,
          %swap3A_521 = vector.shape_cast %swap3A_520 : vector<1x16xf32> to vector<16xf32>
          %swap3A_522 = vector.shape_cast %broadcast_in_dim3A_517 : vector<16xf32> to vector<1x16xf32>
          tpu.vector_store %arg10[%swap3A_518, %swap3A_519], %swap3A_522 {strides = array<i32>} : memref<16x1024xf32, #tpu.memory_space<vmem>>, vector<1x16xf32>,
          %broadcast_in_dim3A_523 = arith.constant 0.000000e+00 : f32
          %broadcast_in_dim3A_524 = vector.broadcast %broadcast_in_dim3A_523 : f32 to vector<16xf32>
          %swap3A_525 = arith.index_cast %while3A_451 : i32 to index
          %swap3A_526 = arith.constant 160 : index
          %swap3A_527 = tpu.vector_load %arg10[%swap3A_525, %swap3A_526] {strides = array<i32>} : memref<16x1024xf32, #tpu.memory_space<vmem>>, vector<1x16xf32>,
          %swap3A_528 = vector.shape_cast %swap3A_527 : vector<1x16xf32> to vector<16xf32>
          %swap3A_529 = vector.shape_cast %broadcast_in_dim3A_524 : vector<16xf32> to vector<1x16xf32>
          tpu.vector_store %arg10[%swap3A_525, %swap3A_526], %swap3A_529 {strides = array<i32>} : memref<16x1024xf32, #tpu.memory_space<vmem>>, vector<1x16xf32>,
          %broadcast_in_dim3A_530 = arith.constant 0.000000e+00 : f32
          %broadcast_in_dim3A_531 = vector.broadcast %broadcast_in_dim3A_530 : f32 to vector<16xf32>
          %swap3A_532 = arith.index_cast %while3A_451 : i32 to index
          %swap3A_533 = arith.constant 176 : index
          %swap3A_534 = tpu.vector_load %arg10[%swap3A_532, %swap3A_533] {strides = array<i32>} : memref<16x1024xf32, #tpu.memory_space<vmem>>, vector<1x16xf32>,
          %swap3A_535 = vector.shape_cast %swap3A_534 : vector<1x16xf32> to vector<16xf32>
          %swap3A_536 = vector.shape_cast %broadcast_in_dim3A_531 : vector<16xf32> to vector<1x16xf32>
          tpu.vector_store %arg10[%swap3A_532, %swap3A_533], %swap3A_536 {strides = array<i32>} : memref<16x1024xf32, #tpu.memory_space<vmem>>, vector<1x16xf32>,
          %broadcast_in_dim3A_537 = arith.constant 0.000000e+00 : f32
          %broadcast_in_dim3A_538 = vector.broadcast %broadcast_in_dim3A_537 : f32 to vector<16xf32>
          %swap3A_539 = arith.index_cast %while3A_451 : i32 to index
          %swap3A_540 = arith.constant 192 : index
          %swap3A_541 = tpu.vector_load %arg10[%swap3A_539, %swap3A_540] {strides = array<i32>} : memref<16x1024xf32, #tpu.memory_space<vmem>>, vector<1x16xf32>,
          %swap3A_542 = vector.shape_cast %swap3A_541 : vector<1x16xf32> to vector<16xf32>
          %swap3A_543 = vector.shape_cast %broadcast_in_dim3A_538 : vector<16xf32> to vector<1x16xf32>
          tpu.vector_store %arg10[%swap3A_539, %swap3A_540], %swap3A_543 {strides = array<i32>} : memref<16x1024xf32, #tpu.memory_space<vmem>>, vector<1x16xf32>,
          %broadcast_in_dim3A_544 = arith.constant 0.000000e+00 : f32
          %broadcast_in_dim3A_545 = vector.broadcast %broadcast_in_dim3A_544 : f32 to vector<16xf32>
          %swap3A_546 = arith.index_cast %while3A_451 : i32 to index
          %swap3A_547 = arith.constant 208 : index
          %swap3A_548 = tpu.vector_load %arg10[%swap3A_546, %swap3A_547] {strides = array<i32>} : memref<16x1024xf32, #tpu.memory_space<vmem>>, vector<1x16xf32>,
          %swap3A_549 = vector.shape_cast %swap3A_548 : vector<1x16xf32> to vector<16xf32>
          %swap3A_550 = vector.shape_cast %broadcast_in_dim3A_545 : vector<16xf32> to vector<1x16xf32>
          tpu.vector_store %arg10[%swap3A_546, %swap3A_547], %swap3A_550 {strides = array<i32>} : memref<16x1024xf32, #tpu.memory_space<vmem>>, vector<1x16xf32>,
          %broadcast_in_dim3A_551 = arith.constant 0.000000e+00 : f32
          %broadcast_in_dim3A_552 = vector.broadcast %broadcast_in_dim3A_551 : f32 to vector<16xf32>
          %swap3A_553 = arith.index_cast %while3A_451 : i32 to index
          %swap3A_554 = arith.constant 224 : index
          %swap3A_555 = tpu.vector_load %arg10[%swap3A_553, %swap3A_554] {strides = array<i32>} : memref<16x1024xf32, #tpu.memory_space<vmem>>, vector<1x16xf32>,
          %swap3A_556 = vector.shape_cast %swap3A_555 : vector<1x16xf32> to vector<16xf32>
          %swap3A_557 = vector.shape_cast %broadcast_in_dim3A_552 : vector<16xf32> to vector<1x16xf32>
          tpu.vector_store %arg10[%swap3A_553, %swap3A_554], %swap3A_557 {strides = array<i32>} : memref<16x1024xf32, #tpu.memory_space<vmem>>, vector<1x16xf32>,
          %broadcast_in_dim3A_558 = arith.constant 0.000000e+00 : f32
          %broadcast_in_dim3A_559 = vector.broadcast %broadcast_in_dim3A_558 : f32 to vector<16xf32>
          %swap3A_560 = arith.index_cast %while3A_451 : i32 to index
          %swap3A_561 = arith.constant 240 : index
          %swap3A_562 = tpu.vector_load %arg10[%swap3A_560, %swap3A_561] {strides = array<i32>} : memref<16x1024xf32, #tpu.memory_space<vmem>>, vector<1x16xf32>,
          %swap3A_563 = vector.shape_cast %swap3A_562 : vector<1x16xf32> to vector<16xf32>
          %swap3A_564 = vector.shape_cast %broadcast_in_dim3A_559 : vector<16xf32> to vector<1x16xf32>
          tpu.vector_store %arg10[%swap3A_560, %swap3A_561], %swap3A_564 {strides = array<i32>} : memref<16x1024xf32, #tpu.memory_space<vmem>>, vector<1x16xf32>,
          %broadcast_in_dim3A_565 = arith.constant 0.000000e+00 : f32
          %broadcast_in_dim3A_566 = vector.broadcast %broadcast_in_dim3A_565 : f32 to vector<16xf32>
          %swap3A_567 = arith.index_cast %while3A_451 : i32 to index
          %swap3A_568 = arith.constant 256 : index
          %swap3A_569 = tpu.vector_load %arg10[%swap3A_567, %swap3A_568] {strides = array<i32>} : memref<16x1024xf32, #tpu.memory_space<vmem>>, vector<1x16xf32>,
          %swap3A_570 = vector.shape_cast %swap3A_569 : vector<1x16xf32> to vector<16xf32>
          %swap3A_571 = vector.shape_cast %broadcast_in_dim3A_566 : vector<16xf32> to vector<1x16xf32>
          tpu.vector_store %arg10[%swap3A_567, %swap3A_568], %swap3A_571 {strides = array<i32>} : memref<16x1024xf32, #tpu.memory_space<vmem>>, vector<1x16xf32>,
          %broadcast_in_dim3A_572 = arith.constant 0.000000e+00 : f32
          %broadcast_in_dim3A_573 = vector.broadcast %broadcast_in_dim3A_572 : f32 to vector<16xf32>
          %swap3A_574 = arith.index_cast %while3A_451 : i32 to index
          %swap3A_575 = arith.constant 272 : index
          %swap3A_576 = tpu.vector_load %arg10[%swap3A_574, %swap3A_575] {strides = array<i32>} : memref<16x1024xf32, #tpu.memory_space<vmem>>, vector<1x16xf32>,
          %swap3A_577 = vector.shape_cast %swap3A_576 : vector<1x16xf32> to vector<16xf32>
          %swap3A_578 = vector.shape_cast %broadcast_in_dim3A_573 : vector<16xf32> to vector<1x16xf32>
          tpu.vector_store %arg10[%swap3A_574, %swap3A_575], %swap3A_578 {strides = array<i32>} : memref<16x1024xf32, #tpu.memory_space<vmem>>, vector<1x16xf32>,
          %broadcast_in_dim3A_579 = arith.constant 0.000000e+00 : f32
          %broadcast_in_dim3A_580 = vector.broadcast %broadcast_in_dim3A_579 : f32 to vector<16xf32>
          %swap3A_581 = arith.index_cast %while3A_451 : i32 to index
          %swap3A_582 = arith.constant 288 : index
          %swap3A_583 = tpu.vector_load %arg10[%swap3A_581, %swap3A_582] {strides = array<i32>} : memref<16x1024xf32, #tpu.memory_space<vmem>>, vector<1x16xf32>,
          %swap3A_584 = vector.shape_cast %swap3A_583 : vector<1x16xf32> to vector<16xf32>
          %swap3A_585 = vector.shape_cast %broadcast_in_dim3A_580 : vector<16xf32> to vector<1x16xf32>
          tpu.vector_store %arg10[%swap3A_581, %swap3A_582], %swap3A_585 {strides = array<i32>} : memref<16x1024xf32, #tpu.memory_space<vmem>>, vector<1x16xf32>,
          %broadcast_in_dim3A_586 = arith.constant 0.000000e+00 : f32
          %broadcast_in_dim3A_587 = vector.broadcast %broadcast_in_dim3A_586 : f32 to vector<16xf32>
          %swap3A_588 = arith.index_cast %while3A_451 : i32 to index
          %swap3A_589 = arith.constant 304 : index
          %swap3A_590 = tpu.vector_load %arg10[%swap3A_588, %swap3A_589] {strides = array<i32>} : memref<16x1024xf32, #tpu.memory_space<vmem>>, vector<1x16xf32>,
          %swap3A_591 = vector.shape_cast %swap3A_590 : vector<1x16xf32> to vector<16xf32>
          %swap3A_592 = vector.shape_cast %broadcast_in_dim3A_587 : vector<16xf32> to vector<1x16xf32>
          tpu.vector_store %arg10[%swap3A_588, %swap3A_589], %swap3A_592 {strides = array<i32>} : memref<16x1024xf32, #tpu.memory_space<vmem>>, vector<1x16xf32>,
          %broadcast_in_dim3A_593 = arith.constant 0.000000e+00 : f32
          %broadcast_in_dim3A_594 = vector.broadcast %broadcast_in_dim3A_593 : f32 to vector<16xf32>
          %swap3A_595 = arith.index_cast %while3A_451 : i32 to index
          %swap3A_596 = arith.constant 320 : index
          %swap3A_597 = tpu.vector_load %arg10[%swap3A_595, %swap3A_596] {strides = array<i32>} : memref<16x1024xf32, #tpu.memory_space<vmem>>, vector<1x16xf32>,
          %swap3A_598 = vector.shape_cast %swap3A_597 : vector<1x16xf32> to vector<16xf32>
          %swap3A_599 = vector.shape_cast %broadcast_in_dim3A_594 : vector<16xf32> to vector<1x16xf32>
          tpu.vector_store %arg10[%swap3A_595, %swap3A_596], %swap3A_599 {strides = array<i32>} : memref<16x1024xf32, #tpu.memory_space<vmem>>, vector<1x16xf32>,
          %broadcast_in_dim3A_600 = arith.constant 0.000000e+00 : f32
          %broadcast_in_dim3A_601 = vector.broadcast %broadcast_in_dim3A_600 : f32 to vector<16xf32>
          %swap3A_602 = arith.index_cast %while3A_451 : i32 to index
          %swap3A_603 = arith.constant 336 : index
          %swap3A_604 = tpu.vector_load %arg10[%swap3A_602, %swap3A_603] {strides = array<i32>} : memref<16x1024xf32, #tpu.memory_space<vmem>>, vector<1x16xf32>,
          %swap3A_605 = vector.shape_cast %swap3A_604 : vector<1x16xf32> to vector<16xf32>
          %swap3A_606 = vector.shape_cast %broadcast_in_dim3A_601 : vector<16xf32> to vector<1x16xf32>
          tpu.vector_store %arg10[%swap3A_602, %swap3A_603], %swap3A_606 {strides = array<i32>} : memref<16x1024xf32, #tpu.memory_space<vmem>>, vector<1x16xf32>,
          %broadcast_in_dim3A_607 = arith.constant 0.000000e+00 : f32
          %broadcast_in_dim3A_608 = vector.broadcast %broadcast_in_dim3A_607 : f32 to vector<16xf32>
          %swap3A_609 = arith.index_cast %while3A_451 : i32 to index
          %swap3A_610 = arith.constant 352 : index
          %swap3A_611 = tpu.vector_load %arg10[%swap3A_609, %swap3A_610] {strides = array<i32>} : memref<16x1024xf32, #tpu.memory_space<vmem>>, vector<1x16xf32>,
          %swap3A_612 = vector.shape_cast %swap3A_611 : vector<1x16xf32> to vector<16xf32>
          %swap3A_613 = vector.shape_cast %broadcast_in_dim3A_608 : vector<16xf32> to vector<1x16xf32>
          tpu.vector_store %arg10[%swap3A_609, %swap3A_610], %swap3A_613 {strides = array<i32>} : memref<16x1024xf32, #tpu.memory_space<vmem>>, vector<1x16xf32>,
          %broadcast_in_dim3A_614 = arith.constant 0.000000e+00 : f32
          %broadcast_in_dim3A_615 = vector.broadcast %broadcast_in_dim3A_614 : f32 to vector<16xf32>
          %swap3A_616 = arith.index_cast %while3A_451 : i32 to index
          %swap3A_617 = arith.constant 368 : index
          %swap3A_618 = tpu.vector_load %arg10[%swap3A_616, %swap3A_617] {strides = array<i32>} : memref<16x1024xf32, #tpu.memory_space<vmem>>, vector<1x16xf32>,
          %swap3A_619 = vector.shape_cast %swap3A_618 : vector<1x16xf32> to vector<16xf32>
          %swap3A_620 = vector.shape_cast %broadcast_in_dim3A_615 : vector<16xf32> to vector<1x16xf32>
          tpu.vector_store %arg10[%swap3A_616, %swap3A_617], %swap3A_620 {strides = array<i32>} : memref<16x1024xf32, #tpu.memory_space<vmem>>, vector<1x16xf32>,
          %broadcast_in_dim3A_621 = arith.constant 0.000000e+00 : f32
          %broadcast_in_dim3A_622 = vector.broadcast %broadcast_in_dim3A_621 : f32 to vector<16xf32>
          %swap3A_623 = arith.index_cast %while3A_451 : i32 to index
          %swap3A_624 = arith.constant 384 : index
          %swap3A_625 = tpu.vector_load %arg10[%swap3A_623, %swap3A_624] {strides = array<i32>} : memref<16x1024xf32, #tpu.memory_space<vmem>>, vector<1x16xf32>,
          %swap3A_626 = vector.shape_cast %swap3A_625 : vector<1x16xf32> to vector<16xf32>
          %swap3A_627 = vector.shape_cast %broadcast_in_dim3A_622 : vector<16xf32> to vector<1x16xf32>
          tpu.vector_store %arg10[%swap3A_623, %swap3A_624], %swap3A_627 {strides = array<i32>} : memref<16x1024xf32, #tpu.memory_space<vmem>>, vector<1x16xf32>,
          %broadcast_in_dim3A_628 = arith.constant 0.000000e+00 : f32
          %broadcast_in_dim3A_629 = vector.broadcast %broadcast_in_dim3A_628 : f32 to vector<16xf32>
          %swap3A_630 = arith.index_cast %while3A_451 : i32 to index
          %swap3A_631 = arith.constant 400 : index
          %swap3A_632 = tpu.vector_load %arg10[%swap3A_630, %swap3A_631] {strides = array<i32>} : memref<16x1024xf32, #tpu.memory_space<vmem>>, vector<1x16xf32>,
          %swap3A_633 = vector.shape_cast %swap3A_632 : vector<1x16xf32> to vector<16xf32>
          %swap3A_634 = vector.shape_cast %broadcast_in_dim3A_629 : vector<16xf32> to vector<1x16xf32>
          tpu.vector_store %arg10[%swap3A_630, %swap3A_631], %swap3A_634 {strides = array<i32>} : memref<16x1024xf32, #tpu.memory_space<vmem>>, vector<1x16xf32>,
          %broadcast_in_dim3A_635 = arith.constant 0.000000e+00 : f32
          %broadcast_in_dim3A_636 = vector.broadcast %broadcast_in_dim3A_635 : f32 to vector<16xf32>
          %swap3A_637 = arith.index_cast %while3A_451 : i32 to index
          %swap3A_638 = arith.constant 416 : index
          %swap3A_639 = tpu.vector_load %arg10[%swap3A_637, %swap3A_638] {strides = array<i32>} : memref<16x1024xf32, #tpu.memory_space<vmem>>, vector<1x16xf32>,
          %swap3A_640 = vector.shape_cast %swap3A_639 : vector<1x16xf32> to vector<16xf32>
          %swap3A_641 = vector.shape_cast %broadcast_in_dim3A_636 : vector<16xf32> to vector<1x16xf32>
          tpu.vector_store %arg10[%swap3A_637, %swap3A_638], %swap3A_641 {strides = array<i32>} : memref<16x1024xf32, #tpu.memory_space<vmem>>, vector<1x16xf32>,
          %broadcast_in_dim3A_642 = arith.constant 0.000000e+00 : f32
          %broadcast_in_dim3A_643 = vector.broadcast %broadcast_in_dim3A_642 : f32 to vector<16xf32>
          %swap3A_644 = arith.index_cast %while3A_451 : i32 to index
          %swap3A_645 = arith.constant 432 : index
          %swap3A_646 = tpu.vector_load %arg10[%swap3A_644, %swap3A_645] {strides = array<i32>} : memref<16x1024xf32, #tpu.memory_space<vmem>>, vector<1x16xf32>,
          %swap3A_647 = vector.shape_cast %swap3A_646 : vector<1x16xf32> to vector<16xf32>
          %swap3A_648 = vector.shape_cast %broadcast_in_dim3A_643 : vector<16xf32> to vector<1x16xf32>
          tpu.vector_store %arg10[%swap3A_644, %swap3A_645], %swap3A_648 {strides = array<i32>} : memref<16x1024xf32, #tpu.memory_space<vmem>>, vector<1x16xf32>,
          %broadcast_in_dim3A_649 = arith.constant 0.000000e+00 : f32
          %broadcast_in_dim3A_650 = vector.broadcast %broadcast_in_dim3A_649 : f32 to vector<16xf32>
          %swap3A_651 = arith.index_cast %while3A_451 : i32 to index
          %swap3A_652 = arith.constant 448 : index
          %swap3A_653 = tpu.vector_load %arg10[%swap3A_651, %swap3A_652] {strides = array<i32>} : memref<16x1024xf32, #tpu.memory_space<vmem>>, vector<1x16xf32>,
          %swap3A_654 = vector.shape_cast %swap3A_653 : vector<1x16xf32> to vector<16xf32>
          %swap3A_655 = vector.shape_cast %broadcast_in_dim3A_650 : vector<16xf32> to vector<1x16xf32>
          tpu.vector_store %arg10[%swap3A_651, %swap3A_652], %swap3A_655 {strides = array<i32>} : memref<16x1024xf32, #tpu.memory_space<vmem>>, vector<1x16xf32>,
          %broadcast_in_dim3A_656 = arith.constant 0.000000e+00 : f32
          %broadcast_in_dim3A_657 = vector.broadcast %broadcast_in_dim3A_656 : f32 to vector<16xf32>
          %swap3A_658 = arith.index_cast %while3A_451 : i32 to index
          %swap3A_659 = arith.constant 464 : index
          %swap3A_660 = tpu.vector_load %arg10[%swap3A_658, %swap3A_659] {strides = array<i32>} : memref<16x1024xf32, #tpu.memory_space<vmem>>, vector<1x16xf32>,
          %swap3A_661 = vector.shape_cast %swap3A_660 : vector<1x16xf32> to vector<16xf32>
          %swap3A_662 = vector.shape_cast %broadcast_in_dim3A_657 : vector<16xf32> to vector<1x16xf32>
          tpu.vector_store %arg10[%swap3A_658, %swap3A_659], %swap3A_662 {strides = array<i32>} : memref<16x1024xf32, #tpu.memory_space<vmem>>, vector<1x16xf32>,
          %broadcast_in_dim3A_663 = arith.constant 0.000000e+00 : f32
          %broadcast_in_dim3A_664 = vector.broadcast %broadcast_in_dim3A_663 : f32 to vector<16xf32>
          %swap3A_665 = arith.index_cast %while3A_451 : i32 to index
          %swap3A_666 = arith.constant 480 : index
          %swap3A_667 = tpu.vector_load %arg10[%swap3A_665, %swap3A_666] {strides = array<i32>} : memref<16x1024xf32, #tpu.memory_space<vmem>>, vector<1x16xf32>,
          %swap3A_668 = vector.shape_cast %swap3A_667 : vector<1x16xf32> to vector<16xf32>
          %swap3A_669 = vector.shape_cast %broadcast_in_dim3A_664 : vector<16xf32> to vector<1x16xf32>
          tpu.vector_store %arg10[%swap3A_665, %swap3A_666], %swap3A_669 {strides = array<i32>} : memref<16x1024xf32, #tpu.memory_space<vmem>>, vector<1x16xf32>,
          %broadcast_in_dim3A_670 = arith.constant 0.000000e+00 : f32
          %broadcast_in_dim3A_671 = vector.broadcast %broadcast_in_dim3A_670 : f32 to vector<16xf32>
          %swap3A_672 = arith.index_cast %while3A_451 : i32 to index
          %swap3A_673 = arith.constant 496 : index
          %swap3A_674 = tpu.vector_load %arg10[%swap3A_672, %swap3A_673] {strides = array<i32>} : memref<16x1024xf32, #tpu.memory_space<vmem>>, vector<1x16xf32>,
          %swap3A_675 = vector.shape_cast %swap3A_674 : vector<1x16xf32> to vector<16xf32>
          %swap3A_676 = vector.shape_cast %broadcast_in_dim3A_671 : vector<16xf32> to vector<1x16xf32>
          tpu.vector_store %arg10[%swap3A_672, %swap3A_673], %swap3A_676 {strides = array<i32>} : memref<16x1024xf32, #tpu.memory_space<vmem>>, vector<1x16xf32>,
          %broadcast_in_dim3A_677 = arith.constant 0.000000e+00 : f32
          %broadcast_in_dim3A_678 = vector.broadcast %broadcast_in_dim3A_677 : f32 to vector<16xf32>
          %swap3A_679 = arith.index_cast %while3A_451 : i32 to index
          %swap3A_680 = arith.constant 512 : index
          %swap3A_681 = tpu.vector_load %arg10[%swap3A_679, %swap3A_680] {strides = array<i32>} : memref<16x1024xf32, #tpu.memory_space<vmem>>, vector<1x16xf32>,
          %swap3A_682 = vector.shape_cast %swap3A_681 : vector<1x16xf32> to vector<16xf32>
          %swap3A_683 = vector.shape_cast %broadcast_in_dim3A_678 : vector<16xf32> to vector<1x16xf32>
          tpu.vector_store %arg10[%swap3A_679, %swap3A_680], %swap3A_683 {strides = array<i32>} : memref<16x1024xf32, #tpu.memory_space<vmem>>, vector<1x16xf32>,
          %broadcast_in_dim3A_684 = arith.constant 0.000000e+00 : f32
          %broadcast_in_dim3A_685 = vector.broadcast %broadcast_in_dim3A_684 : f32 to vector<16xf32>
          %swap3A_686 = arith.index_cast %while3A_451 : i32 to index
          %swap3A_687 = arith.constant 528 : index
          %swap3A_688 = tpu.vector_load %arg10[%swap3A_686, %swap3A_687] {strides = array<i32>} : memref<16x1024xf32, #tpu.memory_space<vmem>>, vector<1x16xf32>,
          %swap3A_689 = vector.shape_cast %swap3A_688 : vector<1x16xf32> to vector<16xf32>
          %swap3A_690 = vector.shape_cast %broadcast_in_dim3A_685 : vector<16xf32> to vector<1x16xf32>
          tpu.vector_store %arg10[%swap3A_686, %swap3A_687], %swap3A_690 {strides = array<i32>} : memref<16x1024xf32, #tpu.memory_space<vmem>>, vector<1x16xf32>,
          %broadcast_in_dim3A_691 = arith.constant 0.000000e+00 : f32
          %broadcast_in_dim3A_692 = vector.broadcast %broadcast_in_dim3A_691 : f32 to vector<16xf32>
          %swap3A_693 = arith.index_cast %while3A_451 : i32 to index
          %swap3A_694 = arith.constant 544 : index
          %swap3A_695 = tpu.vector_load %arg10[%swap3A_693, %swap3A_694] {strides = array<i32>} : memref<16x1024xf32, #tpu.memory_space<vmem>>, vector<1x16xf32>,
          %swap3A_696 = vector.shape_cast %swap3A_695 : vector<1x16xf32> to vector<16xf32>
          %swap3A_697 = vector.shape_cast %broadcast_in_dim3A_692 : vector<16xf32> to vector<1x16xf32>
          tpu.vector_store %arg10[%swap3A_693, %swap3A_694], %swap3A_697 {strides = array<i32>} : memref<16x1024xf32, #tpu.memory_space<vmem>>, vector<1x16xf32>,
          %broadcast_in_dim3A_698 = arith.constant 0.000000e+00 : f32
          %broadcast_in_dim3A_699 = vector.broadcast %broadcast_in_dim3A_698 : f32 to vector<16xf32>
          %swap3A_700 = arith.index_cast %while3A_451 : i32 to index
          %swap3A_701 = arith.constant 560 : index
          %swap3A_702 = tpu.vector_load %arg10[%swap3A_700, %swap3A_701] {strides = array<i32>} : memref<16x1024xf32, #tpu.memory_space<vmem>>, vector<1x16xf32>,
          %swap3A_703 = vector.shape_cast %swap3A_702 : vector<1x16xf32> to vector<16xf32>
          %swap3A_704 = vector.shape_cast %broadcast_in_dim3A_699 : vector<16xf32> to vector<1x16xf32>
          tpu.vector_store %arg10[%swap3A_700, %swap3A_701], %swap3A_704 {strides = array<i32>} : memref<16x1024xf32, #tpu.memory_space<vmem>>, vector<1x16xf32>,
          %broadcast_in_dim3A_705 = arith.constant 0.000000e+00 : f32
          %broadcast_in_dim3A_706 = vector.broadcast %broadcast_in_dim3A_705 : f32 to vector<16xf32>
          %swap3A_707 = arith.index_cast %while3A_451 : i32 to index
          %swap3A_708 = arith.constant 576 : index
          %swap3A_709 = tpu.vector_load %arg10[%swap3A_707, %swap3A_708] {strides = array<i32>} : memref<16x1024xf32, #tpu.memory_space<vmem>>, vector<1x16xf32>,
          %swap3A_710 = vector.shape_cast %swap3A_709 : vector<1x16xf32> to vector<16xf32>
          %swap3A_711 = vector.shape_cast %broadcast_in_dim3A_706 : vector<16xf32> to vector<1x16xf32>
          tpu.vector_store %arg10[%swap3A_707, %swap3A_708], %swap3A_711 {strides = array<i32>} : memref<16x1024xf32, #tpu.memory_space<vmem>>, vector<1x16xf32>,
          %broadcast_in_dim3A_712 = arith.constant 0.000000e+00 : f32
          %broadcast_in_dim3A_713 = vector.broadcast %broadcast_in_dim3A_712 : f32 to vector<16xf32>
          %swap3A_714 = arith.index_cast %while3A_451 : i32 to index
          %swap3A_715 = arith.constant 592 : index
          %swap3A_716 = tpu.vector_load %arg10[%swap3A_714, %swap3A_715] {strides = array<i32>} : memref<16x1024xf32, #tpu.memory_space<vmem>>, vector<1x16xf32>,
          %swap3A_717 = vector.shape_cast %swap3A_716 : vector<1x16xf32> to vector<16xf32>
          %swap3A_718 = vector.shape_cast %broadcast_in_dim3A_713 : vector<16xf32> to vector<1x16xf32>
          tpu.vector_store %arg10[%swap3A_714, %swap3A_715], %swap3A_718 {strides = array<i32>} : memref<16x1024xf32, #tpu.memory_space<vmem>>, vector<1x16xf32>,
          %broadcast_in_dim3A_719 = arith.constant 0.000000e+00 : f32
          %broadcast_in_dim3A_720 = vector.broadcast %broadcast_in_dim3A_719 : f32 to vector<16xf32>
          %swap3A_721 = arith.index_cast %while3A_451 : i32 to index
          %swap3A_722 = arith.constant 608 : index
          %swap3A_723 = tpu.vector_load %arg10[%swap3A_721, %swap3A_722] {strides = array<i32>} : memref<16x1024xf32, #tpu.memory_space<vmem>>, vector<1x16xf32>,
          %swap3A_724 = vector.shape_cast %swap3A_723 : vector<1x16xf32> to vector<16xf32>
          %swap3A_725 = vector.shape_cast %broadcast_in_dim3A_720 : vector<16xf32> to vector<1x16xf32>
          tpu.vector_store %arg10[%swap3A_721, %swap3A_722], %swap3A_725 {strides = array<i32>} : memref<16x1024xf32, #tpu.memory_space<vmem>>, vector<1x16xf32>,
          %broadcast_in_dim3A_726 = arith.constant 0.000000e+00 : f32
          %broadcast_in_dim3A_727 = vector.broadcast %broadcast_in_dim3A_726 : f32 to vector<16xf32>
          %swap3A_728 = arith.index_cast %while3A_451 : i32 to index
          %swap3A_729 = arith.constant 624 : index
          %swap3A_730 = tpu.vector_load %arg10[%swap3A_728, %swap3A_729] {strides = array<i32>} : memref<16x1024xf32, #tpu.memory_space<vmem>>, vector<1x16xf32>,
          %swap3A_731 = vector.shape_cast %swap3A_730 : vector<1x16xf32> to vector<16xf32>
          %swap3A_732 = vector.shape_cast %broadcast_in_dim3A_727 : vector<16xf32> to vector<1x16xf32>
          tpu.vector_store %arg10[%swap3A_728, %swap3A_729], %swap3A_732 {strides = array<i32>} : memref<16x1024xf32, #tpu.memory_space<vmem>>, vector<1x16xf32>,
          %broadcast_in_dim3A_733 = arith.constant 0.000000e+00 : f32
          %broadcast_in_dim3A_734 = vector.broadcast %broadcast_in_dim3A_733 : f32 to vector<16xf32>
          %swap3A_735 = arith.index_cast %while3A_451 : i32 to index
          %swap3A_736 = arith.constant 640 : index
          %swap3A_737 = tpu.vector_load %arg10[%swap3A_735, %swap3A_736] {strides = array<i32>} : memref<16x1024xf32, #tpu.memory_space<vmem>>, vector<1x16xf32>,
          %swap3A_738 = vector.shape_cast %swap3A_737 : vector<1x16xf32> to vector<16xf32>
          %swap3A_739 = vector.shape_cast %broadcast_in_dim3A_734 : vector<16xf32> to vector<1x16xf32>
          tpu.vector_store %arg10[%swap3A_735, %swap3A_736], %swap3A_739 {strides = array<i32>} : memref<16x1024xf32, #tpu.memory_space<vmem>>, vector<1x16xf32>,
          %broadcast_in_dim3A_740 = arith.constant 0.000000e+00 : f32
          %broadcast_in_dim3A_741 = vector.broadcast %broadcast_in_dim3A_740 : f32 to vector<16xf32>
          %swap3A_742 = arith.index_cast %while3A_451 : i32 to index
          %swap3A_743 = arith.constant 656 : index
          %swap3A_744 = tpu.vector_load %arg10[%swap3A_742, %swap3A_743] {strides = array<i32>} : memref<16x1024xf32, #tpu.memory_space<vmem>>, vector<1x16xf32>,
          %swap3A_745 = vector.shape_cast %swap3A_744 : vector<1x16xf32> to vector<16xf32>
          %swap3A_746 = vector.shape_cast %broadcast_in_dim3A_741 : vector<16xf32> to vector<1x16xf32>
          tpu.vector_store %arg10[%swap3A_742, %swap3A_743], %swap3A_746 {strides = array<i32>} : memref<16x1024xf32, #tpu.memory_space<vmem>>, vector<1x16xf32>,
          %broadcast_in_dim3A_747 = arith.constant 0.000000e+00 : f32
          %broadcast_in_dim3A_748 = vector.broadcast %broadcast_in_dim3A_747 : f32 to vector<16xf32>
          %swap3A_749 = arith.index_cast %while3A_451 : i32 to index
          %swap3A_750 = arith.constant 672 : index
          %swap3A_751 = tpu.vector_load %arg10[%swap3A_749, %swap3A_750] {strides = array<i32>} : memref<16x1024xf32, #tpu.memory_space<vmem>>, vector<1x16xf32>,
          %swap3A_752 = vector.shape_cast %swap3A_751 : vector<1x16xf32> to vector<16xf32>
          %swap3A_753 = vector.shape_cast %broadcast_in_dim3A_748 : vector<16xf32> to vector<1x16xf32>
          tpu.vector_store %arg10[%swap3A_749, %swap3A_750], %swap3A_753 {strides = array<i32>} : memref<16x1024xf32, #tpu.memory_space<vmem>>, vector<1x16xf32>,
          %broadcast_in_dim3A_754 = arith.constant 0.000000e+00 : f32
          %broadcast_in_dim3A_755 = vector.broadcast %broadcast_in_dim3A_754 : f32 to vector<16xf32>
          %swap3A_756 = arith.index_cast %while3A_451 : i32 to index
          %swap3A_757 = arith.constant 688 : index
          %swap3A_758 = tpu.vector_load %arg10[%swap3A_756, %swap3A_757] {strides = array<i32>} : memref<16x1024xf32, #tpu.memory_space<vmem>>, vector<1x16xf32>,
          %swap3A_759 = vector.shape_cast %swap3A_758 : vector<1x16xf32> to vector<16xf32>
          %swap3A_760 = vector.shape_cast %broadcast_in_dim3A_755 : vector<16xf32> to vector<1x16xf32>
          tpu.vector_store %arg10[%swap3A_756, %swap3A_757], %swap3A_760 {strides = array<i32>} : memref<16x1024xf32, #tpu.memory_space<vmem>>, vector<1x16xf32>,
          %broadcast_in_dim3A_761 = arith.constant 0.000000e+00 : f32
          %broadcast_in_dim3A_762 = vector.broadcast %broadcast_in_dim3A_761 : f32 to vector<16xf32>
          %swap3A_763 = arith.index_cast %while3A_451 : i32 to index
          %swap3A_764 = arith.constant 704 : index
          %swap3A_765 = tpu.vector_load %arg10[%swap3A_763, %swap3A_764] {strides = array<i32>} : memref<16x1024xf32, #tpu.memory_space<vmem>>, vector<1x16xf32>,
          %swap3A_766 = vector.shape_cast %swap3A_765 : vector<1x16xf32> to vector<16xf32>
          %swap3A_767 = vector.shape_cast %broadcast_in_dim3A_762 : vector<16xf32> to vector<1x16xf32>
          tpu.vector_store %arg10[%swap3A_763, %swap3A_764], %swap3A_767 {strides = array<i32>} : memref<16x1024xf32, #tpu.memory_space<vmem>>, vector<1x16xf32>,
          %broadcast_in_dim3A_768 = arith.constant 0.000000e+00 : f32
          %broadcast_in_dim3A_769 = vector.broadcast %broadcast_in_dim3A_768 : f32 to vector<16xf32>
          %swap3A_770 = arith.index_cast %while3A_451 : i32 to index
          %swap3A_771 = arith.constant 720 : index
          %swap3A_772 = tpu.vector_load %arg10[%swap3A_770, %swap3A_771] {strides = array<i32>} : memref<16x1024xf32, #tpu.memory_space<vmem>>, vector<1x16xf32>,
          %swap3A_773 = vector.shape_cast %swap3A_772 : vector<1x16xf32> to vector<16xf32>
          %swap3A_774 = vector.shape_cast %broadcast_in_dim3A_769 : vector<16xf32> to vector<1x16xf32>
          tpu.vector_store %arg10[%swap3A_770, %swap3A_771], %swap3A_774 {strides = array<i32>} : memref<16x1024xf32, #tpu.memory_space<vmem>>, vector<1x16xf32>,
          %broadcast_in_dim3A_775 = arith.constant 0.000000e+00 : f32
          %broadcast_in_dim3A_776 = vector.broadcast %broadcast_in_dim3A_775 : f32 to vector<16xf32>
          %swap3A_777 = arith.index_cast %while3A_451 : i32 to index
          %swap3A_778 = arith.constant 736 : index
          %swap3A_779 = tpu.vector_load %arg10[%swap3A_777, %swap3A_778] {strides = array<i32>} : memref<16x1024xf32, #tpu.memory_space<vmem>>, vector<1x16xf32>,
          %swap3A_780 = vector.shape_cast %swap3A_779 : vector<1x16xf32> to vector<16xf32>
          %swap3A_781 = vector.shape_cast %broadcast_in_dim3A_776 : vector<16xf32> to vector<1x16xf32>
          tpu.vector_store %arg10[%swap3A_777, %swap3A_778], %swap3A_781 {strides = array<i32>} : memref<16x1024xf32, #tpu.memory_space<vmem>>, vector<1x16xf32>,
          %broadcast_in_dim3A_782 = arith.constant 0.000000e+00 : f32
          %broadcast_in_dim3A_783 = vector.broadcast %broadcast_in_dim3A_782 : f32 to vector<16xf32>
          %swap3A_784 = arith.index_cast %while3A_451 : i32 to index
          %swap3A_785 = arith.constant 752 : index
          %swap3A_786 = tpu.vector_load %arg10[%swap3A_784, %swap3A_785] {strides = array<i32>} : memref<16x1024xf32, #tpu.memory_space<vmem>>, vector<1x16xf32>,
          %swap3A_787 = vector.shape_cast %swap3A_786 : vector<1x16xf32> to vector<16xf32>
          %swap3A_788 = vector.shape_cast %broadcast_in_dim3A_783 : vector<16xf32> to vector<1x16xf32>
          tpu.vector_store %arg10[%swap3A_784, %swap3A_785], %swap3A_788 {strides = array<i32>} : memref<16x1024xf32, #tpu.memory_space<vmem>>, vector<1x16xf32>,
          %broadcast_in_dim3A_789 = arith.constant 0.000000e+00 : f32
          %broadcast_in_dim3A_790 = vector.broadcast %broadcast_in_dim3A_789 : f32 to vector<16xf32>
          %swap3A_791 = arith.index_cast %while3A_451 : i32 to index
          %swap3A_792 = arith.constant 768 : index
          %swap3A_793 = tpu.vector_load %arg10[%swap3A_791, %swap3A_792] {strides = array<i32>} : memref<16x1024xf32, #tpu.memory_space<vmem>>, vector<1x16xf32>,
          %swap3A_794 = vector.shape_cast %swap3A_793 : vector<1x16xf32> to vector<16xf32>
          %swap3A_795 = vector.shape_cast %broadcast_in_dim3A_790 : vector<16xf32> to vector<1x16xf32>
          tpu.vector_store %arg10[%swap3A_791, %swap3A_792], %swap3A_795 {strides = array<i32>} : memref<16x1024xf32, #tpu.memory_space<vmem>>, vector<1x16xf32>,
          %broadcast_in_dim3A_796 = arith.constant 0.000000e+00 : f32
          %broadcast_in_dim3A_797 = vector.broadcast %broadcast_in_dim3A_796 : f32 to vector<16xf32>
          %swap3A_798 = arith.index_cast %while3A_451 : i32 to index
          %swap3A_799 = arith.constant 784 : index
          %swap3A_800 = tpu.vector_load %arg10[%swap3A_798, %swap3A_799] {strides = array<i32>} : memref<16x1024xf32, #tpu.memory_space<vmem>>, vector<1x16xf32>,
          %swap3A_801 = vector.shape_cast %swap3A_800 : vector<1x16xf32> to vector<16xf32>
          %swap3A_802 = vector.shape_cast %broadcast_in_dim3A_797 : vector<16xf32> to vector<1x16xf32>
          tpu.vector_store %arg10[%swap3A_798, %swap3A_799], %swap3A_802 {strides = array<i32>} : memref<16x1024xf32, #tpu.memory_space<vmem>>, vector<1x16xf32>,
          %broadcast_in_dim3A_803 = arith.constant 0.000000e+00 : f32
          %broadcast_in_dim3A_804 = vector.broadcast %broadcast_in_dim3A_803 : f32 to vector<16xf32>
          %swap3A_805 = arith.index_cast %while3A_451 : i32 to index
          %swap3A_806 = arith.constant 800 : index
          %swap3A_807 = tpu.vector_load %arg10[%swap3A_805, %swap3A_806] {strides = array<i32>} : memref<16x1024xf32, #tpu.memory_space<vmem>>, vector<1x16xf32>,
          %swap3A_808 = vector.shape_cast %swap3A_807 : vector<1x16xf32> to vector<16xf32>
          %swap3A_809 = vector.shape_cast %broadcast_in_dim3A_804 : vector<16xf32> to vector<1x16xf32>
          tpu.vector_store %arg10[%swap3A_805, %swap3A_806], %swap3A_809 {strides = array<i32>} : memref<16x1024xf32, #tpu.memory_space<vmem>>, vector<1x16xf32>,
          %broadcast_in_dim3A_810 = arith.constant 0.000000e+00 : f32
          %broadcast_in_dim3A_811 = vector.broadcast %broadcast_in_dim3A_810 : f32 to vector<16xf32>
          %swap3A_812 = arith.index_cast %while3A_451 : i32 to index
          %swap3A_813 = arith.constant 816 : index
          %swap3A_814 = tpu.vector_load %arg10[%swap3A_812, %swap3A_813] {strides = array<i32>} : memref<16x1024xf32, #tpu.memory_space<vmem>>, vector<1x16xf32>,
          %swap3A_815 = vector.shape_cast %swap3A_814 : vector<1x16xf32> to vector<16xf32>
          %swap3A_816 = vector.shape_cast %broadcast_in_dim3A_811 : vector<16xf32> to vector<1x16xf32>
          tpu.vector_store %arg10[%swap3A_812, %swap3A_813], %swap3A_816 {strides = array<i32>} : memref<16x1024xf32, #tpu.memory_space<vmem>>, vector<1x16xf32>,
          %broadcast_in_dim3A_817 = arith.constant 0.000000e+00 : f32
          %broadcast_in_dim3A_818 = vector.broadcast %broadcast_in_dim3A_817 : f32 to vector<16xf32>
          %swap3A_819 = arith.index_cast %while3A_451 : i32 to index
          %swap3A_820 = arith.constant 832 : index
          %swap3A_821 = tpu.vector_load %arg10[%swap3A_819, %swap3A_820] {strides = array<i32>} : memref<16x1024xf32, #tpu.memory_space<vmem>>, vector<1x16xf32>,
          %swap3A_822 = vector.shape_cast %swap3A_821 : vector<1x16xf32> to vector<16xf32>
          %swap3A_823 = vector.shape_cast %broadcast_in_dim3A_818 : vector<16xf32> to vector<1x16xf32>
          tpu.vector_store %arg10[%swap3A_819, %swap3A_820], %swap3A_823 {strides = array<i32>} : memref<16x1024xf32, #tpu.memory_space<vmem>>, vector<1x16xf32>,
          %broadcast_in_dim3A_824 = arith.constant 0.000000e+00 : f32
          %broadcast_in_dim3A_825 = vector.broadcast %broadcast_in_dim3A_824 : f32 to vector<16xf32>
          %swap3A_826 = arith.index_cast %while3A_451 : i32 to index
          %swap3A_827 = arith.constant 848 : index
          %swap3A_828 = tpu.vector_load %arg10[%swap3A_826, %swap3A_827] {strides = array<i32>} : memref<16x1024xf32, #tpu.memory_space<vmem>>, vector<1x16xf32>,
          %swap3A_829 = vector.shape_cast %swap3A_828 : vector<1x16xf32> to vector<16xf32>
          %swap3A_830 = vector.shape_cast %broadcast_in_dim3A_825 : vector<16xf32> to vector<1x16xf32>
          tpu.vector_store %arg10[%swap3A_826, %swap3A_827], %swap3A_830 {strides = array<i32>} : memref<16x1024xf32, #tpu.memory_space<vmem>>, vector<1x16xf32>,
          %broadcast_in_dim3A_831 = arith.constant 0.000000e+00 : f32
          %broadcast_in_dim3A_832 = vector.broadcast %broadcast_in_dim3A_831 : f32 to vector<16xf32>
          %swap3A_833 = arith.index_cast %while3A_451 : i32 to index
          %swap3A_834 = arith.constant 864 : index
          %swap3A_835 = tpu.vector_load %arg10[%swap3A_833, %swap3A_834] {strides = array<i32>} : memref<16x1024xf32, #tpu.memory_space<vmem>>, vector<1x16xf32>,
          %swap3A_836 = vector.shape_cast %swap3A_835 : vector<1x16xf32> to vector<16xf32>
          %swap3A_837 = vector.shape_cast %broadcast_in_dim3A_832 : vector<16xf32> to vector<1x16xf32>
          tpu.vector_store %arg10[%swap3A_833, %swap3A_834], %swap3A_837 {strides = array<i32>} : memref<16x1024xf32, #tpu.memory_space<vmem>>, vector<1x16xf32>,
          %broadcast_in_dim3A_838 = arith.constant 0.000000e+00 : f32
          %broadcast_in_dim3A_839 = vector.broadcast %broadcast_in_dim3A_838 : f32 to vector<16xf32>
          %swap3A_840 = arith.index_cast %while3A_451 : i32 to index
          %swap3A_841 = arith.constant 880 : index
          %swap3A_842 = tpu.vector_load %arg10[%swap3A_840, %swap3A_841] {strides = array<i32>} : memref<16x1024xf32, #tpu.memory_space<vmem>>, vector<1x16xf32>,
          %swap3A_843 = vector.shape_cast %swap3A_842 : vector<1x16xf32> to vector<16xf32>
          %swap3A_844 = vector.shape_cast %broadcast_in_dim3A_839 : vector<16xf32> to vector<1x16xf32>
          tpu.vector_store %arg10[%swap3A_840, %swap3A_841], %swap3A_844 {strides = array<i32>} : memref<16x1024xf32, #tpu.memory_space<vmem>>, vector<1x16xf32>,
          %broadcast_in_dim3A_845 = arith.constant 0.000000e+00 : f32
          %broadcast_in_dim3A_846 = vector.broadcast %broadcast_in_dim3A_845 : f32 to vector<16xf32>
          %swap3A_847 = arith.index_cast %while3A_451 : i32 to index
          %swap3A_848 = arith.constant 896 : index
          %swap3A_849 = tpu.vector_load %arg10[%swap3A_847, %swap3A_848] {strides = array<i32>} : memref<16x1024xf32, #tpu.memory_space<vmem>>, vector<1x16xf32>,
          %swap3A_850 = vector.shape_cast %swap3A_849 : vector<1x16xf32> to vector<16xf32>
          %swap3A_851 = vector.shape_cast %broadcast_in_dim3A_846 : vector<16xf32> to vector<1x16xf32>
          tpu.vector_store %arg10[%swap3A_847, %swap3A_848], %swap3A_851 {strides = array<i32>} : memref<16x1024xf32, #tpu.memory_space<vmem>>, vector<1x16xf32>,
          %broadcast_in_dim3A_852 = arith.constant 0.000000e+00 : f32
          %broadcast_in_dim3A_853 = vector.broadcast %broadcast_in_dim3A_852 : f32 to vector<16xf32>
          %swap3A_854 = arith.index_cast %while3A_451 : i32 to index
          %swap3A_855 = arith.constant 912 : index
          %swap3A_856 = tpu.vector_load %arg10[%swap3A_854, %swap3A_855] {strides = array<i32>} : memref<16x1024xf32, #tpu.memory_space<vmem>>, vector<1x16xf32>,
          %swap3A_857 = vector.shape_cast %swap3A_856 : vector<1x16xf32> to vector<16xf32>
          %swap3A_858 = vector.shape_cast %broadcast_in_dim3A_853 : vector<16xf32> to vector<1x16xf32>
          tpu.vector_store %arg10[%swap3A_854, %swap3A_855], %swap3A_858 {strides = array<i32>} : memref<16x1024xf32, #tpu.memory_space<vmem>>, vector<1x16xf32>,
          %broadcast_in_dim3A_859 = arith.constant 0.000000e+00 : f32
          %broadcast_in_dim3A_860 = vector.broadcast %broadcast_in_dim3A_859 : f32 to vector<16xf32>
          %swap3A_861 = arith.index_cast %while3A_451 : i32 to index
          %swap3A_862 = arith.constant 928 : index
          %swap3A_863 = tpu.vector_load %arg10[%swap3A_861, %swap3A_862] {strides = array<i32>} : memref<16x1024xf32, #tpu.memory_space<vmem>>, vector<1x16xf32>,
          %swap3A_864 = vector.shape_cast %swap3A_863 : vector<1x16xf32> to vector<16xf32>
          %swap3A_865 = vector.shape_cast %broadcast_in_dim3A_860 : vector<16xf32> to vector<1x16xf32>
          tpu.vector_store %arg10[%swap3A_861, %swap3A_862], %swap3A_865 {strides = array<i32>} : memref<16x1024xf32, #tpu.memory_space<vmem>>, vector<1x16xf32>,
          %broadcast_in_dim3A_866 = arith.constant 0.000000e+00 : f32
          %broadcast_in_dim3A_867 = vector.broadcast %broadcast_in_dim3A_866 : f32 to vector<16xf32>
          %swap3A_868 = arith.index_cast %while3A_451 : i32 to index
          %swap3A_869 = arith.constant 944 : index
          %swap3A_870 = tpu.vector_load %arg10[%swap3A_868, %swap3A_869] {strides = array<i32>} : memref<16x1024xf32, #tpu.memory_space<vmem>>, vector<1x16xf32>,
          %swap3A_871 = vector.shape_cast %swap3A_870 : vector<1x16xf32> to vector<16xf32>
          %swap3A_872 = vector.shape_cast %broadcast_in_dim3A_867 : vector<16xf32> to vector<1x16xf32>
          tpu.vector_store %arg10[%swap3A_868, %swap3A_869], %swap3A_872 {strides = array<i32>} : memref<16x1024xf32, #tpu.memory_space<vmem>>, vector<1x16xf32>,
          %broadcast_in_dim3A_873 = arith.constant 0.000000e+00 : f32
          %broadcast_in_dim3A_874 = vector.broadcast %broadcast_in_dim3A_873 : f32 to vector<16xf32>
          %swap3A_875 = arith.index_cast %while3A_451 : i32 to index
          %swap3A_876 = arith.constant 960 : index
          %swap3A_877 = tpu.vector_load %arg10[%swap3A_875, %swap3A_876] {strides = array<i32>} : memref<16x1024xf32, #tpu.memory_space<vmem>>, vector<1x16xf32>,
          %swap3A_878 = vector.shape_cast %swap3A_877 : vector<1x16xf32> to vector<16xf32>
          %swap3A_879 = vector.shape_cast %broadcast_in_dim3A_874 : vector<16xf32> to vector<1x16xf32>
          tpu.vector_store %arg10[%swap3A_875, %swap3A_876], %swap3A_879 {strides = array<i32>} : memref<16x1024xf32, #tpu.memory_space<vmem>>, vector<1x16xf32>,
          %broadcast_in_dim3A_880 = arith.constant 0.000000e+00 : f32
          %broadcast_in_dim3A_881 = vector.broadcast %broadcast_in_dim3A_880 : f32 to vector<16xf32>
          %swap3A_882 = arith.index_cast %while3A_451 : i32 to index
          %swap3A_883 = arith.constant 976 : index
          %swap3A_884 = tpu.vector_load %arg10[%swap3A_882, %swap3A_883] {strides = array<i32>} : memref<16x1024xf32, #tpu.memory_space<vmem>>, vector<1x16xf32>,
          %swap3A_885 = vector.shape_cast %swap3A_884 : vector<1x16xf32> to vector<16xf32>
          %swap3A_886 = vector.shape_cast %broadcast_in_dim3A_881 : vector<16xf32> to vector<1x16xf32>
          tpu.vector_store %arg10[%swap3A_882, %swap3A_883], %swap3A_886 {strides = array<i32>} : memref<16x1024xf32, #tpu.memory_space<vmem>>, vector<1x16xf32>,
          %broadcast_in_dim3A_887 = arith.constant 0.000000e+00 : f32
          %broadcast_in_dim3A_888 = vector.broadcast %broadcast_in_dim3A_887 : f32 to vector<16xf32>
          %swap3A_889 = arith.index_cast %while3A_451 : i32 to index
          %swap3A_890 = arith.constant 992 : index
          %swap3A_891 = tpu.vector_load %arg10[%swap3A_889, %swap3A_890] {strides = array<i32>} : memref<16x1024xf32, #tpu.memory_space<vmem>>, vector<1x16xf32>,
          %swap3A_892 = vector.shape_cast %swap3A_891 : vector<1x16xf32> to vector<16xf32>
          %swap3A_893 = vector.shape_cast %broadcast_in_dim3A_888 : vector<16xf32> to vector<1x16xf32>
          tpu.vector_store %arg10[%swap3A_889, %swap3A_890], %swap3A_893 {strides = array<i32>} : memref<16x1024xf32, #tpu.memory_space<vmem>>, vector<1x16xf32>,
          %broadcast_in_dim3A_894 = arith.constant 0.000000e+00 : f32
          %broadcast_in_dim3A_895 = vector.broadcast %broadcast_in_dim3A_894 : f32 to vector<16xf32>
          %swap3A_896 = arith.index_cast %while3A_451 : i32 to index
          %swap3A_897 = arith.constant 1008 : index
          %swap3A_898 = tpu.vector_load %arg10[%swap3A_896, %swap3A_897] {strides = array<i32>} : memref<16x1024xf32, #tpu.memory_space<vmem>>, vector<1x16xf32>,
          %swap3A_899 = vector.shape_cast %swap3A_898 : vector<1x16xf32> to vector<16xf32>
          %swap3A_900 = vector.shape_cast %broadcast_in_dim3A_895 : vector<16xf32> to vector<1x16xf32>
          tpu.vector_store %arg10[%swap3A_896, %swap3A_897], %swap3A_900 {strides = array<i32>} : memref<16x1024xf32, #tpu.memory_space<vmem>>, vector<1x16xf32>,
          %while3A_901 = arith.constant 0 : i32
          scf.yield %while3A_901 : i32
        }
        %while3A_449 = arith.constant 1 : i32
        %while3A_450 = scf.for %while3A_451 = %while3A_446 to %while3A_442 step %while3A_449 iter_args(%while3A_452 = %while3A_448) -> (i32)  : i32 {
          %broadcast_in_dim3A_453 = arith.constant 0.000000e+00 : f32
          %broadcast_in_dim3A_454 = vector.broadcast %broadcast_in_dim3A_453 : f32 to vector<16xf32>
          %swap3A_455 = arith.index_cast %while3A_451 : i32 to index
          %swap3A_456 = arith.constant 0 : index
          %swap3A_457 = tpu.vector_load %arg10[%swap3A_455, %swap3A_456] {strides = array<i32>} : memref<16x1024xf32, #tpu.memory_space<vmem>>, vector<1x16xf32>,
          %swap3A_458 = vector.shape_cast %swap3A_457 : vector<1x16xf32> to vector<16xf32>
          %swap3A_459 = vector.shape_cast %broadcast_in_dim3A_454 : vector<16xf32> to vector<1x16xf32>
          tpu.vector_store %arg10[%swap3A_455, %swap3A_456], %swap3A_459 {strides = array<i32>} : memref<16x1024xf32, #tpu.memory_space<vmem>>, vector<1x16xf32>,
          %broadcast_in_dim3A_460 = arith.constant 0.000000e+00 : f32
          %broadcast_in_dim3A_461 = vector.broadcast %broadcast_in_dim3A_460 : f32 to vector<16xf32>
          %swap3A_462 = arith.index_cast %while3A_451 : i32 to index
          %swap3A_463 = arith.constant 16 : index
          %swap3A_464 = tpu.vector_load %arg10[%swap3A_462, %swap3A_463] {strides = array<i32>} : memref<16x1024xf32, #tpu.memory_space<vmem>>, vector<1x16xf32>,
          %swap3A_465 = vector.shape_cast %swap3A_464 : vector<1x16xf32> to vector<16xf32>
          %swap3A_466 = vector.shape_cast %broadcast_in_dim3A_461 : vector<16xf32> to vector<1x16xf32>
          tpu.vector_store %arg10[%swap3A_462, %swap3A_463], %swap3A_466 {strides = array<i32>} : memref<16x1024xf32, #tpu.memory_space<vmem>>, vector<1x16xf32>,
          %broadcast_in_dim3A_467 = arith.constant 0.000000e+00 : f32
          %broadcast_in_dim3A_468 = vector.broadcast %broadcast_in_dim3A_467 : f32 to vector<16xf32>
          %swap3A_469 = arith.index_cast %while3A_451 : i32 to index
          %swap3A_470 = arith.constant 32 : index
          %swap3A_471 = tpu.vector_load %arg10[%swap3A_469, %swap3A_470] {strides = array<i32>} : memref<16x1024xf32, #tpu.memory_space<vmem>>, vector<1x16xf32>,
          %swap3A_472 = vector.shape_cast %swap3A_471 : vector<1x16xf32> to vector<16xf32>
          %swap3A_473 = vector.shape_cast %broadcast_in_dim3A_468 : vector<16xf32> to vector<1x16xf32>
          tpu.vector_store %arg10[%swap3A_469, %swap3A_470], %swap3A_473 {strides = array<i32>} : memref<16x1024xf32, #tpu.memory_space<vmem>>, vector<1x16xf32>,
          %broadcast_in_dim3A_474 = arith.constant 0.000000e+00 : f32
          %broadcast_in_dim3A_475 = vector.broadcast %broadcast_in_dim3A_474 : f32 to vector<16xf32>
          %swap3A_476 = arith.index_cast %while3A_451 : i32 to index
          %swap3A_477 = arith.constant 48 : index
          %swap3A_478 = tpu.vector_load %arg10[%swap3A_476, %swap3A_477] {strides = array<i32>} : memref<16x1024xf32, #tpu.memory_space<vmem>>, vector<1x16xf32>,
          %swap3A_479 = vector.shape_cast %swap3A_478 : vector<1x16xf32> to vector<16xf32>
          %swap3A_480 = vector.shape_cast %broadcast_in_dim3A_475 : vector<16xf32> to vector<1x16xf32>
          tpu.vector_store %arg10[%swap3A_476, %swap3A_477], %swap3A_480 {strides = array<i32>} : memref<16x1024xf32, #tpu.memory_space<vmem>>, vector<1x16xf32>,
          %broadcast_in_dim3A_481 = arith.constant 0.000000e+00 : f32
          %broadcast_in_dim3A_482 = vector.broadcast %broadcast_in_dim3A_481 : f32 to vector<16xf32>
          %swap3A_483 = arith.index_cast %while3A_451 : i32 to index
          %swap3A_484 = arith.constant 64 : index
          %swap3A_485 = tpu.vector_load %arg10[%swap3A_483, %swap3A_484] {strides = array<i32>} : memref<16x1024xf32, #tpu.memory_space<vmem>>, vector<1x16xf32>,
          %swap3A_486 = vector.shape_cast %swap3A_485 : vector<1x16xf32> to vector<16xf32>
          %swap3A_487 = vector.shape_cast %broadcast_in_dim3A_482 : vector<16xf32> to vector<1x16xf32>
          tpu.vector_store %arg10[%swap3A_483, %swap3A_484], %swap3A_487 {strides = array<i32>} : memref<16x1024xf32, #tpu.memory_space<vmem>>, vector<1x16xf32>,
          %broadcast_in_dim3A_488 = arith.constant 0.000000e+00 : f32
          %broadcast_in_dim3A_489 = vector.broadcast %broadcast_in_dim3A_488 : f32 to vector<16xf32>
          %swap3A_490 = arith.index_cast %while3A_451 : i32 to index
          %swap3A_491 = arith.constant 80 : index
          %swap3A_492 = tpu.vector_load %arg10[%swap3A_490, %swap3A_491] {strides = array<i32>} : memref<16x1024xf32, #tpu.memory_space<vmem>>, vector<1x16xf32>,
          %swap3A_493 = vector.shape_cast %swap3A_492 : vector<1x16xf32> to vector<16xf32>
          %swap3A_494 = vector.shape_cast %broadcast_in_dim3A_489 : vector<16xf32> to vector<1x16xf32>
          tpu.vector_store %arg10[%swap3A_490, %swap3A_491], %swap3A_494 {strides = array<i32>} : memref<16x1024xf32, #tpu.memory_space<vmem>>, vector<1x16xf32>,
          %broadcast_in_dim3A_495 = arith.constant 0.000000e+00 : f32
          %broadcast_in_dim3A_496 = vector.broadcast %broadcast_in_dim3A_495 : f32 to vector<16xf32>
          %swap3A_497 = arith.index_cast %while3A_451 : i32 to index
          %swap3A_498 = arith.constant 96 : index
          %swap3A_499 = tpu.vector_load %arg10[%swap3A_497, %swap3A_498] {strides = array<i32>} : memref<16x1024xf32, #tpu.memory_space<vmem>>, vector<1x16xf32>,
          %swap3A_500 = vector.shape_cast %swap3A_499 : vector<1x16xf32> to vector<16xf32>
          %swap3A_501 = vector.shape_cast %broadcast_in_dim3A_496 : vector<16xf32> to vector<1x16xf32>
          tpu.vector_store %arg10[%swap3A_497, %swap3A_498], %swap3A_501 {strides = array<i32>} : memref<16x1024xf32, #tpu.memory_space<vmem>>, vector<1x16xf32>,
          %broadcast_in_dim3A_502 = arith.constant 0.000000e+00 : f32
          %broadcast_in_dim3A_503 = vector.broadcast %broadcast_in_dim3A_502 : f32 to vector<16xf32>
          %swap3A_504 = arith.index_cast %while3A_451 : i32 to index
          %swap3A_505 = arith.constant 112 : index
          %swap3A_506 = tpu.vector_load %arg10[%swap3A_504, %swap3A_505] {strides = array<i32>} : memref<16x1024xf32, #tpu.memory_space<vmem>>, vector<1x16xf32>,
          %swap3A_507 = vector.shape_cast %swap3A_506 : vector<1x16xf32> to vector<16xf32>
          %swap3A_508 = vector.shape_cast %broadcast_in_dim3A_503 : vector<16xf32> to vector<1x16xf32>
          tpu.vector_store %arg10[%swap3A_504, %swap3A_505], %swap3A_508 {strides = array<i32>} : memref<16x1024xf32, #tpu.memory_space<vmem>>, vector<1x16xf32>,
          %broadcast_in_dim3A_509 = arith.constant 0.000000e+00 : f32
          %broadcast_in_dim3A_510 = vector.broadcast %broadcast_in_dim3A_509 : f32 to vector<16xf32>
          %swap3A_511 = arith.index_cast %while3A_451 : i32 to index
          %swap3A_512 = arith.constant 128 : index
          %swap3A_513 = tpu.vector_load %arg10[%swap3A_511, %swap3A_512] {strides = array<i32>} : memref<16x1024xf32, #tpu.memory_space<vmem>>, vector<1x16xf32>,
          %swap3A_514 = vector.shape_cast %swap3A_513 : vector<1x16xf32> to vector<16xf32>
          %swap3A_515 = vector.shape_cast %broadcast_in_dim3A_510 : vector<16xf32> to vector<1x16xf32>
          tpu.vector_store %arg10[%swap3A_511, %swap3A_512], %swap3A_515 {strides = array<i32>} : memref<16x1024xf32, #tpu.memory_space<vmem>>, vector<1x16xf32>,
          %broadcast_in_dim3A_516 = arith.constant 0.000000e+00 : f32
          %broadcast_in_dim3A_517 = vector.broadcast %broadcast_in_dim3A_516 : f32 to vector<16xf32>
          %swap3A_518 = arith.index_cast %while3A_451 : i32 to index
          %swap3A_519 = arith.constant 144 : index
          %swap3A_520 = tpu.vector_load %arg10[%swap3A_518, %swap3A_519] {strides = array<i32>} : memref<16x1024xf32, #tpu.memory_space<vmem>>, vector<1x16xf32>,
          %swap3A_521 = vector.shape_cast %swap3A_520 : vector<1x16xf32> to vector<16xf32>
          %swap3A_522 = vector.shape_cast %broadcast_in_dim3A_517 : vector<16xf32> to vector<1x16xf32>
          tpu.vector_store %arg10[%swap3A_518, %swap3A_519], %swap3A_522 {strides = array<i32>} : memref<16x1024xf32, #tpu.memory_space<vmem>>, vector<1x16xf32>,
          %broadcast_in_dim3A_523 = arith.constant 0.000000e+00 : f32
          %broadcast_in_dim3A_524 = vector.broadcast %broadcast_in_dim3A_523 : f32 to vector<16xf32>
          %swap3A_525 = arith.index_cast %while3A_451 : i32 to index
          %swap3A_526 = arith.constant 160 : index
          %swap3A_527 = tpu.vector_load %arg10[%swap3A_525, %swap3A_526] {strides = array<i32>} : memref<16x1024xf32, #tpu.memory_space<vmem>>, vector<1x16xf32>,
          %swap3A_528 = vector.shape_cast %swap3A_527 : vector<1x16xf32> to vector<16xf32>
          %swap3A_529 = vector.shape_cast %broadcast_in_dim3A_524 : vector<16xf32> to vector<1x16xf32>
          tpu.vector_store %arg10[%swap3A_525, %swap3A_526], %swap3A_529 {strides = array<i32>} : memref<16x1024xf32, #tpu.memory_space<vmem>>, vector<1x16xf32>,
          %broadcast_in_dim3A_530 = arith.constant 0.000000e+00 : f32
          %broadcast_in_dim3A_531 = vector.broadcast %broadcast_in_dim3A_530 : f32 to vector<16xf32>
          %swap3A_532 = arith.index_cast %while3A_451 : i32 to index
          %swap3A_533 = arith.constant 176 : index
          %swap3A_534 = tpu.vector_load %arg10[%swap3A_532, %swap3A_533] {strides = array<i32>} : memref<16x1024xf32, #tpu.memory_space<vmem>>, vector<1x16xf32>,
          %swap3A_535 = vector.shape_cast %swap3A_534 : vector<1x16xf32> to vector<16xf32>
          %swap3A_536 = vector.shape_cast %broadcast_in_dim3A_531 : vector<16xf32> to vector<1x16xf32>
          tpu.vector_store %arg10[%swap3A_532, %swap3A_533], %swap3A_536 {strides = array<i32>} : memref<16x1024xf32, #tpu.memory_space<vmem>>, vector<1x16xf32>,
          %broadcast_in_dim3A_537 = arith.constant 0.000000e+00 : f32
          %broadcast_in_dim3A_538 = vector.broadcast %broadcast_in_dim3A_537 : f32 to vector<16xf32>
          %swap3A_539 = arith.index_cast %while3A_451 : i32 to index
          %swap3A_540 = arith.constant 192 : index
          %swap3A_541 = tpu.vector_load %arg10[%swap3A_539, %swap3A_540] {strides = array<i32>} : memref<16x1024xf32, #tpu.memory_space<vmem>>, vector<1x16xf32>,
          %swap3A_542 = vector.shape_cast %swap3A_541 : vector<1x16xf32> to vector<16xf32>
          %swap3A_543 = vector.shape_cast %broadcast_in_dim3A_538 : vector<16xf32> to vector<1x16xf32>
          tpu.vector_store %arg10[%swap3A_539, %swap3A_540], %swap3A_543 {strides = array<i32>} : memref<16x1024xf32, #tpu.memory_space<vmem>>, vector<1x16xf32>,
          %broadcast_in_dim3A_544 = arith.constant 0.000000e+00 : f32
          %broadcast_in_dim3A_545 = vector.broadcast %broadcast_in_dim3A_544 : f32 to vector<16xf32>
          %swap3A_546 = arith.index_cast %while3A_451 : i32 to index
          %swap3A_547 = arith.constant 208 : index
          %swap3A_548 = tpu.vector_load %arg10[%swap3A_546, %swap3A_547] {strides = array<i32>} : memref<16x1024xf32, #tpu.memory_space<vmem>>, vector<1x16xf32>,
          %swap3A_549 = vector.shape_cast %swap3A_548 : vector<1x16xf32> to vector<16xf32>
          %swap3A_550 = vector.shape_cast %broadcast_in_dim3A_545 : vector<16xf32> to vector<1x16xf32>
          tpu.vector_store %arg10[%swap3A_546, %swap3A_547], %swap3A_550 {strides = array<i32>} : memref<16x1024xf32, #tpu.memory_space<vmem>>, vector<1x16xf32>,
          %broadcast_in_dim3A_551 = arith.constant 0.000000e+00 : f32
          %broadcast_in_dim3A_552 = vector.broadcast %broadcast_in_dim3A_551 : f32 to vector<16xf32>
          %swap3A_553 = arith.index_cast %while3A_451 : i32 to index
          %swap3A_554 = arith.constant 224 : index
          %swap3A_555 = tpu.vector_load %arg10[%swap3A_553, %swap3A_554] {strides = array<i32>} : memref<16x1024xf32, #tpu.memory_space<vmem>>, vector<1x16xf32>,
          %swap3A_556 = vector.shape_cast %swap3A_555 : vector<1x16xf32> to vector<16xf32>
          %swap3A_557 = vector.shape_cast %broadcast_in_dim3A_552 : vector<16xf32> to vector<1x16xf32>
          tpu.vector_store %arg10[%swap3A_553, %swap3A_554], %swap3A_557 {strides = array<i32>} : memref<16x1024xf32, #tpu.memory_space<vmem>>, vector<1x16xf32>,
          %broadcast_in_dim3A_558 = arith.constant 0.000000e+00 : f32
          %broadcast_in_dim3A_559 = vector.broadcast %broadcast_in_dim3A_558 : f32 to vector<16xf32>
          %swap3A_560 = arith.index_cast %while3A_451 : i32 to index
          %swap3A_561 = arith.constant 240 : index
          %swap3A_562 = tpu.vector_load %arg10[%swap3A_560, %swap3A_561] {strides = array<i32>} : memref<16x1024xf32, #tpu.memory_space<vmem>>, vector<1x16xf32>,
          %swap3A_563 = vector.shape_cast %swap3A_562 : vector<1x16xf32> to vector<16xf32>
          %swap3A_564 = vector.shape_cast %broadcast_in_dim3A_559 : vector<16xf32> to vector<1x16xf32>
          tpu.vector_store %arg10[%swap3A_560, %swap3A_561], %swap3A_564 {strides = array<i32>} : memref<16x1024xf32, #tpu.memory_space<vmem>>, vector<1x16xf32>,
          %broadcast_in_dim3A_565 = arith.constant 0.000000e+00 : f32
          %broadcast_in_dim3A_566 = vector.broadcast %broadcast_in_dim3A_565 : f32 to vector<16xf32>
          %swap3A_567 = arith.index_cast %while3A_451 : i32 to index
          %swap3A_568 = arith.constant 256 : index
          %swap3A_569 = tpu.vector_load %arg10[%swap3A_567, %swap3A_568] {strides = array<i32>} : memref<16x1024xf32, #tpu.memory_space<vmem>>, vector<1x16xf32>,
          %swap3A_570 = vector.shape_cast %swap3A_569 : vector<1x16xf32> to vector<16xf32>
          %swap3A_571 = vector.shape_cast %broadcast_in_dim3A_566 : vector<16xf32> to vector<1x16xf32>
          tpu.vector_store %arg10[%swap3A_567, %swap3A_568], %swap3A_571 {strides = array<i32>} : memref<16x1024xf32, #tpu.memory_space<vmem>>, vector<1x16xf32>,
          %broadcast_in_dim3A_572 = arith.constant 0.000000e+00 : f32
          %broadcast_in_dim3A_573 = vector.broadcast %broadcast_in_dim3A_572 : f32 to vector<16xf32>
          %swap3A_574 = arith.index_cast %while3A_451 : i32 to index
          %swap3A_575 = arith.constant 272 : index
          %swap3A_576 = tpu.vector_load %arg10[%swap3A_574, %swap3A_575] {strides = array<i32>} : memref<16x1024xf32, #tpu.memory_space<vmem>>, vector<1x16xf32>,
          %swap3A_577 = vector.shape_cast %swap3A_576 : vector<1x16xf32> to vector<16xf32>
          %swap3A_578 = vector.shape_cast %broadcast_in_dim3A_573 : vector<16xf32> to vector<1x16xf32>
          tpu.vector_store %arg10[%swap3A_574, %swap3A_575], %swap3A_578 {strides = array<i32>} : memref<16x1024xf32, #tpu.memory_space<vmem>>, vector<1x16xf32>,
          %broadcast_in_dim3A_579 = arith.constant 0.000000e+00 : f32
          %broadcast_in_dim3A_580 = vector.broadcast %broadcast_in_dim3A_579 : f32 to vector<16xf32>
          %swap3A_581 = arith.index_cast %while3A_451 : i32 to index
          %swap3A_582 = arith.constant 288 : index
          %swap3A_583 = tpu.vector_load %arg10[%swap3A_581, %swap3A_582] {strides = array<i32>} : memref<16x1024xf32, #tpu.memory_space<vmem>>, vector<1x16xf32>,
          %swap3A_584 = vector.shape_cast %swap3A_583 : vector<1x16xf32> to vector<16xf32>
          %swap3A_585 = vector.shape_cast %broadcast_in_dim3A_580 : vector<16xf32> to vector<1x16xf32>
          tpu.vector_store %arg10[%swap3A_581, %swap3A_582], %swap3A_585 {strides = array<i32>} : memref<16x1024xf32, #tpu.memory_space<vmem>>, vector<1x16xf32>,
          %broadcast_in_dim3A_586 = arith.constant 0.000000e+00 : f32
          %broadcast_in_dim3A_587 = vector.broadcast %broadcast_in_dim3A_586 : f32 to vector<16xf32>
          %swap3A_588 = arith.index_cast %while3A_451 : i32 to index
          %swap3A_589 = arith.constant 304 : index
          %swap3A_590 = tpu.vector_load %arg10[%swap3A_588, %swap3A_589] {strides = array<i32>} : memref<16x1024xf32, #tpu.memory_space<vmem>>, vector<1x16xf32>,
          %swap3A_591 = vector.shape_cast %swap3A_590 : vector<1x16xf32> to vector<16xf32>
          %swap3A_592 = vector.shape_cast %broadcast_in_dim3A_587 : vector<16xf32> to vector<1x16xf32>
          tpu.vector_store %arg10[%swap3A_588, %swap3A_589], %swap3A_592 {strides = array<i32>} : memref<16x1024xf32, #tpu.memory_space<vmem>>, vector<1x16xf32>,
          %broadcast_in_dim3A_593 = arith.constant 0.000000e+00 : f32
          %broadcast_in_dim3A_594 = vector.broadcast %broadcast_in_dim3A_593 : f32 to vector<16xf32>
          %swap3A_595 = arith.index_cast %while3A_451 : i32 to index
          %swap3A_596 = arith.constant 320 : index
          %swap3A_597 = tpu.vector_load %arg10[%swap3A_595, %swap3A_596] {strides = array<i32>} : memref<16x1024xf32, #tpu.memory_space<vmem>>, vector<1x16xf32>,
          %swap3A_598 = vector.shape_cast %swap3A_597 : vector<1x16xf32> to vector<16xf32>
          %swap3A_599 = vector.shape_cast %broadcast_in_dim3A_594 : vector<16xf32> to vector<1x16xf32>
          tpu.vector_store %arg10[%swap3A_595, %swap3A_596], %swap3A_599 {strides = array<i32>} : memref<16x1024xf32, #tpu.memory_space<vmem>>, vector<1x16xf32>,
          %broadcast_in_dim3A_600 = arith.constant 0.000000e+00 : f32
          %broadcast_in_dim3A_601 = vector.broadcast %broadcast_in_dim3A_600 : f32 to vector<16xf32>
          %swap3A_602 = arith.index_cast %while3A_451 : i32 to index
          %swap3A_603 = arith.constant 336 : index
          %swap3A_604 = tpu.vector_load %arg10[%swap3A_602, %swap3A_603] {strides = array<i32>} : memref<16x1024xf32, #tpu.memory_space<vmem>>, vector<1x16xf32>,
          %swap3A_605 = vector.shape_cast %swap3A_604 : vector<1x16xf32> to vector<16xf32>
          %swap3A_606 = vector.shape_cast %broadcast_in_dim3A_601 : vector<16xf32> to vector<1x16xf32>
          tpu.vector_store %arg10[%swap3A_602, %swap3A_603], %swap3A_606 {strides = array<i32>} : memref<16x1024xf32, #tpu.memory_space<vmem>>, vector<1x16xf32>,
          %broadcast_in_dim3A_607 = arith.constant 0.000000e+00 : f32
          %broadcast_in_dim3A_608 = vector.broadcast %broadcast_in_dim3A_607 : f32 to vector<16xf32>
          %swap3A_609 = arith.index_cast %while3A_451 : i32 to index
          %swap3A_610 = arith.constant 352 : index
          %swap3A_611 = tpu.vector_load %arg10[%swap3A_609, %swap3A_610] {strides = array<i32>} : memref<16x1024xf32, #tpu.memory_space<vmem>>, vector<1x16xf32>,
          %swap3A_612 = vector.shape_cast %swap3A_611 : vector<1x16xf32> to vector<16xf32>
          %swap3A_613 = vector.shape_cast %broadcast_in_dim3A_608 : vector<16xf32> to vector<1x16xf32>
          tpu.vector_store %arg10[%swap3A_609, %swap3A_610], %swap3A_613 {strides = array<i32>} : memref<16x1024xf32, #tpu.memory_space<vmem>>, vector<1x16xf32>,
          %broadcast_in_dim3A_614 = arith.constant 0.000000e+00 : f32
          %broadcast_in_dim3A_615 = vector.broadcast %broadcast_in_dim3A_614 : f32 to vector<16xf32>
          %swap3A_616 = arith.index_cast %while3A_451 : i32 to index
          %swap3A_617 = arith.constant 368 : index
          %swap3A_618 = tpu.vector_load %arg10[%swap3A_616, %swap3A_617] {strides = array<i32>} : memref<16x1024xf32, #tpu.memory_space<vmem>>, vector<1x16xf32>,
          %swap3A_619 = vector.shape_cast %swap3A_618 : vector<1x16xf32> to vector<16xf32>
          %swap3A_620 = vector.shape_cast %broadcast_in_dim3A_615 : vector<16xf32> to vector<1x16xf32>
          tpu.vector_store %arg10[%swap3A_616, %swap3A_617], %swap3A_620 {strides = array<i32>} : memref<16x1024xf32, #tpu.memory_space<vmem>>, vector<1x16xf32>,
          %broadcast_in_dim3A_621 = arith.constant 0.000000e+00 : f32
          %broadcast_in_dim3A_622 = vector.broadcast %broadcast_in_dim3A_621 : f32 to vector<16xf32>
          %swap3A_623 = arith.index_cast %while3A_451 : i32 to index
          %swap3A_624 = arith.constant 384 : index
          %swap3A_625 = tpu.vector_load %arg10[%swap3A_623, %swap3A_624] {strides = array<i32>} : memref<16x1024xf32, #tpu.memory_space<vmem>>, vector<1x16xf32>,
          %swap3A_626 = vector.shape_cast %swap3A_625 : vector<1x16xf32> to vector<16xf32>
          %swap3A_627 = vector.shape_cast %broadcast_in_dim3A_622 : vector<16xf32> to vector<1x16xf32>
          tpu.vector_store %arg10[%swap3A_623, %swap3A_624], %swap3A_627 {strides = array<i32>} : memref<16x1024xf32, #tpu.memory_space<vmem>>, vector<1x16xf32>,
          %broadcast_in_dim3A_628 = arith.constant 0.000000e+00 : f32
          %broadcast_in_dim3A_629 = vector.broadcast %broadcast_in_dim3A_628 : f32 to vector<16xf32>
          %swap3A_630 = arith.index_cast %while3A_451 : i32 to index
          %swap3A_631 = arith.constant 400 : index
          %swap3A_632 = tpu.vector_load %arg10[%swap3A_630, %swap3A_631] {strides = array<i32>} : memref<16x1024xf32, #tpu.memory_space<vmem>>, vector<1x16xf32>,
          %swap3A_633 = vector.shape_cast %swap3A_632 : vector<1x16xf32> to vector<16xf32>
          %swap3A_634 = vector.shape_cast %broadcast_in_dim3A_629 : vector<16xf32> to vector<1x16xf32>
          tpu.vector_store %arg10[%swap3A_630, %swap3A_631], %swap3A_634 {strides = array<i32>} : memref<16x1024xf32, #tpu.memory_space<vmem>>, vector<1x16xf32>,
          %broadcast_in_dim3A_635 = arith.constant 0.000000e+00 : f32
          %broadcast_in_dim3A_636 = vector.broadcast %broadcast_in_dim3A_635 : f32 to vector<16xf32>
          %swap3A_637 = arith.index_cast %while3A_451 : i32 to index
          %swap3A_638 = arith.constant 416 : index
          %swap3A_639 = tpu.vector_load %arg10[%swap3A_637, %swap3A_638] {strides = array<i32>} : memref<16x1024xf32, #tpu.memory_space<vmem>>, vector<1x16xf32>,
          %swap3A_640 = vector.shape_cast %swap3A_639 : vector<1x16xf32> to vector<16xf32>
          %swap3A_641 = vector.shape_cast %broadcast_in_dim3A_636 : vector<16xf32> to vector<1x16xf32>
          tpu.vector_store %arg10[%swap3A_637, %swap3A_638], %swap3A_641 {strides = array<i32>} : memref<16x1024xf32, #tpu.memory_space<vmem>>, vector<1x16xf32>,
          %broadcast_in_dim3A_642 = arith.constant 0.000000e+00 : f32
          %broadcast_in_dim3A_643 = vector.broadcast %broadcast_in_dim3A_642 : f32 to vector<16xf32>
          %swap3A_644 = arith.index_cast %while3A_451 : i32 to index
          %swap3A_645 = arith.constant 432 : index
          %swap3A_646 = tpu.vector_load %arg10[%swap3A_644, %swap3A_645] {strides = array<i32>} : memref<16x1024xf32, #tpu.memory_space<vmem>>, vector<1x16xf32>,
          %swap3A_647 = vector.shape_cast %swap3A_646 : vector<1x16xf32> to vector<16xf32>
          %swap3A_648 = vector.shape_cast %broadcast_in_dim3A_643 : vector<16xf32> to vector<1x16xf32>
          tpu.vector_store %arg10[%swap3A_644, %swap3A_645], %swap3A_648 {strides = array<i32>} : memref<16x1024xf32, #tpu.memory_space<vmem>>, vector<1x16xf32>,
          %broadcast_in_dim3A_649 = arith.constant 0.000000e+00 : f32
          %broadcast_in_dim3A_650 = vector.broadcast %broadcast_in_dim3A_649 : f32 to vector<16xf32>
          %swap3A_651 = arith.index_cast %while3A_451 : i32 to index
          %swap3A_652 = arith.constant 448 : index
          %swap3A_653 = tpu.vector_load %arg10[%swap3A_651, %swap3A_652] {strides = array<i32>} : memref<16x1024xf32, #tpu.memory_space<vmem>>, vector<1x16xf32>,
          %swap3A_654 = vector.shape_cast %swap3A_653 : vector<1x16xf32> to vector<16xf32>
          %swap3A_655 = vector.shape_cast %broadcast_in_dim3A_650 : vector<16xf32> to vector<1x16xf32>
          tpu.vector_store %arg10[%swap3A_651, %swap3A_652], %swap3A_655 {strides = array<i32>} : memref<16x1024xf32, #tpu.memory_space<vmem>>, vector<1x16xf32>,
          %broadcast_in_dim3A_656 = arith.constant 0.000000e+00 : f32
          %broadcast_in_dim3A_657 = vector.broadcast %broadcast_in_dim3A_656 : f32 to vector<16xf32>
          %swap3A_658 = arith.index_cast %while3A_451 : i32 to index
          %swap3A_659 = arith.constant 464 : index
          %swap3A_660 = tpu.vector_load %arg10[%swap3A_658, %swap3A_659] {strides = array<i32>} : memref<16x1024xf32, #tpu.memory_space<vmem>>, vector<1x16xf32>,
          %swap3A_661 = vector.shape_cast %swap3A_660 : vector<1x16xf32> to vector<16xf32>
          %swap3A_662 = vector.shape_cast %broadcast_in_dim3A_657 : vector<16xf32> to vector<1x16xf32>
          tpu.vector_store %arg10[%swap3A_658, %swap3A_659], %swap3A_662 {strides = array<i32>} : memref<16x1024xf32, #tpu.memory_space<vmem>>, vector<1x16xf32>,
          %broadcast_in_dim3A_663 = arith.constant 0.000000e+00 : f32
          %broadcast_in_dim3A_664 = vector.broadcast %broadcast_in_dim3A_663 : f32 to vector<16xf32>
          %swap3A_665 = arith.index_cast %while3A_451 : i32 to index
          %swap3A_666 = arith.constant 480 : index
          %swap3A_667 = tpu.vector_load %arg10[%swap3A_665, %swap3A_666] {strides = array<i32>} : memref<16x1024xf32, #tpu.memory_space<vmem>>, vector<1x16xf32>,
          %swap3A_668 = vector.shape_cast %swap3A_667 : vector<1x16xf32> to vector<16xf32>
          %swap3A_669 = vector.shape_cast %broadcast_in_dim3A_664 : vector<16xf32> to vector<1x16xf32>
          tpu.vector_store %arg10[%swap3A_665, %swap3A_666], %swap3A_669 {strides = array<i32>} : memref<16x1024xf32, #tpu.memory_space<vmem>>, vector<1x16xf32>,
          %broadcast_in_dim3A_670 = arith.constant 0.000000e+00 : f32
          %broadcast_in_dim3A_671 = vector.broadcast %broadcast_in_dim3A_670 : f32 to vector<16xf32>
          %swap3A_672 = arith.index_cast %while3A_451 : i32 to index
          %swap3A_673 = arith.constant 496 : index
          %swap3A_674 = tpu.vector_load %arg10[%swap3A_672, %swap3A_673] {strides = array<i32>} : memref<16x1024xf32, #tpu.memory_space<vmem>>, vector<1x16xf32>,
          %swap3A_675 = vector.shape_cast %swap3A_674 : vector<1x16xf32> to vector<16xf32>
          %swap3A_676 = vector.shape_cast %broadcast_in_dim3A_671 : vector<16xf32> to vector<1x16xf32>
          tpu.vector_store %arg10[%swap3A_672, %swap3A_673], %swap3A_676 {strides = array<i32>} : memref<16x1024xf32, #tpu.memory_space<vmem>>, vector<1x16xf32>,
          %broadcast_in_dim3A_677 = arith.constant 0.000000e+00 : f32
          %broadcast_in_dim3A_678 = vector.broadcast %broadcast_in_dim3A_677 : f32 to vector<16xf32>
          %swap3A_679 = arith.index_cast %while3A_451 : i32 to index
          %swap3A_680 = arith.constant 512 : index
          %swap3A_681 = tpu.vector_load %arg10[%swap3A_679, %swap3A_680] {strides = array<i32>} : memref<16x1024xf32, #tpu.memory_space<vmem>>, vector<1x16xf32>,
          %swap3A_682 = vector.shape_cast %swap3A_681 : vector<1x16xf32> to vector<16xf32>
          %swap3A_683 = vector.shape_cast %broadcast_in_dim3A_678 : vector<16xf32> to vector<1x16xf32>
          tpu.vector_store %arg10[%swap3A_679, %swap3A_680], %swap3A_683 {strides = array<i32>} : memref<16x1024xf32, #tpu.memory_space<vmem>>, vector<1x16xf32>,
          %broadcast_in_dim3A_684 = arith.constant 0.000000e+00 : f32
          %broadcast_in_dim3A_685 = vector.broadcast %broadcast_in_dim3A_684 : f32 to vector<16xf32>
          %swap3A_686 = arith.index_cast %while3A_451 : i32 to index
          %swap3A_687 = arith.constant 528 : index
          %swap3A_688 = tpu.vector_load %arg10[%swap3A_686, %swap3A_687] {strides = array<i32>} : memref<16x1024xf32, #tpu.memory_space<vmem>>, vector<1x16xf32>,
          %swap3A_689 = vector.shape_cast %swap3A_688 : vector<1x16xf32> to vector<16xf32>
          %swap3A_690 = vector.shape_cast %broadcast_in_dim3A_685 : vector<16xf32> to vector<1x16xf32>
          tpu.vector_store %arg10[%swap3A_686, %swap3A_687], %swap3A_690 {strides = array<i32>} : memref<16x1024xf32, #tpu.memory_space<vmem>>, vector<1x16xf32>,
          %broadcast_in_dim3A_691 = arith.constant 0.000000e+00 : f32
          %broadcast_in_dim3A_692 = vector.broadcast %broadcast_in_dim3A_691 : f32 to vector<16xf32>
          %swap3A_693 = arith.index_cast %while3A_451 : i32 to index
          %swap3A_694 = arith.constant 544 : index
          %swap3A_695 = tpu.vector_load %arg10[%swap3A_693, %swap3A_694] {strides = array<i32>} : memref<16x1024xf32, #tpu.memory_space<vmem>>, vector<1x16xf32>,
          %swap3A_696 = vector.shape_cast %swap3A_695 : vector<1x16xf32> to vector<16xf32>
          %swap3A_697 = vector.shape_cast %broadcast_in_dim3A_692 : vector<16xf32> to vector<1x16xf32>
          tpu.vector_store %arg10[%swap3A_693, %swap3A_694], %swap3A_697 {strides = array<i32>} : memref<16x1024xf32, #tpu.memory_space<vmem>>, vector<1x16xf32>,
          %broadcast_in_dim3A_698 = arith.constant 0.000000e+00 : f32
          %broadcast_in_dim3A_699 = vector.broadcast %broadcast_in_dim3A_698 : f32 to vector<16xf32>
          %swap3A_700 = arith.index_cast %while3A_451 : i32 to index
          %swap3A_701 = arith.constant 560 : index
          %swap3A_702 = tpu.vector_load %arg10[%swap3A_700, %swap3A_701] {strides = array<i32>} : memref<16x1024xf32, #tpu.memory_space<vmem>>, vector<1x16xf32>,
          %swap3A_703 = vector.shape_cast %swap3A_702 : vector<1x16xf32> to vector<16xf32>
          %swap3A_704 = vector.shape_cast %broadcast_in_dim3A_699 : vector<16xf32> to vector<1x16xf32>
          tpu.vector_store %arg10[%swap3A_700, %swap3A_701], %swap3A_704 {strides = array<i32>} : memref<16x1024xf32, #tpu.memory_space<vmem>>, vector<1x16xf32>,
          %broadcast_in_dim3A_705 = arith.constant 0.000000e+00 : f32
          %broadcast_in_dim3A_706 = vector.broadcast %broadcast_in_dim3A_705 : f32 to vector<16xf32>
          %swap3A_707 = arith.index_cast %while3A_451 : i32 to index
          %swap3A_708 = arith.constant 576 : index
          %swap3A_709 = tpu.vector_load %arg10[%swap3A_707, %swap3A_708] {strides = array<i32>} : memref<16x1024xf32, #tpu.memory_space<vmem>>, vector<1x16xf32>,
          %swap3A_710 = vector.shape_cast %swap3A_709 : vector<1x16xf32> to vector<16xf32>
          %swap3A_711 = vector.shape_cast %broadcast_in_dim3A_706 : vector<16xf32> to vector<1x16xf32>
          tpu.vector_store %arg10[%swap3A_707, %swap3A_708], %swap3A_711 {strides = array<i32>} : memref<16x1024xf32, #tpu.memory_space<vmem>>, vector<1x16xf32>,
          %broadcast_in_dim3A_712 = arith.constant 0.000000e+00 : f32
          %broadcast_in_dim3A_713 = vector.broadcast %broadcast_in_dim3A_712 : f32 to vector<16xf32>
          %swap3A_714 = arith.index_cast %while3A_451 : i32 to index
          %swap3A_715 = arith.constant 592 : index
          %swap3A_716 = tpu.vector_load %arg10[%swap3A_714, %swap3A_715] {strides = array<i32>} : memref<16x1024xf32, #tpu.memory_space<vmem>>, vector<1x16xf32>,
          %swap3A_717 = vector.shape_cast %swap3A_716 : vector<1x16xf32> to vector<16xf32>
          %swap3A_718 = vector.shape_cast %broadcast_in_dim3A_713 : vector<16xf32> to vector<1x16xf32>
          tpu.vector_store %arg10[%swap3A_714, %swap3A_715], %swap3A_718 {strides = array<i32>} : memref<16x1024xf32, #tpu.memory_space<vmem>>, vector<1x16xf32>,
          %broadcast_in_dim3A_719 = arith.constant 0.000000e+00 : f32
          %broadcast_in_dim3A_720 = vector.broadcast %broadcast_in_dim3A_719 : f32 to vector<16xf32>
          %swap3A_721 = arith.index_cast %while3A_451 : i32 to index
          %swap3A_722 = arith.constant 608 : index
          %swap3A_723 = tpu.vector_load %arg10[%swap3A_721, %swap3A_722] {strides = array<i32>} : memref<16x1024xf32, #tpu.memory_space<vmem>>, vector<1x16xf32>,
          %swap3A_724 = vector.shape_cast %swap3A_723 : vector<1x16xf32> to vector<16xf32>
          %swap3A_725 = vector.shape_cast %broadcast_in_dim3A_720 : vector<16xf32> to vector<1x16xf32>
          tpu.vector_store %arg10[%swap3A_721, %swap3A_722], %swap3A_725 {strides = array<i32>} : memref<16x1024xf32, #tpu.memory_space<vmem>>, vector<1x16xf32>,
          %broadcast_in_dim3A_726 = arith.constant 0.000000e+00 : f32
          %broadcast_in_dim3A_727 = vector.broadcast %broadcast_in_dim3A_726 : f32 to vector<16xf32>
          %swap3A_728 = arith.index_cast %while3A_451 : i32 to index
          %swap3A_729 = arith.constant 624 : index
          %swap3A_730 = tpu.vector_load %arg10[%swap3A_728, %swap3A_729] {strides = array<i32>} : memref<16x1024xf32, #tpu.memory_space<vmem>>, vector<1x16xf32>,
          %swap3A_731 = vector.shape_cast %swap3A_730 : vector<1x16xf32> to vector<16xf32>
          %swap3A_732 = vector.shape_cast %broadcast_in_dim3A_727 : vector<16xf32> to vector<1x16xf32>
          tpu.vector_store %arg10[%swap3A_728, %swap3A_729], %swap3A_732 {strides = array<i32>} : memref<16x1024xf32, #tpu.memory_space<vmem>>, vector<1x16xf32>,
          %broadcast_in_dim3A_733 = arith.constant 0.000000e+00 : f32
          %broadcast_in_dim3A_734 = vector.broadcast %broadcast_in_dim3A_733 : f32 to vector<16xf32>
          %swap3A_735 = arith.index_cast %while3A_451 : i32 to index
          %swap3A_736 = arith.constant 640 : index
          %swap3A_737 = tpu.vector_load %arg10[%swap3A_735, %swap3A_736] {strides = array<i32>} : memref<16x1024xf32, #tpu.memory_space<vmem>>, vector<1x16xf32>,
          %swap3A_738 = vector.shape_cast %swap3A_737 : vector<1x16xf32> to vector<16xf32>
          %swap3A_739 = vector.shape_cast %broadcast_in_dim3A_734 : vector<16xf32> to vector<1x16xf32>
          tpu.vector_store %arg10[%swap3A_735, %swap3A_736], %swap3A_739 {strides = array<i32>} : memref<16x1024xf32, #tpu.memory_space<vmem>>, vector<1x16xf32>,
          %broadcast_in_dim3A_740 = arith.constant 0.000000e+00 : f32
          %broadcast_in_dim3A_741 = vector.broadcast %broadcast_in_dim3A_740 : f32 to vector<16xf32>
          %swap3A_742 = arith.index_cast %while3A_451 : i32 to index
          %swap3A_743 = arith.constant 656 : index
          %swap3A_744 = tpu.vector_load %arg10[%swap3A_742, %swap3A_743] {strides = array<i32>} : memref<16x1024xf32, #tpu.memory_space<vmem>>, vector<1x16xf32>,
          %swap3A_745 = vector.shape_cast %swap3A_744 : vector<1x16xf32> to vector<16xf32>
          %swap3A_746 = vector.shape_cast %broadcast_in_dim3A_741 : vector<16xf32> to vector<1x16xf32>
          tpu.vector_store %arg10[%swap3A_742, %swap3A_743], %swap3A_746 {strides = array<i32>} : memref<16x1024xf32, #tpu.memory_space<vmem>>, vector<1x16xf32>,
          %broadcast_in_dim3A_747 = arith.constant 0.000000e+00 : f32
          %broadcast_in_dim3A_748 = vector.broadcast %broadcast_in_dim3A_747 : f32 to vector<16xf32>
          %swap3A_749 = arith.index_cast %while3A_451 : i32 to index
          %swap3A_750 = arith.constant 672 : index
          %swap3A_751 = tpu.vector_load %arg10[%swap3A_749, %swap3A_750] {strides = array<i32>} : memref<16x1024xf32, #tpu.memory_space<vmem>>, vector<1x16xf32>,
          %swap3A_752 = vector.shape_cast %swap3A_751 : vector<1x16xf32> to vector<16xf32>
          %swap3A_753 = vector.shape_cast %broadcast_in_dim3A_748 : vector<16xf32> to vector<1x16xf32>
          tpu.vector_store %arg10[%swap3A_749, %swap3A_750], %swap3A_753 {strides = array<i32>} : memref<16x1024xf32, #tpu.memory_space<vmem>>, vector<1x16xf32>,
          %broadcast_in_dim3A_754 = arith.constant 0.000000e+00 : f32
          %broadcast_in_dim3A_755 = vector.broadcast %broadcast_in_dim3A_754 : f32 to vector<16xf32>
          %swap3A_756 = arith.index_cast %while3A_451 : i32 to index
          %swap3A_757 = arith.constant 688 : index
          %swap3A_758 = tpu.vector_load %arg10[%swap3A_756, %swap3A_757] {strides = array<i32>} : memref<16x1024xf32, #tpu.memory_space<vmem>>, vector<1x16xf32>,
          %swap3A_759 = vector.shape_cast %swap3A_758 : vector<1x16xf32> to vector<16xf32>
          %swap3A_760 = vector.shape_cast %broadcast_in_dim3A_755 : vector<16xf32> to vector<1x16xf32>
          tpu.vector_store %arg10[%swap3A_756, %swap3A_757], %swap3A_760 {strides = array<i32>} : memref<16x1024xf32, #tpu.memory_space<vmem>>, vector<1x16xf32>,
          %broadcast_in_dim3A_761 = arith.constant 0.000000e+00 : f32
          %broadcast_in_dim3A_762 = vector.broadcast %broadcast_in_dim3A_761 : f32 to vector<16xf32>
          %swap3A_763 = arith.index_cast %while3A_451 : i32 to index
          %swap3A_764 = arith.constant 704 : index
          %swap3A_765 = tpu.vector_load %arg10[%swap3A_763, %swap3A_764] {strides = array<i32>} : memref<16x1024xf32, #tpu.memory_space<vmem>>, vector<1x16xf32>,
          %swap3A_766 = vector.shape_cast %swap3A_765 : vector<1x16xf32> to vector<16xf32>
          %swap3A_767 = vector.shape_cast %broadcast_in_dim3A_762 : vector<16xf32> to vector<1x16xf32>
          tpu.vector_store %arg10[%swap3A_763, %swap3A_764], %swap3A_767 {strides = array<i32>} : memref<16x1024xf32, #tpu.memory_space<vmem>>, vector<1x16xf32>,
          %broadcast_in_dim3A_768 = arith.constant 0.000000e+00 : f32
          %broadcast_in_dim3A_769 = vector.broadcast %broadcast_in_dim3A_768 : f32 to vector<16xf32>
          %swap3A_770 = arith.index_cast %while3A_451 : i32 to index
          %swap3A_771 = arith.constant 720 : index
          %swap3A_772 = tpu.vector_load %arg10[%swap3A_770, %swap3A_771] {strides = array<i32>} : memref<16x1024xf32, #tpu.memory_space<vmem>>, vector<1x16xf32>,
          %swap3A_773 = vector.shape_cast %swap3A_772 : vector<1x16xf32> to vector<16xf32>
          %swap3A_774 = vector.shape_cast %broadcast_in_dim3A_769 : vector<16xf32> to vector<1x16xf32>
          tpu.vector_store %arg10[%swap3A_770, %swap3A_771], %swap3A_774 {strides = array<i32>} : memref<16x1024xf32, #tpu.memory_space<vmem>>, vector<1x16xf32>,
          %broadcast_in_dim3A_775 = arith.constant 0.000000e+00 : f32
          %broadcast_in_dim3A_776 = vector.broadcast %broadcast_in_dim3A_775 : f32 to vector<16xf32>
          %swap3A_777 = arith.index_cast %while3A_451 : i32 to index
          %swap3A_778 = arith.constant 736 : index
          %swap3A_779 = tpu.vector_load %arg10[%swap3A_777, %swap3A_778] {strides = array<i32>} : memref<16x1024xf32, #tpu.memory_space<vmem>>, vector<1x16xf32>,
          %swap3A_780 = vector.shape_cast %swap3A_779 : vector<1x16xf32> to vector<16xf32>
          %swap3A_781 = vector.shape_cast %broadcast_in_dim3A_776 : vector<16xf32> to vector<1x16xf32>
          tpu.vector_store %arg10[%swap3A_777, %swap3A_778], %swap3A_781 {strides = array<i32>} : memref<16x1024xf32, #tpu.memory_space<vmem>>, vector<1x16xf32>,
          %broadcast_in_dim3A_782 = arith.constant 0.000000e+00 : f32
          %broadcast_in_dim3A_783 = vector.broadcast %broadcast_in_dim3A_782 : f32 to vector<16xf32>
          %swap3A_784 = arith.index_cast %while3A_451 : i32 to index
          %swap3A_785 = arith.constant 752 : index
          %swap3A_786 = tpu.vector_load %arg10[%swap3A_784, %swap3A_785] {strides = array<i32>} : memref<16x1024xf32, #tpu.memory_space<vmem>>, vector<1x16xf32>,
          %swap3A_787 = vector.shape_cast %swap3A_786 : vector<1x16xf32> to vector<16xf32>
          %swap3A_788 = vector.shape_cast %broadcast_in_dim3A_783 : vector<16xf32> to vector<1x16xf32>
          tpu.vector_store %arg10[%swap3A_784, %swap3A_785], %swap3A_788 {strides = array<i32>} : memref<16x1024xf32, #tpu.memory_space<vmem>>, vector<1x16xf32>,
          %broadcast_in_dim3A_789 = arith.constant 0.000000e+00 : f32
          %broadcast_in_dim3A_790 = vector.broadcast %broadcast_in_dim3A_789 : f32 to vector<16xf32>
          %swap3A_791 = arith.index_cast %while3A_451 : i32 to index
          %swap3A_792 = arith.constant 768 : index
          %swap3A_793 = tpu.vector_load %arg10[%swap3A_791, %swap3A_792] {strides = array<i32>} : memref<16x1024xf32, #tpu.memory_space<vmem>>, vector<1x16xf32>,
          %swap3A_794 = vector.shape_cast %swap3A_793 : vector<1x16xf32> to vector<16xf32>
          %swap3A_795 = vector.shape_cast %broadcast_in_dim3A_790 : vector<16xf32> to vector<1x16xf32>
          tpu.vector_store %arg10[%swap3A_791, %swap3A_792], %swap3A_795 {strides = array<i32>} : memref<16x1024xf32, #tpu.memory_space<vmem>>, vector<1x16xf32>,
          %broadcast_in_dim3A_796 = arith.constant 0.000000e+00 : f32
          %broadcast_in_dim3A_797 = vector.broadcast %broadcast_in_dim3A_796 : f32 to vector<16xf32>
          %swap3A_798 = arith.index_cast %while3A_451 : i32 to index
          %swap3A_799 = arith.constant 784 : index
          %swap3A_800 = tpu.vector_load %arg10[%swap3A_798, %swap3A_799] {strides = array<i32>} : memref<16x1024xf32, #tpu.memory_space<vmem>>, vector<1x16xf32>,
          %swap3A_801 = vector.shape_cast %swap3A_800 : vector<1x16xf32> to vector<16xf32>
          %swap3A_802 = vector.shape_cast %broadcast_in_dim3A_797 : vector<16xf32> to vector<1x16xf32>
          tpu.vector_store %arg10[%swap3A_798, %swap3A_799], %swap3A_802 {strides = array<i32>} : memref<16x1024xf32, #tpu.memory_space<vmem>>, vector<1x16xf32>,
          %broadcast_in_dim3A_803 = arith.constant 0.000000e+00 : f32
          %broadcast_in_dim3A_804 = vector.broadcast %broadcast_in_dim3A_803 : f32 to vector<16xf32>
          %swap3A_805 = arith.index_cast %while3A_451 : i32 to index
          %swap3A_806 = arith.constant 800 : index
          %swap3A_807 = tpu.vector_load %arg10[%swap3A_805, %swap3A_806] {strides = array<i32>} : memref<16x1024xf32, #tpu.memory_space<vmem>>, vector<1x16xf32>,
          %swap3A_808 = vector.shape_cast %swap3A_807 : vector<1x16xf32> to vector<16xf32>
          %swap3A_809 = vector.shape_cast %broadcast_in_dim3A_804 : vector<16xf32> to vector<1x16xf32>
          tpu.vector_store %arg10[%swap3A_805, %swap3A_806], %swap3A_809 {strides = array<i32>} : memref<16x1024xf32, #tpu.memory_space<vmem>>, vector<1x16xf32>,
          %broadcast_in_dim3A_810 = arith.constant 0.000000e+00 : f32
          %broadcast_in_dim3A_811 = vector.broadcast %broadcast_in_dim3A_810 : f32 to vector<16xf32>
          %swap3A_812 = arith.index_cast %while3A_451 : i32 to index
          %swap3A_813 = arith.constant 816 : index
          %swap3A_814 = tpu.vector_load %arg10[%swap3A_812, %swap3A_813] {strides = array<i32>} : memref<16x1024xf32, #tpu.memory_space<vmem>>, vector<1x16xf32>,
          %swap3A_815 = vector.shape_cast %swap3A_814 : vector<1x16xf32> to vector<16xf32>
          %swap3A_816 = vector.shape_cast %broadcast_in_dim3A_811 : vector<16xf32> to vector<1x16xf32>
          tpu.vector_store %arg10[%swap3A_812, %swap3A_813], %swap3A_816 {strides = array<i32>} : memref<16x1024xf32, #tpu.memory_space<vmem>>, vector<1x16xf32>,
          %broadcast_in_dim3A_817 = arith.constant 0.000000e+00 : f32
          %broadcast_in_dim3A_818 = vector.broadcast %broadcast_in_dim3A_817 : f32 to vector<16xf32>
          %swap3A_819 = arith.index_cast %while3A_451 : i32 to index
          %swap3A_820 = arith.constant 832 : index
          %swap3A_821 = tpu.vector_load %arg10[%swap3A_819, %swap3A_820] {strides = array<i32>} : memref<16x1024xf32, #tpu.memory_space<vmem>>, vector<1x16xf32>,
          %swap3A_822 = vector.shape_cast %swap3A_821 : vector<1x16xf32> to vector<16xf32>
          %swap3A_823 = vector.shape_cast %broadcast_in_dim3A_818 : vector<16xf32> to vector<1x16xf32>
          tpu.vector_store %arg10[%swap3A_819, %swap3A_820], %swap3A_823 {strides = array<i32>} : memref<16x1024xf32, #tpu.memory_space<vmem>>, vector<1x16xf32>,
          %broadcast_in_dim3A_824 = arith.constant 0.000000e+00 : f32
          %broadcast_in_dim3A_825 = vector.broadcast %broadcast_in_dim3A_824 : f32 to vector<16xf32>
          %swap3A_826 = arith.index_cast %while3A_451 : i32 to index
          %swap3A_827 = arith.constant 848 : index
          %swap3A_828 = tpu.vector_load %arg10[%swap3A_826, %swap3A_827] {strides = array<i32>} : memref<16x1024xf32, #tpu.memory_space<vmem>>, vector<1x16xf32>,
          %swap3A_829 = vector.shape_cast %swap3A_828 : vector<1x16xf32> to vector<16xf32>
          %swap3A_830 = vector.shape_cast %broadcast_in_dim3A_825 : vector<16xf32> to vector<1x16xf32>
          tpu.vector_store %arg10[%swap3A_826, %swap3A_827], %swap3A_830 {strides = array<i32>} : memref<16x1024xf32, #tpu.memory_space<vmem>>, vector<1x16xf32>,
          %broadcast_in_dim3A_831 = arith.constant 0.000000e+00 : f32
          %broadcast_in_dim3A_832 = vector.broadcast %broadcast_in_dim3A_831 : f32 to vector<16xf32>
          %swap3A_833 = arith.index_cast %while3A_451 : i32 to index
          %swap3A_834 = arith.constant 864 : index
          %swap3A_835 = tpu.vector_load %arg10[%swap3A_833, %swap3A_834] {strides = array<i32>} : memref<16x1024xf32, #tpu.memory_space<vmem>>, vector<1x16xf32>,
          %swap3A_836 = vector.shape_cast %swap3A_835 : vector<1x16xf32> to vector<16xf32>
          %swap3A_837 = vector.shape_cast %broadcast_in_dim3A_832 : vector<16xf32> to vector<1x16xf32>
          tpu.vector_store %arg10[%swap3A_833, %swap3A_834], %swap3A_837 {strides = array<i32>} : memref<16x1024xf32, #tpu.memory_space<vmem>>, vector<1x16xf32>,
          %broadcast_in_dim3A_838 = arith.constant 0.000000e+00 : f32
          %broadcast_in_dim3A_839 = vector.broadcast %broadcast_in_dim3A_838 : f32 to vector<16xf32>
          %swap3A_840 = arith.index_cast %while3A_451 : i32 to index
          %swap3A_841 = arith.constant 880 : index
          %swap3A_842 = tpu.vector_load %arg10[%swap3A_840, %swap3A_841] {strides = array<i32>} : memref<16x1024xf32, #tpu.memory_space<vmem>>, vector<1x16xf32>,
          %swap3A_843 = vector.shape_cast %swap3A_842 : vector<1x16xf32> to vector<16xf32>
          %swap3A_844 = vector.shape_cast %broadcast_in_dim3A_839 : vector<16xf32> to vector<1x16xf32>
          tpu.vector_store %arg10[%swap3A_840, %swap3A_841], %swap3A_844 {strides = array<i32>} : memref<16x1024xf32, #tpu.memory_space<vmem>>, vector<1x16xf32>,
          %broadcast_in_dim3A_845 = arith.constant 0.000000e+00 : f32
          %broadcast_in_dim3A_846 = vector.broadcast %broadcast_in_dim3A_845 : f32 to vector<16xf32>
          %swap3A_847 = arith.index_cast %while3A_451 : i32 to index
          %swap3A_848 = arith.constant 896 : index
          %swap3A_849 = tpu.vector_load %arg10[%swap3A_847, %swap3A_848] {strides = array<i32>} : memref<16x1024xf32, #tpu.memory_space<vmem>>, vector<1x16xf32>,
          %swap3A_850 = vector.shape_cast %swap3A_849 : vector<1x16xf32> to vector<16xf32>
          %swap3A_851 = vector.shape_cast %broadcast_in_dim3A_846 : vector<16xf32> to vector<1x16xf32>
          tpu.vector_store %arg10[%swap3A_847, %swap3A_848], %swap3A_851 {strides = array<i32>} : memref<16x1024xf32, #tpu.memory_space<vmem>>, vector<1x16xf32>,
          %broadcast_in_dim3A_852 = arith.constant 0.000000e+00 : f32
          %broadcast_in_dim3A_853 = vector.broadcast %broadcast_in_dim3A_852 : f32 to vector<16xf32>
          %swap3A_854 = arith.index_cast %while3A_451 : i32 to index
          %swap3A_855 = arith.constant 912 : index
          %swap3A_856 = tpu.vector_load %arg10[%swap3A_854, %swap3A_855] {strides = array<i32>} : memref<16x1024xf32, #tpu.memory_space<vmem>>, vector<1x16xf32>,
          %swap3A_857 = vector.shape_cast %swap3A_856 : vector<1x16xf32> to vector<16xf32>
          %swap3A_858 = vector.shape_cast %broadcast_in_dim3A_853 : vector<16xf32> to vector<1x16xf32>
          tpu.vector_store %arg10[%swap3A_854, %swap3A_855], %swap3A_858 {strides = array<i32>} : memref<16x1024xf32, #tpu.memory_space<vmem>>, vector<1x16xf32>,
          %broadcast_in_dim3A_859 = arith.constant 0.000000e+00 : f32
          %broadcast_in_dim3A_860 = vector.broadcast %broadcast_in_dim3A_859 : f32 to vector<16xf32>
          %swap3A_861 = arith.index_cast %while3A_451 : i32 to index
          %swap3A_862 = arith.constant 928 : index
          %swap3A_863 = tpu.vector_load %arg10[%swap3A_861, %swap3A_862] {strides = array<i32>} : memref<16x1024xf32, #tpu.memory_space<vmem>>, vector<1x16xf32>,
          %swap3A_864 = vector.shape_cast %swap3A_863 : vector<1x16xf32> to vector<16xf32>
          %swap3A_865 = vector.shape_cast %broadcast_in_dim3A_860 : vector<16xf32> to vector<1x16xf32>
          tpu.vector_store %arg10[%swap3A_861, %swap3A_862], %swap3A_865 {strides = array<i32>} : memref<16x1024xf32, #tpu.memory_space<vmem>>, vector<1x16xf32>,
          %broadcast_in_dim3A_866 = arith.constant 0.000000e+00 : f32
          %broadcast_in_dim3A_867 = vector.broadcast %broadcast_in_dim3A_866 : f32 to vector<16xf32>
          %swap3A_868 = arith.index_cast %while3A_451 : i32 to index
          %swap3A_869 = arith.constant 944 : index
          %swap3A_870 = tpu.vector_load %arg10[%swap3A_868, %swap3A_869] {strides = array<i32>} : memref<16x1024xf32, #tpu.memory_space<vmem>>, vector<1x16xf32>,
          %swap3A_871 = vector.shape_cast %swap3A_870 : vector<1x16xf32> to vector<16xf32>
          %swap3A_872 = vector.shape_cast %broadcast_in_dim3A_867 : vector<16xf32> to vector<1x16xf32>
          tpu.vector_store %arg10[%swap3A_868, %swap3A_869], %swap3A_872 {strides = array<i32>} : memref<16x1024xf32, #tpu.memory_space<vmem>>, vector<1x16xf32>,
          %broadcast_in_dim3A_873 = arith.constant 0.000000e+00 : f32
          %broadcast_in_dim3A_874 = vector.broadcast %broadcast_in_dim3A_873 : f32 to vector<16xf32>
          %swap3A_875 = arith.index_cast %while3A_451 : i32 to index
          %swap3A_876 = arith.constant 960 : index
          %swap3A_877 = tpu.vector_load %arg10[%swap3A_875, %swap3A_876] {strides = array<i32>} : memref<16x1024xf32, #tpu.memory_space<vmem>>, vector<1x16xf32>,
          %swap3A_878 = vector.shape_cast %swap3A_877 : vector<1x16xf32> to vector<16xf32>
          %swap3A_879 = vector.shape_cast %broadcast_in_dim3A_874 : vector<16xf32> to vector<1x16xf32>
          tpu.vector_store %arg10[%swap3A_875, %swap3A_876], %swap3A_879 {strides = array<i32>} : memref<16x1024xf32, #tpu.memory_space<vmem>>, vector<1x16xf32>,
          %broadcast_in_dim3A_880 = arith.constant 0.000000e+00 : f32
          %broadcast_in_dim3A_881 = vector.broadcast %broadcast_in_dim3A_880 : f32 to vector<16xf32>
          %swap3A_882 = arith.index_cast %while3A_451 : i32 to index
          %swap3A_883 = arith.constant 976 : index
          %swap3A_884 = tpu.vector_load %arg10[%swap3A_882, %swap3A_883] {strides = array<i32>} : memref<16x1024xf32, #tpu.memory_space<vmem>>, vector<1x16xf32>,
          %swap3A_885 = vector.shape_cast %swap3A_884 : vector<1x16xf32> to vector<16xf32>
          %swap3A_886 = vector.shape_cast %broadcast_in_dim3A_881 : vector<16xf32> to vector<1x16xf32>
          tpu.vector_store %arg10[%swap3A_882, %swap3A_883], %swap3A_886 {strides = array<i32>} : memref<16x1024xf32, #tpu.memory_space<vmem>>, vector<1x16xf32>,
          %broadcast_in_dim3A_887 = arith.constant 0.000000e+00 : f32
          %broadcast_in_dim3A_888 = vector.broadcast %broadcast_in_dim3A_887 : f32 to vector<16xf32>
          %swap3A_889 = arith.index_cast %while3A_451 : i32 to index
          %swap3A_890 = arith.constant 992 : index
          %swap3A_891 = tpu.vector_load %arg10[%swap3A_889, %swap3A_890] {strides = array<i32>} : memref<16x1024xf32, #tpu.memory_space<vmem>>, vector<1x16xf32>,
          %swap3A_892 = vector.shape_cast %swap3A_891 : vector<1x16xf32> to vector<16xf32>
          %swap3A_893 = vector.shape_cast %broadcast_in_dim3A_888 : vector<16xf32> to vector<1x16xf32>
          tpu.vector_store %arg10[%swap3A_889, %swap3A_890], %swap3A_893 {strides = array<i32>} : memref<16x1024xf32, #tpu.memory_space<vmem>>, vector<1x16xf32>,
          %broadcast_in_dim3A_894 = arith.constant 0.000000e+00 : f32
          %broadcast_in_dim3A_895 = vector.broadcast %broadcast_in_dim3A_894 : f32 to vector<16xf32>
          %swap3A_896 = arith.index_cast %while3A_451 : i32 to index
          %swap3A_897 = arith.constant 1008 : index
          %swap3A_898 = tpu.vector_load %arg10[%swap3A_896, %swap3A_897] {strides = array<i32>} : memref<16x1024xf32, #tpu.memory_space<vmem>>, vector<1x16xf32>,
          %swap3A_899 = vector.shape_cast %swap3A_898 : vector<1x16xf32> to vector<16xf32>
          %swap3A_900 = vector.shape_cast %broadcast_in_dim3A_895 : vector<16xf32> to vector<1x16xf32>
          tpu.vector_store %arg10[%swap3A_896, %swap3A_897], %swap3A_900 {strides = array<i32>} : memref<16x1024xf32, #tpu.memory_space<vmem>>, vector<1x16xf32>,
          %while3A_901 = arith.constant 0 : i32
          scf.yield %while3A_901 : i32
        }
      } else {
      }
      %mul3A_287 = arith.constant 2048 : i32
      %mul3A_288 = arith.muli %select_n3A, %mul3A_287 : i32
      %add3A_289 = arith.addi %mul3A_288, %mul3A_32 : i32
      %mul3A_290 = arith.constant 16 : i32
      %mul3A_291 = arith.muli %add3A_273, %mul3A_290 : i32
      %add3A_292 = arith.addi %add3A_289, %mul3A_291 : i32
      %multiple_of3A_293 = tpu.assume_multiple %add3A_292, 8 : i32
      %dma_start3A_294 = arith.constant 0 : i32
      %dma_start3A_295 = tpu.memref_slice %arg4[%multiple_of3A_293, %dma_start3A_294] : memref<32768x1024xf32, #tpu.memory_space<hbm>> -> memref<16x1024xf32, #tpu.memory_space<hbm>>
      %dma_start3A_296 = arith.constant 0 : i32
      %dma_start3A_297 = tpu.memref_slice %arg4[%multiple_of3A_293, %dma_start3A_296] : memref<32768x1024xf32, #tpu.memory_space<hbm>> -> memref<16x1024xf32, #tpu.memory_space<hbm>>
      tpu.enqueue_dma source(%arg10 : memref<16x1024xf32, #tpu.memory_space<vmem>>) target(%dma_start3A_297 : memref<16x1024xf32, #tpu.memory_space<hbm>>) target_semaphore(%arg18 : memref<!tpu.dma_semaphore, #tpu.memory_space<semaphore_mem>>)
      %sub3A_298 = arith.constant 2 : i32
      %sub3A_299 = arith.subi %add3A_273, %sub3A_298 : i32
      %ge3A_300 = arith.constant 0 : i32
      %ge3A_301 = arith.cmpi sge, %sub3A_299, %ge3A_300 : i32
      %add3A_302 = arith.constant 4 : i32
      %add3A_303 = arith.addi %sub3A_299, %add3A_302 : i32
      %lt3A_304 = arith.constant 64 : i32
      %lt3A_305 = arith.cmpi slt, %add3A_303, %lt3A_304 : i32
      %and3A_306 = arith.andi %ge3A_301, %lt3A_305 : i1
      %convert_element_type3A_307 = arith.extui %and3A_306 : i1 to i32
      %cond3A_308 = arith.constant 0 : i32
      %cond3A_309 = arith.cmpi ne, %convert_element_type3A_307, %cond3A_308 : i32
      scf.if %cond3A_309 {
        %mul3A_440 = arith.constant 2048 : i32
        %mul3A_441 = arith.muli %select_n3A, %mul3A_440 : i32
        %add3A_442 = arith.addi %mul3A_441, %mul3A_32 : i32
        %mul3A_443 = arith.constant 16 : i32
        %mul3A_444 = arith.muli %sub3A_299, %mul3A_443 : i32
        %add3A_445 = arith.addi %add3A_442, %mul3A_444 : i32
        %multiple_of3A_446 = tpu.assume_multiple %add3A_445, 8 : i32
        %dma_wait3A_447 = arith.constant 0 : i32
        %dma_wait3A_448 = tpu.memref_slice %arg4[%multiple_of3A_446, %dma_wait3A_447] : memref<32768x1024xf32, #tpu.memory_space<hbm>> -> memref<16x1024xf32, #tpu.memory_space<hbm>>
        %dma_wait3A_449 = arith.constant 0 : i32
        %dma_wait3A_450 = tpu.memref_slice %arg4[%multiple_of3A_446, %dma_wait3A_449] : memref<32768x1024xf32, #tpu.memory_space<hbm>> -> memref<16x1024xf32, #tpu.memory_space<hbm>>
        tpu.wait_dma2 semaphore(%arg20 : memref<!tpu.dma_semaphore, #tpu.memory_space<semaphore_mem>>) src(%arg12 : memref<16x1024xf32, #tpu.memory_space<vmem>>) dst(%dma_wait3A_450 : memref<16x1024xf32, #tpu.memory_space<hbm>>)
        %add3A_451 = arith.constant 4 : i32
        %add3A_452 = arith.addi %sub3A_299, %add3A_451 : i32
        %mul3A_453 = arith.constant 16 : i32
        %mul3A_454 = arith.muli %add3A_452, %mul3A_453 : i32
        %add3A_455 = arith.addi %sub3A_141, %mul3A_454 : i32
        %iota3A_456 = tpu.iota {dimensions = array<i32: 0>} : vector<16xi32>
        %add3A_457 = vector.broadcast %add3A_455 : i32 to vector<16xi32>
        %add3A_458 = arith.addi %iota3A_456, %add3A_457 : vector<16xi32>
        %add3A_459 = arith.constant 0 : i32
        %add3A_460 = vector.broadcast %add3A_459 : i32 to vector<16xi32>
        %add3A_461 = arith.addi %add3A_458, %add3A_460 : vector<16xi32>
        %jit3A_462 = arith.constant 0 : i32
        %jit3A_463 = arith.constant 2047 : i32
        %max3A_464 = vector.broadcast %jit3A_462 : i32 to vector<16xi32>
        %max3A_465 = arith.maxsi %max3A_464, %add3A_461 : vector<16xi32>
        %min3A_466 = vector.broadcast %jit3A_463 : i32 to vector<16xi32>
        %min3A_467 = arith.minsi %min3A_466, %max3A_465 : vector<16xi32>
        %swap3A_468 = arith.constant 0 : index
        %swap3A_469 = tpu.vector_load %arg8[%swap3A_468] {strides = array<i32>} : memref<16xi32, #tpu.memory_space<vmem>>, vector<16xi32>,
        %swap3A_470 = vector.shape_cast %swap3A_469 : vector<16xi32> to vector<16xi32>
        %swap3A_471 = vector.shape_cast %min3A_467 : vector<16xi32> to vector<16xi32>
        tpu.vector_store %arg8[%swap3A_468], %swap3A_471 {strides = array<i32>} : memref<16xi32, #tpu.memory_space<vmem>>, vector<16xi32>,
        %dma_start3A_472 = arith.constant 0 : i32
        %dma_start3A_473 = arith.constant 0 : i32
        %dma_start3A_474 = tpu.memref_slice %arg3[%dma_start3A_472, %dma_start3A_473] : memref<2048x1024xf32, #tpu.memory_space<hbm>> -> memref<2048x1024xf32, #tpu.memory_space<hbm>>
        tpu.enqueue_indirect_dma source(%dma_start3A_474 : memref<2048x1024xf32, #tpu.memory_space<hbm>>) target(%arg12 : memref<16x1024xf32, #tpu.memory_space<vmem>>) offsets(%arg8 : memref<16xi32, #tpu.memory_space<vmem>>) semaphore(%arg16 : memref<!tpu.dma_semaphore, #tpu.memory_space<semaphore_mem>>)
      } else {
      }
      %mul3A_310 = arith.constant 4 : i32
      %mul3A_311 = arith.muli %scan3A_268, %mul3A_310 : i32
      %add3A_312 = arith.constant 1 : i32
      %add3A_313 = arith.addi %mul3A_311, %add3A_312 : i32
      %dma_wait3A_314 = arith.constant 0 : i32
      %dma_wait3A_315 = arith.constant 0 : i32
      %dma_wait3A_316 = tpu.memref_slice %arg3[%dma_wait3A_314, %dma_wait3A_315] : memref<2048x1024xf32, #tpu.memory_space<hbm>> -> memref<2048x1024xf32, #tpu.memory_space<hbm>>
      tpu.wait_indirect_dma semaphore(%arg15 : memref<!tpu.dma_semaphore, #tpu.memory_space<semaphore_mem>>) src(%dma_wait3A_316 : memref<2048x1024xf32, #tpu.memory_space<hbm>>) dst(%arg11 : memref<16x1024xf32, #tpu.memory_space<vmem>>)
      %mul3A_317 = arith.constant 16 : i32
      %mul3A_318 = arith.muli %add3A_313, %mul3A_317 : i32
      %add3A_319 = arith.addi %mul3A_32, %mul3A_318 : i32
      %sub3A_320 = arith.subi %select_n3A_140, %add3A_319 : i32
      %jit3A_321 = arith.constant 0 : i32
      %jit3A_322 = arith.constant 16 : i32
      %max3A_323 = arith.maxsi %jit3A_321, %sub3A_320 : i32
      %min3A_324 = arith.minsi %jit3A_322, %max3A_323 : i32
      %gt3A_325 = arith.constant 0 : i32
      %gt3A_326 = arith.cmpi sgt, %min3A_324, %gt3A_325 : i32
      %convert_element_type3A_327 = arith.extui %gt3A_326 : i1 to i32
      %cond3A_328 = arith.constant 0 : i32
      %cond3A_329 = arith.cmpi ne, %convert_element_type3A_327, %cond3A_328 : i32
      scf.if %cond3A_329 {
        %while3A = arith.constant 0 : i32
        %while3A_440 = arith.constant 0 : i32
        %while3A_441 = arith.subi %min3A_324, %while3A : i32
        %while3A_442 = arith.addi %while3A, %while3A_441 : i32
        %while3A_443 = arith.constant 1 : i32
        %while3A_444 = arith.divsi %while3A_441, %while3A_443 : i32
        %while3A_445 = arith.muli %while3A_444, %while3A_443 : i32
        %while3A_446 = arith.addi %while3A, %while3A_445 : i32
        %while3A_447 = arith.constant 1 : i32
        %while3A_448 = scf.for %while3A_451 = %while3A to %while3A_446 step %while3A_447 iter_args(%while3A_452 = %while3A_440) -> (i32)  : i32 {
          %broadcast_in_dim3A_453 = arith.constant 0.000000e+00 : f32
          %broadcast_in_dim3A_454 = vector.broadcast %broadcast_in_dim3A_453 : f32 to vector<16xf32>
          %swap3A_455 = arith.index_cast %while3A_451 : i32 to index
          %swap3A_456 = arith.constant 0 : index
          %swap3A_457 = tpu.vector_load %arg11[%swap3A_455, %swap3A_456] {strides = array<i32>} : memref<16x1024xf32, #tpu.memory_space<vmem>>, vector<1x16xf32>,
          %swap3A_458 = vector.shape_cast %swap3A_457 : vector<1x16xf32> to vector<16xf32>
          %swap3A_459 = vector.shape_cast %broadcast_in_dim3A_454 : vector<16xf32> to vector<1x16xf32>
          tpu.vector_store %arg11[%swap3A_455, %swap3A_456], %swap3A_459 {strides = array<i32>} : memref<16x1024xf32, #tpu.memory_space<vmem>>, vector<1x16xf32>,
          %broadcast_in_dim3A_460 = arith.constant 0.000000e+00 : f32
          %broadcast_in_dim3A_461 = vector.broadcast %broadcast_in_dim3A_460 : f32 to vector<16xf32>
          %swap3A_462 = arith.index_cast %while3A_451 : i32 to index
          %swap3A_463 = arith.constant 16 : index
          %swap3A_464 = tpu.vector_load %arg11[%swap3A_462, %swap3A_463] {strides = array<i32>} : memref<16x1024xf32, #tpu.memory_space<vmem>>, vector<1x16xf32>,
          %swap3A_465 = vector.shape_cast %swap3A_464 : vector<1x16xf32> to vector<16xf32>
          %swap3A_466 = vector.shape_cast %broadcast_in_dim3A_461 : vector<16xf32> to vector<1x16xf32>
          tpu.vector_store %arg11[%swap3A_462, %swap3A_463], %swap3A_466 {strides = array<i32>} : memref<16x1024xf32, #tpu.memory_space<vmem>>, vector<1x16xf32>,
          %broadcast_in_dim3A_467 = arith.constant 0.000000e+00 : f32
          %broadcast_in_dim3A_468 = vector.broadcast %broadcast_in_dim3A_467 : f32 to vector<16xf32>
          %swap3A_469 = arith.index_cast %while3A_451 : i32 to index
          %swap3A_470 = arith.constant 32 : index
          %swap3A_471 = tpu.vector_load %arg11[%swap3A_469, %swap3A_470] {strides = array<i32>} : memref<16x1024xf32, #tpu.memory_space<vmem>>, vector<1x16xf32>,
          %swap3A_472 = vector.shape_cast %swap3A_471 : vector<1x16xf32> to vector<16xf32>
          %swap3A_473 = vector.shape_cast %broadcast_in_dim3A_468 : vector<16xf32> to vector<1x16xf32>
          tpu.vector_store %arg11[%swap3A_469, %swap3A_470], %swap3A_473 {strides = array<i32>} : memref<16x1024xf32, #tpu.memory_space<vmem>>, vector<1x16xf32>,
          %broadcast_in_dim3A_474 = arith.constant 0.000000e+00 : f32
          %broadcast_in_dim3A_475 = vector.broadcast %broadcast_in_dim3A_474 : f32 to vector<16xf32>
          %swap3A_476 = arith.index_cast %while3A_451 : i32 to index
          %swap3A_477 = arith.constant 48 : index
          %swap3A_478 = tpu.vector_load %arg11[%swap3A_476, %swap3A_477] {strides = array<i32>} : memref<16x1024xf32, #tpu.memory_space<vmem>>, vector<1x16xf32>,
          %swap3A_479 = vector.shape_cast %swap3A_478 : vector<1x16xf32> to vector<16xf32>
          %swap3A_480 = vector.shape_cast %broadcast_in_dim3A_475 : vector<16xf32> to vector<1x16xf32>
          tpu.vector_store %arg11[%swap3A_476, %swap3A_477], %swap3A_480 {strides = array<i32>} : memref<16x1024xf32, #tpu.memory_space<vmem>>, vector<1x16xf32>,
          %broadcast_in_dim3A_481 = arith.constant 0.000000e+00 : f32
          %broadcast_in_dim3A_482 = vector.broadcast %broadcast_in_dim3A_481 : f32 to vector<16xf32>
          %swap3A_483 = arith.index_cast %while3A_451 : i32 to index
          %swap3A_484 = arith.constant 64 : index
          %swap3A_485 = tpu.vector_load %arg11[%swap3A_483, %swap3A_484] {strides = array<i32>} : memref<16x1024xf32, #tpu.memory_space<vmem>>, vector<1x16xf32>,
          %swap3A_486 = vector.shape_cast %swap3A_485 : vector<1x16xf32> to vector<16xf32>
          %swap3A_487 = vector.shape_cast %broadcast_in_dim3A_482 : vector<16xf32> to vector<1x16xf32>
          tpu.vector_store %arg11[%swap3A_483, %swap3A_484], %swap3A_487 {strides = array<i32>} : memref<16x1024xf32, #tpu.memory_space<vmem>>, vector<1x16xf32>,
          %broadcast_in_dim3A_488 = arith.constant 0.000000e+00 : f32
          %broadcast_in_dim3A_489 = vector.broadcast %broadcast_in_dim3A_488 : f32 to vector<16xf32>
          %swap3A_490 = arith.index_cast %while3A_451 : i32 to index
          %swap3A_491 = arith.constant 80 : index
          %swap3A_492 = tpu.vector_load %arg11[%swap3A_490, %swap3A_491] {strides = array<i32>} : memref<16x1024xf32, #tpu.memory_space<vmem>>, vector<1x16xf32>,
          %swap3A_493 = vector.shape_cast %swap3A_492 : vector<1x16xf32> to vector<16xf32>
          %swap3A_494 = vector.shape_cast %broadcast_in_dim3A_489 : vector<16xf32> to vector<1x16xf32>
          tpu.vector_store %arg11[%swap3A_490, %swap3A_491], %swap3A_494 {strides = array<i32>} : memref<16x1024xf32, #tpu.memory_space<vmem>>, vector<1x16xf32>,
          %broadcast_in_dim3A_495 = arith.constant 0.000000e+00 : f32
          %broadcast_in_dim3A_496 = vector.broadcast %broadcast_in_dim3A_495 : f32 to vector<16xf32>
          %swap3A_497 = arith.index_cast %while3A_451 : i32 to index
          %swap3A_498 = arith.constant 96 : index
          %swap3A_499 = tpu.vector_load %arg11[%swap3A_497, %swap3A_498] {strides = array<i32>} : memref<16x1024xf32, #tpu.memory_space<vmem>>, vector<1x16xf32>,
          %swap3A_500 = vector.shape_cast %swap3A_499 : vector<1x16xf32> to vector<16xf32>
          %swap3A_501 = vector.shape_cast %broadcast_in_dim3A_496 : vector<16xf32> to vector<1x16xf32>
          tpu.vector_store %arg11[%swap3A_497, %swap3A_498], %swap3A_501 {strides = array<i32>} : memref<16x1024xf32, #tpu.memory_space<vmem>>, vector<1x16xf32>,
          %broadcast_in_dim3A_502 = arith.constant 0.000000e+00 : f32
          %broadcast_in_dim3A_503 = vector.broadcast %broadcast_in_dim3A_502 : f32 to vector<16xf32>
          %swap3A_504 = arith.index_cast %while3A_451 : i32 to index
          %swap3A_505 = arith.constant 112 : index
          %swap3A_506 = tpu.vector_load %arg11[%swap3A_504, %swap3A_505] {strides = array<i32>} : memref<16x1024xf32, #tpu.memory_space<vmem>>, vector<1x16xf32>,
          %swap3A_507 = vector.shape_cast %swap3A_506 : vector<1x16xf32> to vector<16xf32>
          %swap3A_508 = vector.shape_cast %broadcast_in_dim3A_503 : vector<16xf32> to vector<1x16xf32>
          tpu.vector_store %arg11[%swap3A_504, %swap3A_505], %swap3A_508 {strides = array<i32>} : memref<16x1024xf32, #tpu.memory_space<vmem>>, vector<1x16xf32>,
          %broadcast_in_dim3A_509 = arith.constant 0.000000e+00 : f32
          %broadcast_in_dim3A_510 = vector.broadcast %broadcast_in_dim3A_509 : f32 to vector<16xf32>
          %swap3A_511 = arith.index_cast %while3A_451 : i32 to index
          %swap3A_512 = arith.constant 128 : index
          %swap3A_513 = tpu.vector_load %arg11[%swap3A_511, %swap3A_512] {strides = array<i32>} : memref<16x1024xf32, #tpu.memory_space<vmem>>, vector<1x16xf32>,
          %swap3A_514 = vector.shape_cast %swap3A_513 : vector<1x16xf32> to vector<16xf32>
          %swap3A_515 = vector.shape_cast %broadcast_in_dim3A_510 : vector<16xf32> to vector<1x16xf32>
          tpu.vector_store %arg11[%swap3A_511, %swap3A_512], %swap3A_515 {strides = array<i32>} : memref<16x1024xf32, #tpu.memory_space<vmem>>, vector<1x16xf32>,
          %broadcast_in_dim3A_516 = arith.constant 0.000000e+00 : f32
          %broadcast_in_dim3A_517 = vector.broadcast %broadcast_in_dim3A_516 : f32 to vector<16xf32>
          %swap3A_518 = arith.index_cast %while3A_451 : i32 to index
          %swap3A_519 = arith.constant 144 : index
          %swap3A_520 = tpu.vector_load %arg11[%swap3A_518, %swap3A_519] {strides = array<i32>} : memref<16x1024xf32, #tpu.memory_space<vmem>>, vector<1x16xf32>,
          %swap3A_521 = vector.shape_cast %swap3A_520 : vector<1x16xf32> to vector<16xf32>
          %swap3A_522 = vector.shape_cast %broadcast_in_dim3A_517 : vector<16xf32> to vector<1x16xf32>
          tpu.vector_store %arg11[%swap3A_518, %swap3A_519], %swap3A_522 {strides = array<i32>} : memref<16x1024xf32, #tpu.memory_space<vmem>>, vector<1x16xf32>,
          %broadcast_in_dim3A_523 = arith.constant 0.000000e+00 : f32
          %broadcast_in_dim3A_524 = vector.broadcast %broadcast_in_dim3A_523 : f32 to vector<16xf32>
          %swap3A_525 = arith.index_cast %while3A_451 : i32 to index
          %swap3A_526 = arith.constant 160 : index
          %swap3A_527 = tpu.vector_load %arg11[%swap3A_525, %swap3A_526] {strides = array<i32>} : memref<16x1024xf32, #tpu.memory_space<vmem>>, vector<1x16xf32>,
          %swap3A_528 = vector.shape_cast %swap3A_527 : vector<1x16xf32> to vector<16xf32>
          %swap3A_529 = vector.shape_cast %broadcast_in_dim3A_524 : vector<16xf32> to vector<1x16xf32>
          tpu.vector_store %arg11[%swap3A_525, %swap3A_526], %swap3A_529 {strides = array<i32>} : memref<16x1024xf32, #tpu.memory_space<vmem>>, vector<1x16xf32>,
          %broadcast_in_dim3A_530 = arith.constant 0.000000e+00 : f32
          %broadcast_in_dim3A_531 = vector.broadcast %broadcast_in_dim3A_530 : f32 to vector<16xf32>
          %swap3A_532 = arith.index_cast %while3A_451 : i32 to index
          %swap3A_533 = arith.constant 176 : index
          %swap3A_534 = tpu.vector_load %arg11[%swap3A_532, %swap3A_533] {strides = array<i32>} : memref<16x1024xf32, #tpu.memory_space<vmem>>, vector<1x16xf32>,
          %swap3A_535 = vector.shape_cast %swap3A_534 : vector<1x16xf32> to vector<16xf32>
          %swap3A_536 = vector.shape_cast %broadcast_in_dim3A_531 : vector<16xf32> to vector<1x16xf32>
          tpu.vector_store %arg11[%swap3A_532, %swap3A_533], %swap3A_536 {strides = array<i32>} : memref<16x1024xf32, #tpu.memory_space<vmem>>, vector<1x16xf32>,
          %broadcast_in_dim3A_537 = arith.constant 0.000000e+00 : f32
          %broadcast_in_dim3A_538 = vector.broadcast %broadcast_in_dim3A_537 : f32 to vector<16xf32>
          %swap3A_539 = arith.index_cast %while3A_451 : i32 to index
          %swap3A_540 = arith.constant 192 : index
          %swap3A_541 = tpu.vector_load %arg11[%swap3A_539, %swap3A_540] {strides = array<i32>} : memref<16x1024xf32, #tpu.memory_space<vmem>>, vector<1x16xf32>,
          %swap3A_542 = vector.shape_cast %swap3A_541 : vector<1x16xf32> to vector<16xf32>
          %swap3A_543 = vector.shape_cast %broadcast_in_dim3A_538 : vector<16xf32> to vector<1x16xf32>
          tpu.vector_store %arg11[%swap3A_539, %swap3A_540], %swap3A_543 {strides = array<i32>} : memref<16x1024xf32, #tpu.memory_space<vmem>>, vector<1x16xf32>,
          %broadcast_in_dim3A_544 = arith.constant 0.000000e+00 : f32
          %broadcast_in_dim3A_545 = vector.broadcast %broadcast_in_dim3A_544 : f32 to vector<16xf32>
          %swap3A_546 = arith.index_cast %while3A_451 : i32 to index
          %swap3A_547 = arith.constant 208 : index
          %swap3A_548 = tpu.vector_load %arg11[%swap3A_546, %swap3A_547] {strides = array<i32>} : memref<16x1024xf32, #tpu.memory_space<vmem>>, vector<1x16xf32>,
          %swap3A_549 = vector.shape_cast %swap3A_548 : vector<1x16xf32> to vector<16xf32>
          %swap3A_550 = vector.shape_cast %broadcast_in_dim3A_545 : vector<16xf32> to vector<1x16xf32>
          tpu.vector_store %arg11[%swap3A_546, %swap3A_547], %swap3A_550 {strides = array<i32>} : memref<16x1024xf32, #tpu.memory_space<vmem>>, vector<1x16xf32>,
          %broadcast_in_dim3A_551 = arith.constant 0.000000e+00 : f32
          %broadcast_in_dim3A_552 = vector.broadcast %broadcast_in_dim3A_551 : f32 to vector<16xf32>
          %swap3A_553 = arith.index_cast %while3A_451 : i32 to index
          %swap3A_554 = arith.constant 224 : index
          %swap3A_555 = tpu.vector_load %arg11[%swap3A_553, %swap3A_554] {strides = array<i32>} : memref<16x1024xf32, #tpu.memory_space<vmem>>, vector<1x16xf32>,
          %swap3A_556 = vector.shape_cast %swap3A_555 : vector<1x16xf32> to vector<16xf32>
          %swap3A_557 = vector.shape_cast %broadcast_in_dim3A_552 : vector<16xf32> to vector<1x16xf32>
          tpu.vector_store %arg11[%swap3A_553, %swap3A_554], %swap3A_557 {strides = array<i32>} : memref<16x1024xf32, #tpu.memory_space<vmem>>, vector<1x16xf32>,
          %broadcast_in_dim3A_558 = arith.constant 0.000000e+00 : f32
          %broadcast_in_dim3A_559 = vector.broadcast %broadcast_in_dim3A_558 : f32 to vector<16xf32>
          %swap3A_560 = arith.index_cast %while3A_451 : i32 to index
          %swap3A_561 = arith.constant 240 : index
          %swap3A_562 = tpu.vector_load %arg11[%swap3A_560, %swap3A_561] {strides = array<i32>} : memref<16x1024xf32, #tpu.memory_space<vmem>>, vector<1x16xf32>,
          %swap3A_563 = vector.shape_cast %swap3A_562 : vector<1x16xf32> to vector<16xf32>
          %swap3A_564 = vector.shape_cast %broadcast_in_dim3A_559 : vector<16xf32> to vector<1x16xf32>
          tpu.vector_store %arg11[%swap3A_560, %swap3A_561], %swap3A_564 {strides = array<i32>} : memref<16x1024xf32, #tpu.memory_space<vmem>>, vector<1x16xf32>,
          %broadcast_in_dim3A_565 = arith.constant 0.000000e+00 : f32
          %broadcast_in_dim3A_566 = vector.broadcast %broadcast_in_dim3A_565 : f32 to vector<16xf32>
          %swap3A_567 = arith.index_cast %while3A_451 : i32 to index
          %swap3A_568 = arith.constant 256 : index
          %swap3A_569 = tpu.vector_load %arg11[%swap3A_567, %swap3A_568] {strides = array<i32>} : memref<16x1024xf32, #tpu.memory_space<vmem>>, vector<1x16xf32>,
          %swap3A_570 = vector.shape_cast %swap3A_569 : vector<1x16xf32> to vector<16xf32>
          %swap3A_571 = vector.shape_cast %broadcast_in_dim3A_566 : vector<16xf32> to vector<1x16xf32>
          tpu.vector_store %arg11[%swap3A_567, %swap3A_568], %swap3A_571 {strides = array<i32>} : memref<16x1024xf32, #tpu.memory_space<vmem>>, vector<1x16xf32>,
          %broadcast_in_dim3A_572 = arith.constant 0.000000e+00 : f32
          %broadcast_in_dim3A_573 = vector.broadcast %broadcast_in_dim3A_572 : f32 to vector<16xf32>
          %swap3A_574 = arith.index_cast %while3A_451 : i32 to index
          %swap3A_575 = arith.constant 272 : index
          %swap3A_576 = tpu.vector_load %arg11[%swap3A_574, %swap3A_575] {strides = array<i32>} : memref<16x1024xf32, #tpu.memory_space<vmem>>, vector<1x16xf32>,
          %swap3A_577 = vector.shape_cast %swap3A_576 : vector<1x16xf32> to vector<16xf32>
          %swap3A_578 = vector.shape_cast %broadcast_in_dim3A_573 : vector<16xf32> to vector<1x16xf32>
          tpu.vector_store %arg11[%swap3A_574, %swap3A_575], %swap3A_578 {strides = array<i32>} : memref<16x1024xf32, #tpu.memory_space<vmem>>, vector<1x16xf32>,
          %broadcast_in_dim3A_579 = arith.constant 0.000000e+00 : f32
          %broadcast_in_dim3A_580 = vector.broadcast %broadcast_in_dim3A_579 : f32 to vector<16xf32>
          %swap3A_581 = arith.index_cast %while3A_451 : i32 to index
          %swap3A_582 = arith.constant 288 : index
          %swap3A_583 = tpu.vector_load %arg11[%swap3A_581, %swap3A_582] {strides = array<i32>} : memref<16x1024xf32, #tpu.memory_space<vmem>>, vector<1x16xf32>,
          %swap3A_584 = vector.shape_cast %swap3A_583 : vector<1x16xf32> to vector<16xf32>
          %swap3A_585 = vector.shape_cast %broadcast_in_dim3A_580 : vector<16xf32> to vector<1x16xf32>
          tpu.vector_store %arg11[%swap3A_581, %swap3A_582], %swap3A_585 {strides = array<i32>} : memref<16x1024xf32, #tpu.memory_space<vmem>>, vector<1x16xf32>,
          %broadcast_in_dim3A_586 = arith.constant 0.000000e+00 : f32
          %broadcast_in_dim3A_587 = vector.broadcast %broadcast_in_dim3A_586 : f32 to vector<16xf32>
          %swap3A_588 = arith.index_cast %while3A_451 : i32 to index
          %swap3A_589 = arith.constant 304 : index
          %swap3A_590 = tpu.vector_load %arg11[%swap3A_588, %swap3A_589] {strides = array<i32>} : memref<16x1024xf32, #tpu.memory_space<vmem>>, vector<1x16xf32>,
          %swap3A_591 = vector.shape_cast %swap3A_590 : vector<1x16xf32> to vector<16xf32>
          %swap3A_592 = vector.shape_cast %broadcast_in_dim3A_587 : vector<16xf32> to vector<1x16xf32>
          tpu.vector_store %arg11[%swap3A_588, %swap3A_589], %swap3A_592 {strides = array<i32>} : memref<16x1024xf32, #tpu.memory_space<vmem>>, vector<1x16xf32>,
          %broadcast_in_dim3A_593 = arith.constant 0.000000e+00 : f32
          %broadcast_in_dim3A_594 = vector.broadcast %broadcast_in_dim3A_593 : f32 to vector<16xf32>
          %swap3A_595 = arith.index_cast %while3A_451 : i32 to index
          %swap3A_596 = arith.constant 320 : index
          %swap3A_597 = tpu.vector_load %arg11[%swap3A_595, %swap3A_596] {strides = array<i32>} : memref<16x1024xf32, #tpu.memory_space<vmem>>, vector<1x16xf32>,
          %swap3A_598 = vector.shape_cast %swap3A_597 : vector<1x16xf32> to vector<16xf32>
          %swap3A_599 = vector.shape_cast %broadcast_in_dim3A_594 : vector<16xf32> to vector<1x16xf32>
          tpu.vector_store %arg11[%swap3A_595, %swap3A_596], %swap3A_599 {strides = array<i32>} : memref<16x1024xf32, #tpu.memory_space<vmem>>, vector<1x16xf32>,
          %broadcast_in_dim3A_600 = arith.constant 0.000000e+00 : f32
          %broadcast_in_dim3A_601 = vector.broadcast %broadcast_in_dim3A_600 : f32 to vector<16xf32>
          %swap3A_602 = arith.index_cast %while3A_451 : i32 to index
          %swap3A_603 = arith.constant 336 : index
          %swap3A_604 = tpu.vector_load %arg11[%swap3A_602, %swap3A_603] {strides = array<i32>} : memref<16x1024xf32, #tpu.memory_space<vmem>>, vector<1x16xf32>,
          %swap3A_605 = vector.shape_cast %swap3A_604 : vector<1x16xf32> to vector<16xf32>
          %swap3A_606 = vector.shape_cast %broadcast_in_dim3A_601 : vector<16xf32> to vector<1x16xf32>
          tpu.vector_store %arg11[%swap3A_602, %swap3A_603], %swap3A_606 {strides = array<i32>} : memref<16x1024xf32, #tpu.memory_space<vmem>>, vector<1x16xf32>,
          %broadcast_in_dim3A_607 = arith.constant 0.000000e+00 : f32
          %broadcast_in_dim3A_608 = vector.broadcast %broadcast_in_dim3A_607 : f32 to vector<16xf32>
          %swap3A_609 = arith.index_cast %while3A_451 : i32 to index
          %swap3A_610 = arith.constant 352 : index
          %swap3A_611 = tpu.vector_load %arg11[%swap3A_609, %swap3A_610] {strides = array<i32>} : memref<16x1024xf32, #tpu.memory_space<vmem>>, vector<1x16xf32>,
          %swap3A_612 = vector.shape_cast %swap3A_611 : vector<1x16xf32> to vector<16xf32>
          %swap3A_613 = vector.shape_cast %broadcast_in_dim3A_608 : vector<16xf32> to vector<1x16xf32>
          tpu.vector_store %arg11[%swap3A_609, %swap3A_610], %swap3A_613 {strides = array<i32>} : memref<16x1024xf32, #tpu.memory_space<vmem>>, vector<1x16xf32>,
          %broadcast_in_dim3A_614 = arith.constant 0.000000e+00 : f32
          %broadcast_in_dim3A_615 = vector.broadcast %broadcast_in_dim3A_614 : f32 to vector<16xf32>
          %swap3A_616 = arith.index_cast %while3A_451 : i32 to index
          %swap3A_617 = arith.constant 368 : index
          %swap3A_618 = tpu.vector_load %arg11[%swap3A_616, %swap3A_617] {strides = array<i32>} : memref<16x1024xf32, #tpu.memory_space<vmem>>, vector<1x16xf32>,
          %swap3A_619 = vector.shape_cast %swap3A_618 : vector<1x16xf32> to vector<16xf32>
          %swap3A_620 = vector.shape_cast %broadcast_in_dim3A_615 : vector<16xf32> to vector<1x16xf32>
          tpu.vector_store %arg11[%swap3A_616, %swap3A_617], %swap3A_620 {strides = array<i32>} : memref<16x1024xf32, #tpu.memory_space<vmem>>, vector<1x16xf32>,
          %broadcast_in_dim3A_621 = arith.constant 0.000000e+00 : f32
          %broadcast_in_dim3A_622 = vector.broadcast %broadcast_in_dim3A_621 : f32 to vector<16xf32>
          %swap3A_623 = arith.index_cast %while3A_451 : i32 to index
          %swap3A_624 = arith.constant 384 : index
          %swap3A_625 = tpu.vector_load %arg11[%swap3A_623, %swap3A_624] {strides = array<i32>} : memref<16x1024xf32, #tpu.memory_space<vmem>>, vector<1x16xf32>,
          %swap3A_626 = vector.shape_cast %swap3A_625 : vector<1x16xf32> to vector<16xf32>
          %swap3A_627 = vector.shape_cast %broadcast_in_dim3A_622 : vector<16xf32> to vector<1x16xf32>
          tpu.vector_store %arg11[%swap3A_623, %swap3A_624], %swap3A_627 {strides = array<i32>} : memref<16x1024xf32, #tpu.memory_space<vmem>>, vector<1x16xf32>,
          %broadcast_in_dim3A_628 = arith.constant 0.000000e+00 : f32
          %broadcast_in_dim3A_629 = vector.broadcast %broadcast_in_dim3A_628 : f32 to vector<16xf32>
          %swap3A_630 = arith.index_cast %while3A_451 : i32 to index
          %swap3A_631 = arith.constant 400 : index
          %swap3A_632 = tpu.vector_load %arg11[%swap3A_630, %swap3A_631] {strides = array<i32>} : memref<16x1024xf32, #tpu.memory_space<vmem>>, vector<1x16xf32>,
          %swap3A_633 = vector.shape_cast %swap3A_632 : vector<1x16xf32> to vector<16xf32>
          %swap3A_634 = vector.shape_cast %broadcast_in_dim3A_629 : vector<16xf32> to vector<1x16xf32>
          tpu.vector_store %arg11[%swap3A_630, %swap3A_631], %swap3A_634 {strides = array<i32>} : memref<16x1024xf32, #tpu.memory_space<vmem>>, vector<1x16xf32>,
          %broadcast_in_dim3A_635 = arith.constant 0.000000e+00 : f32
          %broadcast_in_dim3A_636 = vector.broadcast %broadcast_in_dim3A_635 : f32 to vector<16xf32>
          %swap3A_637 = arith.index_cast %while3A_451 : i32 to index
          %swap3A_638 = arith.constant 416 : index
          %swap3A_639 = tpu.vector_load %arg11[%swap3A_637, %swap3A_638] {strides = array<i32>} : memref<16x1024xf32, #tpu.memory_space<vmem>>, vector<1x16xf32>,
          %swap3A_640 = vector.shape_cast %swap3A_639 : vector<1x16xf32> to vector<16xf32>
          %swap3A_641 = vector.shape_cast %broadcast_in_dim3A_636 : vector<16xf32> to vector<1x16xf32>
          tpu.vector_store %arg11[%swap3A_637, %swap3A_638], %swap3A_641 {strides = array<i32>} : memref<16x1024xf32, #tpu.memory_space<vmem>>, vector<1x16xf32>,
          %broadcast_in_dim3A_642 = arith.constant 0.000000e+00 : f32
          %broadcast_in_dim3A_643 = vector.broadcast %broadcast_in_dim3A_642 : f32 to vector<16xf32>
          %swap3A_644 = arith.index_cast %while3A_451 : i32 to index
          %swap3A_645 = arith.constant 432 : index
          %swap3A_646 = tpu.vector_load %arg11[%swap3A_644, %swap3A_645] {strides = array<i32>} : memref<16x1024xf32, #tpu.memory_space<vmem>>, vector<1x16xf32>,
          %swap3A_647 = vector.shape_cast %swap3A_646 : vector<1x16xf32> to vector<16xf32>
          %swap3A_648 = vector.shape_cast %broadcast_in_dim3A_643 : vector<16xf32> to vector<1x16xf32>
          tpu.vector_store %arg11[%swap3A_644, %swap3A_645], %swap3A_648 {strides = array<i32>} : memref<16x1024xf32, #tpu.memory_space<vmem>>, vector<1x16xf32>,
          %broadcast_in_dim3A_649 = arith.constant 0.000000e+00 : f32
          %broadcast_in_dim3A_650 = vector.broadcast %broadcast_in_dim3A_649 : f32 to vector<16xf32>
          %swap3A_651 = arith.index_cast %while3A_451 : i32 to index
          %swap3A_652 = arith.constant 448 : index
          %swap3A_653 = tpu.vector_load %arg11[%swap3A_651, %swap3A_652] {strides = array<i32>} : memref<16x1024xf32, #tpu.memory_space<vmem>>, vector<1x16xf32>,
          %swap3A_654 = vector.shape_cast %swap3A_653 : vector<1x16xf32> to vector<16xf32>
          %swap3A_655 = vector.shape_cast %broadcast_in_dim3A_650 : vector<16xf32> to vector<1x16xf32>
          tpu.vector_store %arg11[%swap3A_651, %swap3A_652], %swap3A_655 {strides = array<i32>} : memref<16x1024xf32, #tpu.memory_space<vmem>>, vector<1x16xf32>,
          %broadcast_in_dim3A_656 = arith.constant 0.000000e+00 : f32
          %broadcast_in_dim3A_657 = vector.broadcast %broadcast_in_dim3A_656 : f32 to vector<16xf32>
          %swap3A_658 = arith.index_cast %while3A_451 : i32 to index
          %swap3A_659 = arith.constant 464 : index
          %swap3A_660 = tpu.vector_load %arg11[%swap3A_658, %swap3A_659] {strides = array<i32>} : memref<16x1024xf32, #tpu.memory_space<vmem>>, vector<1x16xf32>,
          %swap3A_661 = vector.shape_cast %swap3A_660 : vector<1x16xf32> to vector<16xf32>
          %swap3A_662 = vector.shape_cast %broadcast_in_dim3A_657 : vector<16xf32> to vector<1x16xf32>
          tpu.vector_store %arg11[%swap3A_658, %swap3A_659], %swap3A_662 {strides = array<i32>} : memref<16x1024xf32, #tpu.memory_space<vmem>>, vector<1x16xf32>,
          %broadcast_in_dim3A_663 = arith.constant 0.000000e+00 : f32
          %broadcast_in_dim3A_664 = vector.broadcast %broadcast_in_dim3A_663 : f32 to vector<16xf32>
          %swap3A_665 = arith.index_cast %while3A_451 : i32 to index
          %swap3A_666 = arith.constant 480 : index
          %swap3A_667 = tpu.vector_load %arg11[%swap3A_665, %swap3A_666] {strides = array<i32>} : memref<16x1024xf32, #tpu.memory_space<vmem>>, vector<1x16xf32>,
          %swap3A_668 = vector.shape_cast %swap3A_667 : vector<1x16xf32> to vector<16xf32>
          %swap3A_669 = vector.shape_cast %broadcast_in_dim3A_664 : vector<16xf32> to vector<1x16xf32>
          tpu.vector_store %arg11[%swap3A_665, %swap3A_666], %swap3A_669 {strides = array<i32>} : memref<16x1024xf32, #tpu.memory_space<vmem>>, vector<1x16xf32>,
          %broadcast_in_dim3A_670 = arith.constant 0.000000e+00 : f32
          %broadcast_in_dim3A_671 = vector.broadcast %broadcast_in_dim3A_670 : f32 to vector<16xf32>
          %swap3A_672 = arith.index_cast %while3A_451 : i32 to index
          %swap3A_673 = arith.constant 496 : index
          %swap3A_674 = tpu.vector_load %arg11[%swap3A_672, %swap3A_673] {strides = array<i32>} : memref<16x1024xf32, #tpu.memory_space<vmem>>, vector<1x16xf32>,
          %swap3A_675 = vector.shape_cast %swap3A_674 : vector<1x16xf32> to vector<16xf32>
          %swap3A_676 = vector.shape_cast %broadcast_in_dim3A_671 : vector<16xf32> to vector<1x16xf32>
          tpu.vector_store %arg11[%swap3A_672, %swap3A_673], %swap3A_676 {strides = array<i32>} : memref<16x1024xf32, #tpu.memory_space<vmem>>, vector<1x16xf32>,
          %broadcast_in_dim3A_677 = arith.constant 0.000000e+00 : f32
          %broadcast_in_dim3A_678 = vector.broadcast %broadcast_in_dim3A_677 : f32 to vector<16xf32>
          %swap3A_679 = arith.index_cast %while3A_451 : i32 to index
          %swap3A_680 = arith.constant 512 : index
          %swap3A_681 = tpu.vector_load %arg11[%swap3A_679, %swap3A_680] {strides = array<i32>} : memref<16x1024xf32, #tpu.memory_space<vmem>>, vector<1x16xf32>,
          %swap3A_682 = vector.shape_cast %swap3A_681 : vector<1x16xf32> to vector<16xf32>
          %swap3A_683 = vector.shape_cast %broadcast_in_dim3A_678 : vector<16xf32> to vector<1x16xf32>
          tpu.vector_store %arg11[%swap3A_679, %swap3A_680], %swap3A_683 {strides = array<i32>} : memref<16x1024xf32, #tpu.memory_space<vmem>>, vector<1x16xf32>,
          %broadcast_in_dim3A_684 = arith.constant 0.000000e+00 : f32
          %broadcast_in_dim3A_685 = vector.broadcast %broadcast_in_dim3A_684 : f32 to vector<16xf32>
          %swap3A_686 = arith.index_cast %while3A_451 : i32 to index
          %swap3A_687 = arith.constant 528 : index
          %swap3A_688 = tpu.vector_load %arg11[%swap3A_686, %swap3A_687] {strides = array<i32>} : memref<16x1024xf32, #tpu.memory_space<vmem>>, vector<1x16xf32>,
          %swap3A_689 = vector.shape_cast %swap3A_688 : vector<1x16xf32> to vector<16xf32>
          %swap3A_690 = vector.shape_cast %broadcast_in_dim3A_685 : vector<16xf32> to vector<1x16xf32>
          tpu.vector_store %arg11[%swap3A_686, %swap3A_687], %swap3A_690 {strides = array<i32>} : memref<16x1024xf32, #tpu.memory_space<vmem>>, vector<1x16xf32>,
          %broadcast_in_dim3A_691 = arith.constant 0.000000e+00 : f32
          %broadcast_in_dim3A_692 = vector.broadcast %broadcast_in_dim3A_691 : f32 to vector<16xf32>
          %swap3A_693 = arith.index_cast %while3A_451 : i32 to index
          %swap3A_694 = arith.constant 544 : index
          %swap3A_695 = tpu.vector_load %arg11[%swap3A_693, %swap3A_694] {strides = array<i32>} : memref<16x1024xf32, #tpu.memory_space<vmem>>, vector<1x16xf32>,
          %swap3A_696 = vector.shape_cast %swap3A_695 : vector<1x16xf32> to vector<16xf32>
          %swap3A_697 = vector.shape_cast %broadcast_in_dim3A_692 : vector<16xf32> to vector<1x16xf32>
          tpu.vector_store %arg11[%swap3A_693, %swap3A_694], %swap3A_697 {strides = array<i32>} : memref<16x1024xf32, #tpu.memory_space<vmem>>, vector<1x16xf32>,
          %broadcast_in_dim3A_698 = arith.constant 0.000000e+00 : f32
          %broadcast_in_dim3A_699 = vector.broadcast %broadcast_in_dim3A_698 : f32 to vector<16xf32>
          %swap3A_700 = arith.index_cast %while3A_451 : i32 to index
          %swap3A_701 = arith.constant 560 : index
          %swap3A_702 = tpu.vector_load %arg11[%swap3A_700, %swap3A_701] {strides = array<i32>} : memref<16x1024xf32, #tpu.memory_space<vmem>>, vector<1x16xf32>,
          %swap3A_703 = vector.shape_cast %swap3A_702 : vector<1x16xf32> to vector<16xf32>
          %swap3A_704 = vector.shape_cast %broadcast_in_dim3A_699 : vector<16xf32> to vector<1x16xf32>
          tpu.vector_store %arg11[%swap3A_700, %swap3A_701], %swap3A_704 {strides = array<i32>} : memref<16x1024xf32, #tpu.memory_space<vmem>>, vector<1x16xf32>,
          %broadcast_in_dim3A_705 = arith.constant 0.000000e+00 : f32
          %broadcast_in_dim3A_706 = vector.broadcast %broadcast_in_dim3A_705 : f32 to vector<16xf32>
          %swap3A_707 = arith.index_cast %while3A_451 : i32 to index
          %swap3A_708 = arith.constant 576 : index
          %swap3A_709 = tpu.vector_load %arg11[%swap3A_707, %swap3A_708] {strides = array<i32>} : memref<16x1024xf32, #tpu.memory_space<vmem>>, vector<1x16xf32>,
          %swap3A_710 = vector.shape_cast %swap3A_709 : vector<1x16xf32> to vector<16xf32>
          %swap3A_711 = vector.shape_cast %broadcast_in_dim3A_706 : vector<16xf32> to vector<1x16xf32>
          tpu.vector_store %arg11[%swap3A_707, %swap3A_708], %swap3A_711 {strides = array<i32>} : memref<16x1024xf32, #tpu.memory_space<vmem>>, vector<1x16xf32>,
          %broadcast_in_dim3A_712 = arith.constant 0.000000e+00 : f32
          %broadcast_in_dim3A_713 = vector.broadcast %broadcast_in_dim3A_712 : f32 to vector<16xf32>
          %swap3A_714 = arith.index_cast %while3A_451 : i32 to index
          %swap3A_715 = arith.constant 592 : index
          %swap3A_716 = tpu.vector_load %arg11[%swap3A_714, %swap3A_715] {strides = array<i32>} : memref<16x1024xf32, #tpu.memory_space<vmem>>, vector<1x16xf32>,
          %swap3A_717 = vector.shape_cast %swap3A_716 : vector<1x16xf32> to vector<16xf32>
          %swap3A_718 = vector.shape_cast %broadcast_in_dim3A_713 : vector<16xf32> to vector<1x16xf32>
          tpu.vector_store %arg11[%swap3A_714, %swap3A_715], %swap3A_718 {strides = array<i32>} : memref<16x1024xf32, #tpu.memory_space<vmem>>, vector<1x16xf32>,
          %broadcast_in_dim3A_719 = arith.constant 0.000000e+00 : f32
          %broadcast_in_dim3A_720 = vector.broadcast %broadcast_in_dim3A_719 : f32 to vector<16xf32>
          %swap3A_721 = arith.index_cast %while3A_451 : i32 to index
          %swap3A_722 = arith.constant 608 : index
          %swap3A_723 = tpu.vector_load %arg11[%swap3A_721, %swap3A_722] {strides = array<i32>} : memref<16x1024xf32, #tpu.memory_space<vmem>>, vector<1x16xf32>,
          %swap3A_724 = vector.shape_cast %swap3A_723 : vector<1x16xf32> to vector<16xf32>
          %swap3A_725 = vector.shape_cast %broadcast_in_dim3A_720 : vector<16xf32> to vector<1x16xf32>
          tpu.vector_store %arg11[%swap3A_721, %swap3A_722], %swap3A_725 {strides = array<i32>} : memref<16x1024xf32, #tpu.memory_space<vmem>>, vector<1x16xf32>,
          %broadcast_in_dim3A_726 = arith.constant 0.000000e+00 : f32
          %broadcast_in_dim3A_727 = vector.broadcast %broadcast_in_dim3A_726 : f32 to vector<16xf32>
          %swap3A_728 = arith.index_cast %while3A_451 : i32 to index
          %swap3A_729 = arith.constant 624 : index
          %swap3A_730 = tpu.vector_load %arg11[%swap3A_728, %swap3A_729] {strides = array<i32>} : memref<16x1024xf32, #tpu.memory_space<vmem>>, vector<1x16xf32>,
          %swap3A_731 = vector.shape_cast %swap3A_730 : vector<1x16xf32> to vector<16xf32>
          %swap3A_732 = vector.shape_cast %broadcast_in_dim3A_727 : vector<16xf32> to vector<1x16xf32>
          tpu.vector_store %arg11[%swap3A_728, %swap3A_729], %swap3A_732 {strides = array<i32>} : memref<16x1024xf32, #tpu.memory_space<vmem>>, vector<1x16xf32>,
          %broadcast_in_dim3A_733 = arith.constant 0.000000e+00 : f32
          %broadcast_in_dim3A_734 = vector.broadcast %broadcast_in_dim3A_733 : f32 to vector<16xf32>
          %swap3A_735 = arith.index_cast %while3A_451 : i32 to index
          %swap3A_736 = arith.constant 640 : index
          %swap3A_737 = tpu.vector_load %arg11[%swap3A_735, %swap3A_736] {strides = array<i32>} : memref<16x1024xf32, #tpu.memory_space<vmem>>, vector<1x16xf32>,
          %swap3A_738 = vector.shape_cast %swap3A_737 : vector<1x16xf32> to vector<16xf32>
          %swap3A_739 = vector.shape_cast %broadcast_in_dim3A_734 : vector<16xf32> to vector<1x16xf32>
          tpu.vector_store %arg11[%swap3A_735, %swap3A_736], %swap3A_739 {strides = array<i32>} : memref<16x1024xf32, #tpu.memory_space<vmem>>, vector<1x16xf32>,
          %broadcast_in_dim3A_740 = arith.constant 0.000000e+00 : f32
          %broadcast_in_dim3A_741 = vector.broadcast %broadcast_in_dim3A_740 : f32 to vector<16xf32>
          %swap3A_742 = arith.index_cast %while3A_451 : i32 to index
          %swap3A_743 = arith.constant 656 : index
          %swap3A_744 = tpu.vector_load %arg11[%swap3A_742, %swap3A_743] {strides = array<i32>} : memref<16x1024xf32, #tpu.memory_space<vmem>>, vector<1x16xf32>,
          %swap3A_745 = vector.shape_cast %swap3A_744 : vector<1x16xf32> to vector<16xf32>
          %swap3A_746 = vector.shape_cast %broadcast_in_dim3A_741 : vector<16xf32> to vector<1x16xf32>
          tpu.vector_store %arg11[%swap3A_742, %swap3A_743], %swap3A_746 {strides = array<i32>} : memref<16x1024xf32, #tpu.memory_space<vmem>>, vector<1x16xf32>,
          %broadcast_in_dim3A_747 = arith.constant 0.000000e+00 : f32
          %broadcast_in_dim3A_748 = vector.broadcast %broadcast_in_dim3A_747 : f32 to vector<16xf32>
          %swap3A_749 = arith.index_cast %while3A_451 : i32 to index
          %swap3A_750 = arith.constant 672 : index
          %swap3A_751 = tpu.vector_load %arg11[%swap3A_749, %swap3A_750] {strides = array<i32>} : memref<16x1024xf32, #tpu.memory_space<vmem>>, vector<1x16xf32>,
          %swap3A_752 = vector.shape_cast %swap3A_751 : vector<1x16xf32> to vector<16xf32>
          %swap3A_753 = vector.shape_cast %broadcast_in_dim3A_748 : vector<16xf32> to vector<1x16xf32>
          tpu.vector_store %arg11[%swap3A_749, %swap3A_750], %swap3A_753 {strides = array<i32>} : memref<16x1024xf32, #tpu.memory_space<vmem>>, vector<1x16xf32>,
          %broadcast_in_dim3A_754 = arith.constant 0.000000e+00 : f32
          %broadcast_in_dim3A_755 = vector.broadcast %broadcast_in_dim3A_754 : f32 to vector<16xf32>
          %swap3A_756 = arith.index_cast %while3A_451 : i32 to index
          %swap3A_757 = arith.constant 688 : index
          %swap3A_758 = tpu.vector_load %arg11[%swap3A_756, %swap3A_757] {strides = array<i32>} : memref<16x1024xf32, #tpu.memory_space<vmem>>, vector<1x16xf32>,
          %swap3A_759 = vector.shape_cast %swap3A_758 : vector<1x16xf32> to vector<16xf32>
          %swap3A_760 = vector.shape_cast %broadcast_in_dim3A_755 : vector<16xf32> to vector<1x16xf32>
          tpu.vector_store %arg11[%swap3A_756, %swap3A_757], %swap3A_760 {strides = array<i32>} : memref<16x1024xf32, #tpu.memory_space<vmem>>, vector<1x16xf32>,
          %broadcast_in_dim3A_761 = arith.constant 0.000000e+00 : f32
          %broadcast_in_dim3A_762 = vector.broadcast %broadcast_in_dim3A_761 : f32 to vector<16xf32>
          %swap3A_763 = arith.index_cast %while3A_451 : i32 to index
          %swap3A_764 = arith.constant 704 : index
          %swap3A_765 = tpu.vector_load %arg11[%swap3A_763, %swap3A_764] {strides = array<i32>} : memref<16x1024xf32, #tpu.memory_space<vmem>>, vector<1x16xf32>,
          %swap3A_766 = vector.shape_cast %swap3A_765 : vector<1x16xf32> to vector<16xf32>
          %swap3A_767 = vector.shape_cast %broadcast_in_dim3A_762 : vector<16xf32> to vector<1x16xf32>
          tpu.vector_store %arg11[%swap3A_763, %swap3A_764], %swap3A_767 {strides = array<i32>} : memref<16x1024xf32, #tpu.memory_space<vmem>>, vector<1x16xf32>,
          %broadcast_in_dim3A_768 = arith.constant 0.000000e+00 : f32
          %broadcast_in_dim3A_769 = vector.broadcast %broadcast_in_dim3A_768 : f32 to vector<16xf32>
          %swap3A_770 = arith.index_cast %while3A_451 : i32 to index
          %swap3A_771 = arith.constant 720 : index
          %swap3A_772 = tpu.vector_load %arg11[%swap3A_770, %swap3A_771] {strides = array<i32>} : memref<16x1024xf32, #tpu.memory_space<vmem>>, vector<1x16xf32>,
          %swap3A_773 = vector.shape_cast %swap3A_772 : vector<1x16xf32> to vector<16xf32>
          %swap3A_774 = vector.shape_cast %broadcast_in_dim3A_769 : vector<16xf32> to vector<1x16xf32>
          tpu.vector_store %arg11[%swap3A_770, %swap3A_771], %swap3A_774 {strides = array<i32>} : memref<16x1024xf32, #tpu.memory_space<vmem>>, vector<1x16xf32>,
          %broadcast_in_dim3A_775 = arith.constant 0.000000e+00 : f32
          %broadcast_in_dim3A_776 = vector.broadcast %broadcast_in_dim3A_775 : f32 to vector<16xf32>
          %swap3A_777 = arith.index_cast %while3A_451 : i32 to index
          %swap3A_778 = arith.constant 736 : index
          %swap3A_779 = tpu.vector_load %arg11[%swap3A_777, %swap3A_778] {strides = array<i32>} : memref<16x1024xf32, #tpu.memory_space<vmem>>, vector<1x16xf32>,
          %swap3A_780 = vector.shape_cast %swap3A_779 : vector<1x16xf32> to vector<16xf32>
          %swap3A_781 = vector.shape_cast %broadcast_in_dim3A_776 : vector<16xf32> to vector<1x16xf32>
          tpu.vector_store %arg11[%swap3A_777, %swap3A_778], %swap3A_781 {strides = array<i32>} : memref<16x1024xf32, #tpu.memory_space<vmem>>, vector<1x16xf32>,
          %broadcast_in_dim3A_782 = arith.constant 0.000000e+00 : f32
          %broadcast_in_dim3A_783 = vector.broadcast %broadcast_in_dim3A_782 : f32 to vector<16xf32>
          %swap3A_784 = arith.index_cast %while3A_451 : i32 to index
          %swap3A_785 = arith.constant 752 : index
          %swap3A_786 = tpu.vector_load %arg11[%swap3A_784, %swap3A_785] {strides = array<i32>} : memref<16x1024xf32, #tpu.memory_space<vmem>>, vector<1x16xf32>,
          %swap3A_787 = vector.shape_cast %swap3A_786 : vector<1x16xf32> to vector<16xf32>
          %swap3A_788 = vector.shape_cast %broadcast_in_dim3A_783 : vector<16xf32> to vector<1x16xf32>
          tpu.vector_store %arg11[%swap3A_784, %swap3A_785], %swap3A_788 {strides = array<i32>} : memref<16x1024xf32, #tpu.memory_space<vmem>>, vector<1x16xf32>,
          %broadcast_in_dim3A_789 = arith.constant 0.000000e+00 : f32
          %broadcast_in_dim3A_790 = vector.broadcast %broadcast_in_dim3A_789 : f32 to vector<16xf32>
          %swap3A_791 = arith.index_cast %while3A_451 : i32 to index
          %swap3A_792 = arith.constant 768 : index
          %swap3A_793 = tpu.vector_load %arg11[%swap3A_791, %swap3A_792] {strides = array<i32>} : memref<16x1024xf32, #tpu.memory_space<vmem>>, vector<1x16xf32>,
          %swap3A_794 = vector.shape_cast %swap3A_793 : vector<1x16xf32> to vector<16xf32>
          %swap3A_795 = vector.shape_cast %broadcast_in_dim3A_790 : vector<16xf32> to vector<1x16xf32>
          tpu.vector_store %arg11[%swap3A_791, %swap3A_792], %swap3A_795 {strides = array<i32>} : memref<16x1024xf32, #tpu.memory_space<vmem>>, vector<1x16xf32>,
          %broadcast_in_dim3A_796 = arith.constant 0.000000e+00 : f32
          %broadcast_in_dim3A_797 = vector.broadcast %broadcast_in_dim3A_796 : f32 to vector<16xf32>
          %swap3A_798 = arith.index_cast %while3A_451 : i32 to index
          %swap3A_799 = arith.constant 784 : index
          %swap3A_800 = tpu.vector_load %arg11[%swap3A_798, %swap3A_799] {strides = array<i32>} : memref<16x1024xf32, #tpu.memory_space<vmem>>, vector<1x16xf32>,
          %swap3A_801 = vector.shape_cast %swap3A_800 : vector<1x16xf32> to vector<16xf32>
          %swap3A_802 = vector.shape_cast %broadcast_in_dim3A_797 : vector<16xf32> to vector<1x16xf32>
          tpu.vector_store %arg11[%swap3A_798, %swap3A_799], %swap3A_802 {strides = array<i32>} : memref<16x1024xf32, #tpu.memory_space<vmem>>, vector<1x16xf32>,
          %broadcast_in_dim3A_803 = arith.constant 0.000000e+00 : f32
          %broadcast_in_dim3A_804 = vector.broadcast %broadcast_in_dim3A_803 : f32 to vector<16xf32>
          %swap3A_805 = arith.index_cast %while3A_451 : i32 to index
          %swap3A_806 = arith.constant 800 : index
          %swap3A_807 = tpu.vector_load %arg11[%swap3A_805, %swap3A_806] {strides = array<i32>} : memref<16x1024xf32, #tpu.memory_space<vmem>>, vector<1x16xf32>,
          %swap3A_808 = vector.shape_cast %swap3A_807 : vector<1x16xf32> to vector<16xf32>
          %swap3A_809 = vector.shape_cast %broadcast_in_dim3A_804 : vector<16xf32> to vector<1x16xf32>
          tpu.vector_store %arg11[%swap3A_805, %swap3A_806], %swap3A_809 {strides = array<i32>} : memref<16x1024xf32, #tpu.memory_space<vmem>>, vector<1x16xf32>,
          %broadcast_in_dim3A_810 = arith.constant 0.000000e+00 : f32
          %broadcast_in_dim3A_811 = vector.broadcast %broadcast_in_dim3A_810 : f32 to vector<16xf32>
          %swap3A_812 = arith.index_cast %while3A_451 : i32 to index
          %swap3A_813 = arith.constant 816 : index
          %swap3A_814 = tpu.vector_load %arg11[%swap3A_812, %swap3A_813] {strides = array<i32>} : memref<16x1024xf32, #tpu.memory_space<vmem>>, vector<1x16xf32>,
          %swap3A_815 = vector.shape_cast %swap3A_814 : vector<1x16xf32> to vector<16xf32>
          %swap3A_816 = vector.shape_cast %broadcast_in_dim3A_811 : vector<16xf32> to vector<1x16xf32>
          tpu.vector_store %arg11[%swap3A_812, %swap3A_813], %swap3A_816 {strides = array<i32>} : memref<16x1024xf32, #tpu.memory_space<vmem>>, vector<1x16xf32>,
          %broadcast_in_dim3A_817 = arith.constant 0.000000e+00 : f32
          %broadcast_in_dim3A_818 = vector.broadcast %broadcast_in_dim3A_817 : f32 to vector<16xf32>
          %swap3A_819 = arith.index_cast %while3A_451 : i32 to index
          %swap3A_820 = arith.constant 832 : index
          %swap3A_821 = tpu.vector_load %arg11[%swap3A_819, %swap3A_820] {strides = array<i32>} : memref<16x1024xf32, #tpu.memory_space<vmem>>, vector<1x16xf32>,
          %swap3A_822 = vector.shape_cast %swap3A_821 : vector<1x16xf32> to vector<16xf32>
          %swap3A_823 = vector.shape_cast %broadcast_in_dim3A_818 : vector<16xf32> to vector<1x16xf32>
          tpu.vector_store %arg11[%swap3A_819, %swap3A_820], %swap3A_823 {strides = array<i32>} : memref<16x1024xf32, #tpu.memory_space<vmem>>, vector<1x16xf32>,
          %broadcast_in_dim3A_824 = arith.constant 0.000000e+00 : f32
          %broadcast_in_dim3A_825 = vector.broadcast %broadcast_in_dim3A_824 : f32 to vector<16xf32>
          %swap3A_826 = arith.index_cast %while3A_451 : i32 to index
          %swap3A_827 = arith.constant 848 : index
          %swap3A_828 = tpu.vector_load %arg11[%swap3A_826, %swap3A_827] {strides = array<i32>} : memref<16x1024xf32, #tpu.memory_space<vmem>>, vector<1x16xf32>,
          %swap3A_829 = vector.shape_cast %swap3A_828 : vector<1x16xf32> to vector<16xf32>
          %swap3A_830 = vector.shape_cast %broadcast_in_dim3A_825 : vector<16xf32> to vector<1x16xf32>
          tpu.vector_store %arg11[%swap3A_826, %swap3A_827], %swap3A_830 {strides = array<i32>} : memref<16x1024xf32, #tpu.memory_space<vmem>>, vector<1x16xf32>,
          %broadcast_in_dim3A_831 = arith.constant 0.000000e+00 : f32
          %broadcast_in_dim3A_832 = vector.broadcast %broadcast_in_dim3A_831 : f32 to vector<16xf32>
          %swap3A_833 = arith.index_cast %while3A_451 : i32 to index
          %swap3A_834 = arith.constant 864 : index
          %swap3A_835 = tpu.vector_load %arg11[%swap3A_833, %swap3A_834] {strides = array<i32>} : memref<16x1024xf32, #tpu.memory_space<vmem>>, vector<1x16xf32>,
          %swap3A_836 = vector.shape_cast %swap3A_835 : vector<1x16xf32> to vector<16xf32>
          %swap3A_837 = vector.shape_cast %broadcast_in_dim3A_832 : vector<16xf32> to vector<1x16xf32>
          tpu.vector_store %arg11[%swap3A_833, %swap3A_834], %swap3A_837 {strides = array<i32>} : memref<16x1024xf32, #tpu.memory_space<vmem>>, vector<1x16xf32>,
          %broadcast_in_dim3A_838 = arith.constant 0.000000e+00 : f32
          %broadcast_in_dim3A_839 = vector.broadcast %broadcast_in_dim3A_838 : f32 to vector<16xf32>
          %swap3A_840 = arith.index_cast %while3A_451 : i32 to index
          %swap3A_841 = arith.constant 880 : index
          %swap3A_842 = tpu.vector_load %arg11[%swap3A_840, %swap3A_841] {strides = array<i32>} : memref<16x1024xf32, #tpu.memory_space<vmem>>, vector<1x16xf32>,
          %swap3A_843 = vector.shape_cast %swap3A_842 : vector<1x16xf32> to vector<16xf32>
          %swap3A_844 = vector.shape_cast %broadcast_in_dim3A_839 : vector<16xf32> to vector<1x16xf32>
          tpu.vector_store %arg11[%swap3A_840, %swap3A_841], %swap3A_844 {strides = array<i32>} : memref<16x1024xf32, #tpu.memory_space<vmem>>, vector<1x16xf32>,
          %broadcast_in_dim3A_845 = arith.constant 0.000000e+00 : f32
          %broadcast_in_dim3A_846 = vector.broadcast %broadcast_in_dim3A_845 : f32 to vector<16xf32>
          %swap3A_847 = arith.index_cast %while3A_451 : i32 to index
          %swap3A_848 = arith.constant 896 : index
          %swap3A_849 = tpu.vector_load %arg11[%swap3A_847, %swap3A_848] {strides = array<i32>} : memref<16x1024xf32, #tpu.memory_space<vmem>>, vector<1x16xf32>,
          %swap3A_850 = vector.shape_cast %swap3A_849 : vector<1x16xf32> to vector<16xf32>
          %swap3A_851 = vector.shape_cast %broadcast_in_dim3A_846 : vector<16xf32> to vector<1x16xf32>
          tpu.vector_store %arg11[%swap3A_847, %swap3A_848], %swap3A_851 {strides = array<i32>} : memref<16x1024xf32, #tpu.memory_space<vmem>>, vector<1x16xf32>,
          %broadcast_in_dim3A_852 = arith.constant 0.000000e+00 : f32
          %broadcast_in_dim3A_853 = vector.broadcast %broadcast_in_dim3A_852 : f32 to vector<16xf32>
          %swap3A_854 = arith.index_cast %while3A_451 : i32 to index
          %swap3A_855 = arith.constant 912 : index
          %swap3A_856 = tpu.vector_load %arg11[%swap3A_854, %swap3A_855] {strides = array<i32>} : memref<16x1024xf32, #tpu.memory_space<vmem>>, vector<1x16xf32>,
          %swap3A_857 = vector.shape_cast %swap3A_856 : vector<1x16xf32> to vector<16xf32>
          %swap3A_858 = vector.shape_cast %broadcast_in_dim3A_853 : vector<16xf32> to vector<1x16xf32>
          tpu.vector_store %arg11[%swap3A_854, %swap3A_855], %swap3A_858 {strides = array<i32>} : memref<16x1024xf32, #tpu.memory_space<vmem>>, vector<1x16xf32>,
          %broadcast_in_dim3A_859 = arith.constant 0.000000e+00 : f32
          %broadcast_in_dim3A_860 = vector.broadcast %broadcast_in_dim3A_859 : f32 to vector<16xf32>
          %swap3A_861 = arith.index_cast %while3A_451 : i32 to index
          %swap3A_862 = arith.constant 928 : index
          %swap3A_863 = tpu.vector_load %arg11[%swap3A_861, %swap3A_862] {strides = array<i32>} : memref<16x1024xf32, #tpu.memory_space<vmem>>, vector<1x16xf32>,
          %swap3A_864 = vector.shape_cast %swap3A_863 : vector<1x16xf32> to vector<16xf32>
          %swap3A_865 = vector.shape_cast %broadcast_in_dim3A_860 : vector<16xf32> to vector<1x16xf32>
          tpu.vector_store %arg11[%swap3A_861, %swap3A_862], %swap3A_865 {strides = array<i32>} : memref<16x1024xf32, #tpu.memory_space<vmem>>, vector<1x16xf32>,
          %broadcast_in_dim3A_866 = arith.constant 0.000000e+00 : f32
          %broadcast_in_dim3A_867 = vector.broadcast %broadcast_in_dim3A_866 : f32 to vector<16xf32>
          %swap3A_868 = arith.index_cast %while3A_451 : i32 to index
          %swap3A_869 = arith.constant 944 : index
          %swap3A_870 = tpu.vector_load %arg11[%swap3A_868, %swap3A_869] {strides = array<i32>} : memref<16x1024xf32, #tpu.memory_space<vmem>>, vector<1x16xf32>,
          %swap3A_871 = vector.shape_cast %swap3A_870 : vector<1x16xf32> to vector<16xf32>
          %swap3A_872 = vector.shape_cast %broadcast_in_dim3A_867 : vector<16xf32> to vector<1x16xf32>
          tpu.vector_store %arg11[%swap3A_868, %swap3A_869], %swap3A_872 {strides = array<i32>} : memref<16x1024xf32, #tpu.memory_space<vmem>>, vector<1x16xf32>,
          %broadcast_in_dim3A_873 = arith.constant 0.000000e+00 : f32
          %broadcast_in_dim3A_874 = vector.broadcast %broadcast_in_dim3A_873 : f32 to vector<16xf32>
          %swap3A_875 = arith.index_cast %while3A_451 : i32 to index
          %swap3A_876 = arith.constant 960 : index
          %swap3A_877 = tpu.vector_load %arg11[%swap3A_875, %swap3A_876] {strides = array<i32>} : memref<16x1024xf32, #tpu.memory_space<vmem>>, vector<1x16xf32>,
          %swap3A_878 = vector.shape_cast %swap3A_877 : vector<1x16xf32> to vector<16xf32>
          %swap3A_879 = vector.shape_cast %broadcast_in_dim3A_874 : vector<16xf32> to vector<1x16xf32>
          tpu.vector_store %arg11[%swap3A_875, %swap3A_876], %swap3A_879 {strides = array<i32>} : memref<16x1024xf32, #tpu.memory_space<vmem>>, vector<1x16xf32>,
          %broadcast_in_dim3A_880 = arith.constant 0.000000e+00 : f32
          %broadcast_in_dim3A_881 = vector.broadcast %broadcast_in_dim3A_880 : f32 to vector<16xf32>
          %swap3A_882 = arith.index_cast %while3A_451 : i32 to index
          %swap3A_883 = arith.constant 976 : index
          %swap3A_884 = tpu.vector_load %arg11[%swap3A_882, %swap3A_883] {strides = array<i32>} : memref<16x1024xf32, #tpu.memory_space<vmem>>, vector<1x16xf32>,
          %swap3A_885 = vector.shape_cast %swap3A_884 : vector<1x16xf32> to vector<16xf32>
          %swap3A_886 = vector.shape_cast %broadcast_in_dim3A_881 : vector<16xf32> to vector<1x16xf32>
          tpu.vector_store %arg11[%swap3A_882, %swap3A_883], %swap3A_886 {strides = array<i32>} : memref<16x1024xf32, #tpu.memory_space<vmem>>, vector<1x16xf32>,
          %broadcast_in_dim3A_887 = arith.constant 0.000000e+00 : f32
          %broadcast_in_dim3A_888 = vector.broadcast %broadcast_in_dim3A_887 : f32 to vector<16xf32>
          %swap3A_889 = arith.index_cast %while3A_451 : i32 to index
          %swap3A_890 = arith.constant 992 : index
          %swap3A_891 = tpu.vector_load %arg11[%swap3A_889, %swap3A_890] {strides = array<i32>} : memref<16x1024xf32, #tpu.memory_space<vmem>>, vector<1x16xf32>,
          %swap3A_892 = vector.shape_cast %swap3A_891 : vector<1x16xf32> to vector<16xf32>
          %swap3A_893 = vector.shape_cast %broadcast_in_dim3A_888 : vector<16xf32> to vector<1x16xf32>
          tpu.vector_store %arg11[%swap3A_889, %swap3A_890], %swap3A_893 {strides = array<i32>} : memref<16x1024xf32, #tpu.memory_space<vmem>>, vector<1x16xf32>,
          %broadcast_in_dim3A_894 = arith.constant 0.000000e+00 : f32
          %broadcast_in_dim3A_895 = vector.broadcast %broadcast_in_dim3A_894 : f32 to vector<16xf32>
          %swap3A_896 = arith.index_cast %while3A_451 : i32 to index
          %swap3A_897 = arith.constant 1008 : index
          %swap3A_898 = tpu.vector_load %arg11[%swap3A_896, %swap3A_897] {strides = array<i32>} : memref<16x1024xf32, #tpu.memory_space<vmem>>, vector<1x16xf32>,
          %swap3A_899 = vector.shape_cast %swap3A_898 : vector<1x16xf32> to vector<16xf32>
          %swap3A_900 = vector.shape_cast %broadcast_in_dim3A_895 : vector<16xf32> to vector<1x16xf32>
          tpu.vector_store %arg11[%swap3A_896, %swap3A_897], %swap3A_900 {strides = array<i32>} : memref<16x1024xf32, #tpu.memory_space<vmem>>, vector<1x16xf32>,
          %while3A_901 = arith.constant 0 : i32
          scf.yield %while3A_901 : i32
        }
        %while3A_449 = arith.constant 1 : i32
        %while3A_450 = scf.for %while3A_451 = %while3A_446 to %while3A_442 step %while3A_449 iter_args(%while3A_452 = %while3A_448) -> (i32)  : i32 {
          %broadcast_in_dim3A_453 = arith.constant 0.000000e+00 : f32
          %broadcast_in_dim3A_454 = vector.broadcast %broadcast_in_dim3A_453 : f32 to vector<16xf32>
          %swap3A_455 = arith.index_cast %while3A_451 : i32 to index
          %swap3A_456 = arith.constant 0 : index
          %swap3A_457 = tpu.vector_load %arg11[%swap3A_455, %swap3A_456] {strides = array<i32>} : memref<16x1024xf32, #tpu.memory_space<vmem>>, vector<1x16xf32>,
          %swap3A_458 = vector.shape_cast %swap3A_457 : vector<1x16xf32> to vector<16xf32>
          %swap3A_459 = vector.shape_cast %broadcast_in_dim3A_454 : vector<16xf32> to vector<1x16xf32>
          tpu.vector_store %arg11[%swap3A_455, %swap3A_456], %swap3A_459 {strides = array<i32>} : memref<16x1024xf32, #tpu.memory_space<vmem>>, vector<1x16xf32>,
          %broadcast_in_dim3A_460 = arith.constant 0.000000e+00 : f32
          %broadcast_in_dim3A_461 = vector.broadcast %broadcast_in_dim3A_460 : f32 to vector<16xf32>
          %swap3A_462 = arith.index_cast %while3A_451 : i32 to index
          %swap3A_463 = arith.constant 16 : index
          %swap3A_464 = tpu.vector_load %arg11[%swap3A_462, %swap3A_463] {strides = array<i32>} : memref<16x1024xf32, #tpu.memory_space<vmem>>, vector<1x16xf32>,
          %swap3A_465 = vector.shape_cast %swap3A_464 : vector<1x16xf32> to vector<16xf32>
          %swap3A_466 = vector.shape_cast %broadcast_in_dim3A_461 : vector<16xf32> to vector<1x16xf32>
          tpu.vector_store %arg11[%swap3A_462, %swap3A_463], %swap3A_466 {strides = array<i32>} : memref<16x1024xf32, #tpu.memory_space<vmem>>, vector<1x16xf32>,
          %broadcast_in_dim3A_467 = arith.constant 0.000000e+00 : f32
          %broadcast_in_dim3A_468 = vector.broadcast %broadcast_in_dim3A_467 : f32 to vector<16xf32>
          %swap3A_469 = arith.index_cast %while3A_451 : i32 to index
          %swap3A_470 = arith.constant 32 : index
          %swap3A_471 = tpu.vector_load %arg11[%swap3A_469, %swap3A_470] {strides = array<i32>} : memref<16x1024xf32, #tpu.memory_space<vmem>>, vector<1x16xf32>,
          %swap3A_472 = vector.shape_cast %swap3A_471 : vector<1x16xf32> to vector<16xf32>
          %swap3A_473 = vector.shape_cast %broadcast_in_dim3A_468 : vector<16xf32> to vector<1x16xf32>
          tpu.vector_store %arg11[%swap3A_469, %swap3A_470], %swap3A_473 {strides = array<i32>} : memref<16x1024xf32, #tpu.memory_space<vmem>>, vector<1x16xf32>,
          %broadcast_in_dim3A_474 = arith.constant 0.000000e+00 : f32
          %broadcast_in_dim3A_475 = vector.broadcast %broadcast_in_dim3A_474 : f32 to vector<16xf32>
          %swap3A_476 = arith.index_cast %while3A_451 : i32 to index
          %swap3A_477 = arith.constant 48 : index
          %swap3A_478 = tpu.vector_load %arg11[%swap3A_476, %swap3A_477] {strides = array<i32>} : memref<16x1024xf32, #tpu.memory_space<vmem>>, vector<1x16xf32>,
          %swap3A_479 = vector.shape_cast %swap3A_478 : vector<1x16xf32> to vector<16xf32>
          %swap3A_480 = vector.shape_cast %broadcast_in_dim3A_475 : vector<16xf32> to vector<1x16xf32>
          tpu.vector_store %arg11[%swap3A_476, %swap3A_477], %swap3A_480 {strides = array<i32>} : memref<16x1024xf32, #tpu.memory_space<vmem>>, vector<1x16xf32>,
          %broadcast_in_dim3A_481 = arith.constant 0.000000e+00 : f32
          %broadcast_in_dim3A_482 = vector.broadcast %broadcast_in_dim3A_481 : f32 to vector<16xf32>
          %swap3A_483 = arith.index_cast %while3A_451 : i32 to index
          %swap3A_484 = arith.constant 64 : index
          %swap3A_485 = tpu.vector_load %arg11[%swap3A_483, %swap3A_484] {strides = array<i32>} : memref<16x1024xf32, #tpu.memory_space<vmem>>, vector<1x16xf32>,
          %swap3A_486 = vector.shape_cast %swap3A_485 : vector<1x16xf32> to vector<16xf32>
          %swap3A_487 = vector.shape_cast %broadcast_in_dim3A_482 : vector<16xf32> to vector<1x16xf32>
          tpu.vector_store %arg11[%swap3A_483, %swap3A_484], %swap3A_487 {strides = array<i32>} : memref<16x1024xf32, #tpu.memory_space<vmem>>, vector<1x16xf32>,
          %broadcast_in_dim3A_488 = arith.constant 0.000000e+00 : f32
          %broadcast_in_dim3A_489 = vector.broadcast %broadcast_in_dim3A_488 : f32 to vector<16xf32>
          %swap3A_490 = arith.index_cast %while3A_451 : i32 to index
          %swap3A_491 = arith.constant 80 : index
          %swap3A_492 = tpu.vector_load %arg11[%swap3A_490, %swap3A_491] {strides = array<i32>} : memref<16x1024xf32, #tpu.memory_space<vmem>>, vector<1x16xf32>,
          %swap3A_493 = vector.shape_cast %swap3A_492 : vector<1x16xf32> to vector<16xf32>
          %swap3A_494 = vector.shape_cast %broadcast_in_dim3A_489 : vector<16xf32> to vector<1x16xf32>
          tpu.vector_store %arg11[%swap3A_490, %swap3A_491], %swap3A_494 {strides = array<i32>} : memref<16x1024xf32, #tpu.memory_space<vmem>>, vector<1x16xf32>,
          %broadcast_in_dim3A_495 = arith.constant 0.000000e+00 : f32
          %broadcast_in_dim3A_496 = vector.broadcast %broadcast_in_dim3A_495 : f32 to vector<16xf32>
          %swap3A_497 = arith.index_cast %while3A_451 : i32 to index
          %swap3A_498 = arith.constant 96 : index
          %swap3A_499 = tpu.vector_load %arg11[%swap3A_497, %swap3A_498] {strides = array<i32>} : memref<16x1024xf32, #tpu.memory_space<vmem>>, vector<1x16xf32>,
          %swap3A_500 = vector.shape_cast %swap3A_499 : vector<1x16xf32> to vector<16xf32>
          %swap3A_501 = vector.shape_cast %broadcast_in_dim3A_496 : vector<16xf32> to vector<1x16xf32>
          tpu.vector_store %arg11[%swap3A_497, %swap3A_498], %swap3A_501 {strides = array<i32>} : memref<16x1024xf32, #tpu.memory_space<vmem>>, vector<1x16xf32>,
          %broadcast_in_dim3A_502 = arith.constant 0.000000e+00 : f32
          %broadcast_in_dim3A_503 = vector.broadcast %broadcast_in_dim3A_502 : f32 to vector<16xf32>
          %swap3A_504 = arith.index_cast %while3A_451 : i32 to index
          %swap3A_505 = arith.constant 112 : index
          %swap3A_506 = tpu.vector_load %arg11[%swap3A_504, %swap3A_505] {strides = array<i32>} : memref<16x1024xf32, #tpu.memory_space<vmem>>, vector<1x16xf32>,
          %swap3A_507 = vector.shape_cast %swap3A_506 : vector<1x16xf32> to vector<16xf32>
          %swap3A_508 = vector.shape_cast %broadcast_in_dim3A_503 : vector<16xf32> to vector<1x16xf32>
          tpu.vector_store %arg11[%swap3A_504, %swap3A_505], %swap3A_508 {strides = array<i32>} : memref<16x1024xf32, #tpu.memory_space<vmem>>, vector<1x16xf32>,
          %broadcast_in_dim3A_509 = arith.constant 0.000000e+00 : f32
          %broadcast_in_dim3A_510 = vector.broadcast %broadcast_in_dim3A_509 : f32 to vector<16xf32>
          %swap3A_511 = arith.index_cast %while3A_451 : i32 to index
          %swap3A_512 = arith.constant 128 : index
          %swap3A_513 = tpu.vector_load %arg11[%swap3A_511, %swap3A_512] {strides = array<i32>} : memref<16x1024xf32, #tpu.memory_space<vmem>>, vector<1x16xf32>,
          %swap3A_514 = vector.shape_cast %swap3A_513 : vector<1x16xf32> to vector<16xf32>
          %swap3A_515 = vector.shape_cast %broadcast_in_dim3A_510 : vector<16xf32> to vector<1x16xf32>
          tpu.vector_store %arg11[%swap3A_511, %swap3A_512], %swap3A_515 {strides = array<i32>} : memref<16x1024xf32, #tpu.memory_space<vmem>>, vector<1x16xf32>,
          %broadcast_in_dim3A_516 = arith.constant 0.000000e+00 : f32
          %broadcast_in_dim3A_517 = vector.broadcast %broadcast_in_dim3A_516 : f32 to vector<16xf32>
          %swap3A_518 = arith.index_cast %while3A_451 : i32 to index
          %swap3A_519 = arith.constant 144 : index
          %swap3A_520 = tpu.vector_load %arg11[%swap3A_518, %swap3A_519] {strides = array<i32>} : memref<16x1024xf32, #tpu.memory_space<vmem>>, vector<1x16xf32>,
          %swap3A_521 = vector.shape_cast %swap3A_520 : vector<1x16xf32> to vector<16xf32>
          %swap3A_522 = vector.shape_cast %broadcast_in_dim3A_517 : vector<16xf32> to vector<1x16xf32>
          tpu.vector_store %arg11[%swap3A_518, %swap3A_519], %swap3A_522 {strides = array<i32>} : memref<16x1024xf32, #tpu.memory_space<vmem>>, vector<1x16xf32>,
          %broadcast_in_dim3A_523 = arith.constant 0.000000e+00 : f32
          %broadcast_in_dim3A_524 = vector.broadcast %broadcast_in_dim3A_523 : f32 to vector<16xf32>
          %swap3A_525 = arith.index_cast %while3A_451 : i32 to index
          %swap3A_526 = arith.constant 160 : index
          %swap3A_527 = tpu.vector_load %arg11[%swap3A_525, %swap3A_526] {strides = array<i32>} : memref<16x1024xf32, #tpu.memory_space<vmem>>, vector<1x16xf32>,
          %swap3A_528 = vector.shape_cast %swap3A_527 : vector<1x16xf32> to vector<16xf32>
          %swap3A_529 = vector.shape_cast %broadcast_in_dim3A_524 : vector<16xf32> to vector<1x16xf32>
          tpu.vector_store %arg11[%swap3A_525, %swap3A_526], %swap3A_529 {strides = array<i32>} : memref<16x1024xf32, #tpu.memory_space<vmem>>, vector<1x16xf32>,
          %broadcast_in_dim3A_530 = arith.constant 0.000000e+00 : f32
          %broadcast_in_dim3A_531 = vector.broadcast %broadcast_in_dim3A_530 : f32 to vector<16xf32>
          %swap3A_532 = arith.index_cast %while3A_451 : i32 to index
          %swap3A_533 = arith.constant 176 : index
          %swap3A_534 = tpu.vector_load %arg11[%swap3A_532, %swap3A_533] {strides = array<i32>} : memref<16x1024xf32, #tpu.memory_space<vmem>>, vector<1x16xf32>,
          %swap3A_535 = vector.shape_cast %swap3A_534 : vector<1x16xf32> to vector<16xf32>
          %swap3A_536 = vector.shape_cast %broadcast_in_dim3A_531 : vector<16xf32> to vector<1x16xf32>
          tpu.vector_store %arg11[%swap3A_532, %swap3A_533], %swap3A_536 {strides = array<i32>} : memref<16x1024xf32, #tpu.memory_space<vmem>>, vector<1x16xf32>,
          %broadcast_in_dim3A_537 = arith.constant 0.000000e+00 : f32
          %broadcast_in_dim3A_538 = vector.broadcast %broadcast_in_dim3A_537 : f32 to vector<16xf32>
          %swap3A_539 = arith.index_cast %while3A_451 : i32 to index
          %swap3A_540 = arith.constant 192 : index
          %swap3A_541 = tpu.vector_load %arg11[%swap3A_539, %swap3A_540] {strides = array<i32>} : memref<16x1024xf32, #tpu.memory_space<vmem>>, vector<1x16xf32>,
          %swap3A_542 = vector.shape_cast %swap3A_541 : vector<1x16xf32> to vector<16xf32>
          %swap3A_543 = vector.shape_cast %broadcast_in_dim3A_538 : vector<16xf32> to vector<1x16xf32>
          tpu.vector_store %arg11[%swap3A_539, %swap3A_540], %swap3A_543 {strides = array<i32>} : memref<16x1024xf32, #tpu.memory_space<vmem>>, vector<1x16xf32>,
          %broadcast_in_dim3A_544 = arith.constant 0.000000e+00 : f32
          %broadcast_in_dim3A_545 = vector.broadcast %broadcast_in_dim3A_544 : f32 to vector<16xf32>
          %swap3A_546 = arith.index_cast %while3A_451 : i32 to index
          %swap3A_547 = arith.constant 208 : index
          %swap3A_548 = tpu.vector_load %arg11[%swap3A_546, %swap3A_547] {strides = array<i32>} : memref<16x1024xf32, #tpu.memory_space<vmem>>, vector<1x16xf32>,
          %swap3A_549 = vector.shape_cast %swap3A_548 : vector<1x16xf32> to vector<16xf32>
          %swap3A_550 = vector.shape_cast %broadcast_in_dim3A_545 : vector<16xf32> to vector<1x16xf32>
          tpu.vector_store %arg11[%swap3A_546, %swap3A_547], %swap3A_550 {strides = array<i32>} : memref<16x1024xf32, #tpu.memory_space<vmem>>, vector<1x16xf32>,
          %broadcast_in_dim3A_551 = arith.constant 0.000000e+00 : f32
          %broadcast_in_dim3A_552 = vector.broadcast %broadcast_in_dim3A_551 : f32 to vector<16xf32>
          %swap3A_553 = arith.index_cast %while3A_451 : i32 to index
          %swap3A_554 = arith.constant 224 : index
          %swap3A_555 = tpu.vector_load %arg11[%swap3A_553, %swap3A_554] {strides = array<i32>} : memref<16x1024xf32, #tpu.memory_space<vmem>>, vector<1x16xf32>,
          %swap3A_556 = vector.shape_cast %swap3A_555 : vector<1x16xf32> to vector<16xf32>
          %swap3A_557 = vector.shape_cast %broadcast_in_dim3A_552 : vector<16xf32> to vector<1x16xf32>
          tpu.vector_store %arg11[%swap3A_553, %swap3A_554], %swap3A_557 {strides = array<i32>} : memref<16x1024xf32, #tpu.memory_space<vmem>>, vector<1x16xf32>,
          %broadcast_in_dim3A_558 = arith.constant 0.000000e+00 : f32
          %broadcast_in_dim3A_559 = vector.broadcast %broadcast_in_dim3A_558 : f32 to vector<16xf32>
          %swap3A_560 = arith.index_cast %while3A_451 : i32 to index
          %swap3A_561 = arith.constant 240 : index
          %swap3A_562 = tpu.vector_load %arg11[%swap3A_560, %swap3A_561] {strides = array<i32>} : memref<16x1024xf32, #tpu.memory_space<vmem>>, vector<1x16xf32>,
          %swap3A_563 = vector.shape_cast %swap3A_562 : vector<1x16xf32> to vector<16xf32>
          %swap3A_564 = vector.shape_cast %broadcast_in_dim3A_559 : vector<16xf32> to vector<1x16xf32>
          tpu.vector_store %arg11[%swap3A_560, %swap3A_561], %swap3A_564 {strides = array<i32>} : memref<16x1024xf32, #tpu.memory_space<vmem>>, vector<1x16xf32>,
          %broadcast_in_dim3A_565 = arith.constant 0.000000e+00 : f32
          %broadcast_in_dim3A_566 = vector.broadcast %broadcast_in_dim3A_565 : f32 to vector<16xf32>
          %swap3A_567 = arith.index_cast %while3A_451 : i32 to index
          %swap3A_568 = arith.constant 256 : index
          %swap3A_569 = tpu.vector_load %arg11[%swap3A_567, %swap3A_568] {strides = array<i32>} : memref<16x1024xf32, #tpu.memory_space<vmem>>, vector<1x16xf32>,
          %swap3A_570 = vector.shape_cast %swap3A_569 : vector<1x16xf32> to vector<16xf32>
          %swap3A_571 = vector.shape_cast %broadcast_in_dim3A_566 : vector<16xf32> to vector<1x16xf32>
          tpu.vector_store %arg11[%swap3A_567, %swap3A_568], %swap3A_571 {strides = array<i32>} : memref<16x1024xf32, #tpu.memory_space<vmem>>, vector<1x16xf32>,
          %broadcast_in_dim3A_572 = arith.constant 0.000000e+00 : f32
          %broadcast_in_dim3A_573 = vector.broadcast %broadcast_in_dim3A_572 : f32 to vector<16xf32>
          %swap3A_574 = arith.index_cast %while3A_451 : i32 to index
          %swap3A_575 = arith.constant 272 : index
          %swap3A_576 = tpu.vector_load %arg11[%swap3A_574, %swap3A_575] {strides = array<i32>} : memref<16x1024xf32, #tpu.memory_space<vmem>>, vector<1x16xf32>,
          %swap3A_577 = vector.shape_cast %swap3A_576 : vector<1x16xf32> to vector<16xf32>
          %swap3A_578 = vector.shape_cast %broadcast_in_dim3A_573 : vector<16xf32> to vector<1x16xf32>
          tpu.vector_store %arg11[%swap3A_574, %swap3A_575], %swap3A_578 {strides = array<i32>} : memref<16x1024xf32, #tpu.memory_space<vmem>>, vector<1x16xf32>,
          %broadcast_in_dim3A_579 = arith.constant 0.000000e+00 : f32
          %broadcast_in_dim3A_580 = vector.broadcast %broadcast_in_dim3A_579 : f32 to vector<16xf32>
          %swap3A_581 = arith.index_cast %while3A_451 : i32 to index
          %swap3A_582 = arith.constant 288 : index
          %swap3A_583 = tpu.vector_load %arg11[%swap3A_581, %swap3A_582] {strides = array<i32>} : memref<16x1024xf32, #tpu.memory_space<vmem>>, vector<1x16xf32>,
          %swap3A_584 = vector.shape_cast %swap3A_583 : vector<1x16xf32> to vector<16xf32>
          %swap3A_585 = vector.shape_cast %broadcast_in_dim3A_580 : vector<16xf32> to vector<1x16xf32>
          tpu.vector_store %arg11[%swap3A_581, %swap3A_582], %swap3A_585 {strides = array<i32>} : memref<16x1024xf32, #tpu.memory_space<vmem>>, vector<1x16xf32>,
          %broadcast_in_dim3A_586 = arith.constant 0.000000e+00 : f32
          %broadcast_in_dim3A_587 = vector.broadcast %broadcast_in_dim3A_586 : f32 to vector<16xf32>
          %swap3A_588 = arith.index_cast %while3A_451 : i32 to index
          %swap3A_589 = arith.constant 304 : index
          %swap3A_590 = tpu.vector_load %arg11[%swap3A_588, %swap3A_589] {strides = array<i32>} : memref<16x1024xf32, #tpu.memory_space<vmem>>, vector<1x16xf32>,
          %swap3A_591 = vector.shape_cast %swap3A_590 : vector<1x16xf32> to vector<16xf32>
          %swap3A_592 = vector.shape_cast %broadcast_in_dim3A_587 : vector<16xf32> to vector<1x16xf32>
          tpu.vector_store %arg11[%swap3A_588, %swap3A_589], %swap3A_592 {strides = array<i32>} : memref<16x1024xf32, #tpu.memory_space<vmem>>, vector<1x16xf32>,
          %broadcast_in_dim3A_593 = arith.constant 0.000000e+00 : f32
          %broadcast_in_dim3A_594 = vector.broadcast %broadcast_in_dim3A_593 : f32 to vector<16xf32>
          %swap3A_595 = arith.index_cast %while3A_451 : i32 to index
          %swap3A_596 = arith.constant 320 : index
          %swap3A_597 = tpu.vector_load %arg11[%swap3A_595, %swap3A_596] {strides = array<i32>} : memref<16x1024xf32, #tpu.memory_space<vmem>>, vector<1x16xf32>,
          %swap3A_598 = vector.shape_cast %swap3A_597 : vector<1x16xf32> to vector<16xf32>
          %swap3A_599 = vector.shape_cast %broadcast_in_dim3A_594 : vector<16xf32> to vector<1x16xf32>
          tpu.vector_store %arg11[%swap3A_595, %swap3A_596], %swap3A_599 {strides = array<i32>} : memref<16x1024xf32, #tpu.memory_space<vmem>>, vector<1x16xf32>,
          %broadcast_in_dim3A_600 = arith.constant 0.000000e+00 : f32
          %broadcast_in_dim3A_601 = vector.broadcast %broadcast_in_dim3A_600 : f32 to vector<16xf32>
          %swap3A_602 = arith.index_cast %while3A_451 : i32 to index
          %swap3A_603 = arith.constant 336 : index
          %swap3A_604 = tpu.vector_load %arg11[%swap3A_602, %swap3A_603] {strides = array<i32>} : memref<16x1024xf32, #tpu.memory_space<vmem>>, vector<1x16xf32>,
          %swap3A_605 = vector.shape_cast %swap3A_604 : vector<1x16xf32> to vector<16xf32>
          %swap3A_606 = vector.shape_cast %broadcast_in_dim3A_601 : vector<16xf32> to vector<1x16xf32>
          tpu.vector_store %arg11[%swap3A_602, %swap3A_603], %swap3A_606 {strides = array<i32>} : memref<16x1024xf32, #tpu.memory_space<vmem>>, vector<1x16xf32>,
          %broadcast_in_dim3A_607 = arith.constant 0.000000e+00 : f32
          %broadcast_in_dim3A_608 = vector.broadcast %broadcast_in_dim3A_607 : f32 to vector<16xf32>
          %swap3A_609 = arith.index_cast %while3A_451 : i32 to index
          %swap3A_610 = arith.constant 352 : index
          %swap3A_611 = tpu.vector_load %arg11[%swap3A_609, %swap3A_610] {strides = array<i32>} : memref<16x1024xf32, #tpu.memory_space<vmem>>, vector<1x16xf32>,
          %swap3A_612 = vector.shape_cast %swap3A_611 : vector<1x16xf32> to vector<16xf32>
          %swap3A_613 = vector.shape_cast %broadcast_in_dim3A_608 : vector<16xf32> to vector<1x16xf32>
          tpu.vector_store %arg11[%swap3A_609, %swap3A_610], %swap3A_613 {strides = array<i32>} : memref<16x1024xf32, #tpu.memory_space<vmem>>, vector<1x16xf32>,
          %broadcast_in_dim3A_614 = arith.constant 0.000000e+00 : f32
          %broadcast_in_dim3A_615 = vector.broadcast %broadcast_in_dim3A_614 : f32 to vector<16xf32>
          %swap3A_616 = arith.index_cast %while3A_451 : i32 to index
          %swap3A_617 = arith.constant 368 : index
          %swap3A_618 = tpu.vector_load %arg11[%swap3A_616, %swap3A_617] {strides = array<i32>} : memref<16x1024xf32, #tpu.memory_space<vmem>>, vector<1x16xf32>,
          %swap3A_619 = vector.shape_cast %swap3A_618 : vector<1x16xf32> to vector<16xf32>
          %swap3A_620 = vector.shape_cast %broadcast_in_dim3A_615 : vector<16xf32> to vector<1x16xf32>
          tpu.vector_store %arg11[%swap3A_616, %swap3A_617], %swap3A_620 {strides = array<i32>} : memref<16x1024xf32, #tpu.memory_space<vmem>>, vector<1x16xf32>,
          %broadcast_in_dim3A_621 = arith.constant 0.000000e+00 : f32
          %broadcast_in_dim3A_622 = vector.broadcast %broadcast_in_dim3A_621 : f32 to vector<16xf32>
          %swap3A_623 = arith.index_cast %while3A_451 : i32 to index
          %swap3A_624 = arith.constant 384 : index
          %swap3A_625 = tpu.vector_load %arg11[%swap3A_623, %swap3A_624] {strides = array<i32>} : memref<16x1024xf32, #tpu.memory_space<vmem>>, vector<1x16xf32>,
          %swap3A_626 = vector.shape_cast %swap3A_625 : vector<1x16xf32> to vector<16xf32>
          %swap3A_627 = vector.shape_cast %broadcast_in_dim3A_622 : vector<16xf32> to vector<1x16xf32>
          tpu.vector_store %arg11[%swap3A_623, %swap3A_624], %swap3A_627 {strides = array<i32>} : memref<16x1024xf32, #tpu.memory_space<vmem>>, vector<1x16xf32>,
          %broadcast_in_dim3A_628 = arith.constant 0.000000e+00 : f32
          %broadcast_in_dim3A_629 = vector.broadcast %broadcast_in_dim3A_628 : f32 to vector<16xf32>
          %swap3A_630 = arith.index_cast %while3A_451 : i32 to index
          %swap3A_631 = arith.constant 400 : index
          %swap3A_632 = tpu.vector_load %arg11[%swap3A_630, %swap3A_631] {strides = array<i32>} : memref<16x1024xf32, #tpu.memory_space<vmem>>, vector<1x16xf32>,
          %swap3A_633 = vector.shape_cast %swap3A_632 : vector<1x16xf32> to vector<16xf32>
          %swap3A_634 = vector.shape_cast %broadcast_in_dim3A_629 : vector<16xf32> to vector<1x16xf32>
          tpu.vector_store %arg11[%swap3A_630, %swap3A_631], %swap3A_634 {strides = array<i32>} : memref<16x1024xf32, #tpu.memory_space<vmem>>, vector<1x16xf32>,
          %broadcast_in_dim3A_635 = arith.constant 0.000000e+00 : f32
          %broadcast_in_dim3A_636 = vector.broadcast %broadcast_in_dim3A_635 : f32 to vector<16xf32>
          %swap3A_637 = arith.index_cast %while3A_451 : i32 to index
          %swap3A_638 = arith.constant 416 : index
          %swap3A_639 = tpu.vector_load %arg11[%swap3A_637, %swap3A_638] {strides = array<i32>} : memref<16x1024xf32, #tpu.memory_space<vmem>>, vector<1x16xf32>,
          %swap3A_640 = vector.shape_cast %swap3A_639 : vector<1x16xf32> to vector<16xf32>
          %swap3A_641 = vector.shape_cast %broadcast_in_dim3A_636 : vector<16xf32> to vector<1x16xf32>
          tpu.vector_store %arg11[%swap3A_637, %swap3A_638], %swap3A_641 {strides = array<i32>} : memref<16x1024xf32, #tpu.memory_space<vmem>>, vector<1x16xf32>,
          %broadcast_in_dim3A_642 = arith.constant 0.000000e+00 : f32
          %broadcast_in_dim3A_643 = vector.broadcast %broadcast_in_dim3A_642 : f32 to vector<16xf32>
          %swap3A_644 = arith.index_cast %while3A_451 : i32 to index
          %swap3A_645 = arith.constant 432 : index
          %swap3A_646 = tpu.vector_load %arg11[%swap3A_644, %swap3A_645] {strides = array<i32>} : memref<16x1024xf32, #tpu.memory_space<vmem>>, vector<1x16xf32>,
          %swap3A_647 = vector.shape_cast %swap3A_646 : vector<1x16xf32> to vector<16xf32>
          %swap3A_648 = vector.shape_cast %broadcast_in_dim3A_643 : vector<16xf32> to vector<1x16xf32>
          tpu.vector_store %arg11[%swap3A_644, %swap3A_645], %swap3A_648 {strides = array<i32>} : memref<16x1024xf32, #tpu.memory_space<vmem>>, vector<1x16xf32>,
          %broadcast_in_dim3A_649 = arith.constant 0.000000e+00 : f32
          %broadcast_in_dim3A_650 = vector.broadcast %broadcast_in_dim3A_649 : f32 to vector<16xf32>
          %swap3A_651 = arith.index_cast %while3A_451 : i32 to index
          %swap3A_652 = arith.constant 448 : index
          %swap3A_653 = tpu.vector_load %arg11[%swap3A_651, %swap3A_652] {strides = array<i32>} : memref<16x1024xf32, #tpu.memory_space<vmem>>, vector<1x16xf32>,
          %swap3A_654 = vector.shape_cast %swap3A_653 : vector<1x16xf32> to vector<16xf32>
          %swap3A_655 = vector.shape_cast %broadcast_in_dim3A_650 : vector<16xf32> to vector<1x16xf32>
          tpu.vector_store %arg11[%swap3A_651, %swap3A_652], %swap3A_655 {strides = array<i32>} : memref<16x1024xf32, #tpu.memory_space<vmem>>, vector<1x16xf32>,
          %broadcast_in_dim3A_656 = arith.constant 0.000000e+00 : f32
          %broadcast_in_dim3A_657 = vector.broadcast %broadcast_in_dim3A_656 : f32 to vector<16xf32>
          %swap3A_658 = arith.index_cast %while3A_451 : i32 to index
          %swap3A_659 = arith.constant 464 : index
          %swap3A_660 = tpu.vector_load %arg11[%swap3A_658, %swap3A_659] {strides = array<i32>} : memref<16x1024xf32, #tpu.memory_space<vmem>>, vector<1x16xf32>,
          %swap3A_661 = vector.shape_cast %swap3A_660 : vector<1x16xf32> to vector<16xf32>
          %swap3A_662 = vector.shape_cast %broadcast_in_dim3A_657 : vector<16xf32> to vector<1x16xf32>
          tpu.vector_store %arg11[%swap3A_658, %swap3A_659], %swap3A_662 {strides = array<i32>} : memref<16x1024xf32, #tpu.memory_space<vmem>>, vector<1x16xf32>,
          %broadcast_in_dim3A_663 = arith.constant 0.000000e+00 : f32
          %broadcast_in_dim3A_664 = vector.broadcast %broadcast_in_dim3A_663 : f32 to vector<16xf32>
          %swap3A_665 = arith.index_cast %while3A_451 : i32 to index
          %swap3A_666 = arith.constant 480 : index
          %swap3A_667 = tpu.vector_load %arg11[%swap3A_665, %swap3A_666] {strides = array<i32>} : memref<16x1024xf32, #tpu.memory_space<vmem>>, vector<1x16xf32>,
          %swap3A_668 = vector.shape_cast %swap3A_667 : vector<1x16xf32> to vector<16xf32>
          %swap3A_669 = vector.shape_cast %broadcast_in_dim3A_664 : vector<16xf32> to vector<1x16xf32>
          tpu.vector_store %arg11[%swap3A_665, %swap3A_666], %swap3A_669 {strides = array<i32>} : memref<16x1024xf32, #tpu.memory_space<vmem>>, vector<1x16xf32>,
          %broadcast_in_dim3A_670 = arith.constant 0.000000e+00 : f32
          %broadcast_in_dim3A_671 = vector.broadcast %broadcast_in_dim3A_670 : f32 to vector<16xf32>
          %swap3A_672 = arith.index_cast %while3A_451 : i32 to index
          %swap3A_673 = arith.constant 496 : index
          %swap3A_674 = tpu.vector_load %arg11[%swap3A_672, %swap3A_673] {strides = array<i32>} : memref<16x1024xf32, #tpu.memory_space<vmem>>, vector<1x16xf32>,
          %swap3A_675 = vector.shape_cast %swap3A_674 : vector<1x16xf32> to vector<16xf32>
          %swap3A_676 = vector.shape_cast %broadcast_in_dim3A_671 : vector<16xf32> to vector<1x16xf32>
          tpu.vector_store %arg11[%swap3A_672, %swap3A_673], %swap3A_676 {strides = array<i32>} : memref<16x1024xf32, #tpu.memory_space<vmem>>, vector<1x16xf32>,
          %broadcast_in_dim3A_677 = arith.constant 0.000000e+00 : f32
          %broadcast_in_dim3A_678 = vector.broadcast %broadcast_in_dim3A_677 : f32 to vector<16xf32>
          %swap3A_679 = arith.index_cast %while3A_451 : i32 to index
          %swap3A_680 = arith.constant 512 : index
          %swap3A_681 = tpu.vector_load %arg11[%swap3A_679, %swap3A_680] {strides = array<i32>} : memref<16x1024xf32, #tpu.memory_space<vmem>>, vector<1x16xf32>,
          %swap3A_682 = vector.shape_cast %swap3A_681 : vector<1x16xf32> to vector<16xf32>
          %swap3A_683 = vector.shape_cast %broadcast_in_dim3A_678 : vector<16xf32> to vector<1x16xf32>
          tpu.vector_store %arg11[%swap3A_679, %swap3A_680], %swap3A_683 {strides = array<i32>} : memref<16x1024xf32, #tpu.memory_space<vmem>>, vector<1x16xf32>,
          %broadcast_in_dim3A_684 = arith.constant 0.000000e+00 : f32
          %broadcast_in_dim3A_685 = vector.broadcast %broadcast_in_dim3A_684 : f32 to vector<16xf32>
          %swap3A_686 = arith.index_cast %while3A_451 : i32 to index
          %swap3A_687 = arith.constant 528 : index
          %swap3A_688 = tpu.vector_load %arg11[%swap3A_686, %swap3A_687] {strides = array<i32>} : memref<16x1024xf32, #tpu.memory_space<vmem>>, vector<1x16xf32>,
          %swap3A_689 = vector.shape_cast %swap3A_688 : vector<1x16xf32> to vector<16xf32>
          %swap3A_690 = vector.shape_cast %broadcast_in_dim3A_685 : vector<16xf32> to vector<1x16xf32>
          tpu.vector_store %arg11[%swap3A_686, %swap3A_687], %swap3A_690 {strides = array<i32>} : memref<16x1024xf32, #tpu.memory_space<vmem>>, vector<1x16xf32>,
          %broadcast_in_dim3A_691 = arith.constant 0.000000e+00 : f32
          %broadcast_in_dim3A_692 = vector.broadcast %broadcast_in_dim3A_691 : f32 to vector<16xf32>
          %swap3A_693 = arith.index_cast %while3A_451 : i32 to index
          %swap3A_694 = arith.constant 544 : index
          %swap3A_695 = tpu.vector_load %arg11[%swap3A_693, %swap3A_694] {strides = array<i32>} : memref<16x1024xf32, #tpu.memory_space<vmem>>, vector<1x16xf32>,
          %swap3A_696 = vector.shape_cast %swap3A_695 : vector<1x16xf32> to vector<16xf32>
          %swap3A_697 = vector.shape_cast %broadcast_in_dim3A_692 : vector<16xf32> to vector<1x16xf32>
          tpu.vector_store %arg11[%swap3A_693, %swap3A_694], %swap3A_697 {strides = array<i32>} : memref<16x1024xf32, #tpu.memory_space<vmem>>, vector<1x16xf32>,
          %broadcast_in_dim3A_698 = arith.constant 0.000000e+00 : f32
          %broadcast_in_dim3A_699 = vector.broadcast %broadcast_in_dim3A_698 : f32 to vector<16xf32>
          %swap3A_700 = arith.index_cast %while3A_451 : i32 to index
          %swap3A_701 = arith.constant 560 : index
          %swap3A_702 = tpu.vector_load %arg11[%swap3A_700, %swap3A_701] {strides = array<i32>} : memref<16x1024xf32, #tpu.memory_space<vmem>>, vector<1x16xf32>,
          %swap3A_703 = vector.shape_cast %swap3A_702 : vector<1x16xf32> to vector<16xf32>
          %swap3A_704 = vector.shape_cast %broadcast_in_dim3A_699 : vector<16xf32> to vector<1x16xf32>
          tpu.vector_store %arg11[%swap3A_700, %swap3A_701], %swap3A_704 {strides = array<i32>} : memref<16x1024xf32, #tpu.memory_space<vmem>>, vector<1x16xf32>,
          %broadcast_in_dim3A_705 = arith.constant 0.000000e+00 : f32
          %broadcast_in_dim3A_706 = vector.broadcast %broadcast_in_dim3A_705 : f32 to vector<16xf32>
          %swap3A_707 = arith.index_cast %while3A_451 : i32 to index
          %swap3A_708 = arith.constant 576 : index
          %swap3A_709 = tpu.vector_load %arg11[%swap3A_707, %swap3A_708] {strides = array<i32>} : memref<16x1024xf32, #tpu.memory_space<vmem>>, vector<1x16xf32>,
          %swap3A_710 = vector.shape_cast %swap3A_709 : vector<1x16xf32> to vector<16xf32>
          %swap3A_711 = vector.shape_cast %broadcast_in_dim3A_706 : vector<16xf32> to vector<1x16xf32>
          tpu.vector_store %arg11[%swap3A_707, %swap3A_708], %swap3A_711 {strides = array<i32>} : memref<16x1024xf32, #tpu.memory_space<vmem>>, vector<1x16xf32>,
          %broadcast_in_dim3A_712 = arith.constant 0.000000e+00 : f32
          %broadcast_in_dim3A_713 = vector.broadcast %broadcast_in_dim3A_712 : f32 to vector<16xf32>
          %swap3A_714 = arith.index_cast %while3A_451 : i32 to index
          %swap3A_715 = arith.constant 592 : index
          %swap3A_716 = tpu.vector_load %arg11[%swap3A_714, %swap3A_715] {strides = array<i32>} : memref<16x1024xf32, #tpu.memory_space<vmem>>, vector<1x16xf32>,
          %swap3A_717 = vector.shape_cast %swap3A_716 : vector<1x16xf32> to vector<16xf32>
          %swap3A_718 = vector.shape_cast %broadcast_in_dim3A_713 : vector<16xf32> to vector<1x16xf32>
          tpu.vector_store %arg11[%swap3A_714, %swap3A_715], %swap3A_718 {strides = array<i32>} : memref<16x1024xf32, #tpu.memory_space<vmem>>, vector<1x16xf32>,
          %broadcast_in_dim3A_719 = arith.constant 0.000000e+00 : f32
          %broadcast_in_dim3A_720 = vector.broadcast %broadcast_in_dim3A_719 : f32 to vector<16xf32>
          %swap3A_721 = arith.index_cast %while3A_451 : i32 to index
          %swap3A_722 = arith.constant 608 : index
          %swap3A_723 = tpu.vector_load %arg11[%swap3A_721, %swap3A_722] {strides = array<i32>} : memref<16x1024xf32, #tpu.memory_space<vmem>>, vector<1x16xf32>,
          %swap3A_724 = vector.shape_cast %swap3A_723 : vector<1x16xf32> to vector<16xf32>
          %swap3A_725 = vector.shape_cast %broadcast_in_dim3A_720 : vector<16xf32> to vector<1x16xf32>
          tpu.vector_store %arg11[%swap3A_721, %swap3A_722], %swap3A_725 {strides = array<i32>} : memref<16x1024xf32, #tpu.memory_space<vmem>>, vector<1x16xf32>,
          %broadcast_in_dim3A_726 = arith.constant 0.000000e+00 : f32
          %broadcast_in_dim3A_727 = vector.broadcast %broadcast_in_dim3A_726 : f32 to vector<16xf32>
          %swap3A_728 = arith.index_cast %while3A_451 : i32 to index
          %swap3A_729 = arith.constant 624 : index
          %swap3A_730 = tpu.vector_load %arg11[%swap3A_728, %swap3A_729] {strides = array<i32>} : memref<16x1024xf32, #tpu.memory_space<vmem>>, vector<1x16xf32>,
          %swap3A_731 = vector.shape_cast %swap3A_730 : vector<1x16xf32> to vector<16xf32>
          %swap3A_732 = vector.shape_cast %broadcast_in_dim3A_727 : vector<16xf32> to vector<1x16xf32>
          tpu.vector_store %arg11[%swap3A_728, %swap3A_729], %swap3A_732 {strides = array<i32>} : memref<16x1024xf32, #tpu.memory_space<vmem>>, vector<1x16xf32>,
          %broadcast_in_dim3A_733 = arith.constant 0.000000e+00 : f32
          %broadcast_in_dim3A_734 = vector.broadcast %broadcast_in_dim3A_733 : f32 to vector<16xf32>
          %swap3A_735 = arith.index_cast %while3A_451 : i32 to index
          %swap3A_736 = arith.constant 640 : index
          %swap3A_737 = tpu.vector_load %arg11[%swap3A_735, %swap3A_736] {strides = array<i32>} : memref<16x1024xf32, #tpu.memory_space<vmem>>, vector<1x16xf32>,
          %swap3A_738 = vector.shape_cast %swap3A_737 : vector<1x16xf32> to vector<16xf32>
          %swap3A_739 = vector.shape_cast %broadcast_in_dim3A_734 : vector<16xf32> to vector<1x16xf32>
          tpu.vector_store %arg11[%swap3A_735, %swap3A_736], %swap3A_739 {strides = array<i32>} : memref<16x1024xf32, #tpu.memory_space<vmem>>, vector<1x16xf32>,
          %broadcast_in_dim3A_740 = arith.constant 0.000000e+00 : f32
          %broadcast_in_dim3A_741 = vector.broadcast %broadcast_in_dim3A_740 : f32 to vector<16xf32>
          %swap3A_742 = arith.index_cast %while3A_451 : i32 to index
          %swap3A_743 = arith.constant 656 : index
          %swap3A_744 = tpu.vector_load %arg11[%swap3A_742, %swap3A_743] {strides = array<i32>} : memref<16x1024xf32, #tpu.memory_space<vmem>>, vector<1x16xf32>,
          %swap3A_745 = vector.shape_cast %swap3A_744 : vector<1x16xf32> to vector<16xf32>
          %swap3A_746 = vector.shape_cast %broadcast_in_dim3A_741 : vector<16xf32> to vector<1x16xf32>
          tpu.vector_store %arg11[%swap3A_742, %swap3A_743], %swap3A_746 {strides = array<i32>} : memref<16x1024xf32, #tpu.memory_space<vmem>>, vector<1x16xf32>,
          %broadcast_in_dim3A_747 = arith.constant 0.000000e+00 : f32
          %broadcast_in_dim3A_748 = vector.broadcast %broadcast_in_dim3A_747 : f32 to vector<16xf32>
          %swap3A_749 = arith.index_cast %while3A_451 : i32 to index
          %swap3A_750 = arith.constant 672 : index
          %swap3A_751 = tpu.vector_load %arg11[%swap3A_749, %swap3A_750] {strides = array<i32>} : memref<16x1024xf32, #tpu.memory_space<vmem>>, vector<1x16xf32>,
          %swap3A_752 = vector.shape_cast %swap3A_751 : vector<1x16xf32> to vector<16xf32>
          %swap3A_753 = vector.shape_cast %broadcast_in_dim3A_748 : vector<16xf32> to vector<1x16xf32>
          tpu.vector_store %arg11[%swap3A_749, %swap3A_750], %swap3A_753 {strides = array<i32>} : memref<16x1024xf32, #tpu.memory_space<vmem>>, vector<1x16xf32>,
          %broadcast_in_dim3A_754 = arith.constant 0.000000e+00 : f32
          %broadcast_in_dim3A_755 = vector.broadcast %broadcast_in_dim3A_754 : f32 to vector<16xf32>
          %swap3A_756 = arith.index_cast %while3A_451 : i32 to index
          %swap3A_757 = arith.constant 688 : index
          %swap3A_758 = tpu.vector_load %arg11[%swap3A_756, %swap3A_757] {strides = array<i32>} : memref<16x1024xf32, #tpu.memory_space<vmem>>, vector<1x16xf32>,
          %swap3A_759 = vector.shape_cast %swap3A_758 : vector<1x16xf32> to vector<16xf32>
          %swap3A_760 = vector.shape_cast %broadcast_in_dim3A_755 : vector<16xf32> to vector<1x16xf32>
          tpu.vector_store %arg11[%swap3A_756, %swap3A_757], %swap3A_760 {strides = array<i32>} : memref<16x1024xf32, #tpu.memory_space<vmem>>, vector<1x16xf32>,
          %broadcast_in_dim3A_761 = arith.constant 0.000000e+00 : f32
          %broadcast_in_dim3A_762 = vector.broadcast %broadcast_in_dim3A_761 : f32 to vector<16xf32>
          %swap3A_763 = arith.index_cast %while3A_451 : i32 to index
          %swap3A_764 = arith.constant 704 : index
          %swap3A_765 = tpu.vector_load %arg11[%swap3A_763, %swap3A_764] {strides = array<i32>} : memref<16x1024xf32, #tpu.memory_space<vmem>>, vector<1x16xf32>,
          %swap3A_766 = vector.shape_cast %swap3A_765 : vector<1x16xf32> to vector<16xf32>
          %swap3A_767 = vector.shape_cast %broadcast_in_dim3A_762 : vector<16xf32> to vector<1x16xf32>
          tpu.vector_store %arg11[%swap3A_763, %swap3A_764], %swap3A_767 {strides = array<i32>} : memref<16x1024xf32, #tpu.memory_space<vmem>>, vector<1x16xf32>,
          %broadcast_in_dim3A_768 = arith.constant 0.000000e+00 : f32
          %broadcast_in_dim3A_769 = vector.broadcast %broadcast_in_dim3A_768 : f32 to vector<16xf32>
          %swap3A_770 = arith.index_cast %while3A_451 : i32 to index
          %swap3A_771 = arith.constant 720 : index
          %swap3A_772 = tpu.vector_load %arg11[%swap3A_770, %swap3A_771] {strides = array<i32>} : memref<16x1024xf32, #tpu.memory_space<vmem>>, vector<1x16xf32>,
          %swap3A_773 = vector.shape_cast %swap3A_772 : vector<1x16xf32> to vector<16xf32>
          %swap3A_774 = vector.shape_cast %broadcast_in_dim3A_769 : vector<16xf32> to vector<1x16xf32>
          tpu.vector_store %arg11[%swap3A_770, %swap3A_771], %swap3A_774 {strides = array<i32>} : memref<16x1024xf32, #tpu.memory_space<vmem>>, vector<1x16xf32>,
          %broadcast_in_dim3A_775 = arith.constant 0.000000e+00 : f32
          %broadcast_in_dim3A_776 = vector.broadcast %broadcast_in_dim3A_775 : f32 to vector<16xf32>
          %swap3A_777 = arith.index_cast %while3A_451 : i32 to index
          %swap3A_778 = arith.constant 736 : index
          %swap3A_779 = tpu.vector_load %arg11[%swap3A_777, %swap3A_778] {strides = array<i32>} : memref<16x1024xf32, #tpu.memory_space<vmem>>, vector<1x16xf32>,
          %swap3A_780 = vector.shape_cast %swap3A_779 : vector<1x16xf32> to vector<16xf32>
          %swap3A_781 = vector.shape_cast %broadcast_in_dim3A_776 : vector<16xf32> to vector<1x16xf32>
          tpu.vector_store %arg11[%swap3A_777, %swap3A_778], %swap3A_781 {strides = array<i32>} : memref<16x1024xf32, #tpu.memory_space<vmem>>, vector<1x16xf32>,
          %broadcast_in_dim3A_782 = arith.constant 0.000000e+00 : f32
          %broadcast_in_dim3A_783 = vector.broadcast %broadcast_in_dim3A_782 : f32 to vector<16xf32>
          %swap3A_784 = arith.index_cast %while3A_451 : i32 to index
          %swap3A_785 = arith.constant 752 : index
          %swap3A_786 = tpu.vector_load %arg11[%swap3A_784, %swap3A_785] {strides = array<i32>} : memref<16x1024xf32, #tpu.memory_space<vmem>>, vector<1x16xf32>,
          %swap3A_787 = vector.shape_cast %swap3A_786 : vector<1x16xf32> to vector<16xf32>
          %swap3A_788 = vector.shape_cast %broadcast_in_dim3A_783 : vector<16xf32> to vector<1x16xf32>
          tpu.vector_store %arg11[%swap3A_784, %swap3A_785], %swap3A_788 {strides = array<i32>} : memref<16x1024xf32, #tpu.memory_space<vmem>>, vector<1x16xf32>,
          %broadcast_in_dim3A_789 = arith.constant 0.000000e+00 : f32
          %broadcast_in_dim3A_790 = vector.broadcast %broadcast_in_dim3A_789 : f32 to vector<16xf32>
          %swap3A_791 = arith.index_cast %while3A_451 : i32 to index
          %swap3A_792 = arith.constant 768 : index
          %swap3A_793 = tpu.vector_load %arg11[%swap3A_791, %swap3A_792] {strides = array<i32>} : memref<16x1024xf32, #tpu.memory_space<vmem>>, vector<1x16xf32>,
          %swap3A_794 = vector.shape_cast %swap3A_793 : vector<1x16xf32> to vector<16xf32>
          %swap3A_795 = vector.shape_cast %broadcast_in_dim3A_790 : vector<16xf32> to vector<1x16xf32>
          tpu.vector_store %arg11[%swap3A_791, %swap3A_792], %swap3A_795 {strides = array<i32>} : memref<16x1024xf32, #tpu.memory_space<vmem>>, vector<1x16xf32>,
          %broadcast_in_dim3A_796 = arith.constant 0.000000e+00 : f32
          %broadcast_in_dim3A_797 = vector.broadcast %broadcast_in_dim3A_796 : f32 to vector<16xf32>
          %swap3A_798 = arith.index_cast %while3A_451 : i32 to index
          %swap3A_799 = arith.constant 784 : index
          %swap3A_800 = tpu.vector_load %arg11[%swap3A_798, %swap3A_799] {strides = array<i32>} : memref<16x1024xf32, #tpu.memory_space<vmem>>, vector<1x16xf32>,
          %swap3A_801 = vector.shape_cast %swap3A_800 : vector<1x16xf32> to vector<16xf32>
          %swap3A_802 = vector.shape_cast %broadcast_in_dim3A_797 : vector<16xf32> to vector<1x16xf32>
          tpu.vector_store %arg11[%swap3A_798, %swap3A_799], %swap3A_802 {strides = array<i32>} : memref<16x1024xf32, #tpu.memory_space<vmem>>, vector<1x16xf32>,
          %broadcast_in_dim3A_803 = arith.constant 0.000000e+00 : f32
          %broadcast_in_dim3A_804 = vector.broadcast %broadcast_in_dim3A_803 : f32 to vector<16xf32>
          %swap3A_805 = arith.index_cast %while3A_451 : i32 to index
          %swap3A_806 = arith.constant 800 : index
          %swap3A_807 = tpu.vector_load %arg11[%swap3A_805, %swap3A_806] {strides = array<i32>} : memref<16x1024xf32, #tpu.memory_space<vmem>>, vector<1x16xf32>,
          %swap3A_808 = vector.shape_cast %swap3A_807 : vector<1x16xf32> to vector<16xf32>
          %swap3A_809 = vector.shape_cast %broadcast_in_dim3A_804 : vector<16xf32> to vector<1x16xf32>
          tpu.vector_store %arg11[%swap3A_805, %swap3A_806], %swap3A_809 {strides = array<i32>} : memref<16x1024xf32, #tpu.memory_space<vmem>>, vector<1x16xf32>,
          %broadcast_in_dim3A_810 = arith.constant 0.000000e+00 : f32
          %broadcast_in_dim3A_811 = vector.broadcast %broadcast_in_dim3A_810 : f32 to vector<16xf32>
          %swap3A_812 = arith.index_cast %while3A_451 : i32 to index
          %swap3A_813 = arith.constant 816 : index
          %swap3A_814 = tpu.vector_load %arg11[%swap3A_812, %swap3A_813] {strides = array<i32>} : memref<16x1024xf32, #tpu.memory_space<vmem>>, vector<1x16xf32>,
          %swap3A_815 = vector.shape_cast %swap3A_814 : vector<1x16xf32> to vector<16xf32>
          %swap3A_816 = vector.shape_cast %broadcast_in_dim3A_811 : vector<16xf32> to vector<1x16xf32>
          tpu.vector_store %arg11[%swap3A_812, %swap3A_813], %swap3A_816 {strides = array<i32>} : memref<16x1024xf32, #tpu.memory_space<vmem>>, vector<1x16xf32>,
          %broadcast_in_dim3A_817 = arith.constant 0.000000e+00 : f32
          %broadcast_in_dim3A_818 = vector.broadcast %broadcast_in_dim3A_817 : f32 to vector<16xf32>
          %swap3A_819 = arith.index_cast %while3A_451 : i32 to index
          %swap3A_820 = arith.constant 832 : index
          %swap3A_821 = tpu.vector_load %arg11[%swap3A_819, %swap3A_820] {strides = array<i32>} : memref<16x1024xf32, #tpu.memory_space<vmem>>, vector<1x16xf32>,
          %swap3A_822 = vector.shape_cast %swap3A_821 : vector<1x16xf32> to vector<16xf32>
          %swap3A_823 = vector.shape_cast %broadcast_in_dim3A_818 : vector<16xf32> to vector<1x16xf32>
          tpu.vector_store %arg11[%swap3A_819, %swap3A_820], %swap3A_823 {strides = array<i32>} : memref<16x1024xf32, #tpu.memory_space<vmem>>, vector<1x16xf32>,
          %broadcast_in_dim3A_824 = arith.constant 0.000000e+00 : f32
          %broadcast_in_dim3A_825 = vector.broadcast %broadcast_in_dim3A_824 : f32 to vector<16xf32>
          %swap3A_826 = arith.index_cast %while3A_451 : i32 to index
          %swap3A_827 = arith.constant 848 : index
          %swap3A_828 = tpu.vector_load %arg11[%swap3A_826, %swap3A_827] {strides = array<i32>} : memref<16x1024xf32, #tpu.memory_space<vmem>>, vector<1x16xf32>,
          %swap3A_829 = vector.shape_cast %swap3A_828 : vector<1x16xf32> to vector<16xf32>
          %swap3A_830 = vector.shape_cast %broadcast_in_dim3A_825 : vector<16xf32> to vector<1x16xf32>
          tpu.vector_store %arg11[%swap3A_826, %swap3A_827], %swap3A_830 {strides = array<i32>} : memref<16x1024xf32, #tpu.memory_space<vmem>>, vector<1x16xf32>,
          %broadcast_in_dim3A_831 = arith.constant 0.000000e+00 : f32
          %broadcast_in_dim3A_832 = vector.broadcast %broadcast_in_dim3A_831 : f32 to vector<16xf32>
          %swap3A_833 = arith.index_cast %while3A_451 : i32 to index
          %swap3A_834 = arith.constant 864 : index
          %swap3A_835 = tpu.vector_load %arg11[%swap3A_833, %swap3A_834] {strides = array<i32>} : memref<16x1024xf32, #tpu.memory_space<vmem>>, vector<1x16xf32>,
          %swap3A_836 = vector.shape_cast %swap3A_835 : vector<1x16xf32> to vector<16xf32>
          %swap3A_837 = vector.shape_cast %broadcast_in_dim3A_832 : vector<16xf32> to vector<1x16xf32>
          tpu.vector_store %arg11[%swap3A_833, %swap3A_834], %swap3A_837 {strides = array<i32>} : memref<16x1024xf32, #tpu.memory_space<vmem>>, vector<1x16xf32>,
          %broadcast_in_dim3A_838 = arith.constant 0.000000e+00 : f32
          %broadcast_in_dim3A_839 = vector.broadcast %broadcast_in_dim3A_838 : f32 to vector<16xf32>
          %swap3A_840 = arith.index_cast %while3A_451 : i32 to index
          %swap3A_841 = arith.constant 880 : index
          %swap3A_842 = tpu.vector_load %arg11[%swap3A_840, %swap3A_841] {strides = array<i32>} : memref<16x1024xf32, #tpu.memory_space<vmem>>, vector<1x16xf32>,
          %swap3A_843 = vector.shape_cast %swap3A_842 : vector<1x16xf32> to vector<16xf32>
          %swap3A_844 = vector.shape_cast %broadcast_in_dim3A_839 : vector<16xf32> to vector<1x16xf32>
          tpu.vector_store %arg11[%swap3A_840, %swap3A_841], %swap3A_844 {strides = array<i32>} : memref<16x1024xf32, #tpu.memory_space<vmem>>, vector<1x16xf32>,
          %broadcast_in_dim3A_845 = arith.constant 0.000000e+00 : f32
          %broadcast_in_dim3A_846 = vector.broadcast %broadcast_in_dim3A_845 : f32 to vector<16xf32>
          %swap3A_847 = arith.index_cast %while3A_451 : i32 to index
          %swap3A_848 = arith.constant 896 : index
          %swap3A_849 = tpu.vector_load %arg11[%swap3A_847, %swap3A_848] {strides = array<i32>} : memref<16x1024xf32, #tpu.memory_space<vmem>>, vector<1x16xf32>,
          %swap3A_850 = vector.shape_cast %swap3A_849 : vector<1x16xf32> to vector<16xf32>
          %swap3A_851 = vector.shape_cast %broadcast_in_dim3A_846 : vector<16xf32> to vector<1x16xf32>
          tpu.vector_store %arg11[%swap3A_847, %swap3A_848], %swap3A_851 {strides = array<i32>} : memref<16x1024xf32, #tpu.memory_space<vmem>>, vector<1x16xf32>,
          %broadcast_in_dim3A_852 = arith.constant 0.000000e+00 : f32
          %broadcast_in_dim3A_853 = vector.broadcast %broadcast_in_dim3A_852 : f32 to vector<16xf32>
          %swap3A_854 = arith.index_cast %while3A_451 : i32 to index
          %swap3A_855 = arith.constant 912 : index
          %swap3A_856 = tpu.vector_load %arg11[%swap3A_854, %swap3A_855] {strides = array<i32>} : memref<16x1024xf32, #tpu.memory_space<vmem>>, vector<1x16xf32>,
          %swap3A_857 = vector.shape_cast %swap3A_856 : vector<1x16xf32> to vector<16xf32>
          %swap3A_858 = vector.shape_cast %broadcast_in_dim3A_853 : vector<16xf32> to vector<1x16xf32>
          tpu.vector_store %arg11[%swap3A_854, %swap3A_855], %swap3A_858 {strides = array<i32>} : memref<16x1024xf32, #tpu.memory_space<vmem>>, vector<1x16xf32>,
          %broadcast_in_dim3A_859 = arith.constant 0.000000e+00 : f32
          %broadcast_in_dim3A_860 = vector.broadcast %broadcast_in_dim3A_859 : f32 to vector<16xf32>
          %swap3A_861 = arith.index_cast %while3A_451 : i32 to index
          %swap3A_862 = arith.constant 928 : index
          %swap3A_863 = tpu.vector_load %arg11[%swap3A_861, %swap3A_862] {strides = array<i32>} : memref<16x1024xf32, #tpu.memory_space<vmem>>, vector<1x16xf32>,
          %swap3A_864 = vector.shape_cast %swap3A_863 : vector<1x16xf32> to vector<16xf32>
          %swap3A_865 = vector.shape_cast %broadcast_in_dim3A_860 : vector<16xf32> to vector<1x16xf32>
          tpu.vector_store %arg11[%swap3A_861, %swap3A_862], %swap3A_865 {strides = array<i32>} : memref<16x1024xf32, #tpu.memory_space<vmem>>, vector<1x16xf32>,
          %broadcast_in_dim3A_866 = arith.constant 0.000000e+00 : f32
          %broadcast_in_dim3A_867 = vector.broadcast %broadcast_in_dim3A_866 : f32 to vector<16xf32>
          %swap3A_868 = arith.index_cast %while3A_451 : i32 to index
          %swap3A_869 = arith.constant 944 : index
          %swap3A_870 = tpu.vector_load %arg11[%swap3A_868, %swap3A_869] {strides = array<i32>} : memref<16x1024xf32, #tpu.memory_space<vmem>>, vector<1x16xf32>,
          %swap3A_871 = vector.shape_cast %swap3A_870 : vector<1x16xf32> to vector<16xf32>
          %swap3A_872 = vector.shape_cast %broadcast_in_dim3A_867 : vector<16xf32> to vector<1x16xf32>
          tpu.vector_store %arg11[%swap3A_868, %swap3A_869], %swap3A_872 {strides = array<i32>} : memref<16x1024xf32, #tpu.memory_space<vmem>>, vector<1x16xf32>,
          %broadcast_in_dim3A_873 = arith.constant 0.000000e+00 : f32
          %broadcast_in_dim3A_874 = vector.broadcast %broadcast_in_dim3A_873 : f32 to vector<16xf32>
          %swap3A_875 = arith.index_cast %while3A_451 : i32 to index
          %swap3A_876 = arith.constant 960 : index
          %swap3A_877 = tpu.vector_load %arg11[%swap3A_875, %swap3A_876] {strides = array<i32>} : memref<16x1024xf32, #tpu.memory_space<vmem>>, vector<1x16xf32>,
          %swap3A_878 = vector.shape_cast %swap3A_877 : vector<1x16xf32> to vector<16xf32>
          %swap3A_879 = vector.shape_cast %broadcast_in_dim3A_874 : vector<16xf32> to vector<1x16xf32>
          tpu.vector_store %arg11[%swap3A_875, %swap3A_876], %swap3A_879 {strides = array<i32>} : memref<16x1024xf32, #tpu.memory_space<vmem>>, vector<1x16xf32>,
          %broadcast_in_dim3A_880 = arith.constant 0.000000e+00 : f32
          %broadcast_in_dim3A_881 = vector.broadcast %broadcast_in_dim3A_880 : f32 to vector<16xf32>
          %swap3A_882 = arith.index_cast %while3A_451 : i32 to index
          %swap3A_883 = arith.constant 976 : index
          %swap3A_884 = tpu.vector_load %arg11[%swap3A_882, %swap3A_883] {strides = array<i32>} : memref<16x1024xf32, #tpu.memory_space<vmem>>, vector<1x16xf32>,
          %swap3A_885 = vector.shape_cast %swap3A_884 : vector<1x16xf32> to vector<16xf32>
          %swap3A_886 = vector.shape_cast %broadcast_in_dim3A_881 : vector<16xf32> to vector<1x16xf32>
          tpu.vector_store %arg11[%swap3A_882, %swap3A_883], %swap3A_886 {strides = array<i32>} : memref<16x1024xf32, #tpu.memory_space<vmem>>, vector<1x16xf32>,
          %broadcast_in_dim3A_887 = arith.constant 0.000000e+00 : f32
          %broadcast_in_dim3A_888 = vector.broadcast %broadcast_in_dim3A_887 : f32 to vector<16xf32>
          %swap3A_889 = arith.index_cast %while3A_451 : i32 to index
          %swap3A_890 = arith.constant 992 : index
          %swap3A_891 = tpu.vector_load %arg11[%swap3A_889, %swap3A_890] {strides = array<i32>} : memref<16x1024xf32, #tpu.memory_space<vmem>>, vector<1x16xf32>,
          %swap3A_892 = vector.shape_cast %swap3A_891 : vector<1x16xf32> to vector<16xf32>
          %swap3A_893 = vector.shape_cast %broadcast_in_dim3A_888 : vector<16xf32> to vector<1x16xf32>
          tpu.vector_store %arg11[%swap3A_889, %swap3A_890], %swap3A_893 {strides = array<i32>} : memref<16x1024xf32, #tpu.memory_space<vmem>>, vector<1x16xf32>,
          %broadcast_in_dim3A_894 = arith.constant 0.000000e+00 : f32
          %broadcast_in_dim3A_895 = vector.broadcast %broadcast_in_dim3A_894 : f32 to vector<16xf32>
          %swap3A_896 = arith.index_cast %while3A_451 : i32 to index
          %swap3A_897 = arith.constant 1008 : index
          %swap3A_898 = tpu.vector_load %arg11[%swap3A_896, %swap3A_897] {strides = array<i32>} : memref<16x1024xf32, #tpu.memory_space<vmem>>, vector<1x16xf32>,
          %swap3A_899 = vector.shape_cast %swap3A_898 : vector<1x16xf32> to vector<16xf32>
          %swap3A_900 = vector.shape_cast %broadcast_in_dim3A_895 : vector<16xf32> to vector<1x16xf32>
          tpu.vector_store %arg11[%swap3A_896, %swap3A_897], %swap3A_900 {strides = array<i32>} : memref<16x1024xf32, #tpu.memory_space<vmem>>, vector<1x16xf32>,
          %while3A_901 = arith.constant 0 : i32
          scf.yield %while3A_901 : i32
        }
      } else {
      }
      %mul3A_330 = arith.constant 2048 : i32
      %mul3A_331 = arith.muli %select_n3A, %mul3A_330 : i32
      %add3A_332 = arith.addi %mul3A_331, %mul3A_32 : i32
      %mul3A_333 = arith.constant 16 : i32
      %mul3A_334 = arith.muli %add3A_313, %mul3A_333 : i32
      %add3A_335 = arith.addi %add3A_332, %mul3A_334 : i32
      %multiple_of3A_336 = tpu.assume_multiple %add3A_335, 8 : i32
      %dma_start3A_337 = arith.constant 0 : i32
      %dma_start3A_338 = tpu.memref_slice %arg4[%multiple_of3A_336, %dma_start3A_337] : memref<32768x1024xf32, #tpu.memory_space<hbm>> -> memref<16x1024xf32, #tpu.memory_space<hbm>>
      %dma_start3A_339 = arith.constant 0 : i32
      %dma_start3A_340 = tpu.memref_slice %arg4[%multiple_of3A_336, %dma_start3A_339] : memref<32768x1024xf32, #tpu.memory_space<hbm>> -> memref<16x1024xf32, #tpu.memory_space<hbm>>
      tpu.enqueue_dma source(%arg11 : memref<16x1024xf32, #tpu.memory_space<vmem>>) target(%dma_start3A_340 : memref<16x1024xf32, #tpu.memory_space<hbm>>) target_semaphore(%arg19 : memref<!tpu.dma_semaphore, #tpu.memory_space<semaphore_mem>>)
      %sub3A_341 = arith.constant 2 : i32
      %sub3A_342 = arith.subi %add3A_313, %sub3A_341 : i32
      %ge3A_343 = arith.constant 0 : i32
      %ge3A_344 = arith.cmpi sge, %sub3A_342, %ge3A_343 : i32
      %add3A_345 = arith.constant 4 : i32
      %add3A_346 = arith.addi %sub3A_342, %add3A_345 : i32
      %lt3A_347 = arith.constant 64 : i32
      %lt3A_348 = arith.cmpi slt, %add3A_346, %lt3A_347 : i32
      %and3A_349 = arith.andi %ge3A_344, %lt3A_348 : i1
      %convert_element_type3A_350 = arith.extui %and3A_349 : i1 to i32
      %cond3A_351 = arith.constant 0 : i32
      %cond3A_352 = arith.cmpi ne, %convert_element_type3A_350, %cond3A_351 : i32
      scf.if %cond3A_352 {
        %mul3A_440 = arith.constant 2048 : i32
        %mul3A_441 = arith.muli %select_n3A, %mul3A_440 : i32
        %add3A_442 = arith.addi %mul3A_441, %mul3A_32 : i32
        %mul3A_443 = arith.constant 16 : i32
        %mul3A_444 = arith.muli %sub3A_342, %mul3A_443 : i32
        %add3A_445 = arith.addi %add3A_442, %mul3A_444 : i32
        %multiple_of3A_446 = tpu.assume_multiple %add3A_445, 8 : i32
        %dma_wait3A_447 = arith.constant 0 : i32
        %dma_wait3A_448 = tpu.memref_slice %arg4[%multiple_of3A_446, %dma_wait3A_447] : memref<32768x1024xf32, #tpu.memory_space<hbm>> -> memref<16x1024xf32, #tpu.memory_space<hbm>>
        %dma_wait3A_449 = arith.constant 0 : i32
        %dma_wait3A_450 = tpu.memref_slice %arg4[%multiple_of3A_446, %dma_wait3A_449] : memref<32768x1024xf32, #tpu.memory_space<hbm>> -> memref<16x1024xf32, #tpu.memory_space<hbm>>
        tpu.wait_dma2 semaphore(%arg21 : memref<!tpu.dma_semaphore, #tpu.memory_space<semaphore_mem>>) src(%arg13 : memref<16x1024xf32, #tpu.memory_space<vmem>>) dst(%dma_wait3A_450 : memref<16x1024xf32, #tpu.memory_space<hbm>>)
        %add3A_451 = arith.constant 4 : i32
        %add3A_452 = arith.addi %sub3A_342, %add3A_451 : i32
        %mul3A_453 = arith.constant 16 : i32
        %mul3A_454 = arith.muli %add3A_452, %mul3A_453 : i32
        %add3A_455 = arith.addi %sub3A_141, %mul3A_454 : i32
        %iota3A_456 = tpu.iota {dimensions = array<i32: 0>} : vector<16xi32>
        %add3A_457 = vector.broadcast %add3A_455 : i32 to vector<16xi32>
        %add3A_458 = arith.addi %iota3A_456, %add3A_457 : vector<16xi32>
        %add3A_459 = arith.constant 0 : i32
        %add3A_460 = vector.broadcast %add3A_459 : i32 to vector<16xi32>
        %add3A_461 = arith.addi %add3A_458, %add3A_460 : vector<16xi32>
        %jit3A_462 = arith.constant 0 : i32
        %jit3A_463 = arith.constant 2047 : i32
        %max3A_464 = vector.broadcast %jit3A_462 : i32 to vector<16xi32>
        %max3A_465 = arith.maxsi %max3A_464, %add3A_461 : vector<16xi32>
        %min3A_466 = vector.broadcast %jit3A_463 : i32 to vector<16xi32>
        %min3A_467 = arith.minsi %min3A_466, %max3A_465 : vector<16xi32>
        %swap3A_468 = arith.constant 0 : index
        %swap3A_469 = tpu.vector_load %arg9[%swap3A_468] {strides = array<i32>} : memref<16xi32, #tpu.memory_space<vmem>>, vector<16xi32>,
        %swap3A_470 = vector.shape_cast %swap3A_469 : vector<16xi32> to vector<16xi32>
        %swap3A_471 = vector.shape_cast %min3A_467 : vector<16xi32> to vector<16xi32>
        tpu.vector_store %arg9[%swap3A_468], %swap3A_471 {strides = array<i32>} : memref<16xi32, #tpu.memory_space<vmem>>, vector<16xi32>,
        %dma_start3A_472 = arith.constant 0 : i32
        %dma_start3A_473 = arith.constant 0 : i32
        %dma_start3A_474 = tpu.memref_slice %arg3[%dma_start3A_472, %dma_start3A_473] : memref<2048x1024xf32, #tpu.memory_space<hbm>> -> memref<2048x1024xf32, #tpu.memory_space<hbm>>
        tpu.enqueue_indirect_dma source(%dma_start3A_474 : memref<2048x1024xf32, #tpu.memory_space<hbm>>) target(%arg13 : memref<16x1024xf32, #tpu.memory_space<vmem>>) offsets(%arg9 : memref<16xi32, #tpu.memory_space<vmem>>) semaphore(%arg17 : memref<!tpu.dma_semaphore, #tpu.memory_space<semaphore_mem>>)
      } else {
      }
      %mul3A_353 = arith.constant 4 : i32
      %mul3A_354 = arith.muli %scan3A_268, %mul3A_353 : i32
      %add3A_355 = arith.constant 2 : i32
      %add3A_356 = arith.addi %mul3A_354, %add3A_355 : i32
      %dma_wait3A_357 = arith.constant 0 : i32
      %dma_wait3A_358 = arith.constant 0 : i32
      %dma_wait3A_359 = tpu.memref_slice %arg3[%dma_wait3A_357, %dma_wait3A_358] : memref<2048x1024xf32, #tpu.memory_space<hbm>> -> memref<2048x1024xf32, #tpu.memory_space<hbm>>
      tpu.wait_indirect_dma semaphore(%arg16 : memref<!tpu.dma_semaphore, #tpu.memory_space<semaphore_mem>>) src(%dma_wait3A_359 : memref<2048x1024xf32, #tpu.memory_space<hbm>>) dst(%arg12 : memref<16x1024xf32, #tpu.memory_space<vmem>>)
      %mul3A_360 = arith.constant 16 : i32
      %mul3A_361 = arith.muli %add3A_356, %mul3A_360 : i32
      %add3A_362 = arith.addi %mul3A_32, %mul3A_361 : i32
      %sub3A_363 = arith.subi %select_n3A_140, %add3A_362 : i32
      %jit3A_364 = arith.constant 0 : i32
      %jit3A_365 = arith.constant 16 : i32
      %max3A_366 = arith.maxsi %jit3A_364, %sub3A_363 : i32
      %min3A_367 = arith.minsi %jit3A_365, %max3A_366 : i32
      %gt3A_368 = arith.constant 0 : i32
      %gt3A_369 = arith.cmpi sgt, %min3A_367, %gt3A_368 : i32
      %convert_element_type3A_370 = arith.extui %gt3A_369 : i1 to i32
      %cond3A_371 = arith.constant 0 : i32
      %cond3A_372 = arith.cmpi ne, %convert_element_type3A_370, %cond3A_371 : i32
      scf.if %cond3A_372 {
        %while3A = arith.constant 0 : i32
        %while3A_440 = arith.constant 0 : i32
        %while3A_441 = arith.subi %min3A_367, %while3A : i32
        %while3A_442 = arith.addi %while3A, %while3A_441 : i32
        %while3A_443 = arith.constant 1 : i32
        %while3A_444 = arith.divsi %while3A_441, %while3A_443 : i32
        %while3A_445 = arith.muli %while3A_444, %while3A_443 : i32
        %while3A_446 = arith.addi %while3A, %while3A_445 : i32
        %while3A_447 = arith.constant 1 : i32
        %while3A_448 = scf.for %while3A_451 = %while3A to %while3A_446 step %while3A_447 iter_args(%while3A_452 = %while3A_440) -> (i32)  : i32 {
          %broadcast_in_dim3A_453 = arith.constant 0.000000e+00 : f32
          %broadcast_in_dim3A_454 = vector.broadcast %broadcast_in_dim3A_453 : f32 to vector<16xf32>
          %swap3A_455 = arith.index_cast %while3A_451 : i32 to index
          %swap3A_456 = arith.constant 0 : index
          %swap3A_457 = tpu.vector_load %arg12[%swap3A_455, %swap3A_456] {strides = array<i32>} : memref<16x1024xf32, #tpu.memory_space<vmem>>, vector<1x16xf32>,
          %swap3A_458 = vector.shape_cast %swap3A_457 : vector<1x16xf32> to vector<16xf32>
          %swap3A_459 = vector.shape_cast %broadcast_in_dim3A_454 : vector<16xf32> to vector<1x16xf32>
          tpu.vector_store %arg12[%swap3A_455, %swap3A_456], %swap3A_459 {strides = array<i32>} : memref<16x1024xf32, #tpu.memory_space<vmem>>, vector<1x16xf32>,
          %broadcast_in_dim3A_460 = arith.constant 0.000000e+00 : f32
          %broadcast_in_dim3A_461 = vector.broadcast %broadcast_in_dim3A_460 : f32 to vector<16xf32>
          %swap3A_462 = arith.index_cast %while3A_451 : i32 to index
          %swap3A_463 = arith.constant 16 : index
          %swap3A_464 = tpu.vector_load %arg12[%swap3A_462, %swap3A_463] {strides = array<i32>} : memref<16x1024xf32, #tpu.memory_space<vmem>>, vector<1x16xf32>,
          %swap3A_465 = vector.shape_cast %swap3A_464 : vector<1x16xf32> to vector<16xf32>
          %swap3A_466 = vector.shape_cast %broadcast_in_dim3A_461 : vector<16xf32> to vector<1x16xf32>
          tpu.vector_store %arg12[%swap3A_462, %swap3A_463], %swap3A_466 {strides = array<i32>} : memref<16x1024xf32, #tpu.memory_space<vmem>>, vector<1x16xf32>,
          %broadcast_in_dim3A_467 = arith.constant 0.000000e+00 : f32
          %broadcast_in_dim3A_468 = vector.broadcast %broadcast_in_dim3A_467 : f32 to vector<16xf32>
          %swap3A_469 = arith.index_cast %while3A_451 : i32 to index
          %swap3A_470 = arith.constant 32 : index
          %swap3A_471 = tpu.vector_load %arg12[%swap3A_469, %swap3A_470] {strides = array<i32>} : memref<16x1024xf32, #tpu.memory_space<vmem>>, vector<1x16xf32>,
          %swap3A_472 = vector.shape_cast %swap3A_471 : vector<1x16xf32> to vector<16xf32>
          %swap3A_473 = vector.shape_cast %broadcast_in_dim3A_468 : vector<16xf32> to vector<1x16xf32>
          tpu.vector_store %arg12[%swap3A_469, %swap3A_470], %swap3A_473 {strides = array<i32>} : memref<16x1024xf32, #tpu.memory_space<vmem>>, vector<1x16xf32>,
          %broadcast_in_dim3A_474 = arith.constant 0.000000e+00 : f32
          %broadcast_in_dim3A_475 = vector.broadcast %broadcast_in_dim3A_474 : f32 to vector<16xf32>
          %swap3A_476 = arith.index_cast %while3A_451 : i32 to index
          %swap3A_477 = arith.constant 48 : index
          %swap3A_478 = tpu.vector_load %arg12[%swap3A_476, %swap3A_477] {strides = array<i32>} : memref<16x1024xf32, #tpu.memory_space<vmem>>, vector<1x16xf32>,
          %swap3A_479 = vector.shape_cast %swap3A_478 : vector<1x16xf32> to vector<16xf32>
          %swap3A_480 = vector.shape_cast %broadcast_in_dim3A_475 : vector<16xf32> to vector<1x16xf32>
          tpu.vector_store %arg12[%swap3A_476, %swap3A_477], %swap3A_480 {strides = array<i32>} : memref<16x1024xf32, #tpu.memory_space<vmem>>, vector<1x16xf32>,
          %broadcast_in_dim3A_481 = arith.constant 0.000000e+00 : f32
          %broadcast_in_dim3A_482 = vector.broadcast %broadcast_in_dim3A_481 : f32 to vector<16xf32>
          %swap3A_483 = arith.index_cast %while3A_451 : i32 to index
          %swap3A_484 = arith.constant 64 : index
          %swap3A_485 = tpu.vector_load %arg12[%swap3A_483, %swap3A_484] {strides = array<i32>} : memref<16x1024xf32, #tpu.memory_space<vmem>>, vector<1x16xf32>,
          %swap3A_486 = vector.shape_cast %swap3A_485 : vector<1x16xf32> to vector<16xf32>
          %swap3A_487 = vector.shape_cast %broadcast_in_dim3A_482 : vector<16xf32> to vector<1x16xf32>
          tpu.vector_store %arg12[%swap3A_483, %swap3A_484], %swap3A_487 {strides = array<i32>} : memref<16x1024xf32, #tpu.memory_space<vmem>>, vector<1x16xf32>,
          %broadcast_in_dim3A_488 = arith.constant 0.000000e+00 : f32
          %broadcast_in_dim3A_489 = vector.broadcast %broadcast_in_dim3A_488 : f32 to vector<16xf32>
          %swap3A_490 = arith.index_cast %while3A_451 : i32 to index
          %swap3A_491 = arith.constant 80 : index
          %swap3A_492 = tpu.vector_load %arg12[%swap3A_490, %swap3A_491] {strides = array<i32>} : memref<16x1024xf32, #tpu.memory_space<vmem>>, vector<1x16xf32>,
          %swap3A_493 = vector.shape_cast %swap3A_492 : vector<1x16xf32> to vector<16xf32>
          %swap3A_494 = vector.shape_cast %broadcast_in_dim3A_489 : vector<16xf32> to vector<1x16xf32>
          tpu.vector_store %arg12[%swap3A_490, %swap3A_491], %swap3A_494 {strides = array<i32>} : memref<16x1024xf32, #tpu.memory_space<vmem>>, vector<1x16xf32>,
          %broadcast_in_dim3A_495 = arith.constant 0.000000e+00 : f32
          %broadcast_in_dim3A_496 = vector.broadcast %broadcast_in_dim3A_495 : f32 to vector<16xf32>
          %swap3A_497 = arith.index_cast %while3A_451 : i32 to index
          %swap3A_498 = arith.constant 96 : index
          %swap3A_499 = tpu.vector_load %arg12[%swap3A_497, %swap3A_498] {strides = array<i32>} : memref<16x1024xf32, #tpu.memory_space<vmem>>, vector<1x16xf32>,
          %swap3A_500 = vector.shape_cast %swap3A_499 : vector<1x16xf32> to vector<16xf32>
          %swap3A_501 = vector.shape_cast %broadcast_in_dim3A_496 : vector<16xf32> to vector<1x16xf32>
          tpu.vector_store %arg12[%swap3A_497, %swap3A_498], %swap3A_501 {strides = array<i32>} : memref<16x1024xf32, #tpu.memory_space<vmem>>, vector<1x16xf32>,
          %broadcast_in_dim3A_502 = arith.constant 0.000000e+00 : f32
          %broadcast_in_dim3A_503 = vector.broadcast %broadcast_in_dim3A_502 : f32 to vector<16xf32>
          %swap3A_504 = arith.index_cast %while3A_451 : i32 to index
          %swap3A_505 = arith.constant 112 : index
          %swap3A_506 = tpu.vector_load %arg12[%swap3A_504, %swap3A_505] {strides = array<i32>} : memref<16x1024xf32, #tpu.memory_space<vmem>>, vector<1x16xf32>,
          %swap3A_507 = vector.shape_cast %swap3A_506 : vector<1x16xf32> to vector<16xf32>
          %swap3A_508 = vector.shape_cast %broadcast_in_dim3A_503 : vector<16xf32> to vector<1x16xf32>
          tpu.vector_store %arg12[%swap3A_504, %swap3A_505], %swap3A_508 {strides = array<i32>} : memref<16x1024xf32, #tpu.memory_space<vmem>>, vector<1x16xf32>,
          %broadcast_in_dim3A_509 = arith.constant 0.000000e+00 : f32
          %broadcast_in_dim3A_510 = vector.broadcast %broadcast_in_dim3A_509 : f32 to vector<16xf32>
          %swap3A_511 = arith.index_cast %while3A_451 : i32 to index
          %swap3A_512 = arith.constant 128 : index
          %swap3A_513 = tpu.vector_load %arg12[%swap3A_511, %swap3A_512] {strides = array<i32>} : memref<16x1024xf32, #tpu.memory_space<vmem>>, vector<1x16xf32>,
          %swap3A_514 = vector.shape_cast %swap3A_513 : vector<1x16xf32> to vector<16xf32>
          %swap3A_515 = vector.shape_cast %broadcast_in_dim3A_510 : vector<16xf32> to vector<1x16xf32>
          tpu.vector_store %arg12[%swap3A_511, %swap3A_512], %swap3A_515 {strides = array<i32>} : memref<16x1024xf32, #tpu.memory_space<vmem>>, vector<1x16xf32>,
          %broadcast_in_dim3A_516 = arith.constant 0.000000e+00 : f32
          %broadcast_in_dim3A_517 = vector.broadcast %broadcast_in_dim3A_516 : f32 to vector<16xf32>
          %swap3A_518 = arith.index_cast %while3A_451 : i32 to index
          %swap3A_519 = arith.constant 144 : index
          %swap3A_520 = tpu.vector_load %arg12[%swap3A_518, %swap3A_519] {strides = array<i32>} : memref<16x1024xf32, #tpu.memory_space<vmem>>, vector<1x16xf32>,
          %swap3A_521 = vector.shape_cast %swap3A_520 : vector<1x16xf32> to vector<16xf32>
          %swap3A_522 = vector.shape_cast %broadcast_in_dim3A_517 : vector<16xf32> to vector<1x16xf32>
          tpu.vector_store %arg12[%swap3A_518, %swap3A_519], %swap3A_522 {strides = array<i32>} : memref<16x1024xf32, #tpu.memory_space<vmem>>, vector<1x16xf32>,
          %broadcast_in_dim3A_523 = arith.constant 0.000000e+00 : f32
          %broadcast_in_dim3A_524 = vector.broadcast %broadcast_in_dim3A_523 : f32 to vector<16xf32>
          %swap3A_525 = arith.index_cast %while3A_451 : i32 to index
          %swap3A_526 = arith.constant 160 : index
          %swap3A_527 = tpu.vector_load %arg12[%swap3A_525, %swap3A_526] {strides = array<i32>} : memref<16x1024xf32, #tpu.memory_space<vmem>>, vector<1x16xf32>,
          %swap3A_528 = vector.shape_cast %swap3A_527 : vector<1x16xf32> to vector<16xf32>
          %swap3A_529 = vector.shape_cast %broadcast_in_dim3A_524 : vector<16xf32> to vector<1x16xf32>
          tpu.vector_store %arg12[%swap3A_525, %swap3A_526], %swap3A_529 {strides = array<i32>} : memref<16x1024xf32, #tpu.memory_space<vmem>>, vector<1x16xf32>,
          %broadcast_in_dim3A_530 = arith.constant 0.000000e+00 : f32
          %broadcast_in_dim3A_531 = vector.broadcast %broadcast_in_dim3A_530 : f32 to vector<16xf32>
          %swap3A_532 = arith.index_cast %while3A_451 : i32 to index
          %swap3A_533 = arith.constant 176 : index
          %swap3A_534 = tpu.vector_load %arg12[%swap3A_532, %swap3A_533] {strides = array<i32>} : memref<16x1024xf32, #tpu.memory_space<vmem>>, vector<1x16xf32>,
          %swap3A_535 = vector.shape_cast %swap3A_534 : vector<1x16xf32> to vector<16xf32>
          %swap3A_536 = vector.shape_cast %broadcast_in_dim3A_531 : vector<16xf32> to vector<1x16xf32>
          tpu.vector_store %arg12[%swap3A_532, %swap3A_533], %swap3A_536 {strides = array<i32>} : memref<16x1024xf32, #tpu.memory_space<vmem>>, vector<1x16xf32>,
          %broadcast_in_dim3A_537 = arith.constant 0.000000e+00 : f32
          %broadcast_in_dim3A_538 = vector.broadcast %broadcast_in_dim3A_537 : f32 to vector<16xf32>
          %swap3A_539 = arith.index_cast %while3A_451 : i32 to index
          %swap3A_540 = arith.constant 192 : index
          %swap3A_541 = tpu.vector_load %arg12[%swap3A_539, %swap3A_540] {strides = array<i32>} : memref<16x1024xf32, #tpu.memory_space<vmem>>, vector<1x16xf32>,
          %swap3A_542 = vector.shape_cast %swap3A_541 : vector<1x16xf32> to vector<16xf32>
          %swap3A_543 = vector.shape_cast %broadcast_in_dim3A_538 : vector<16xf32> to vector<1x16xf32>
          tpu.vector_store %arg12[%swap3A_539, %swap3A_540], %swap3A_543 {strides = array<i32>} : memref<16x1024xf32, #tpu.memory_space<vmem>>, vector<1x16xf32>,
          %broadcast_in_dim3A_544 = arith.constant 0.000000e+00 : f32
          %broadcast_in_dim3A_545 = vector.broadcast %broadcast_in_dim3A_544 : f32 to vector<16xf32>
          %swap3A_546 = arith.index_cast %while3A_451 : i32 to index
          %swap3A_547 = arith.constant 208 : index
          %swap3A_548 = tpu.vector_load %arg12[%swap3A_546, %swap3A_547] {strides = array<i32>} : memref<16x1024xf32, #tpu.memory_space<vmem>>, vector<1x16xf32>,
          %swap3A_549 = vector.shape_cast %swap3A_548 : vector<1x16xf32> to vector<16xf32>
          %swap3A_550 = vector.shape_cast %broadcast_in_dim3A_545 : vector<16xf32> to vector<1x16xf32>
          tpu.vector_store %arg12[%swap3A_546, %swap3A_547], %swap3A_550 {strides = array<i32>} : memref<16x1024xf32, #tpu.memory_space<vmem>>, vector<1x16xf32>,
          %broadcast_in_dim3A_551 = arith.constant 0.000000e+00 : f32
          %broadcast_in_dim3A_552 = vector.broadcast %broadcast_in_dim3A_551 : f32 to vector<16xf32>
          %swap3A_553 = arith.index_cast %while3A_451 : i32 to index
          %swap3A_554 = arith.constant 224 : index
          %swap3A_555 = tpu.vector_load %arg12[%swap3A_553, %swap3A_554] {strides = array<i32>} : memref<16x1024xf32, #tpu.memory_space<vmem>>, vector<1x16xf32>,
          %swap3A_556 = vector.shape_cast %swap3A_555 : vector<1x16xf32> to vector<16xf32>
          %swap3A_557 = vector.shape_cast %broadcast_in_dim3A_552 : vector<16xf32> to vector<1x16xf32>
          tpu.vector_store %arg12[%swap3A_553, %swap3A_554], %swap3A_557 {strides = array<i32>} : memref<16x1024xf32, #tpu.memory_space<vmem>>, vector<1x16xf32>,
          %broadcast_in_dim3A_558 = arith.constant 0.000000e+00 : f32
          %broadcast_in_dim3A_559 = vector.broadcast %broadcast_in_dim3A_558 : f32 to vector<16xf32>
          %swap3A_560 = arith.index_cast %while3A_451 : i32 to index
          %swap3A_561 = arith.constant 240 : index
          %swap3A_562 = tpu.vector_load %arg12[%swap3A_560, %swap3A_561] {strides = array<i32>} : memref<16x1024xf32, #tpu.memory_space<vmem>>, vector<1x16xf32>,
          %swap3A_563 = vector.shape_cast %swap3A_562 : vector<1x16xf32> to vector<16xf32>
          %swap3A_564 = vector.shape_cast %broadcast_in_dim3A_559 : vector<16xf32> to vector<1x16xf32>
          tpu.vector_store %arg12[%swap3A_560, %swap3A_561], %swap3A_564 {strides = array<i32>} : memref<16x1024xf32, #tpu.memory_space<vmem>>, vector<1x16xf32>,
          %broadcast_in_dim3A_565 = arith.constant 0.000000e+00 : f32
          %broadcast_in_dim3A_566 = vector.broadcast %broadcast_in_dim3A_565 : f32 to vector<16xf32>
          %swap3A_567 = arith.index_cast %while3A_451 : i32 to index
          %swap3A_568 = arith.constant 256 : index
          %swap3A_569 = tpu.vector_load %arg12[%swap3A_567, %swap3A_568] {strides = array<i32>} : memref<16x1024xf32, #tpu.memory_space<vmem>>, vector<1x16xf32>,
          %swap3A_570 = vector.shape_cast %swap3A_569 : vector<1x16xf32> to vector<16xf32>
          %swap3A_571 = vector.shape_cast %broadcast_in_dim3A_566 : vector<16xf32> to vector<1x16xf32>
          tpu.vector_store %arg12[%swap3A_567, %swap3A_568], %swap3A_571 {strides = array<i32>} : memref<16x1024xf32, #tpu.memory_space<vmem>>, vector<1x16xf32>,
          %broadcast_in_dim3A_572 = arith.constant 0.000000e+00 : f32
          %broadcast_in_dim3A_573 = vector.broadcast %broadcast_in_dim3A_572 : f32 to vector<16xf32>
          %swap3A_574 = arith.index_cast %while3A_451 : i32 to index
          %swap3A_575 = arith.constant 272 : index
          %swap3A_576 = tpu.vector_load %arg12[%swap3A_574, %swap3A_575] {strides = array<i32>} : memref<16x1024xf32, #tpu.memory_space<vmem>>, vector<1x16xf32>,
          %swap3A_577 = vector.shape_cast %swap3A_576 : vector<1x16xf32> to vector<16xf32>
          %swap3A_578 = vector.shape_cast %broadcast_in_dim3A_573 : vector<16xf32> to vector<1x16xf32>
          tpu.vector_store %arg12[%swap3A_574, %swap3A_575], %swap3A_578 {strides = array<i32>} : memref<16x1024xf32, #tpu.memory_space<vmem>>, vector<1x16xf32>,
          %broadcast_in_dim3A_579 = arith.constant 0.000000e+00 : f32
          %broadcast_in_dim3A_580 = vector.broadcast %broadcast_in_dim3A_579 : f32 to vector<16xf32>
          %swap3A_581 = arith.index_cast %while3A_451 : i32 to index
          %swap3A_582 = arith.constant 288 : index
          %swap3A_583 = tpu.vector_load %arg12[%swap3A_581, %swap3A_582] {strides = array<i32>} : memref<16x1024xf32, #tpu.memory_space<vmem>>, vector<1x16xf32>,
          %swap3A_584 = vector.shape_cast %swap3A_583 : vector<1x16xf32> to vector<16xf32>
          %swap3A_585 = vector.shape_cast %broadcast_in_dim3A_580 : vector<16xf32> to vector<1x16xf32>
          tpu.vector_store %arg12[%swap3A_581, %swap3A_582], %swap3A_585 {strides = array<i32>} : memref<16x1024xf32, #tpu.memory_space<vmem>>, vector<1x16xf32>,
          %broadcast_in_dim3A_586 = arith.constant 0.000000e+00 : f32
          %broadcast_in_dim3A_587 = vector.broadcast %broadcast_in_dim3A_586 : f32 to vector<16xf32>
          %swap3A_588 = arith.index_cast %while3A_451 : i32 to index
          %swap3A_589 = arith.constant 304 : index
          %swap3A_590 = tpu.vector_load %arg12[%swap3A_588, %swap3A_589] {strides = array<i32>} : memref<16x1024xf32, #tpu.memory_space<vmem>>, vector<1x16xf32>,
          %swap3A_591 = vector.shape_cast %swap3A_590 : vector<1x16xf32> to vector<16xf32>
          %swap3A_592 = vector.shape_cast %broadcast_in_dim3A_587 : vector<16xf32> to vector<1x16xf32>
          tpu.vector_store %arg12[%swap3A_588, %swap3A_589], %swap3A_592 {strides = array<i32>} : memref<16x1024xf32, #tpu.memory_space<vmem>>, vector<1x16xf32>,
          %broadcast_in_dim3A_593 = arith.constant 0.000000e+00 : f32
          %broadcast_in_dim3A_594 = vector.broadcast %broadcast_in_dim3A_593 : f32 to vector<16xf32>
          %swap3A_595 = arith.index_cast %while3A_451 : i32 to index
          %swap3A_596 = arith.constant 320 : index
          %swap3A_597 = tpu.vector_load %arg12[%swap3A_595, %swap3A_596] {strides = array<i32>} : memref<16x1024xf32, #tpu.memory_space<vmem>>, vector<1x16xf32>,
          %swap3A_598 = vector.shape_cast %swap3A_597 : vector<1x16xf32> to vector<16xf32>
          %swap3A_599 = vector.shape_cast %broadcast_in_dim3A_594 : vector<16xf32> to vector<1x16xf32>
          tpu.vector_store %arg12[%swap3A_595, %swap3A_596], %swap3A_599 {strides = array<i32>} : memref<16x1024xf32, #tpu.memory_space<vmem>>, vector<1x16xf32>,
          %broadcast_in_dim3A_600 = arith.constant 0.000000e+00 : f32
          %broadcast_in_dim3A_601 = vector.broadcast %broadcast_in_dim3A_600 : f32 to vector<16xf32>
          %swap3A_602 = arith.index_cast %while3A_451 : i32 to index
          %swap3A_603 = arith.constant 336 : index
          %swap3A_604 = tpu.vector_load %arg12[%swap3A_602, %swap3A_603] {strides = array<i32>} : memref<16x1024xf32, #tpu.memory_space<vmem>>, vector<1x16xf32>,
          %swap3A_605 = vector.shape_cast %swap3A_604 : vector<1x16xf32> to vector<16xf32>
          %swap3A_606 = vector.shape_cast %broadcast_in_dim3A_601 : vector<16xf32> to vector<1x16xf32>
          tpu.vector_store %arg12[%swap3A_602, %swap3A_603], %swap3A_606 {strides = array<i32>} : memref<16x1024xf32, #tpu.memory_space<vmem>>, vector<1x16xf32>,
          %broadcast_in_dim3A_607 = arith.constant 0.000000e+00 : f32
          %broadcast_in_dim3A_608 = vector.broadcast %broadcast_in_dim3A_607 : f32 to vector<16xf32>
          %swap3A_609 = arith.index_cast %while3A_451 : i32 to index
          %swap3A_610 = arith.constant 352 : index
          %swap3A_611 = tpu.vector_load %arg12[%swap3A_609, %swap3A_610] {strides = array<i32>} : memref<16x1024xf32, #tpu.memory_space<vmem>>, vector<1x16xf32>,
          %swap3A_612 = vector.shape_cast %swap3A_611 : vector<1x16xf32> to vector<16xf32>
          %swap3A_613 = vector.shape_cast %broadcast_in_dim3A_608 : vector<16xf32> to vector<1x16xf32>
          tpu.vector_store %arg12[%swap3A_609, %swap3A_610], %swap3A_613 {strides = array<i32>} : memref<16x1024xf32, #tpu.memory_space<vmem>>, vector<1x16xf32>,
          %broadcast_in_dim3A_614 = arith.constant 0.000000e+00 : f32
          %broadcast_in_dim3A_615 = vector.broadcast %broadcast_in_dim3A_614 : f32 to vector<16xf32>
          %swap3A_616 = arith.index_cast %while3A_451 : i32 to index
          %swap3A_617 = arith.constant 368 : index
          %swap3A_618 = tpu.vector_load %arg12[%swap3A_616, %swap3A_617] {strides = array<i32>} : memref<16x1024xf32, #tpu.memory_space<vmem>>, vector<1x16xf32>,
          %swap3A_619 = vector.shape_cast %swap3A_618 : vector<1x16xf32> to vector<16xf32>
          %swap3A_620 = vector.shape_cast %broadcast_in_dim3A_615 : vector<16xf32> to vector<1x16xf32>
          tpu.vector_store %arg12[%swap3A_616, %swap3A_617], %swap3A_620 {strides = array<i32>} : memref<16x1024xf32, #tpu.memory_space<vmem>>, vector<1x16xf32>,
          %broadcast_in_dim3A_621 = arith.constant 0.000000e+00 : f32
          %broadcast_in_dim3A_622 = vector.broadcast %broadcast_in_dim3A_621 : f32 to vector<16xf32>
          %swap3A_623 = arith.index_cast %while3A_451 : i32 to index
          %swap3A_624 = arith.constant 384 : index
          %swap3A_625 = tpu.vector_load %arg12[%swap3A_623, %swap3A_624] {strides = array<i32>} : memref<16x1024xf32, #tpu.memory_space<vmem>>, vector<1x16xf32>,
          %swap3A_626 = vector.shape_cast %swap3A_625 : vector<1x16xf32> to vector<16xf32>
          %swap3A_627 = vector.shape_cast %broadcast_in_dim3A_622 : vector<16xf32> to vector<1x16xf32>
          tpu.vector_store %arg12[%swap3A_623, %swap3A_624], %swap3A_627 {strides = array<i32>} : memref<16x1024xf32, #tpu.memory_space<vmem>>, vector<1x16xf32>,
          %broadcast_in_dim3A_628 = arith.constant 0.000000e+00 : f32
          %broadcast_in_dim3A_629 = vector.broadcast %broadcast_in_dim3A_628 : f32 to vector<16xf32>
          %swap3A_630 = arith.index_cast %while3A_451 : i32 to index
          %swap3A_631 = arith.constant 400 : index
          %swap3A_632 = tpu.vector_load %arg12[%swap3A_630, %swap3A_631] {strides = array<i32>} : memref<16x1024xf32, #tpu.memory_space<vmem>>, vector<1x16xf32>,
          %swap3A_633 = vector.shape_cast %swap3A_632 : vector<1x16xf32> to vector<16xf32>
          %swap3A_634 = vector.shape_cast %broadcast_in_dim3A_629 : vector<16xf32> to vector<1x16xf32>
          tpu.vector_store %arg12[%swap3A_630, %swap3A_631], %swap3A_634 {strides = array<i32>} : memref<16x1024xf32, #tpu.memory_space<vmem>>, vector<1x16xf32>,
          %broadcast_in_dim3A_635 = arith.constant 0.000000e+00 : f32
          %broadcast_in_dim3A_636 = vector.broadcast %broadcast_in_dim3A_635 : f32 to vector<16xf32>
          %swap3A_637 = arith.index_cast %while3A_451 : i32 to index
          %swap3A_638 = arith.constant 416 : index
          %swap3A_639 = tpu.vector_load %arg12[%swap3A_637, %swap3A_638] {strides = array<i32>} : memref<16x1024xf32, #tpu.memory_space<vmem>>, vector<1x16xf32>,
          %swap3A_640 = vector.shape_cast %swap3A_639 : vector<1x16xf32> to vector<16xf32>
          %swap3A_641 = vector.shape_cast %broadcast_in_dim3A_636 : vector<16xf32> to vector<1x16xf32>
          tpu.vector_store %arg12[%swap3A_637, %swap3A_638], %swap3A_641 {strides = array<i32>} : memref<16x1024xf32, #tpu.memory_space<vmem>>, vector<1x16xf32>,
          %broadcast_in_dim3A_642 = arith.constant 0.000000e+00 : f32
          %broadcast_in_dim3A_643 = vector.broadcast %broadcast_in_dim3A_642 : f32 to vector<16xf32>
          %swap3A_644 = arith.index_cast %while3A_451 : i32 to index
          %swap3A_645 = arith.constant 432 : index
          %swap3A_646 = tpu.vector_load %arg12[%swap3A_644, %swap3A_645] {strides = array<i32>} : memref<16x1024xf32, #tpu.memory_space<vmem>>, vector<1x16xf32>,
          %swap3A_647 = vector.shape_cast %swap3A_646 : vector<1x16xf32> to vector<16xf32>
          %swap3A_648 = vector.shape_cast %broadcast_in_dim3A_643 : vector<16xf32> to vector<1x16xf32>
          tpu.vector_store %arg12[%swap3A_644, %swap3A_645], %swap3A_648 {strides = array<i32>} : memref<16x1024xf32, #tpu.memory_space<vmem>>, vector<1x16xf32>,
          %broadcast_in_dim3A_649 = arith.constant 0.000000e+00 : f32
          %broadcast_in_dim3A_650 = vector.broadcast %broadcast_in_dim3A_649 : f32 to vector<16xf32>
          %swap3A_651 = arith.index_cast %while3A_451 : i32 to index
          %swap3A_652 = arith.constant 448 : index
          %swap3A_653 = tpu.vector_load %arg12[%swap3A_651, %swap3A_652] {strides = array<i32>} : memref<16x1024xf32, #tpu.memory_space<vmem>>, vector<1x16xf32>,
          %swap3A_654 = vector.shape_cast %swap3A_653 : vector<1x16xf32> to vector<16xf32>
          %swap3A_655 = vector.shape_cast %broadcast_in_dim3A_650 : vector<16xf32> to vector<1x16xf32>
          tpu.vector_store %arg12[%swap3A_651, %swap3A_652], %swap3A_655 {strides = array<i32>} : memref<16x1024xf32, #tpu.memory_space<vmem>>, vector<1x16xf32>,
          %broadcast_in_dim3A_656 = arith.constant 0.000000e+00 : f32
          %broadcast_in_dim3A_657 = vector.broadcast %broadcast_in_dim3A_656 : f32 to vector<16xf32>
          %swap3A_658 = arith.index_cast %while3A_451 : i32 to index
          %swap3A_659 = arith.constant 464 : index
          %swap3A_660 = tpu.vector_load %arg12[%swap3A_658, %swap3A_659] {strides = array<i32>} : memref<16x1024xf32, #tpu.memory_space<vmem>>, vector<1x16xf32>,
          %swap3A_661 = vector.shape_cast %swap3A_660 : vector<1x16xf32> to vector<16xf32>
          %swap3A_662 = vector.shape_cast %broadcast_in_dim3A_657 : vector<16xf32> to vector<1x16xf32>
          tpu.vector_store %arg12[%swap3A_658, %swap3A_659], %swap3A_662 {strides = array<i32>} : memref<16x1024xf32, #tpu.memory_space<vmem>>, vector<1x16xf32>,
          %broadcast_in_dim3A_663 = arith.constant 0.000000e+00 : f32
          %broadcast_in_dim3A_664 = vector.broadcast %broadcast_in_dim3A_663 : f32 to vector<16xf32>
          %swap3A_665 = arith.index_cast %while3A_451 : i32 to index
          %swap3A_666 = arith.constant 480 : index
          %swap3A_667 = tpu.vector_load %arg12[%swap3A_665, %swap3A_666] {strides = array<i32>} : memref<16x1024xf32, #tpu.memory_space<vmem>>, vector<1x16xf32>,
          %swap3A_668 = vector.shape_cast %swap3A_667 : vector<1x16xf32> to vector<16xf32>
          %swap3A_669 = vector.shape_cast %broadcast_in_dim3A_664 : vector<16xf32> to vector<1x16xf32>
          tpu.vector_store %arg12[%swap3A_665, %swap3A_666], %swap3A_669 {strides = array<i32>} : memref<16x1024xf32, #tpu.memory_space<vmem>>, vector<1x16xf32>,
          %broadcast_in_dim3A_670 = arith.constant 0.000000e+00 : f32
          %broadcast_in_dim3A_671 = vector.broadcast %broadcast_in_dim3A_670 : f32 to vector<16xf32>
          %swap3A_672 = arith.index_cast %while3A_451 : i32 to index
          %swap3A_673 = arith.constant 496 : index
          %swap3A_674 = tpu.vector_load %arg12[%swap3A_672, %swap3A_673] {strides = array<i32>} : memref<16x1024xf32, #tpu.memory_space<vmem>>, vector<1x16xf32>,
          %swap3A_675 = vector.shape_cast %swap3A_674 : vector<1x16xf32> to vector<16xf32>
          %swap3A_676 = vector.shape_cast %broadcast_in_dim3A_671 : vector<16xf32> to vector<1x16xf32>
          tpu.vector_store %arg12[%swap3A_672, %swap3A_673], %swap3A_676 {strides = array<i32>} : memref<16x1024xf32, #tpu.memory_space<vmem>>, vector<1x16xf32>,
          %broadcast_in_dim3A_677 = arith.constant 0.000000e+00 : f32
          %broadcast_in_dim3A_678 = vector.broadcast %broadcast_in_dim3A_677 : f32 to vector<16xf32>
          %swap3A_679 = arith.index_cast %while3A_451 : i32 to index
          %swap3A_680 = arith.constant 512 : index
          %swap3A_681 = tpu.vector_load %arg12[%swap3A_679, %swap3A_680] {strides = array<i32>} : memref<16x1024xf32, #tpu.memory_space<vmem>>, vector<1x16xf32>,
          %swap3A_682 = vector.shape_cast %swap3A_681 : vector<1x16xf32> to vector<16xf32>
          %swap3A_683 = vector.shape_cast %broadcast_in_dim3A_678 : vector<16xf32> to vector<1x16xf32>
          tpu.vector_store %arg12[%swap3A_679, %swap3A_680], %swap3A_683 {strides = array<i32>} : memref<16x1024xf32, #tpu.memory_space<vmem>>, vector<1x16xf32>,
          %broadcast_in_dim3A_684 = arith.constant 0.000000e+00 : f32
          %broadcast_in_dim3A_685 = vector.broadcast %broadcast_in_dim3A_684 : f32 to vector<16xf32>
          %swap3A_686 = arith.index_cast %while3A_451 : i32 to index
          %swap3A_687 = arith.constant 528 : index
          %swap3A_688 = tpu.vector_load %arg12[%swap3A_686, %swap3A_687] {strides = array<i32>} : memref<16x1024xf32, #tpu.memory_space<vmem>>, vector<1x16xf32>,
          %swap3A_689 = vector.shape_cast %swap3A_688 : vector<1x16xf32> to vector<16xf32>
          %swap3A_690 = vector.shape_cast %broadcast_in_dim3A_685 : vector<16xf32> to vector<1x16xf32>
          tpu.vector_store %arg12[%swap3A_686, %swap3A_687], %swap3A_690 {strides = array<i32>} : memref<16x1024xf32, #tpu.memory_space<vmem>>, vector<1x16xf32>,
          %broadcast_in_dim3A_691 = arith.constant 0.000000e+00 : f32
          %broadcast_in_dim3A_692 = vector.broadcast %broadcast_in_dim3A_691 : f32 to vector<16xf32>
          %swap3A_693 = arith.index_cast %while3A_451 : i32 to index
          %swap3A_694 = arith.constant 544 : index
          %swap3A_695 = tpu.vector_load %arg12[%swap3A_693, %swap3A_694] {strides = array<i32>} : memref<16x1024xf32, #tpu.memory_space<vmem>>, vector<1x16xf32>,
          %swap3A_696 = vector.shape_cast %swap3A_695 : vector<1x16xf32> to vector<16xf32>
          %swap3A_697 = vector.shape_cast %broadcast_in_dim3A_692 : vector<16xf32> to vector<1x16xf32>
          tpu.vector_store %arg12[%swap3A_693, %swap3A_694], %swap3A_697 {strides = array<i32>} : memref<16x1024xf32, #tpu.memory_space<vmem>>, vector<1x16xf32>,
          %broadcast_in_dim3A_698 = arith.constant 0.000000e+00 : f32
          %broadcast_in_dim3A_699 = vector.broadcast %broadcast_in_dim3A_698 : f32 to vector<16xf32>
          %swap3A_700 = arith.index_cast %while3A_451 : i32 to index
          %swap3A_701 = arith.constant 560 : index
          %swap3A_702 = tpu.vector_load %arg12[%swap3A_700, %swap3A_701] {strides = array<i32>} : memref<16x1024xf32, #tpu.memory_space<vmem>>, vector<1x16xf32>,
          %swap3A_703 = vector.shape_cast %swap3A_702 : vector<1x16xf32> to vector<16xf32>
          %swap3A_704 = vector.shape_cast %broadcast_in_dim3A_699 : vector<16xf32> to vector<1x16xf32>
          tpu.vector_store %arg12[%swap3A_700, %swap3A_701], %swap3A_704 {strides = array<i32>} : memref<16x1024xf32, #tpu.memory_space<vmem>>, vector<1x16xf32>,
          %broadcast_in_dim3A_705 = arith.constant 0.000000e+00 : f32
          %broadcast_in_dim3A_706 = vector.broadcast %broadcast_in_dim3A_705 : f32 to vector<16xf32>
          %swap3A_707 = arith.index_cast %while3A_451 : i32 to index
          %swap3A_708 = arith.constant 576 : index
          %swap3A_709 = tpu.vector_load %arg12[%swap3A_707, %swap3A_708] {strides = array<i32>} : memref<16x1024xf32, #tpu.memory_space<vmem>>, vector<1x16xf32>,
          %swap3A_710 = vector.shape_cast %swap3A_709 : vector<1x16xf32> to vector<16xf32>
          %swap3A_711 = vector.shape_cast %broadcast_in_dim3A_706 : vector<16xf32> to vector<1x16xf32>
          tpu.vector_store %arg12[%swap3A_707, %swap3A_708], %swap3A_711 {strides = array<i32>} : memref<16x1024xf32, #tpu.memory_space<vmem>>, vector<1x16xf32>,
          %broadcast_in_dim3A_712 = arith.constant 0.000000e+00 : f32
          %broadcast_in_dim3A_713 = vector.broadcast %broadcast_in_dim3A_712 : f32 to vector<16xf32>
          %swap3A_714 = arith.index_cast %while3A_451 : i32 to index
          %swap3A_715 = arith.constant 592 : index
          %swap3A_716 = tpu.vector_load %arg12[%swap3A_714, %swap3A_715] {strides = array<i32>} : memref<16x1024xf32, #tpu.memory_space<vmem>>, vector<1x16xf32>,
          %swap3A_717 = vector.shape_cast %swap3A_716 : vector<1x16xf32> to vector<16xf32>
          %swap3A_718 = vector.shape_cast %broadcast_in_dim3A_713 : vector<16xf32> to vector<1x16xf32>
          tpu.vector_store %arg12[%swap3A_714, %swap3A_715], %swap3A_718 {strides = array<i32>} : memref<16x1024xf32, #tpu.memory_space<vmem>>, vector<1x16xf32>,
          %broadcast_in_dim3A_719 = arith.constant 0.000000e+00 : f32
          %broadcast_in_dim3A_720 = vector.broadcast %broadcast_in_dim3A_719 : f32 to vector<16xf32>
          %swap3A_721 = arith.index_cast %while3A_451 : i32 to index
          %swap3A_722 = arith.constant 608 : index
          %swap3A_723 = tpu.vector_load %arg12[%swap3A_721, %swap3A_722] {strides = array<i32>} : memref<16x1024xf32, #tpu.memory_space<vmem>>, vector<1x16xf32>,
          %swap3A_724 = vector.shape_cast %swap3A_723 : vector<1x16xf32> to vector<16xf32>
          %swap3A_725 = vector.shape_cast %broadcast_in_dim3A_720 : vector<16xf32> to vector<1x16xf32>
          tpu.vector_store %arg12[%swap3A_721, %swap3A_722], %swap3A_725 {strides = array<i32>} : memref<16x1024xf32, #tpu.memory_space<vmem>>, vector<1x16xf32>,
          %broadcast_in_dim3A_726 = arith.constant 0.000000e+00 : f32
          %broadcast_in_dim3A_727 = vector.broadcast %broadcast_in_dim3A_726 : f32 to vector<16xf32>
          %swap3A_728 = arith.index_cast %while3A_451 : i32 to index
          %swap3A_729 = arith.constant 624 : index
          %swap3A_730 = tpu.vector_load %arg12[%swap3A_728, %swap3A_729] {strides = array<i32>} : memref<16x1024xf32, #tpu.memory_space<vmem>>, vector<1x16xf32>,
          %swap3A_731 = vector.shape_cast %swap3A_730 : vector<1x16xf32> to vector<16xf32>
          %swap3A_732 = vector.shape_cast %broadcast_in_dim3A_727 : vector<16xf32> to vector<1x16xf32>
          tpu.vector_store %arg12[%swap3A_728, %swap3A_729], %swap3A_732 {strides = array<i32>} : memref<16x1024xf32, #tpu.memory_space<vmem>>, vector<1x16xf32>,
          %broadcast_in_dim3A_733 = arith.constant 0.000000e+00 : f32
          %broadcast_in_dim3A_734 = vector.broadcast %broadcast_in_dim3A_733 : f32 to vector<16xf32>
          %swap3A_735 = arith.index_cast %while3A_451 : i32 to index
          %swap3A_736 = arith.constant 640 : index
          %swap3A_737 = tpu.vector_load %arg12[%swap3A_735, %swap3A_736] {strides = array<i32>} : memref<16x1024xf32, #tpu.memory_space<vmem>>, vector<1x16xf32>,
          %swap3A_738 = vector.shape_cast %swap3A_737 : vector<1x16xf32> to vector<16xf32>
          %swap3A_739 = vector.shape_cast %broadcast_in_dim3A_734 : vector<16xf32> to vector<1x16xf32>
          tpu.vector_store %arg12[%swap3A_735, %swap3A_736], %swap3A_739 {strides = array<i32>} : memref<16x1024xf32, #tpu.memory_space<vmem>>, vector<1x16xf32>,
          %broadcast_in_dim3A_740 = arith.constant 0.000000e+00 : f32
          %broadcast_in_dim3A_741 = vector.broadcast %broadcast_in_dim3A_740 : f32 to vector<16xf32>
          %swap3A_742 = arith.index_cast %while3A_451 : i32 to index
          %swap3A_743 = arith.constant 656 : index
          %swap3A_744 = tpu.vector_load %arg12[%swap3A_742, %swap3A_743] {strides = array<i32>} : memref<16x1024xf32, #tpu.memory_space<vmem>>, vector<1x16xf32>,
          %swap3A_745 = vector.shape_cast %swap3A_744 : vector<1x16xf32> to vector<16xf32>
          %swap3A_746 = vector.shape_cast %broadcast_in_dim3A_741 : vector<16xf32> to vector<1x16xf32>
          tpu.vector_store %arg12[%swap3A_742, %swap3A_743], %swap3A_746 {strides = array<i32>} : memref<16x1024xf32, #tpu.memory_space<vmem>>, vector<1x16xf32>,
          %broadcast_in_dim3A_747 = arith.constant 0.000000e+00 : f32
          %broadcast_in_dim3A_748 = vector.broadcast %broadcast_in_dim3A_747 : f32 to vector<16xf32>
          %swap3A_749 = arith.index_cast %while3A_451 : i32 to index
          %swap3A_750 = arith.constant 672 : index
          %swap3A_751 = tpu.vector_load %arg12[%swap3A_749, %swap3A_750] {strides = array<i32>} : memref<16x1024xf32, #tpu.memory_space<vmem>>, vector<1x16xf32>,
          %swap3A_752 = vector.shape_cast %swap3A_751 : vector<1x16xf32> to vector<16xf32>
          %swap3A_753 = vector.shape_cast %broadcast_in_dim3A_748 : vector<16xf32> to vector<1x16xf32>
          tpu.vector_store %arg12[%swap3A_749, %swap3A_750], %swap3A_753 {strides = array<i32>} : memref<16x1024xf32, #tpu.memory_space<vmem>>, vector<1x16xf32>,
          %broadcast_in_dim3A_754 = arith.constant 0.000000e+00 : f32
          %broadcast_in_dim3A_755 = vector.broadcast %broadcast_in_dim3A_754 : f32 to vector<16xf32>
          %swap3A_756 = arith.index_cast %while3A_451 : i32 to index
          %swap3A_757 = arith.constant 688 : index
          %swap3A_758 = tpu.vector_load %arg12[%swap3A_756, %swap3A_757] {strides = array<i32>} : memref<16x1024xf32, #tpu.memory_space<vmem>>, vector<1x16xf32>,
          %swap3A_759 = vector.shape_cast %swap3A_758 : vector<1x16xf32> to vector<16xf32>
          %swap3A_760 = vector.shape_cast %broadcast_in_dim3A_755 : vector<16xf32> to vector<1x16xf32>
          tpu.vector_store %arg12[%swap3A_756, %swap3A_757], %swap3A_760 {strides = array<i32>} : memref<16x1024xf32, #tpu.memory_space<vmem>>, vector<1x16xf32>,
          %broadcast_in_dim3A_761 = arith.constant 0.000000e+00 : f32
          %broadcast_in_dim3A_762 = vector.broadcast %broadcast_in_dim3A_761 : f32 to vector<16xf32>
          %swap3A_763 = arith.index_cast %while3A_451 : i32 to index
          %swap3A_764 = arith.constant 704 : index
          %swap3A_765 = tpu.vector_load %arg12[%swap3A_763, %swap3A_764] {strides = array<i32>} : memref<16x1024xf32, #tpu.memory_space<vmem>>, vector<1x16xf32>,
          %swap3A_766 = vector.shape_cast %swap3A_765 : vector<1x16xf32> to vector<16xf32>
          %swap3A_767 = vector.shape_cast %broadcast_in_dim3A_762 : vector<16xf32> to vector<1x16xf32>
          tpu.vector_store %arg12[%swap3A_763, %swap3A_764], %swap3A_767 {strides = array<i32>} : memref<16x1024xf32, #tpu.memory_space<vmem>>, vector<1x16xf32>,
          %broadcast_in_dim3A_768 = arith.constant 0.000000e+00 : f32
          %broadcast_in_dim3A_769 = vector.broadcast %broadcast_in_dim3A_768 : f32 to vector<16xf32>
          %swap3A_770 = arith.index_cast %while3A_451 : i32 to index
          %swap3A_771 = arith.constant 720 : index
          %swap3A_772 = tpu.vector_load %arg12[%swap3A_770, %swap3A_771] {strides = array<i32>} : memref<16x1024xf32, #tpu.memory_space<vmem>>, vector<1x16xf32>,
          %swap3A_773 = vector.shape_cast %swap3A_772 : vector<1x16xf32> to vector<16xf32>
          %swap3A_774 = vector.shape_cast %broadcast_in_dim3A_769 : vector<16xf32> to vector<1x16xf32>
          tpu.vector_store %arg12[%swap3A_770, %swap3A_771], %swap3A_774 {strides = array<i32>} : memref<16x1024xf32, #tpu.memory_space<vmem>>, vector<1x16xf32>,
          %broadcast_in_dim3A_775 = arith.constant 0.000000e+00 : f32
          %broadcast_in_dim3A_776 = vector.broadcast %broadcast_in_dim3A_775 : f32 to vector<16xf32>
          %swap3A_777 = arith.index_cast %while3A_451 : i32 to index
          %swap3A_778 = arith.constant 736 : index
          %swap3A_779 = tpu.vector_load %arg12[%swap3A_777, %swap3A_778] {strides = array<i32>} : memref<16x1024xf32, #tpu.memory_space<vmem>>, vector<1x16xf32>,
          %swap3A_780 = vector.shape_cast %swap3A_779 : vector<1x16xf32> to vector<16xf32>
          %swap3A_781 = vector.shape_cast %broadcast_in_dim3A_776 : vector<16xf32> to vector<1x16xf32>
          tpu.vector_store %arg12[%swap3A_777, %swap3A_778], %swap3A_781 {strides = array<i32>} : memref<16x1024xf32, #tpu.memory_space<vmem>>, vector<1x16xf32>,
          %broadcast_in_dim3A_782 = arith.constant 0.000000e+00 : f32
          %broadcast_in_dim3A_783 = vector.broadcast %broadcast_in_dim3A_782 : f32 to vector<16xf32>
          %swap3A_784 = arith.index_cast %while3A_451 : i32 to index
          %swap3A_785 = arith.constant 752 : index
          %swap3A_786 = tpu.vector_load %arg12[%swap3A_784, %swap3A_785] {strides = array<i32>} : memref<16x1024xf32, #tpu.memory_space<vmem>>, vector<1x16xf32>,
          %swap3A_787 = vector.shape_cast %swap3A_786 : vector<1x16xf32> to vector<16xf32>
          %swap3A_788 = vector.shape_cast %broadcast_in_dim3A_783 : vector<16xf32> to vector<1x16xf32>
          tpu.vector_store %arg12[%swap3A_784, %swap3A_785], %swap3A_788 {strides = array<i32>} : memref<16x1024xf32, #tpu.memory_space<vmem>>, vector<1x16xf32>,
          %broadcast_in_dim3A_789 = arith.constant 0.000000e+00 : f32
          %broadcast_in_dim3A_790 = vector.broadcast %broadcast_in_dim3A_789 : f32 to vector<16xf32>
          %swap3A_791 = arith.index_cast %while3A_451 : i32 to index
          %swap3A_792 = arith.constant 768 : index
          %swap3A_793 = tpu.vector_load %arg12[%swap3A_791, %swap3A_792] {strides = array<i32>} : memref<16x1024xf32, #tpu.memory_space<vmem>>, vector<1x16xf32>,
          %swap3A_794 = vector.shape_cast %swap3A_793 : vector<1x16xf32> to vector<16xf32>
          %swap3A_795 = vector.shape_cast %broadcast_in_dim3A_790 : vector<16xf32> to vector<1x16xf32>
          tpu.vector_store %arg12[%swap3A_791, %swap3A_792], %swap3A_795 {strides = array<i32>} : memref<16x1024xf32, #tpu.memory_space<vmem>>, vector<1x16xf32>,
          %broadcast_in_dim3A_796 = arith.constant 0.000000e+00 : f32
          %broadcast_in_dim3A_797 = vector.broadcast %broadcast_in_dim3A_796 : f32 to vector<16xf32>
          %swap3A_798 = arith.index_cast %while3A_451 : i32 to index
          %swap3A_799 = arith.constant 784 : index
          %swap3A_800 = tpu.vector_load %arg12[%swap3A_798, %swap3A_799] {strides = array<i32>} : memref<16x1024xf32, #tpu.memory_space<vmem>>, vector<1x16xf32>,
          %swap3A_801 = vector.shape_cast %swap3A_800 : vector<1x16xf32> to vector<16xf32>
          %swap3A_802 = vector.shape_cast %broadcast_in_dim3A_797 : vector<16xf32> to vector<1x16xf32>
          tpu.vector_store %arg12[%swap3A_798, %swap3A_799], %swap3A_802 {strides = array<i32>} : memref<16x1024xf32, #tpu.memory_space<vmem>>, vector<1x16xf32>,
          %broadcast_in_dim3A_803 = arith.constant 0.000000e+00 : f32
          %broadcast_in_dim3A_804 = vector.broadcast %broadcast_in_dim3A_803 : f32 to vector<16xf32>
          %swap3A_805 = arith.index_cast %while3A_451 : i32 to index
          %swap3A_806 = arith.constant 800 : index
          %swap3A_807 = tpu.vector_load %arg12[%swap3A_805, %swap3A_806] {strides = array<i32>} : memref<16x1024xf32, #tpu.memory_space<vmem>>, vector<1x16xf32>,
          %swap3A_808 = vector.shape_cast %swap3A_807 : vector<1x16xf32> to vector<16xf32>
          %swap3A_809 = vector.shape_cast %broadcast_in_dim3A_804 : vector<16xf32> to vector<1x16xf32>
          tpu.vector_store %arg12[%swap3A_805, %swap3A_806], %swap3A_809 {strides = array<i32>} : memref<16x1024xf32, #tpu.memory_space<vmem>>, vector<1x16xf32>,
          %broadcast_in_dim3A_810 = arith.constant 0.000000e+00 : f32
          %broadcast_in_dim3A_811 = vector.broadcast %broadcast_in_dim3A_810 : f32 to vector<16xf32>
          %swap3A_812 = arith.index_cast %while3A_451 : i32 to index
          %swap3A_813 = arith.constant 816 : index
          %swap3A_814 = tpu.vector_load %arg12[%swap3A_812, %swap3A_813] {strides = array<i32>} : memref<16x1024xf32, #tpu.memory_space<vmem>>, vector<1x16xf32>,
          %swap3A_815 = vector.shape_cast %swap3A_814 : vector<1x16xf32> to vector<16xf32>
          %swap3A_816 = vector.shape_cast %broadcast_in_dim3A_811 : vector<16xf32> to vector<1x16xf32>
          tpu.vector_store %arg12[%swap3A_812, %swap3A_813], %swap3A_816 {strides = array<i32>} : memref<16x1024xf32, #tpu.memory_space<vmem>>, vector<1x16xf32>,
          %broadcast_in_dim3A_817 = arith.constant 0.000000e+00 : f32
          %broadcast_in_dim3A_818 = vector.broadcast %broadcast_in_dim3A_817 : f32 to vector<16xf32>
          %swap3A_819 = arith.index_cast %while3A_451 : i32 to index
          %swap3A_820 = arith.constant 832 : index
          %swap3A_821 = tpu.vector_load %arg12[%swap3A_819, %swap3A_820] {strides = array<i32>} : memref<16x1024xf32, #tpu.memory_space<vmem>>, vector<1x16xf32>,
          %swap3A_822 = vector.shape_cast %swap3A_821 : vector<1x16xf32> to vector<16xf32>
          %swap3A_823 = vector.shape_cast %broadcast_in_dim3A_818 : vector<16xf32> to vector<1x16xf32>
          tpu.vector_store %arg12[%swap3A_819, %swap3A_820], %swap3A_823 {strides = array<i32>} : memref<16x1024xf32, #tpu.memory_space<vmem>>, vector<1x16xf32>,
          %broadcast_in_dim3A_824 = arith.constant 0.000000e+00 : f32
          %broadcast_in_dim3A_825 = vector.broadcast %broadcast_in_dim3A_824 : f32 to vector<16xf32>
          %swap3A_826 = arith.index_cast %while3A_451 : i32 to index
          %swap3A_827 = arith.constant 848 : index
          %swap3A_828 = tpu.vector_load %arg12[%swap3A_826, %swap3A_827] {strides = array<i32>} : memref<16x1024xf32, #tpu.memory_space<vmem>>, vector<1x16xf32>,
          %swap3A_829 = vector.shape_cast %swap3A_828 : vector<1x16xf32> to vector<16xf32>
          %swap3A_830 = vector.shape_cast %broadcast_in_dim3A_825 : vector<16xf32> to vector<1x16xf32>
          tpu.vector_store %arg12[%swap3A_826, %swap3A_827], %swap3A_830 {strides = array<i32>} : memref<16x1024xf32, #tpu.memory_space<vmem>>, vector<1x16xf32>,
          %broadcast_in_dim3A_831 = arith.constant 0.000000e+00 : f32
          %broadcast_in_dim3A_832 = vector.broadcast %broadcast_in_dim3A_831 : f32 to vector<16xf32>
          %swap3A_833 = arith.index_cast %while3A_451 : i32 to index
          %swap3A_834 = arith.constant 864 : index
          %swap3A_835 = tpu.vector_load %arg12[%swap3A_833, %swap3A_834] {strides = array<i32>} : memref<16x1024xf32, #tpu.memory_space<vmem>>, vector<1x16xf32>,
          %swap3A_836 = vector.shape_cast %swap3A_835 : vector<1x16xf32> to vector<16xf32>
          %swap3A_837 = vector.shape_cast %broadcast_in_dim3A_832 : vector<16xf32> to vector<1x16xf32>
          tpu.vector_store %arg12[%swap3A_833, %swap3A_834], %swap3A_837 {strides = array<i32>} : memref<16x1024xf32, #tpu.memory_space<vmem>>, vector<1x16xf32>,
          %broadcast_in_dim3A_838 = arith.constant 0.000000e+00 : f32
          %broadcast_in_dim3A_839 = vector.broadcast %broadcast_in_dim3A_838 : f32 to vector<16xf32>
          %swap3A_840 = arith.index_cast %while3A_451 : i32 to index
          %swap3A_841 = arith.constant 880 : index
          %swap3A_842 = tpu.vector_load %arg12[%swap3A_840, %swap3A_841] {strides = array<i32>} : memref<16x1024xf32, #tpu.memory_space<vmem>>, vector<1x16xf32>,
          %swap3A_843 = vector.shape_cast %swap3A_842 : vector<1x16xf32> to vector<16xf32>
          %swap3A_844 = vector.shape_cast %broadcast_in_dim3A_839 : vector<16xf32> to vector<1x16xf32>
          tpu.vector_store %arg12[%swap3A_840, %swap3A_841], %swap3A_844 {strides = array<i32>} : memref<16x1024xf32, #tpu.memory_space<vmem>>, vector<1x16xf32>,
          %broadcast_in_dim3A_845 = arith.constant 0.000000e+00 : f32
          %broadcast_in_dim3A_846 = vector.broadcast %broadcast_in_dim3A_845 : f32 to vector<16xf32>
          %swap3A_847 = arith.index_cast %while3A_451 : i32 to index
          %swap3A_848 = arith.constant 896 : index
          %swap3A_849 = tpu.vector_load %arg12[%swap3A_847, %swap3A_848] {strides = array<i32>} : memref<16x1024xf32, #tpu.memory_space<vmem>>, vector<1x16xf32>,
          %swap3A_850 = vector.shape_cast %swap3A_849 : vector<1x16xf32> to vector<16xf32>
          %swap3A_851 = vector.shape_cast %broadcast_in_dim3A_846 : vector<16xf32> to vector<1x16xf32>
          tpu.vector_store %arg12[%swap3A_847, %swap3A_848], %swap3A_851 {strides = array<i32>} : memref<16x1024xf32, #tpu.memory_space<vmem>>, vector<1x16xf32>,
          %broadcast_in_dim3A_852 = arith.constant 0.000000e+00 : f32
          %broadcast_in_dim3A_853 = vector.broadcast %broadcast_in_dim3A_852 : f32 to vector<16xf32>
          %swap3A_854 = arith.index_cast %while3A_451 : i32 to index
          %swap3A_855 = arith.constant 912 : index
          %swap3A_856 = tpu.vector_load %arg12[%swap3A_854, %swap3A_855] {strides = array<i32>} : memref<16x1024xf32, #tpu.memory_space<vmem>>, vector<1x16xf32>,
          %swap3A_857 = vector.shape_cast %swap3A_856 : vector<1x16xf32> to vector<16xf32>
          %swap3A_858 = vector.shape_cast %broadcast_in_dim3A_853 : vector<16xf32> to vector<1x16xf32>
          tpu.vector_store %arg12[%swap3A_854, %swap3A_855], %swap3A_858 {strides = array<i32>} : memref<16x1024xf32, #tpu.memory_space<vmem>>, vector<1x16xf32>,
          %broadcast_in_dim3A_859 = arith.constant 0.000000e+00 : f32
          %broadcast_in_dim3A_860 = vector.broadcast %broadcast_in_dim3A_859 : f32 to vector<16xf32>
          %swap3A_861 = arith.index_cast %while3A_451 : i32 to index
          %swap3A_862 = arith.constant 928 : index
          %swap3A_863 = tpu.vector_load %arg12[%swap3A_861, %swap3A_862] {strides = array<i32>} : memref<16x1024xf32, #tpu.memory_space<vmem>>, vector<1x16xf32>,
          %swap3A_864 = vector.shape_cast %swap3A_863 : vector<1x16xf32> to vector<16xf32>
          %swap3A_865 = vector.shape_cast %broadcast_in_dim3A_860 : vector<16xf32> to vector<1x16xf32>
          tpu.vector_store %arg12[%swap3A_861, %swap3A_862], %swap3A_865 {strides = array<i32>} : memref<16x1024xf32, #tpu.memory_space<vmem>>, vector<1x16xf32>,
          %broadcast_in_dim3A_866 = arith.constant 0.000000e+00 : f32
          %broadcast_in_dim3A_867 = vector.broadcast %broadcast_in_dim3A_866 : f32 to vector<16xf32>
          %swap3A_868 = arith.index_cast %while3A_451 : i32 to index
          %swap3A_869 = arith.constant 944 : index
          %swap3A_870 = tpu.vector_load %arg12[%swap3A_868, %swap3A_869] {strides = array<i32>} : memref<16x1024xf32, #tpu.memory_space<vmem>>, vector<1x16xf32>,
          %swap3A_871 = vector.shape_cast %swap3A_870 : vector<1x16xf32> to vector<16xf32>
          %swap3A_872 = vector.shape_cast %broadcast_in_dim3A_867 : vector<16xf32> to vector<1x16xf32>
          tpu.vector_store %arg12[%swap3A_868, %swap3A_869], %swap3A_872 {strides = array<i32>} : memref<16x1024xf32, #tpu.memory_space<vmem>>, vector<1x16xf32>,
          %broadcast_in_dim3A_873 = arith.constant 0.000000e+00 : f32
          %broadcast_in_dim3A_874 = vector.broadcast %broadcast_in_dim3A_873 : f32 to vector<16xf32>
          %swap3A_875 = arith.index_cast %while3A_451 : i32 to index
          %swap3A_876 = arith.constant 960 : index
          %swap3A_877 = tpu.vector_load %arg12[%swap3A_875, %swap3A_876] {strides = array<i32>} : memref<16x1024xf32, #tpu.memory_space<vmem>>, vector<1x16xf32>,
          %swap3A_878 = vector.shape_cast %swap3A_877 : vector<1x16xf32> to vector<16xf32>
          %swap3A_879 = vector.shape_cast %broadcast_in_dim3A_874 : vector<16xf32> to vector<1x16xf32>
          tpu.vector_store %arg12[%swap3A_875, %swap3A_876], %swap3A_879 {strides = array<i32>} : memref<16x1024xf32, #tpu.memory_space<vmem>>, vector<1x16xf32>,
          %broadcast_in_dim3A_880 = arith.constant 0.000000e+00 : f32
          %broadcast_in_dim3A_881 = vector.broadcast %broadcast_in_dim3A_880 : f32 to vector<16xf32>
          %swap3A_882 = arith.index_cast %while3A_451 : i32 to index
          %swap3A_883 = arith.constant 976 : index
          %swap3A_884 = tpu.vector_load %arg12[%swap3A_882, %swap3A_883] {strides = array<i32>} : memref<16x1024xf32, #tpu.memory_space<vmem>>, vector<1x16xf32>,
          %swap3A_885 = vector.shape_cast %swap3A_884 : vector<1x16xf32> to vector<16xf32>
          %swap3A_886 = vector.shape_cast %broadcast_in_dim3A_881 : vector<16xf32> to vector<1x16xf32>
          tpu.vector_store %arg12[%swap3A_882, %swap3A_883], %swap3A_886 {strides = array<i32>} : memref<16x1024xf32, #tpu.memory_space<vmem>>, vector<1x16xf32>,
          %broadcast_in_dim3A_887 = arith.constant 0.000000e+00 : f32
          %broadcast_in_dim3A_888 = vector.broadcast %broadcast_in_dim3A_887 : f32 to vector<16xf32>
          %swap3A_889 = arith.index_cast %while3A_451 : i32 to index
          %swap3A_890 = arith.constant 992 : index
          %swap3A_891 = tpu.vector_load %arg12[%swap3A_889, %swap3A_890] {strides = array<i32>} : memref<16x1024xf32, #tpu.memory_space<vmem>>, vector<1x16xf32>,
          %swap3A_892 = vector.shape_cast %swap3A_891 : vector<1x16xf32> to vector<16xf32>
          %swap3A_893 = vector.shape_cast %broadcast_in_dim3A_888 : vector<16xf32> to vector<1x16xf32>
          tpu.vector_store %arg12[%swap3A_889, %swap3A_890], %swap3A_893 {strides = array<i32>} : memref<16x1024xf32, #tpu.memory_space<vmem>>, vector<1x16xf32>,
          %broadcast_in_dim3A_894 = arith.constant 0.000000e+00 : f32
          %broadcast_in_dim3A_895 = vector.broadcast %broadcast_in_dim3A_894 : f32 to vector<16xf32>
          %swap3A_896 = arith.index_cast %while3A_451 : i32 to index
          %swap3A_897 = arith.constant 1008 : index
          %swap3A_898 = tpu.vector_load %arg12[%swap3A_896, %swap3A_897] {strides = array<i32>} : memref<16x1024xf32, #tpu.memory_space<vmem>>, vector<1x16xf32>,
          %swap3A_899 = vector.shape_cast %swap3A_898 : vector<1x16xf32> to vector<16xf32>
          %swap3A_900 = vector.shape_cast %broadcast_in_dim3A_895 : vector<16xf32> to vector<1x16xf32>
          tpu.vector_store %arg12[%swap3A_896, %swap3A_897], %swap3A_900 {strides = array<i32>} : memref<16x1024xf32, #tpu.memory_space<vmem>>, vector<1x16xf32>,
          %while3A_901 = arith.constant 0 : i32
          scf.yield %while3A_901 : i32
        }
        %while3A_449 = arith.constant 1 : i32
        %while3A_450 = scf.for %while3A_451 = %while3A_446 to %while3A_442 step %while3A_449 iter_args(%while3A_452 = %while3A_448) -> (i32)  : i32 {
          %broadcast_in_dim3A_453 = arith.constant 0.000000e+00 : f32
          %broadcast_in_dim3A_454 = vector.broadcast %broadcast_in_dim3A_453 : f32 to vector<16xf32>
          %swap3A_455 = arith.index_cast %while3A_451 : i32 to index
          %swap3A_456 = arith.constant 0 : index
          %swap3A_457 = tpu.vector_load %arg12[%swap3A_455, %swap3A_456] {strides = array<i32>} : memref<16x1024xf32, #tpu.memory_space<vmem>>, vector<1x16xf32>,
          %swap3A_458 = vector.shape_cast %swap3A_457 : vector<1x16xf32> to vector<16xf32>
          %swap3A_459 = vector.shape_cast %broadcast_in_dim3A_454 : vector<16xf32> to vector<1x16xf32>
          tpu.vector_store %arg12[%swap3A_455, %swap3A_456], %swap3A_459 {strides = array<i32>} : memref<16x1024xf32, #tpu.memory_space<vmem>>, vector<1x16xf32>,
          %broadcast_in_dim3A_460 = arith.constant 0.000000e+00 : f32
          %broadcast_in_dim3A_461 = vector.broadcast %broadcast_in_dim3A_460 : f32 to vector<16xf32>
          %swap3A_462 = arith.index_cast %while3A_451 : i32 to index
          %swap3A_463 = arith.constant 16 : index
          %swap3A_464 = tpu.vector_load %arg12[%swap3A_462, %swap3A_463] {strides = array<i32>} : memref<16x1024xf32, #tpu.memory_space<vmem>>, vector<1x16xf32>,
          %swap3A_465 = vector.shape_cast %swap3A_464 : vector<1x16xf32> to vector<16xf32>
          %swap3A_466 = vector.shape_cast %broadcast_in_dim3A_461 : vector<16xf32> to vector<1x16xf32>
          tpu.vector_store %arg12[%swap3A_462, %swap3A_463], %swap3A_466 {strides = array<i32>} : memref<16x1024xf32, #tpu.memory_space<vmem>>, vector<1x16xf32>,
          %broadcast_in_dim3A_467 = arith.constant 0.000000e+00 : f32
          %broadcast_in_dim3A_468 = vector.broadcast %broadcast_in_dim3A_467 : f32 to vector<16xf32>
          %swap3A_469 = arith.index_cast %while3A_451 : i32 to index
          %swap3A_470 = arith.constant 32 : index
          %swap3A_471 = tpu.vector_load %arg12[%swap3A_469, %swap3A_470] {strides = array<i32>} : memref<16x1024xf32, #tpu.memory_space<vmem>>, vector<1x16xf32>,
          %swap3A_472 = vector.shape_cast %swap3A_471 : vector<1x16xf32> to vector<16xf32>
          %swap3A_473 = vector.shape_cast %broadcast_in_dim3A_468 : vector<16xf32> to vector<1x16xf32>
          tpu.vector_store %arg12[%swap3A_469, %swap3A_470], %swap3A_473 {strides = array<i32>} : memref<16x1024xf32, #tpu.memory_space<vmem>>, vector<1x16xf32>,
          %broadcast_in_dim3A_474 = arith.constant 0.000000e+00 : f32
          %broadcast_in_dim3A_475 = vector.broadcast %broadcast_in_dim3A_474 : f32 to vector<16xf32>
          %swap3A_476 = arith.index_cast %while3A_451 : i32 to index
          %swap3A_477 = arith.constant 48 : index
          %swap3A_478 = tpu.vector_load %arg12[%swap3A_476, %swap3A_477] {strides = array<i32>} : memref<16x1024xf32, #tpu.memory_space<vmem>>, vector<1x16xf32>,
          %swap3A_479 = vector.shape_cast %swap3A_478 : vector<1x16xf32> to vector<16xf32>
          %swap3A_480 = vector.shape_cast %broadcast_in_dim3A_475 : vector<16xf32> to vector<1x16xf32>
          tpu.vector_store %arg12[%swap3A_476, %swap3A_477], %swap3A_480 {strides = array<i32>} : memref<16x1024xf32, #tpu.memory_space<vmem>>, vector<1x16xf32>,
          %broadcast_in_dim3A_481 = arith.constant 0.000000e+00 : f32
          %broadcast_in_dim3A_482 = vector.broadcast %broadcast_in_dim3A_481 : f32 to vector<16xf32>
          %swap3A_483 = arith.index_cast %while3A_451 : i32 to index
          %swap3A_484 = arith.constant 64 : index
          %swap3A_485 = tpu.vector_load %arg12[%swap3A_483, %swap3A_484] {strides = array<i32>} : memref<16x1024xf32, #tpu.memory_space<vmem>>, vector<1x16xf32>,
          %swap3A_486 = vector.shape_cast %swap3A_485 : vector<1x16xf32> to vector<16xf32>
          %swap3A_487 = vector.shape_cast %broadcast_in_dim3A_482 : vector<16xf32> to vector<1x16xf32>
          tpu.vector_store %arg12[%swap3A_483, %swap3A_484], %swap3A_487 {strides = array<i32>} : memref<16x1024xf32, #tpu.memory_space<vmem>>, vector<1x16xf32>,
          %broadcast_in_dim3A_488 = arith.constant 0.000000e+00 : f32
          %broadcast_in_dim3A_489 = vector.broadcast %broadcast_in_dim3A_488 : f32 to vector<16xf32>
          %swap3A_490 = arith.index_cast %while3A_451 : i32 to index
          %swap3A_491 = arith.constant 80 : index
          %swap3A_492 = tpu.vector_load %arg12[%swap3A_490, %swap3A_491] {strides = array<i32>} : memref<16x1024xf32, #tpu.memory_space<vmem>>, vector<1x16xf32>,
          %swap3A_493 = vector.shape_cast %swap3A_492 : vector<1x16xf32> to vector<16xf32>
          %swap3A_494 = vector.shape_cast %broadcast_in_dim3A_489 : vector<16xf32> to vector<1x16xf32>
          tpu.vector_store %arg12[%swap3A_490, %swap3A_491], %swap3A_494 {strides = array<i32>} : memref<16x1024xf32, #tpu.memory_space<vmem>>, vector<1x16xf32>,
          %broadcast_in_dim3A_495 = arith.constant 0.000000e+00 : f32
          %broadcast_in_dim3A_496 = vector.broadcast %broadcast_in_dim3A_495 : f32 to vector<16xf32>
          %swap3A_497 = arith.index_cast %while3A_451 : i32 to index
          %swap3A_498 = arith.constant 96 : index
          %swap3A_499 = tpu.vector_load %arg12[%swap3A_497, %swap3A_498] {strides = array<i32>} : memref<16x1024xf32, #tpu.memory_space<vmem>>, vector<1x16xf32>,
          %swap3A_500 = vector.shape_cast %swap3A_499 : vector<1x16xf32> to vector<16xf32>
          %swap3A_501 = vector.shape_cast %broadcast_in_dim3A_496 : vector<16xf32> to vector<1x16xf32>
          tpu.vector_store %arg12[%swap3A_497, %swap3A_498], %swap3A_501 {strides = array<i32>} : memref<16x1024xf32, #tpu.memory_space<vmem>>, vector<1x16xf32>,
          %broadcast_in_dim3A_502 = arith.constant 0.000000e+00 : f32
          %broadcast_in_dim3A_503 = vector.broadcast %broadcast_in_dim3A_502 : f32 to vector<16xf32>
          %swap3A_504 = arith.index_cast %while3A_451 : i32 to index
          %swap3A_505 = arith.constant 112 : index
          %swap3A_506 = tpu.vector_load %arg12[%swap3A_504, %swap3A_505] {strides = array<i32>} : memref<16x1024xf32, #tpu.memory_space<vmem>>, vector<1x16xf32>,
          %swap3A_507 = vector.shape_cast %swap3A_506 : vector<1x16xf32> to vector<16xf32>
          %swap3A_508 = vector.shape_cast %broadcast_in_dim3A_503 : vector<16xf32> to vector<1x16xf32>
          tpu.vector_store %arg12[%swap3A_504, %swap3A_505], %swap3A_508 {strides = array<i32>} : memref<16x1024xf32, #tpu.memory_space<vmem>>, vector<1x16xf32>,
          %broadcast_in_dim3A_509 = arith.constant 0.000000e+00 : f32
          %broadcast_in_dim3A_510 = vector.broadcast %broadcast_in_dim3A_509 : f32 to vector<16xf32>
          %swap3A_511 = arith.index_cast %while3A_451 : i32 to index
          %swap3A_512 = arith.constant 128 : index
          %swap3A_513 = tpu.vector_load %arg12[%swap3A_511, %swap3A_512] {strides = array<i32>} : memref<16x1024xf32, #tpu.memory_space<vmem>>, vector<1x16xf32>,
          %swap3A_514 = vector.shape_cast %swap3A_513 : vector<1x16xf32> to vector<16xf32>
          %swap3A_515 = vector.shape_cast %broadcast_in_dim3A_510 : vector<16xf32> to vector<1x16xf32>
          tpu.vector_store %arg12[%swap3A_511, %swap3A_512], %swap3A_515 {strides = array<i32>} : memref<16x1024xf32, #tpu.memory_space<vmem>>, vector<1x16xf32>,
          %broadcast_in_dim3A_516 = arith.constant 0.000000e+00 : f32
          %broadcast_in_dim3A_517 = vector.broadcast %broadcast_in_dim3A_516 : f32 to vector<16xf32>
          %swap3A_518 = arith.index_cast %while3A_451 : i32 to index
          %swap3A_519 = arith.constant 144 : index
          %swap3A_520 = tpu.vector_load %arg12[%swap3A_518, %swap3A_519] {strides = array<i32>} : memref<16x1024xf32, #tpu.memory_space<vmem>>, vector<1x16xf32>,
          %swap3A_521 = vector.shape_cast %swap3A_520 : vector<1x16xf32> to vector<16xf32>
          %swap3A_522 = vector.shape_cast %broadcast_in_dim3A_517 : vector<16xf32> to vector<1x16xf32>
          tpu.vector_store %arg12[%swap3A_518, %swap3A_519], %swap3A_522 {strides = array<i32>} : memref<16x1024xf32, #tpu.memory_space<vmem>>, vector<1x16xf32>,
          %broadcast_in_dim3A_523 = arith.constant 0.000000e+00 : f32
          %broadcast_in_dim3A_524 = vector.broadcast %broadcast_in_dim3A_523 : f32 to vector<16xf32>
          %swap3A_525 = arith.index_cast %while3A_451 : i32 to index
          %swap3A_526 = arith.constant 160 : index
          %swap3A_527 = tpu.vector_load %arg12[%swap3A_525, %swap3A_526] {strides = array<i32>} : memref<16x1024xf32, #tpu.memory_space<vmem>>, vector<1x16xf32>,
          %swap3A_528 = vector.shape_cast %swap3A_527 : vector<1x16xf32> to vector<16xf32>
          %swap3A_529 = vector.shape_cast %broadcast_in_dim3A_524 : vector<16xf32> to vector<1x16xf32>
          tpu.vector_store %arg12[%swap3A_525, %swap3A_526], %swap3A_529 {strides = array<i32>} : memref<16x1024xf32, #tpu.memory_space<vmem>>, vector<1x16xf32>,
          %broadcast_in_dim3A_530 = arith.constant 0.000000e+00 : f32
          %broadcast_in_dim3A_531 = vector.broadcast %broadcast_in_dim3A_530 : f32 to vector<16xf32>
          %swap3A_532 = arith.index_cast %while3A_451 : i32 to index
          %swap3A_533 = arith.constant 176 : index
          %swap3A_534 = tpu.vector_load %arg12[%swap3A_532, %swap3A_533] {strides = array<i32>} : memref<16x1024xf32, #tpu.memory_space<vmem>>, vector<1x16xf32>,
          %swap3A_535 = vector.shape_cast %swap3A_534 : vector<1x16xf32> to vector<16xf32>
          %swap3A_536 = vector.shape_cast %broadcast_in_dim3A_531 : vector<16xf32> to vector<1x16xf32>
          tpu.vector_store %arg12[%swap3A_532, %swap3A_533], %swap3A_536 {strides = array<i32>} : memref<16x1024xf32, #tpu.memory_space<vmem>>, vector<1x16xf32>,
          %broadcast_in_dim3A_537 = arith.constant 0.000000e+00 : f32
          %broadcast_in_dim3A_538 = vector.broadcast %broadcast_in_dim3A_537 : f32 to vector<16xf32>
          %swap3A_539 = arith.index_cast %while3A_451 : i32 to index
          %swap3A_540 = arith.constant 192 : index
          %swap3A_541 = tpu.vector_load %arg12[%swap3A_539, %swap3A_540] {strides = array<i32>} : memref<16x1024xf32, #tpu.memory_space<vmem>>, vector<1x16xf32>,
          %swap3A_542 = vector.shape_cast %swap3A_541 : vector<1x16xf32> to vector<16xf32>
          %swap3A_543 = vector.shape_cast %broadcast_in_dim3A_538 : vector<16xf32> to vector<1x16xf32>
          tpu.vector_store %arg12[%swap3A_539, %swap3A_540], %swap3A_543 {strides = array<i32>} : memref<16x1024xf32, #tpu.memory_space<vmem>>, vector<1x16xf32>,
          %broadcast_in_dim3A_544 = arith.constant 0.000000e+00 : f32
          %broadcast_in_dim3A_545 = vector.broadcast %broadcast_in_dim3A_544 : f32 to vector<16xf32>
          %swap3A_546 = arith.index_cast %while3A_451 : i32 to index
          %swap3A_547 = arith.constant 208 : index
          %swap3A_548 = tpu.vector_load %arg12[%swap3A_546, %swap3A_547] {strides = array<i32>} : memref<16x1024xf32, #tpu.memory_space<vmem>>, vector<1x16xf32>,
          %swap3A_549 = vector.shape_cast %swap3A_548 : vector<1x16xf32> to vector<16xf32>
          %swap3A_550 = vector.shape_cast %broadcast_in_dim3A_545 : vector<16xf32> to vector<1x16xf32>
          tpu.vector_store %arg12[%swap3A_546, %swap3A_547], %swap3A_550 {strides = array<i32>} : memref<16x1024xf32, #tpu.memory_space<vmem>>, vector<1x16xf32>,
          %broadcast_in_dim3A_551 = arith.constant 0.000000e+00 : f32
          %broadcast_in_dim3A_552 = vector.broadcast %broadcast_in_dim3A_551 : f32 to vector<16xf32>
          %swap3A_553 = arith.index_cast %while3A_451 : i32 to index
          %swap3A_554 = arith.constant 224 : index
          %swap3A_555 = tpu.vector_load %arg12[%swap3A_553, %swap3A_554] {strides = array<i32>} : memref<16x1024xf32, #tpu.memory_space<vmem>>, vector<1x16xf32>,
          %swap3A_556 = vector.shape_cast %swap3A_555 : vector<1x16xf32> to vector<16xf32>
          %swap3A_557 = vector.shape_cast %broadcast_in_dim3A_552 : vector<16xf32> to vector<1x16xf32>
          tpu.vector_store %arg12[%swap3A_553, %swap3A_554], %swap3A_557 {strides = array<i32>} : memref<16x1024xf32, #tpu.memory_space<vmem>>, vector<1x16xf32>,
          %broadcast_in_dim3A_558 = arith.constant 0.000000e+00 : f32
          %broadcast_in_dim3A_559 = vector.broadcast %broadcast_in_dim3A_558 : f32 to vector<16xf32>
          %swap3A_560 = arith.index_cast %while3A_451 : i32 to index
          %swap3A_561 = arith.constant 240 : index
          %swap3A_562 = tpu.vector_load %arg12[%swap3A_560, %swap3A_561] {strides = array<i32>} : memref<16x1024xf32, #tpu.memory_space<vmem>>, vector<1x16xf32>,
          %swap3A_563 = vector.shape_cast %swap3A_562 : vector<1x16xf32> to vector<16xf32>
          %swap3A_564 = vector.shape_cast %broadcast_in_dim3A_559 : vector<16xf32> to vector<1x16xf32>
          tpu.vector_store %arg12[%swap3A_560, %swap3A_561], %swap3A_564 {strides = array<i32>} : memref<16x1024xf32, #tpu.memory_space<vmem>>, vector<1x16xf32>,
          %broadcast_in_dim3A_565 = arith.constant 0.000000e+00 : f32
          %broadcast_in_dim3A_566 = vector.broadcast %broadcast_in_dim3A_565 : f32 to vector<16xf32>
          %swap3A_567 = arith.index_cast %while3A_451 : i32 to index
          %swap3A_568 = arith.constant 256 : index
          %swap3A_569 = tpu.vector_load %arg12[%swap3A_567, %swap3A_568] {strides = array<i32>} : memref<16x1024xf32, #tpu.memory_space<vmem>>, vector<1x16xf32>,
          %swap3A_570 = vector.shape_cast %swap3A_569 : vector<1x16xf32> to vector<16xf32>
          %swap3A_571 = vector.shape_cast %broadcast_in_dim3A_566 : vector<16xf32> to vector<1x16xf32>
          tpu.vector_store %arg12[%swap3A_567, %swap3A_568], %swap3A_571 {strides = array<i32>} : memref<16x1024xf32, #tpu.memory_space<vmem>>, vector<1x16xf32>,
          %broadcast_in_dim3A_572 = arith.constant 0.000000e+00 : f32
          %broadcast_in_dim3A_573 = vector.broadcast %broadcast_in_dim3A_572 : f32 to vector<16xf32>
          %swap3A_574 = arith.index_cast %while3A_451 : i32 to index
          %swap3A_575 = arith.constant 272 : index
          %swap3A_576 = tpu.vector_load %arg12[%swap3A_574, %swap3A_575] {strides = array<i32>} : memref<16x1024xf32, #tpu.memory_space<vmem>>, vector<1x16xf32>,
          %swap3A_577 = vector.shape_cast %swap3A_576 : vector<1x16xf32> to vector<16xf32>
          %swap3A_578 = vector.shape_cast %broadcast_in_dim3A_573 : vector<16xf32> to vector<1x16xf32>
          tpu.vector_store %arg12[%swap3A_574, %swap3A_575], %swap3A_578 {strides = array<i32>} : memref<16x1024xf32, #tpu.memory_space<vmem>>, vector<1x16xf32>,
          %broadcast_in_dim3A_579 = arith.constant 0.000000e+00 : f32
          %broadcast_in_dim3A_580 = vector.broadcast %broadcast_in_dim3A_579 : f32 to vector<16xf32>
          %swap3A_581 = arith.index_cast %while3A_451 : i32 to index
          %swap3A_582 = arith.constant 288 : index
          %swap3A_583 = tpu.vector_load %arg12[%swap3A_581, %swap3A_582] {strides = array<i32>} : memref<16x1024xf32, #tpu.memory_space<vmem>>, vector<1x16xf32>,
          %swap3A_584 = vector.shape_cast %swap3A_583 : vector<1x16xf32> to vector<16xf32>
          %swap3A_585 = vector.shape_cast %broadcast_in_dim3A_580 : vector<16xf32> to vector<1x16xf32>
          tpu.vector_store %arg12[%swap3A_581, %swap3A_582], %swap3A_585 {strides = array<i32>} : memref<16x1024xf32, #tpu.memory_space<vmem>>, vector<1x16xf32>,
          %broadcast_in_dim3A_586 = arith.constant 0.000000e+00 : f32
          %broadcast_in_dim3A_587 = vector.broadcast %broadcast_in_dim3A_586 : f32 to vector<16xf32>
          %swap3A_588 = arith.index_cast %while3A_451 : i32 to index
          %swap3A_589 = arith.constant 304 : index
          %swap3A_590 = tpu.vector_load %arg12[%swap3A_588, %swap3A_589] {strides = array<i32>} : memref<16x1024xf32, #tpu.memory_space<vmem>>, vector<1x16xf32>,
          %swap3A_591 = vector.shape_cast %swap3A_590 : vector<1x16xf32> to vector<16xf32>
          %swap3A_592 = vector.shape_cast %broadcast_in_dim3A_587 : vector<16xf32> to vector<1x16xf32>
          tpu.vector_store %arg12[%swap3A_588, %swap3A_589], %swap3A_592 {strides = array<i32>} : memref<16x1024xf32, #tpu.memory_space<vmem>>, vector<1x16xf32>,
          %broadcast_in_dim3A_593 = arith.constant 0.000000e+00 : f32
          %broadcast_in_dim3A_594 = vector.broadcast %broadcast_in_dim3A_593 : f32 to vector<16xf32>
          %swap3A_595 = arith.index_cast %while3A_451 : i32 to index
          %swap3A_596 = arith.constant 320 : index
          %swap3A_597 = tpu.vector_load %arg12[%swap3A_595, %swap3A_596] {strides = array<i32>} : memref<16x1024xf32, #tpu.memory_space<vmem>>, vector<1x16xf32>,
          %swap3A_598 = vector.shape_cast %swap3A_597 : vector<1x16xf32> to vector<16xf32>
          %swap3A_599 = vector.shape_cast %broadcast_in_dim3A_594 : vector<16xf32> to vector<1x16xf32>
          tpu.vector_store %arg12[%swap3A_595, %swap3A_596], %swap3A_599 {strides = array<i32>} : memref<16x1024xf32, #tpu.memory_space<vmem>>, vector<1x16xf32>,
          %broadcast_in_dim3A_600 = arith.constant 0.000000e+00 : f32
          %broadcast_in_dim3A_601 = vector.broadcast %broadcast_in_dim3A_600 : f32 to vector<16xf32>
          %swap3A_602 = arith.index_cast %while3A_451 : i32 to index
          %swap3A_603 = arith.constant 336 : index
          %swap3A_604 = tpu.vector_load %arg12[%swap3A_602, %swap3A_603] {strides = array<i32>} : memref<16x1024xf32, #tpu.memory_space<vmem>>, vector<1x16xf32>,
          %swap3A_605 = vector.shape_cast %swap3A_604 : vector<1x16xf32> to vector<16xf32>
          %swap3A_606 = vector.shape_cast %broadcast_in_dim3A_601 : vector<16xf32> to vector<1x16xf32>
          tpu.vector_store %arg12[%swap3A_602, %swap3A_603], %swap3A_606 {strides = array<i32>} : memref<16x1024xf32, #tpu.memory_space<vmem>>, vector<1x16xf32>,
          %broadcast_in_dim3A_607 = arith.constant 0.000000e+00 : f32
          %broadcast_in_dim3A_608 = vector.broadcast %broadcast_in_dim3A_607 : f32 to vector<16xf32>
          %swap3A_609 = arith.index_cast %while3A_451 : i32 to index
          %swap3A_610 = arith.constant 352 : index
          %swap3A_611 = tpu.vector_load %arg12[%swap3A_609, %swap3A_610] {strides = array<i32>} : memref<16x1024xf32, #tpu.memory_space<vmem>>, vector<1x16xf32>,
          %swap3A_612 = vector.shape_cast %swap3A_611 : vector<1x16xf32> to vector<16xf32>
          %swap3A_613 = vector.shape_cast %broadcast_in_dim3A_608 : vector<16xf32> to vector<1x16xf32>
          tpu.vector_store %arg12[%swap3A_609, %swap3A_610], %swap3A_613 {strides = array<i32>} : memref<16x1024xf32, #tpu.memory_space<vmem>>, vector<1x16xf32>,
          %broadcast_in_dim3A_614 = arith.constant 0.000000e+00 : f32
          %broadcast_in_dim3A_615 = vector.broadcast %broadcast_in_dim3A_614 : f32 to vector<16xf32>
          %swap3A_616 = arith.index_cast %while3A_451 : i32 to index
          %swap3A_617 = arith.constant 368 : index
          %swap3A_618 = tpu.vector_load %arg12[%swap3A_616, %swap3A_617] {strides = array<i32>} : memref<16x1024xf32, #tpu.memory_space<vmem>>, vector<1x16xf32>,
          %swap3A_619 = vector.shape_cast %swap3A_618 : vector<1x16xf32> to vector<16xf32>
          %swap3A_620 = vector.shape_cast %broadcast_in_dim3A_615 : vector<16xf32> to vector<1x16xf32>
          tpu.vector_store %arg12[%swap3A_616, %swap3A_617], %swap3A_620 {strides = array<i32>} : memref<16x1024xf32, #tpu.memory_space<vmem>>, vector<1x16xf32>,
          %broadcast_in_dim3A_621 = arith.constant 0.000000e+00 : f32
          %broadcast_in_dim3A_622 = vector.broadcast %broadcast_in_dim3A_621 : f32 to vector<16xf32>
          %swap3A_623 = arith.index_cast %while3A_451 : i32 to index
          %swap3A_624 = arith.constant 384 : index
          %swap3A_625 = tpu.vector_load %arg12[%swap3A_623, %swap3A_624] {strides = array<i32>} : memref<16x1024xf32, #tpu.memory_space<vmem>>, vector<1x16xf32>,
          %swap3A_626 = vector.shape_cast %swap3A_625 : vector<1x16xf32> to vector<16xf32>
          %swap3A_627 = vector.shape_cast %broadcast_in_dim3A_622 : vector<16xf32> to vector<1x16xf32>
          tpu.vector_store %arg12[%swap3A_623, %swap3A_624], %swap3A_627 {strides = array<i32>} : memref<16x1024xf32, #tpu.memory_space<vmem>>, vector<1x16xf32>,
          %broadcast_in_dim3A_628 = arith.constant 0.000000e+00 : f32
          %broadcast_in_dim3A_629 = vector.broadcast %broadcast_in_dim3A_628 : f32 to vector<16xf32>
          %swap3A_630 = arith.index_cast %while3A_451 : i32 to index
          %swap3A_631 = arith.constant 400 : index
          %swap3A_632 = tpu.vector_load %arg12[%swap3A_630, %swap3A_631] {strides = array<i32>} : memref<16x1024xf32, #tpu.memory_space<vmem>>, vector<1x16xf32>,
          %swap3A_633 = vector.shape_cast %swap3A_632 : vector<1x16xf32> to vector<16xf32>
          %swap3A_634 = vector.shape_cast %broadcast_in_dim3A_629 : vector<16xf32> to vector<1x16xf32>
          tpu.vector_store %arg12[%swap3A_630, %swap3A_631], %swap3A_634 {strides = array<i32>} : memref<16x1024xf32, #tpu.memory_space<vmem>>, vector<1x16xf32>,
          %broadcast_in_dim3A_635 = arith.constant 0.000000e+00 : f32
          %broadcast_in_dim3A_636 = vector.broadcast %broadcast_in_dim3A_635 : f32 to vector<16xf32>
          %swap3A_637 = arith.index_cast %while3A_451 : i32 to index
          %swap3A_638 = arith.constant 416 : index
          %swap3A_639 = tpu.vector_load %arg12[%swap3A_637, %swap3A_638] {strides = array<i32>} : memref<16x1024xf32, #tpu.memory_space<vmem>>, vector<1x16xf32>,
          %swap3A_640 = vector.shape_cast %swap3A_639 : vector<1x16xf32> to vector<16xf32>
          %swap3A_641 = vector.shape_cast %broadcast_in_dim3A_636 : vector<16xf32> to vector<1x16xf32>
          tpu.vector_store %arg12[%swap3A_637, %swap3A_638], %swap3A_641 {strides = array<i32>} : memref<16x1024xf32, #tpu.memory_space<vmem>>, vector<1x16xf32>,
          %broadcast_in_dim3A_642 = arith.constant 0.000000e+00 : f32
          %broadcast_in_dim3A_643 = vector.broadcast %broadcast_in_dim3A_642 : f32 to vector<16xf32>
          %swap3A_644 = arith.index_cast %while3A_451 : i32 to index
          %swap3A_645 = arith.constant 432 : index
          %swap3A_646 = tpu.vector_load %arg12[%swap3A_644, %swap3A_645] {strides = array<i32>} : memref<16x1024xf32, #tpu.memory_space<vmem>>, vector<1x16xf32>,
          %swap3A_647 = vector.shape_cast %swap3A_646 : vector<1x16xf32> to vector<16xf32>
          %swap3A_648 = vector.shape_cast %broadcast_in_dim3A_643 : vector<16xf32> to vector<1x16xf32>
          tpu.vector_store %arg12[%swap3A_644, %swap3A_645], %swap3A_648 {strides = array<i32>} : memref<16x1024xf32, #tpu.memory_space<vmem>>, vector<1x16xf32>,
          %broadcast_in_dim3A_649 = arith.constant 0.000000e+00 : f32
          %broadcast_in_dim3A_650 = vector.broadcast %broadcast_in_dim3A_649 : f32 to vector<16xf32>
          %swap3A_651 = arith.index_cast %while3A_451 : i32 to index
          %swap3A_652 = arith.constant 448 : index
          %swap3A_653 = tpu.vector_load %arg12[%swap3A_651, %swap3A_652] {strides = array<i32>} : memref<16x1024xf32, #tpu.memory_space<vmem>>, vector<1x16xf32>,
          %swap3A_654 = vector.shape_cast %swap3A_653 : vector<1x16xf32> to vector<16xf32>
          %swap3A_655 = vector.shape_cast %broadcast_in_dim3A_650 : vector<16xf32> to vector<1x16xf32>
          tpu.vector_store %arg12[%swap3A_651, %swap3A_652], %swap3A_655 {strides = array<i32>} : memref<16x1024xf32, #tpu.memory_space<vmem>>, vector<1x16xf32>,
          %broadcast_in_dim3A_656 = arith.constant 0.000000e+00 : f32
          %broadcast_in_dim3A_657 = vector.broadcast %broadcast_in_dim3A_656 : f32 to vector<16xf32>
          %swap3A_658 = arith.index_cast %while3A_451 : i32 to index
          %swap3A_659 = arith.constant 464 : index
          %swap3A_660 = tpu.vector_load %arg12[%swap3A_658, %swap3A_659] {strides = array<i32>} : memref<16x1024xf32, #tpu.memory_space<vmem>>, vector<1x16xf32>,
          %swap3A_661 = vector.shape_cast %swap3A_660 : vector<1x16xf32> to vector<16xf32>
          %swap3A_662 = vector.shape_cast %broadcast_in_dim3A_657 : vector<16xf32> to vector<1x16xf32>
          tpu.vector_store %arg12[%swap3A_658, %swap3A_659], %swap3A_662 {strides = array<i32>} : memref<16x1024xf32, #tpu.memory_space<vmem>>, vector<1x16xf32>,
          %broadcast_in_dim3A_663 = arith.constant 0.000000e+00 : f32
          %broadcast_in_dim3A_664 = vector.broadcast %broadcast_in_dim3A_663 : f32 to vector<16xf32>
          %swap3A_665 = arith.index_cast %while3A_451 : i32 to index
          %swap3A_666 = arith.constant 480 : index
          %swap3A_667 = tpu.vector_load %arg12[%swap3A_665, %swap3A_666] {strides = array<i32>} : memref<16x1024xf32, #tpu.memory_space<vmem>>, vector<1x16xf32>,
          %swap3A_668 = vector.shape_cast %swap3A_667 : vector<1x16xf32> to vector<16xf32>
          %swap3A_669 = vector.shape_cast %broadcast_in_dim3A_664 : vector<16xf32> to vector<1x16xf32>
          tpu.vector_store %arg12[%swap3A_665, %swap3A_666], %swap3A_669 {strides = array<i32>} : memref<16x1024xf32, #tpu.memory_space<vmem>>, vector<1x16xf32>,
          %broadcast_in_dim3A_670 = arith.constant 0.000000e+00 : f32
          %broadcast_in_dim3A_671 = vector.broadcast %broadcast_in_dim3A_670 : f32 to vector<16xf32>
          %swap3A_672 = arith.index_cast %while3A_451 : i32 to index
          %swap3A_673 = arith.constant 496 : index
          %swap3A_674 = tpu.vector_load %arg12[%swap3A_672, %swap3A_673] {strides = array<i32>} : memref<16x1024xf32, #tpu.memory_space<vmem>>, vector<1x16xf32>,
          %swap3A_675 = vector.shape_cast %swap3A_674 : vector<1x16xf32> to vector<16xf32>
          %swap3A_676 = vector.shape_cast %broadcast_in_dim3A_671 : vector<16xf32> to vector<1x16xf32>
          tpu.vector_store %arg12[%swap3A_672, %swap3A_673], %swap3A_676 {strides = array<i32>} : memref<16x1024xf32, #tpu.memory_space<vmem>>, vector<1x16xf32>,
          %broadcast_in_dim3A_677 = arith.constant 0.000000e+00 : f32
          %broadcast_in_dim3A_678 = vector.broadcast %broadcast_in_dim3A_677 : f32 to vector<16xf32>
          %swap3A_679 = arith.index_cast %while3A_451 : i32 to index
          %swap3A_680 = arith.constant 512 : index
          %swap3A_681 = tpu.vector_load %arg12[%swap3A_679, %swap3A_680] {strides = array<i32>} : memref<16x1024xf32, #tpu.memory_space<vmem>>, vector<1x16xf32>,
          %swap3A_682 = vector.shape_cast %swap3A_681 : vector<1x16xf32> to vector<16xf32>
          %swap3A_683 = vector.shape_cast %broadcast_in_dim3A_678 : vector<16xf32> to vector<1x16xf32>
          tpu.vector_store %arg12[%swap3A_679, %swap3A_680], %swap3A_683 {strides = array<i32>} : memref<16x1024xf32, #tpu.memory_space<vmem>>, vector<1x16xf32>,
          %broadcast_in_dim3A_684 = arith.constant 0.000000e+00 : f32
          %broadcast_in_dim3A_685 = vector.broadcast %broadcast_in_dim3A_684 : f32 to vector<16xf32>
          %swap3A_686 = arith.index_cast %while3A_451 : i32 to index
          %swap3A_687 = arith.constant 528 : index
          %swap3A_688 = tpu.vector_load %arg12[%swap3A_686, %swap3A_687] {strides = array<i32>} : memref<16x1024xf32, #tpu.memory_space<vmem>>, vector<1x16xf32>,
          %swap3A_689 = vector.shape_cast %swap3A_688 : vector<1x16xf32> to vector<16xf32>
          %swap3A_690 = vector.shape_cast %broadcast_in_dim3A_685 : vector<16xf32> to vector<1x16xf32>
          tpu.vector_store %arg12[%swap3A_686, %swap3A_687], %swap3A_690 {strides = array<i32>} : memref<16x1024xf32, #tpu.memory_space<vmem>>, vector<1x16xf32>,
          %broadcast_in_dim3A_691 = arith.constant 0.000000e+00 : f32
          %broadcast_in_dim3A_692 = vector.broadcast %broadcast_in_dim3A_691 : f32 to vector<16xf32>
          %swap3A_693 = arith.index_cast %while3A_451 : i32 to index
          %swap3A_694 = arith.constant 544 : index
          %swap3A_695 = tpu.vector_load %arg12[%swap3A_693, %swap3A_694] {strides = array<i32>} : memref<16x1024xf32, #tpu.memory_space<vmem>>, vector<1x16xf32>,
          %swap3A_696 = vector.shape_cast %swap3A_695 : vector<1x16xf32> to vector<16xf32>
          %swap3A_697 = vector.shape_cast %broadcast_in_dim3A_692 : vector<16xf32> to vector<1x16xf32>
          tpu.vector_store %arg12[%swap3A_693, %swap3A_694], %swap3A_697 {strides = array<i32>} : memref<16x1024xf32, #tpu.memory_space<vmem>>, vector<1x16xf32>,
          %broadcast_in_dim3A_698 = arith.constant 0.000000e+00 : f32
          %broadcast_in_dim3A_699 = vector.broadcast %broadcast_in_dim3A_698 : f32 to vector<16xf32>
          %swap3A_700 = arith.index_cast %while3A_451 : i32 to index
          %swap3A_701 = arith.constant 560 : index
          %swap3A_702 = tpu.vector_load %arg12[%swap3A_700, %swap3A_701] {strides = array<i32>} : memref<16x1024xf32, #tpu.memory_space<vmem>>, vector<1x16xf32>,
          %swap3A_703 = vector.shape_cast %swap3A_702 : vector<1x16xf32> to vector<16xf32>
          %swap3A_704 = vector.shape_cast %broadcast_in_dim3A_699 : vector<16xf32> to vector<1x16xf32>
          tpu.vector_store %arg12[%swap3A_700, %swap3A_701], %swap3A_704 {strides = array<i32>} : memref<16x1024xf32, #tpu.memory_space<vmem>>, vector<1x16xf32>,
          %broadcast_in_dim3A_705 = arith.constant 0.000000e+00 : f32
          %broadcast_in_dim3A_706 = vector.broadcast %broadcast_in_dim3A_705 : f32 to vector<16xf32>
          %swap3A_707 = arith.index_cast %while3A_451 : i32 to index
          %swap3A_708 = arith.constant 576 : index
          %swap3A_709 = tpu.vector_load %arg12[%swap3A_707, %swap3A_708] {strides = array<i32>} : memref<16x1024xf32, #tpu.memory_space<vmem>>, vector<1x16xf32>,
          %swap3A_710 = vector.shape_cast %swap3A_709 : vector<1x16xf32> to vector<16xf32>
          %swap3A_711 = vector.shape_cast %broadcast_in_dim3A_706 : vector<16xf32> to vector<1x16xf32>
          tpu.vector_store %arg12[%swap3A_707, %swap3A_708], %swap3A_711 {strides = array<i32>} : memref<16x1024xf32, #tpu.memory_space<vmem>>, vector<1x16xf32>,
          %broadcast_in_dim3A_712 = arith.constant 0.000000e+00 : f32
          %broadcast_in_dim3A_713 = vector.broadcast %broadcast_in_dim3A_712 : f32 to vector<16xf32>
          %swap3A_714 = arith.index_cast %while3A_451 : i32 to index
          %swap3A_715 = arith.constant 592 : index
          %swap3A_716 = tpu.vector_load %arg12[%swap3A_714, %swap3A_715] {strides = array<i32>} : memref<16x1024xf32, #tpu.memory_space<vmem>>, vector<1x16xf32>,
          %swap3A_717 = vector.shape_cast %swap3A_716 : vector<1x16xf32> to vector<16xf32>
          %swap3A_718 = vector.shape_cast %broadcast_in_dim3A_713 : vector<16xf32> to vector<1x16xf32>
          tpu.vector_store %arg12[%swap3A_714, %swap3A_715], %swap3A_718 {strides = array<i32>} : memref<16x1024xf32, #tpu.memory_space<vmem>>, vector<1x16xf32>,
          %broadcast_in_dim3A_719 = arith.constant 0.000000e+00 : f32
          %broadcast_in_dim3A_720 = vector.broadcast %broadcast_in_dim3A_719 : f32 to vector<16xf32>
          %swap3A_721 = arith.index_cast %while3A_451 : i32 to index
          %swap3A_722 = arith.constant 608 : index
          %swap3A_723 = tpu.vector_load %arg12[%swap3A_721, %swap3A_722] {strides = array<i32>} : memref<16x1024xf32, #tpu.memory_space<vmem>>, vector<1x16xf32>,
          %swap3A_724 = vector.shape_cast %swap3A_723 : vector<1x16xf32> to vector<16xf32>
          %swap3A_725 = vector.shape_cast %broadcast_in_dim3A_720 : vector<16xf32> to vector<1x16xf32>
          tpu.vector_store %arg12[%swap3A_721, %swap3A_722], %swap3A_725 {strides = array<i32>} : memref<16x1024xf32, #tpu.memory_space<vmem>>, vector<1x16xf32>,
          %broadcast_in_dim3A_726 = arith.constant 0.000000e+00 : f32
          %broadcast_in_dim3A_727 = vector.broadcast %broadcast_in_dim3A_726 : f32 to vector<16xf32>
          %swap3A_728 = arith.index_cast %while3A_451 : i32 to index
          %swap3A_729 = arith.constant 624 : index
          %swap3A_730 = tpu.vector_load %arg12[%swap3A_728, %swap3A_729] {strides = array<i32>} : memref<16x1024xf32, #tpu.memory_space<vmem>>, vector<1x16xf32>,
          %swap3A_731 = vector.shape_cast %swap3A_730 : vector<1x16xf32> to vector<16xf32>
          %swap3A_732 = vector.shape_cast %broadcast_in_dim3A_727 : vector<16xf32> to vector<1x16xf32>
          tpu.vector_store %arg12[%swap3A_728, %swap3A_729], %swap3A_732 {strides = array<i32>} : memref<16x1024xf32, #tpu.memory_space<vmem>>, vector<1x16xf32>,
          %broadcast_in_dim3A_733 = arith.constant 0.000000e+00 : f32
          %broadcast_in_dim3A_734 = vector.broadcast %broadcast_in_dim3A_733 : f32 to vector<16xf32>
          %swap3A_735 = arith.index_cast %while3A_451 : i32 to index
          %swap3A_736 = arith.constant 640 : index
          %swap3A_737 = tpu.vector_load %arg12[%swap3A_735, %swap3A_736] {strides = array<i32>} : memref<16x1024xf32, #tpu.memory_space<vmem>>, vector<1x16xf32>,
          %swap3A_738 = vector.shape_cast %swap3A_737 : vector<1x16xf32> to vector<16xf32>
          %swap3A_739 = vector.shape_cast %broadcast_in_dim3A_734 : vector<16xf32> to vector<1x16xf32>
          tpu.vector_store %arg12[%swap3A_735, %swap3A_736], %swap3A_739 {strides = array<i32>} : memref<16x1024xf32, #tpu.memory_space<vmem>>, vector<1x16xf32>,
          %broadcast_in_dim3A_740 = arith.constant 0.000000e+00 : f32
          %broadcast_in_dim3A_741 = vector.broadcast %broadcast_in_dim3A_740 : f32 to vector<16xf32>
          %swap3A_742 = arith.index_cast %while3A_451 : i32 to index
          %swap3A_743 = arith.constant 656 : index
          %swap3A_744 = tpu.vector_load %arg12[%swap3A_742, %swap3A_743] {strides = array<i32>} : memref<16x1024xf32, #tpu.memory_space<vmem>>, vector<1x16xf32>,
          %swap3A_745 = vector.shape_cast %swap3A_744 : vector<1x16xf32> to vector<16xf32>
          %swap3A_746 = vector.shape_cast %broadcast_in_dim3A_741 : vector<16xf32> to vector<1x16xf32>
          tpu.vector_store %arg12[%swap3A_742, %swap3A_743], %swap3A_746 {strides = array<i32>} : memref<16x1024xf32, #tpu.memory_space<vmem>>, vector<1x16xf32>,
          %broadcast_in_dim3A_747 = arith.constant 0.000000e+00 : f32
          %broadcast_in_dim3A_748 = vector.broadcast %broadcast_in_dim3A_747 : f32 to vector<16xf32>
          %swap3A_749 = arith.index_cast %while3A_451 : i32 to index
          %swap3A_750 = arith.constant 672 : index
          %swap3A_751 = tpu.vector_load %arg12[%swap3A_749, %swap3A_750] {strides = array<i32>} : memref<16x1024xf32, #tpu.memory_space<vmem>>, vector<1x16xf32>,
          %swap3A_752 = vector.shape_cast %swap3A_751 : vector<1x16xf32> to vector<16xf32>
          %swap3A_753 = vector.shape_cast %broadcast_in_dim3A_748 : vector<16xf32> to vector<1x16xf32>
          tpu.vector_store %arg12[%swap3A_749, %swap3A_750], %swap3A_753 {strides = array<i32>} : memref<16x1024xf32, #tpu.memory_space<vmem>>, vector<1x16xf32>,
          %broadcast_in_dim3A_754 = arith.constant 0.000000e+00 : f32
          %broadcast_in_dim3A_755 = vector.broadcast %broadcast_in_dim3A_754 : f32 to vector<16xf32>
          %swap3A_756 = arith.index_cast %while3A_451 : i32 to index
          %swap3A_757 = arith.constant 688 : index
          %swap3A_758 = tpu.vector_load %arg12[%swap3A_756, %swap3A_757] {strides = array<i32>} : memref<16x1024xf32, #tpu.memory_space<vmem>>, vector<1x16xf32>,
          %swap3A_759 = vector.shape_cast %swap3A_758 : vector<1x16xf32> to vector<16xf32>
          %swap3A_760 = vector.shape_cast %broadcast_in_dim3A_755 : vector<16xf32> to vector<1x16xf32>
          tpu.vector_store %arg12[%swap3A_756, %swap3A_757], %swap3A_760 {strides = array<i32>} : memref<16x1024xf32, #tpu.memory_space<vmem>>, vector<1x16xf32>,
          %broadcast_in_dim3A_761 = arith.constant 0.000000e+00 : f32
          %broadcast_in_dim3A_762 = vector.broadcast %broadcast_in_dim3A_761 : f32 to vector<16xf32>
          %swap3A_763 = arith.index_cast %while3A_451 : i32 to index
          %swap3A_764 = arith.constant 704 : index
          %swap3A_765 = tpu.vector_load %arg12[%swap3A_763, %swap3A_764] {strides = array<i32>} : memref<16x1024xf32, #tpu.memory_space<vmem>>, vector<1x16xf32>,
          %swap3A_766 = vector.shape_cast %swap3A_765 : vector<1x16xf32> to vector<16xf32>
          %swap3A_767 = vector.shape_cast %broadcast_in_dim3A_762 : vector<16xf32> to vector<1x16xf32>
          tpu.vector_store %arg12[%swap3A_763, %swap3A_764], %swap3A_767 {strides = array<i32>} : memref<16x1024xf32, #tpu.memory_space<vmem>>, vector<1x16xf32>,
          %broadcast_in_dim3A_768 = arith.constant 0.000000e+00 : f32
          %broadcast_in_dim3A_769 = vector.broadcast %broadcast_in_dim3A_768 : f32 to vector<16xf32>
          %swap3A_770 = arith.index_cast %while3A_451 : i32 to index
          %swap3A_771 = arith.constant 720 : index
          %swap3A_772 = tpu.vector_load %arg12[%swap3A_770, %swap3A_771] {strides = array<i32>} : memref<16x1024xf32, #tpu.memory_space<vmem>>, vector<1x16xf32>,
          %swap3A_773 = vector.shape_cast %swap3A_772 : vector<1x16xf32> to vector<16xf32>
          %swap3A_774 = vector.shape_cast %broadcast_in_dim3A_769 : vector<16xf32> to vector<1x16xf32>
          tpu.vector_store %arg12[%swap3A_770, %swap3A_771], %swap3A_774 {strides = array<i32>} : memref<16x1024xf32, #tpu.memory_space<vmem>>, vector<1x16xf32>,
          %broadcast_in_dim3A_775 = arith.constant 0.000000e+00 : f32
          %broadcast_in_dim3A_776 = vector.broadcast %broadcast_in_dim3A_775 : f32 to vector<16xf32>
          %swap3A_777 = arith.index_cast %while3A_451 : i32 to index
          %swap3A_778 = arith.constant 736 : index
          %swap3A_779 = tpu.vector_load %arg12[%swap3A_777, %swap3A_778] {strides = array<i32>} : memref<16x1024xf32, #tpu.memory_space<vmem>>, vector<1x16xf32>,
          %swap3A_780 = vector.shape_cast %swap3A_779 : vector<1x16xf32> to vector<16xf32>
          %swap3A_781 = vector.shape_cast %broadcast_in_dim3A_776 : vector<16xf32> to vector<1x16xf32>
          tpu.vector_store %arg12[%swap3A_777, %swap3A_778], %swap3A_781 {strides = array<i32>} : memref<16x1024xf32, #tpu.memory_space<vmem>>, vector<1x16xf32>,
          %broadcast_in_dim3A_782 = arith.constant 0.000000e+00 : f32
          %broadcast_in_dim3A_783 = vector.broadcast %broadcast_in_dim3A_782 : f32 to vector<16xf32>
          %swap3A_784 = arith.index_cast %while3A_451 : i32 to index
          %swap3A_785 = arith.constant 752 : index
          %swap3A_786 = tpu.vector_load %arg12[%swap3A_784, %swap3A_785] {strides = array<i32>} : memref<16x1024xf32, #tpu.memory_space<vmem>>, vector<1x16xf32>,
          %swap3A_787 = vector.shape_cast %swap3A_786 : vector<1x16xf32> to vector<16xf32>
          %swap3A_788 = vector.shape_cast %broadcast_in_dim3A_783 : vector<16xf32> to vector<1x16xf32>
          tpu.vector_store %arg12[%swap3A_784, %swap3A_785], %swap3A_788 {strides = array<i32>} : memref<16x1024xf32, #tpu.memory_space<vmem>>, vector<1x16xf32>,
          %broadcast_in_dim3A_789 = arith.constant 0.000000e+00 : f32
          %broadcast_in_dim3A_790 = vector.broadcast %broadcast_in_dim3A_789 : f32 to vector<16xf32>
          %swap3A_791 = arith.index_cast %while3A_451 : i32 to index
          %swap3A_792 = arith.constant 768 : index
          %swap3A_793 = tpu.vector_load %arg12[%swap3A_791, %swap3A_792] {strides = array<i32>} : memref<16x1024xf32, #tpu.memory_space<vmem>>, vector<1x16xf32>,
          %swap3A_794 = vector.shape_cast %swap3A_793 : vector<1x16xf32> to vector<16xf32>
          %swap3A_795 = vector.shape_cast %broadcast_in_dim3A_790 : vector<16xf32> to vector<1x16xf32>
          tpu.vector_store %arg12[%swap3A_791, %swap3A_792], %swap3A_795 {strides = array<i32>} : memref<16x1024xf32, #tpu.memory_space<vmem>>, vector<1x16xf32>,
          %broadcast_in_dim3A_796 = arith.constant 0.000000e+00 : f32
          %broadcast_in_dim3A_797 = vector.broadcast %broadcast_in_dim3A_796 : f32 to vector<16xf32>
          %swap3A_798 = arith.index_cast %while3A_451 : i32 to index
          %swap3A_799 = arith.constant 784 : index
          %swap3A_800 = tpu.vector_load %arg12[%swap3A_798, %swap3A_799] {strides = array<i32>} : memref<16x1024xf32, #tpu.memory_space<vmem>>, vector<1x16xf32>,
          %swap3A_801 = vector.shape_cast %swap3A_800 : vector<1x16xf32> to vector<16xf32>
          %swap3A_802 = vector.shape_cast %broadcast_in_dim3A_797 : vector<16xf32> to vector<1x16xf32>
          tpu.vector_store %arg12[%swap3A_798, %swap3A_799], %swap3A_802 {strides = array<i32>} : memref<16x1024xf32, #tpu.memory_space<vmem>>, vector<1x16xf32>,
          %broadcast_in_dim3A_803 = arith.constant 0.000000e+00 : f32
          %broadcast_in_dim3A_804 = vector.broadcast %broadcast_in_dim3A_803 : f32 to vector<16xf32>
          %swap3A_805 = arith.index_cast %while3A_451 : i32 to index
          %swap3A_806 = arith.constant 800 : index
          %swap3A_807 = tpu.vector_load %arg12[%swap3A_805, %swap3A_806] {strides = array<i32>} : memref<16x1024xf32, #tpu.memory_space<vmem>>, vector<1x16xf32>,
          %swap3A_808 = vector.shape_cast %swap3A_807 : vector<1x16xf32> to vector<16xf32>
          %swap3A_809 = vector.shape_cast %broadcast_in_dim3A_804 : vector<16xf32> to vector<1x16xf32>
          tpu.vector_store %arg12[%swap3A_805, %swap3A_806], %swap3A_809 {strides = array<i32>} : memref<16x1024xf32, #tpu.memory_space<vmem>>, vector<1x16xf32>,
          %broadcast_in_dim3A_810 = arith.constant 0.000000e+00 : f32
          %broadcast_in_dim3A_811 = vector.broadcast %broadcast_in_dim3A_810 : f32 to vector<16xf32>
          %swap3A_812 = arith.index_cast %while3A_451 : i32 to index
          %swap3A_813 = arith.constant 816 : index
          %swap3A_814 = tpu.vector_load %arg12[%swap3A_812, %swap3A_813] {strides = array<i32>} : memref<16x1024xf32, #tpu.memory_space<vmem>>, vector<1x16xf32>,
          %swap3A_815 = vector.shape_cast %swap3A_814 : vector<1x16xf32> to vector<16xf32>
          %swap3A_816 = vector.shape_cast %broadcast_in_dim3A_811 : vector<16xf32> to vector<1x16xf32>
          tpu.vector_store %arg12[%swap3A_812, %swap3A_813], %swap3A_816 {strides = array<i32>} : memref<16x1024xf32, #tpu.memory_space<vmem>>, vector<1x16xf32>,
          %broadcast_in_dim3A_817 = arith.constant 0.000000e+00 : f32
          %broadcast_in_dim3A_818 = vector.broadcast %broadcast_in_dim3A_817 : f32 to vector<16xf32>
          %swap3A_819 = arith.index_cast %while3A_451 : i32 to index
          %swap3A_820 = arith.constant 832 : index
          %swap3A_821 = tpu.vector_load %arg12[%swap3A_819, %swap3A_820] {strides = array<i32>} : memref<16x1024xf32, #tpu.memory_space<vmem>>, vector<1x16xf32>,
          %swap3A_822 = vector.shape_cast %swap3A_821 : vector<1x16xf32> to vector<16xf32>
          %swap3A_823 = vector.shape_cast %broadcast_in_dim3A_818 : vector<16xf32> to vector<1x16xf32>
          tpu.vector_store %arg12[%swap3A_819, %swap3A_820], %swap3A_823 {strides = array<i32>} : memref<16x1024xf32, #tpu.memory_space<vmem>>, vector<1x16xf32>,
          %broadcast_in_dim3A_824 = arith.constant 0.000000e+00 : f32
          %broadcast_in_dim3A_825 = vector.broadcast %broadcast_in_dim3A_824 : f32 to vector<16xf32>
          %swap3A_826 = arith.index_cast %while3A_451 : i32 to index
          %swap3A_827 = arith.constant 848 : index
          %swap3A_828 = tpu.vector_load %arg12[%swap3A_826, %swap3A_827] {strides = array<i32>} : memref<16x1024xf32, #tpu.memory_space<vmem>>, vector<1x16xf32>,
          %swap3A_829 = vector.shape_cast %swap3A_828 : vector<1x16xf32> to vector<16xf32>
          %swap3A_830 = vector.shape_cast %broadcast_in_dim3A_825 : vector<16xf32> to vector<1x16xf32>
          tpu.vector_store %arg12[%swap3A_826, %swap3A_827], %swap3A_830 {strides = array<i32>} : memref<16x1024xf32, #tpu.memory_space<vmem>>, vector<1x16xf32>,
          %broadcast_in_dim3A_831 = arith.constant 0.000000e+00 : f32
          %broadcast_in_dim3A_832 = vector.broadcast %broadcast_in_dim3A_831 : f32 to vector<16xf32>
          %swap3A_833 = arith.index_cast %while3A_451 : i32 to index
          %swap3A_834 = arith.constant 864 : index
          %swap3A_835 = tpu.vector_load %arg12[%swap3A_833, %swap3A_834] {strides = array<i32>} : memref<16x1024xf32, #tpu.memory_space<vmem>>, vector<1x16xf32>,
          %swap3A_836 = vector.shape_cast %swap3A_835 : vector<1x16xf32> to vector<16xf32>
          %swap3A_837 = vector.shape_cast %broadcast_in_dim3A_832 : vector<16xf32> to vector<1x16xf32>
          tpu.vector_store %arg12[%swap3A_833, %swap3A_834], %swap3A_837 {strides = array<i32>} : memref<16x1024xf32, #tpu.memory_space<vmem>>, vector<1x16xf32>,
          %broadcast_in_dim3A_838 = arith.constant 0.000000e+00 : f32
          %broadcast_in_dim3A_839 = vector.broadcast %broadcast_in_dim3A_838 : f32 to vector<16xf32>
          %swap3A_840 = arith.index_cast %while3A_451 : i32 to index
          %swap3A_841 = arith.constant 880 : index
          %swap3A_842 = tpu.vector_load %arg12[%swap3A_840, %swap3A_841] {strides = array<i32>} : memref<16x1024xf32, #tpu.memory_space<vmem>>, vector<1x16xf32>,
          %swap3A_843 = vector.shape_cast %swap3A_842 : vector<1x16xf32> to vector<16xf32>
          %swap3A_844 = vector.shape_cast %broadcast_in_dim3A_839 : vector<16xf32> to vector<1x16xf32>
          tpu.vector_store %arg12[%swap3A_840, %swap3A_841], %swap3A_844 {strides = array<i32>} : memref<16x1024xf32, #tpu.memory_space<vmem>>, vector<1x16xf32>,
          %broadcast_in_dim3A_845 = arith.constant 0.000000e+00 : f32
          %broadcast_in_dim3A_846 = vector.broadcast %broadcast_in_dim3A_845 : f32 to vector<16xf32>
          %swap3A_847 = arith.index_cast %while3A_451 : i32 to index
          %swap3A_848 = arith.constant 896 : index
          %swap3A_849 = tpu.vector_load %arg12[%swap3A_847, %swap3A_848] {strides = array<i32>} : memref<16x1024xf32, #tpu.memory_space<vmem>>, vector<1x16xf32>,
          %swap3A_850 = vector.shape_cast %swap3A_849 : vector<1x16xf32> to vector<16xf32>
          %swap3A_851 = vector.shape_cast %broadcast_in_dim3A_846 : vector<16xf32> to vector<1x16xf32>
          tpu.vector_store %arg12[%swap3A_847, %swap3A_848], %swap3A_851 {strides = array<i32>} : memref<16x1024xf32, #tpu.memory_space<vmem>>, vector<1x16xf32>,
          %broadcast_in_dim3A_852 = arith.constant 0.000000e+00 : f32
          %broadcast_in_dim3A_853 = vector.broadcast %broadcast_in_dim3A_852 : f32 to vector<16xf32>
          %swap3A_854 = arith.index_cast %while3A_451 : i32 to index
          %swap3A_855 = arith.constant 912 : index
          %swap3A_856 = tpu.vector_load %arg12[%swap3A_854, %swap3A_855] {strides = array<i32>} : memref<16x1024xf32, #tpu.memory_space<vmem>>, vector<1x16xf32>,
          %swap3A_857 = vector.shape_cast %swap3A_856 : vector<1x16xf32> to vector<16xf32>
          %swap3A_858 = vector.shape_cast %broadcast_in_dim3A_853 : vector<16xf32> to vector<1x16xf32>
          tpu.vector_store %arg12[%swap3A_854, %swap3A_855], %swap3A_858 {strides = array<i32>} : memref<16x1024xf32, #tpu.memory_space<vmem>>, vector<1x16xf32>,
          %broadcast_in_dim3A_859 = arith.constant 0.000000e+00 : f32
          %broadcast_in_dim3A_860 = vector.broadcast %broadcast_in_dim3A_859 : f32 to vector<16xf32>
          %swap3A_861 = arith.index_cast %while3A_451 : i32 to index
          %swap3A_862 = arith.constant 928 : index
          %swap3A_863 = tpu.vector_load %arg12[%swap3A_861, %swap3A_862] {strides = array<i32>} : memref<16x1024xf32, #tpu.memory_space<vmem>>, vector<1x16xf32>,
          %swap3A_864 = vector.shape_cast %swap3A_863 : vector<1x16xf32> to vector<16xf32>
          %swap3A_865 = vector.shape_cast %broadcast_in_dim3A_860 : vector<16xf32> to vector<1x16xf32>
          tpu.vector_store %arg12[%swap3A_861, %swap3A_862], %swap3A_865 {strides = array<i32>} : memref<16x1024xf32, #tpu.memory_space<vmem>>, vector<1x16xf32>,
          %broadcast_in_dim3A_866 = arith.constant 0.000000e+00 : f32
          %broadcast_in_dim3A_867 = vector.broadcast %broadcast_in_dim3A_866 : f32 to vector<16xf32>
          %swap3A_868 = arith.index_cast %while3A_451 : i32 to index
          %swap3A_869 = arith.constant 944 : index
          %swap3A_870 = tpu.vector_load %arg12[%swap3A_868, %swap3A_869] {strides = array<i32>} : memref<16x1024xf32, #tpu.memory_space<vmem>>, vector<1x16xf32>,
          %swap3A_871 = vector.shape_cast %swap3A_870 : vector<1x16xf32> to vector<16xf32>
          %swap3A_872 = vector.shape_cast %broadcast_in_dim3A_867 : vector<16xf32> to vector<1x16xf32>
          tpu.vector_store %arg12[%swap3A_868, %swap3A_869], %swap3A_872 {strides = array<i32>} : memref<16x1024xf32, #tpu.memory_space<vmem>>, vector<1x16xf32>,
          %broadcast_in_dim3A_873 = arith.constant 0.000000e+00 : f32
          %broadcast_in_dim3A_874 = vector.broadcast %broadcast_in_dim3A_873 : f32 to vector<16xf32>
          %swap3A_875 = arith.index_cast %while3A_451 : i32 to index
          %swap3A_876 = arith.constant 960 : index
          %swap3A_877 = tpu.vector_load %arg12[%swap3A_875, %swap3A_876] {strides = array<i32>} : memref<16x1024xf32, #tpu.memory_space<vmem>>, vector<1x16xf32>,
          %swap3A_878 = vector.shape_cast %swap3A_877 : vector<1x16xf32> to vector<16xf32>
          %swap3A_879 = vector.shape_cast %broadcast_in_dim3A_874 : vector<16xf32> to vector<1x16xf32>
          tpu.vector_store %arg12[%swap3A_875, %swap3A_876], %swap3A_879 {strides = array<i32>} : memref<16x1024xf32, #tpu.memory_space<vmem>>, vector<1x16xf32>,
          %broadcast_in_dim3A_880 = arith.constant 0.000000e+00 : f32
          %broadcast_in_dim3A_881 = vector.broadcast %broadcast_in_dim3A_880 : f32 to vector<16xf32>
          %swap3A_882 = arith.index_cast %while3A_451 : i32 to index
          %swap3A_883 = arith.constant 976 : index
          %swap3A_884 = tpu.vector_load %arg12[%swap3A_882, %swap3A_883] {strides = array<i32>} : memref<16x1024xf32, #tpu.memory_space<vmem>>, vector<1x16xf32>,
          %swap3A_885 = vector.shape_cast %swap3A_884 : vector<1x16xf32> to vector<16xf32>
          %swap3A_886 = vector.shape_cast %broadcast_in_dim3A_881 : vector<16xf32> to vector<1x16xf32>
          tpu.vector_store %arg12[%swap3A_882, %swap3A_883], %swap3A_886 {strides = array<i32>} : memref<16x1024xf32, #tpu.memory_space<vmem>>, vector<1x16xf32>,
          %broadcast_in_dim3A_887 = arith.constant 0.000000e+00 : f32
          %broadcast_in_dim3A_888 = vector.broadcast %broadcast_in_dim3A_887 : f32 to vector<16xf32>
          %swap3A_889 = arith.index_cast %while3A_451 : i32 to index
          %swap3A_890 = arith.constant 992 : index
          %swap3A_891 = tpu.vector_load %arg12[%swap3A_889, %swap3A_890] {strides = array<i32>} : memref<16x1024xf32, #tpu.memory_space<vmem>>, vector<1x16xf32>,
          %swap3A_892 = vector.shape_cast %swap3A_891 : vector<1x16xf32> to vector<16xf32>
          %swap3A_893 = vector.shape_cast %broadcast_in_dim3A_888 : vector<16xf32> to vector<1x16xf32>
          tpu.vector_store %arg12[%swap3A_889, %swap3A_890], %swap3A_893 {strides = array<i32>} : memref<16x1024xf32, #tpu.memory_space<vmem>>, vector<1x16xf32>,
          %broadcast_in_dim3A_894 = arith.constant 0.000000e+00 : f32
          %broadcast_in_dim3A_895 = vector.broadcast %broadcast_in_dim3A_894 : f32 to vector<16xf32>
          %swap3A_896 = arith.index_cast %while3A_451 : i32 to index
          %swap3A_897 = arith.constant 1008 : index
          %swap3A_898 = tpu.vector_load %arg12[%swap3A_896, %swap3A_897] {strides = array<i32>} : memref<16x1024xf32, #tpu.memory_space<vmem>>, vector<1x16xf32>,
          %swap3A_899 = vector.shape_cast %swap3A_898 : vector<1x16xf32> to vector<16xf32>
          %swap3A_900 = vector.shape_cast %broadcast_in_dim3A_895 : vector<16xf32> to vector<1x16xf32>
          tpu.vector_store %arg12[%swap3A_896, %swap3A_897], %swap3A_900 {strides = array<i32>} : memref<16x1024xf32, #tpu.memory_space<vmem>>, vector<1x16xf32>,
          %while3A_901 = arith.constant 0 : i32
          scf.yield %while3A_901 : i32
        }
      } else {
      }
      %mul3A_373 = arith.constant 2048 : i32
      %mul3A_374 = arith.muli %select_n3A, %mul3A_373 : i32
      %add3A_375 = arith.addi %mul3A_374, %mul3A_32 : i32
      %mul3A_376 = arith.constant 16 : i32
      %mul3A_377 = arith.muli %add3A_356, %mul3A_376 : i32
      %add3A_378 = arith.addi %add3A_375, %mul3A_377 : i32
      %multiple_of3A_379 = tpu.assume_multiple %add3A_378, 8 : i32
      %dma_start3A_380 = arith.constant 0 : i32
      %dma_start3A_381 = tpu.memref_slice %arg4[%multiple_of3A_379, %dma_start3A_380] : memref<32768x1024xf32, #tpu.memory_space<hbm>> -> memref<16x1024xf32, #tpu.memory_space<hbm>>
      %dma_start3A_382 = arith.constant 0 : i32
      %dma_start3A_383 = tpu.memref_slice %arg4[%multiple_of3A_379, %dma_start3A_382] : memref<32768x1024xf32, #tpu.memory_space<hbm>> -> memref<16x1024xf32, #tpu.memory_space<hbm>>
      tpu.enqueue_dma source(%arg12 : memref<16x1024xf32, #tpu.memory_space<vmem>>) target(%dma_start3A_383 : memref<16x1024xf32, #tpu.memory_space<hbm>>) target_semaphore(%arg20 : memref<!tpu.dma_semaphore, #tpu.memory_space<semaphore_mem>>)
      %sub3A_384 = arith.constant 2 : i32
      %sub3A_385 = arith.subi %add3A_356, %sub3A_384 : i32
      %ge3A_386 = arith.constant 0 : i32
      %ge3A_387 = arith.cmpi sge, %sub3A_385, %ge3A_386 : i32
      %add3A_388 = arith.constant 4 : i32
      %add3A_389 = arith.addi %sub3A_385, %add3A_388 : i32
      %lt3A_390 = arith.constant 64 : i32
      %lt3A_391 = arith.cmpi slt, %add3A_389, %lt3A_390 : i32
      %and3A_392 = arith.andi %ge3A_387, %lt3A_391 : i1
      %convert_element_type3A_393 = arith.extui %and3A_392 : i1 to i32
      %cond3A_394 = arith.constant 0 : i32
      %cond3A_395 = arith.cmpi ne, %convert_element_type3A_393, %cond3A_394 : i32
      scf.if %cond3A_395 {
        %mul3A_440 = arith.constant 2048 : i32
        %mul3A_441 = arith.muli %select_n3A, %mul3A_440 : i32
        %add3A_442 = arith.addi %mul3A_441, %mul3A_32 : i32
        %mul3A_443 = arith.constant 16 : i32
        %mul3A_444 = arith.muli %sub3A_385, %mul3A_443 : i32
        %add3A_445 = arith.addi %add3A_442, %mul3A_444 : i32
        %multiple_of3A_446 = tpu.assume_multiple %add3A_445, 8 : i32
        %dma_wait3A_447 = arith.constant 0 : i32
        %dma_wait3A_448 = tpu.memref_slice %arg4[%multiple_of3A_446, %dma_wait3A_447] : memref<32768x1024xf32, #tpu.memory_space<hbm>> -> memref<16x1024xf32, #tpu.memory_space<hbm>>
        %dma_wait3A_449 = arith.constant 0 : i32
        %dma_wait3A_450 = tpu.memref_slice %arg4[%multiple_of3A_446, %dma_wait3A_449] : memref<32768x1024xf32, #tpu.memory_space<hbm>> -> memref<16x1024xf32, #tpu.memory_space<hbm>>
        tpu.wait_dma2 semaphore(%arg18 : memref<!tpu.dma_semaphore, #tpu.memory_space<semaphore_mem>>) src(%arg10 : memref<16x1024xf32, #tpu.memory_space<vmem>>) dst(%dma_wait3A_450 : memref<16x1024xf32, #tpu.memory_space<hbm>>)
        %add3A_451 = arith.constant 4 : i32
        %add3A_452 = arith.addi %sub3A_385, %add3A_451 : i32
        %mul3A_453 = arith.constant 16 : i32
        %mul3A_454 = arith.muli %add3A_452, %mul3A_453 : i32
        %add3A_455 = arith.addi %sub3A_141, %mul3A_454 : i32
        %iota3A_456 = tpu.iota {dimensions = array<i32: 0>} : vector<16xi32>
        %add3A_457 = vector.broadcast %add3A_455 : i32 to vector<16xi32>
        %add3A_458 = arith.addi %iota3A_456, %add3A_457 : vector<16xi32>
        %add3A_459 = arith.constant 0 : i32
        %add3A_460 = vector.broadcast %add3A_459 : i32 to vector<16xi32>
        %add3A_461 = arith.addi %add3A_458, %add3A_460 : vector<16xi32>
        %jit3A_462 = arith.constant 0 : i32
        %jit3A_463 = arith.constant 2047 : i32
        %max3A_464 = vector.broadcast %jit3A_462 : i32 to vector<16xi32>
        %max3A_465 = arith.maxsi %max3A_464, %add3A_461 : vector<16xi32>
        %min3A_466 = vector.broadcast %jit3A_463 : i32 to vector<16xi32>
        %min3A_467 = arith.minsi %min3A_466, %max3A_465 : vector<16xi32>
        %swap3A_468 = arith.constant 0 : index
        %swap3A_469 = tpu.vector_load %arg6[%swap3A_468] {strides = array<i32>} : memref<16xi32, #tpu.memory_space<vmem>>, vector<16xi32>,
        %swap3A_470 = vector.shape_cast %swap3A_469 : vector<16xi32> to vector<16xi32>
        %swap3A_471 = vector.shape_cast %min3A_467 : vector<16xi32> to vector<16xi32>
        tpu.vector_store %arg6[%swap3A_468], %swap3A_471 {strides = array<i32>} : memref<16xi32, #tpu.memory_space<vmem>>, vector<16xi32>,
        %dma_start3A_472 = arith.constant 0 : i32
        %dma_start3A_473 = arith.constant 0 : i32
        %dma_start3A_474 = tpu.memref_slice %arg3[%dma_start3A_472, %dma_start3A_473] : memref<2048x1024xf32, #tpu.memory_space<hbm>> -> memref<2048x1024xf32, #tpu.memory_space<hbm>>
        tpu.enqueue_indirect_dma source(%dma_start3A_474 : memref<2048x1024xf32, #tpu.memory_space<hbm>>) target(%arg10 : memref<16x1024xf32, #tpu.memory_space<vmem>>) offsets(%arg6 : memref<16xi32, #tpu.memory_space<vmem>>) semaphore(%arg14 : memref<!tpu.dma_semaphore, #tpu.memory_space<semaphore_mem>>)
      } else {
      }
      %mul3A_396 = arith.constant 4 : i32
      %mul3A_397 = arith.muli %scan3A_268, %mul3A_396 : i32
      %add3A_398 = arith.constant 3 : i32
      %add3A_399 = arith.addi %mul3A_397, %add3A_398 : i32
      %dma_wait3A_400 = arith.constant 0 : i32
      %dma_wait3A_401 = arith.constant 0 : i32
      %dma_wait3A_402 = tpu.memref_slice %arg3[%dma_wait3A_400, %dma_wait3A_401] : memref<2048x1024xf32, #tpu.memory_space<hbm>> -> memref<2048x1024xf32, #tpu.memory_space<hbm>>
      tpu.wait_indirect_dma semaphore(%arg17 : memref<!tpu.dma_semaphore, #tpu.memory_space<semaphore_mem>>) src(%dma_wait3A_402 : memref<2048x1024xf32, #tpu.memory_space<hbm>>) dst(%arg13 : memref<16x1024xf32, #tpu.memory_space<vmem>>)
      %mul3A_403 = arith.constant 16 : i32
      %mul3A_404 = arith.muli %add3A_399, %mul3A_403 : i32
      %add3A_405 = arith.addi %mul3A_32, %mul3A_404 : i32
      %sub3A_406 = arith.subi %select_n3A_140, %add3A_405 : i32
      %jit3A_407 = arith.constant 0 : i32
      %jit3A_408 = arith.constant 16 : i32
      %max3A_409 = arith.maxsi %jit3A_407, %sub3A_406 : i32
      %min3A_410 = arith.minsi %jit3A_408, %max3A_409 : i32
      %gt3A_411 = arith.constant 0 : i32
      %gt3A_412 = arith.cmpi sgt, %min3A_410, %gt3A_411 : i32
      %convert_element_type3A_413 = arith.extui %gt3A_412 : i1 to i32
      %cond3A_414 = arith.constant 0 : i32
      %cond3A_415 = arith.cmpi ne, %convert_element_type3A_413, %cond3A_414 : i32
      scf.if %cond3A_415 {
        %while3A = arith.constant 0 : i32
        %while3A_440 = arith.constant 0 : i32
        %while3A_441 = arith.subi %min3A_410, %while3A : i32
        %while3A_442 = arith.addi %while3A, %while3A_441 : i32
        %while3A_443 = arith.constant 1 : i32
        %while3A_444 = arith.divsi %while3A_441, %while3A_443 : i32
        %while3A_445 = arith.muli %while3A_444, %while3A_443 : i32
        %while3A_446 = arith.addi %while3A, %while3A_445 : i32
        %while3A_447 = arith.constant 1 : i32
        %while3A_448 = scf.for %while3A_451 = %while3A to %while3A_446 step %while3A_447 iter_args(%while3A_452 = %while3A_440) -> (i32)  : i32 {
          %broadcast_in_dim3A_453 = arith.constant 0.000000e+00 : f32
          %broadcast_in_dim3A_454 = vector.broadcast %broadcast_in_dim3A_453 : f32 to vector<16xf32>
          %swap3A_455 = arith.index_cast %while3A_451 : i32 to index
          %swap3A_456 = arith.constant 0 : index
          %swap3A_457 = tpu.vector_load %arg13[%swap3A_455, %swap3A_456] {strides = array<i32>} : memref<16x1024xf32, #tpu.memory_space<vmem>>, vector<1x16xf32>,
          %swap3A_458 = vector.shape_cast %swap3A_457 : vector<1x16xf32> to vector<16xf32>
          %swap3A_459 = vector.shape_cast %broadcast_in_dim3A_454 : vector<16xf32> to vector<1x16xf32>
          tpu.vector_store %arg13[%swap3A_455, %swap3A_456], %swap3A_459 {strides = array<i32>} : memref<16x1024xf32, #tpu.memory_space<vmem>>, vector<1x16xf32>,
          %broadcast_in_dim3A_460 = arith.constant 0.000000e+00 : f32
          %broadcast_in_dim3A_461 = vector.broadcast %broadcast_in_dim3A_460 : f32 to vector<16xf32>
          %swap3A_462 = arith.index_cast %while3A_451 : i32 to index
          %swap3A_463 = arith.constant 16 : index
          %swap3A_464 = tpu.vector_load %arg13[%swap3A_462, %swap3A_463] {strides = array<i32>} : memref<16x1024xf32, #tpu.memory_space<vmem>>, vector<1x16xf32>,
          %swap3A_465 = vector.shape_cast %swap3A_464 : vector<1x16xf32> to vector<16xf32>
          %swap3A_466 = vector.shape_cast %broadcast_in_dim3A_461 : vector<16xf32> to vector<1x16xf32>
          tpu.vector_store %arg13[%swap3A_462, %swap3A_463], %swap3A_466 {strides = array<i32>} : memref<16x1024xf32, #tpu.memory_space<vmem>>, vector<1x16xf32>,
          %broadcast_in_dim3A_467 = arith.constant 0.000000e+00 : f32
          %broadcast_in_dim3A_468 = vector.broadcast %broadcast_in_dim3A_467 : f32 to vector<16xf32>
          %swap3A_469 = arith.index_cast %while3A_451 : i32 to index
          %swap3A_470 = arith.constant 32 : index
          %swap3A_471 = tpu.vector_load %arg13[%swap3A_469, %swap3A_470] {strides = array<i32>} : memref<16x1024xf32, #tpu.memory_space<vmem>>, vector<1x16xf32>,
          %swap3A_472 = vector.shape_cast %swap3A_471 : vector<1x16xf32> to vector<16xf32>
          %swap3A_473 = vector.shape_cast %broadcast_in_dim3A_468 : vector<16xf32> to vector<1x16xf32>
          tpu.vector_store %arg13[%swap3A_469, %swap3A_470], %swap3A_473 {strides = array<i32>} : memref<16x1024xf32, #tpu.memory_space<vmem>>, vector<1x16xf32>,
          %broadcast_in_dim3A_474 = arith.constant 0.000000e+00 : f32
          %broadcast_in_dim3A_475 = vector.broadcast %broadcast_in_dim3A_474 : f32 to vector<16xf32>
          %swap3A_476 = arith.index_cast %while3A_451 : i32 to index
          %swap3A_477 = arith.constant 48 : index
          %swap3A_478 = tpu.vector_load %arg13[%swap3A_476, %swap3A_477] {strides = array<i32>} : memref<16x1024xf32, #tpu.memory_space<vmem>>, vector<1x16xf32>,
          %swap3A_479 = vector.shape_cast %swap3A_478 : vector<1x16xf32> to vector<16xf32>
          %swap3A_480 = vector.shape_cast %broadcast_in_dim3A_475 : vector<16xf32> to vector<1x16xf32>
          tpu.vector_store %arg13[%swap3A_476, %swap3A_477], %swap3A_480 {strides = array<i32>} : memref<16x1024xf32, #tpu.memory_space<vmem>>, vector<1x16xf32>,
          %broadcast_in_dim3A_481 = arith.constant 0.000000e+00 : f32
          %broadcast_in_dim3A_482 = vector.broadcast %broadcast_in_dim3A_481 : f32 to vector<16xf32>
          %swap3A_483 = arith.index_cast %while3A_451 : i32 to index
          %swap3A_484 = arith.constant 64 : index
          %swap3A_485 = tpu.vector_load %arg13[%swap3A_483, %swap3A_484] {strides = array<i32>} : memref<16x1024xf32, #tpu.memory_space<vmem>>, vector<1x16xf32>,
          %swap3A_486 = vector.shape_cast %swap3A_485 : vector<1x16xf32> to vector<16xf32>
          %swap3A_487 = vector.shape_cast %broadcast_in_dim3A_482 : vector<16xf32> to vector<1x16xf32>
          tpu.vector_store %arg13[%swap3A_483, %swap3A_484], %swap3A_487 {strides = array<i32>} : memref<16x1024xf32, #tpu.memory_space<vmem>>, vector<1x16xf32>,
          %broadcast_in_dim3A_488 = arith.constant 0.000000e+00 : f32
          %broadcast_in_dim3A_489 = vector.broadcast %broadcast_in_dim3A_488 : f32 to vector<16xf32>
          %swap3A_490 = arith.index_cast %while3A_451 : i32 to index
          %swap3A_491 = arith.constant 80 : index
          %swap3A_492 = tpu.vector_load %arg13[%swap3A_490, %swap3A_491] {strides = array<i32>} : memref<16x1024xf32, #tpu.memory_space<vmem>>, vector<1x16xf32>,
          %swap3A_493 = vector.shape_cast %swap3A_492 : vector<1x16xf32> to vector<16xf32>
          %swap3A_494 = vector.shape_cast %broadcast_in_dim3A_489 : vector<16xf32> to vector<1x16xf32>
          tpu.vector_store %arg13[%swap3A_490, %swap3A_491], %swap3A_494 {strides = array<i32>} : memref<16x1024xf32, #tpu.memory_space<vmem>>, vector<1x16xf32>,
          %broadcast_in_dim3A_495 = arith.constant 0.000000e+00 : f32
          %broadcast_in_dim3A_496 = vector.broadcast %broadcast_in_dim3A_495 : f32 to vector<16xf32>
          %swap3A_497 = arith.index_cast %while3A_451 : i32 to index
          %swap3A_498 = arith.constant 96 : index
          %swap3A_499 = tpu.vector_load %arg13[%swap3A_497, %swap3A_498] {strides = array<i32>} : memref<16x1024xf32, #tpu.memory_space<vmem>>, vector<1x16xf32>,
          %swap3A_500 = vector.shape_cast %swap3A_499 : vector<1x16xf32> to vector<16xf32>
          %swap3A_501 = vector.shape_cast %broadcast_in_dim3A_496 : vector<16xf32> to vector<1x16xf32>
          tpu.vector_store %arg13[%swap3A_497, %swap3A_498], %swap3A_501 {strides = array<i32>} : memref<16x1024xf32, #tpu.memory_space<vmem>>, vector<1x16xf32>,
          %broadcast_in_dim3A_502 = arith.constant 0.000000e+00 : f32
          %broadcast_in_dim3A_503 = vector.broadcast %broadcast_in_dim3A_502 : f32 to vector<16xf32>
          %swap3A_504 = arith.index_cast %while3A_451 : i32 to index
          %swap3A_505 = arith.constant 112 : index
          %swap3A_506 = tpu.vector_load %arg13[%swap3A_504, %swap3A_505] {strides = array<i32>} : memref<16x1024xf32, #tpu.memory_space<vmem>>, vector<1x16xf32>,
          %swap3A_507 = vector.shape_cast %swap3A_506 : vector<1x16xf32> to vector<16xf32>
          %swap3A_508 = vector.shape_cast %broadcast_in_dim3A_503 : vector<16xf32> to vector<1x16xf32>
          tpu.vector_store %arg13[%swap3A_504, %swap3A_505], %swap3A_508 {strides = array<i32>} : memref<16x1024xf32, #tpu.memory_space<vmem>>, vector<1x16xf32>,
          %broadcast_in_dim3A_509 = arith.constant 0.000000e+00 : f32
          %broadcast_in_dim3A_510 = vector.broadcast %broadcast_in_dim3A_509 : f32 to vector<16xf32>
          %swap3A_511 = arith.index_cast %while3A_451 : i32 to index
          %swap3A_512 = arith.constant 128 : index
          %swap3A_513 = tpu.vector_load %arg13[%swap3A_511, %swap3A_512] {strides = array<i32>} : memref<16x1024xf32, #tpu.memory_space<vmem>>, vector<1x16xf32>,
          %swap3A_514 = vector.shape_cast %swap3A_513 : vector<1x16xf32> to vector<16xf32>
          %swap3A_515 = vector.shape_cast %broadcast_in_dim3A_510 : vector<16xf32> to vector<1x16xf32>
          tpu.vector_store %arg13[%swap3A_511, %swap3A_512], %swap3A_515 {strides = array<i32>} : memref<16x1024xf32, #tpu.memory_space<vmem>>, vector<1x16xf32>,
          %broadcast_in_dim3A_516 = arith.constant 0.000000e+00 : f32
          %broadcast_in_dim3A_517 = vector.broadcast %broadcast_in_dim3A_516 : f32 to vector<16xf32>
          %swap3A_518 = arith.index_cast %while3A_451 : i32 to index
          %swap3A_519 = arith.constant 144 : index
          %swap3A_520 = tpu.vector_load %arg13[%swap3A_518, %swap3A_519] {strides = array<i32>} : memref<16x1024xf32, #tpu.memory_space<vmem>>, vector<1x16xf32>,
          %swap3A_521 = vector.shape_cast %swap3A_520 : vector<1x16xf32> to vector<16xf32>
          %swap3A_522 = vector.shape_cast %broadcast_in_dim3A_517 : vector<16xf32> to vector<1x16xf32>
          tpu.vector_store %arg13[%swap3A_518, %swap3A_519], %swap3A_522 {strides = array<i32>} : memref<16x1024xf32, #tpu.memory_space<vmem>>, vector<1x16xf32>,
          %broadcast_in_dim3A_523 = arith.constant 0.000000e+00 : f32
          %broadcast_in_dim3A_524 = vector.broadcast %broadcast_in_dim3A_523 : f32 to vector<16xf32>
          %swap3A_525 = arith.index_cast %while3A_451 : i32 to index
          %swap3A_526 = arith.constant 160 : index
          %swap3A_527 = tpu.vector_load %arg13[%swap3A_525, %swap3A_526] {strides = array<i32>} : memref<16x1024xf32, #tpu.memory_space<vmem>>, vector<1x16xf32>,
          %swap3A_528 = vector.shape_cast %swap3A_527 : vector<1x16xf32> to vector<16xf32>
          %swap3A_529 = vector.shape_cast %broadcast_in_dim3A_524 : vector<16xf32> to vector<1x16xf32>
          tpu.vector_store %arg13[%swap3A_525, %swap3A_526], %swap3A_529 {strides = array<i32>} : memref<16x1024xf32, #tpu.memory_space<vmem>>, vector<1x16xf32>,
          %broadcast_in_dim3A_530 = arith.constant 0.000000e+00 : f32
          %broadcast_in_dim3A_531 = vector.broadcast %broadcast_in_dim3A_530 : f32 to vector<16xf32>
          %swap3A_532 = arith.index_cast %while3A_451 : i32 to index
          %swap3A_533 = arith.constant 176 : index
          %swap3A_534 = tpu.vector_load %arg13[%swap3A_532, %swap3A_533] {strides = array<i32>} : memref<16x1024xf32, #tpu.memory_space<vmem>>, vector<1x16xf32>,
          %swap3A_535 = vector.shape_cast %swap3A_534 : vector<1x16xf32> to vector<16xf32>
          %swap3A_536 = vector.shape_cast %broadcast_in_dim3A_531 : vector<16xf32> to vector<1x16xf32>
          tpu.vector_store %arg13[%swap3A_532, %swap3A_533], %swap3A_536 {strides = array<i32>} : memref<16x1024xf32, #tpu.memory_space<vmem>>, vector<1x16xf32>,
          %broadcast_in_dim3A_537 = arith.constant 0.000000e+00 : f32
          %broadcast_in_dim3A_538 = vector.broadcast %broadcast_in_dim3A_537 : f32 to vector<16xf32>
          %swap3A_539 = arith.index_cast %while3A_451 : i32 to index
          %swap3A_540 = arith.constant 192 : index
          %swap3A_541 = tpu.vector_load %arg13[%swap3A_539, %swap3A_540] {strides = array<i32>} : memref<16x1024xf32, #tpu.memory_space<vmem>>, vector<1x16xf32>,
          %swap3A_542 = vector.shape_cast %swap3A_541 : vector<1x16xf32> to vector<16xf32>
          %swap3A_543 = vector.shape_cast %broadcast_in_dim3A_538 : vector<16xf32> to vector<1x16xf32>
          tpu.vector_store %arg13[%swap3A_539, %swap3A_540], %swap3A_543 {strides = array<i32>} : memref<16x1024xf32, #tpu.memory_space<vmem>>, vector<1x16xf32>,
          %broadcast_in_dim3A_544 = arith.constant 0.000000e+00 : f32
          %broadcast_in_dim3A_545 = vector.broadcast %broadcast_in_dim3A_544 : f32 to vector<16xf32>
          %swap3A_546 = arith.index_cast %while3A_451 : i32 to index
          %swap3A_547 = arith.constant 208 : index
          %swap3A_548 = tpu.vector_load %arg13[%swap3A_546, %swap3A_547] {strides = array<i32>} : memref<16x1024xf32, #tpu.memory_space<vmem>>, vector<1x16xf32>,
          %swap3A_549 = vector.shape_cast %swap3A_548 : vector<1x16xf32> to vector<16xf32>
          %swap3A_550 = vector.shape_cast %broadcast_in_dim3A_545 : vector<16xf32> to vector<1x16xf32>
          tpu.vector_store %arg13[%swap3A_546, %swap3A_547], %swap3A_550 {strides = array<i32>} : memref<16x1024xf32, #tpu.memory_space<vmem>>, vector<1x16xf32>,
          %broadcast_in_dim3A_551 = arith.constant 0.000000e+00 : f32
          %broadcast_in_dim3A_552 = vector.broadcast %broadcast_in_dim3A_551 : f32 to vector<16xf32>
          %swap3A_553 = arith.index_cast %while3A_451 : i32 to index
          %swap3A_554 = arith.constant 224 : index
          %swap3A_555 = tpu.vector_load %arg13[%swap3A_553, %swap3A_554] {strides = array<i32>} : memref<16x1024xf32, #tpu.memory_space<vmem>>, vector<1x16xf32>,
          %swap3A_556 = vector.shape_cast %swap3A_555 : vector<1x16xf32> to vector<16xf32>
          %swap3A_557 = vector.shape_cast %broadcast_in_dim3A_552 : vector<16xf32> to vector<1x16xf32>
          tpu.vector_store %arg13[%swap3A_553, %swap3A_554], %swap3A_557 {strides = array<i32>} : memref<16x1024xf32, #tpu.memory_space<vmem>>, vector<1x16xf32>,
          %broadcast_in_dim3A_558 = arith.constant 0.000000e+00 : f32
          %broadcast_in_dim3A_559 = vector.broadcast %broadcast_in_dim3A_558 : f32 to vector<16xf32>
          %swap3A_560 = arith.index_cast %while3A_451 : i32 to index
          %swap3A_561 = arith.constant 240 : index
          %swap3A_562 = tpu.vector_load %arg13[%swap3A_560, %swap3A_561] {strides = array<i32>} : memref<16x1024xf32, #tpu.memory_space<vmem>>, vector<1x16xf32>,
          %swap3A_563 = vector.shape_cast %swap3A_562 : vector<1x16xf32> to vector<16xf32>
          %swap3A_564 = vector.shape_cast %broadcast_in_dim3A_559 : vector<16xf32> to vector<1x16xf32>
          tpu.vector_store %arg13[%swap3A_560, %swap3A_561], %swap3A_564 {strides = array<i32>} : memref<16x1024xf32, #tpu.memory_space<vmem>>, vector<1x16xf32>,
          %broadcast_in_dim3A_565 = arith.constant 0.000000e+00 : f32
          %broadcast_in_dim3A_566 = vector.broadcast %broadcast_in_dim3A_565 : f32 to vector<16xf32>
          %swap3A_567 = arith.index_cast %while3A_451 : i32 to index
          %swap3A_568 = arith.constant 256 : index
          %swap3A_569 = tpu.vector_load %arg13[%swap3A_567, %swap3A_568] {strides = array<i32>} : memref<16x1024xf32, #tpu.memory_space<vmem>>, vector<1x16xf32>,
          %swap3A_570 = vector.shape_cast %swap3A_569 : vector<1x16xf32> to vector<16xf32>
          %swap3A_571 = vector.shape_cast %broadcast_in_dim3A_566 : vector<16xf32> to vector<1x16xf32>
          tpu.vector_store %arg13[%swap3A_567, %swap3A_568], %swap3A_571 {strides = array<i32>} : memref<16x1024xf32, #tpu.memory_space<vmem>>, vector<1x16xf32>,
          %broadcast_in_dim3A_572 = arith.constant 0.000000e+00 : f32
          %broadcast_in_dim3A_573 = vector.broadcast %broadcast_in_dim3A_572 : f32 to vector<16xf32>
          %swap3A_574 = arith.index_cast %while3A_451 : i32 to index
          %swap3A_575 = arith.constant 272 : index
          %swap3A_576 = tpu.vector_load %arg13[%swap3A_574, %swap3A_575] {strides = array<i32>} : memref<16x1024xf32, #tpu.memory_space<vmem>>, vector<1x16xf32>,
          %swap3A_577 = vector.shape_cast %swap3A_576 : vector<1x16xf32> to vector<16xf32>
          %swap3A_578 = vector.shape_cast %broadcast_in_dim3A_573 : vector<16xf32> to vector<1x16xf32>
          tpu.vector_store %arg13[%swap3A_574, %swap3A_575], %swap3A_578 {strides = array<i32>} : memref<16x1024xf32, #tpu.memory_space<vmem>>, vector<1x16xf32>,
          %broadcast_in_dim3A_579 = arith.constant 0.000000e+00 : f32
          %broadcast_in_dim3A_580 = vector.broadcast %broadcast_in_dim3A_579 : f32 to vector<16xf32>
          %swap3A_581 = arith.index_cast %while3A_451 : i32 to index
          %swap3A_582 = arith.constant 288 : index
          %swap3A_583 = tpu.vector_load %arg13[%swap3A_581, %swap3A_582] {strides = array<i32>} : memref<16x1024xf32, #tpu.memory_space<vmem>>, vector<1x16xf32>,
          %swap3A_584 = vector.shape_cast %swap3A_583 : vector<1x16xf32> to vector<16xf32>
          %swap3A_585 = vector.shape_cast %broadcast_in_dim3A_580 : vector<16xf32> to vector<1x16xf32>
          tpu.vector_store %arg13[%swap3A_581, %swap3A_582], %swap3A_585 {strides = array<i32>} : memref<16x1024xf32, #tpu.memory_space<vmem>>, vector<1x16xf32>,
          %broadcast_in_dim3A_586 = arith.constant 0.000000e+00 : f32
          %broadcast_in_dim3A_587 = vector.broadcast %broadcast_in_dim3A_586 : f32 to vector<16xf32>
          %swap3A_588 = arith.index_cast %while3A_451 : i32 to index
          %swap3A_589 = arith.constant 304 : index
          %swap3A_590 = tpu.vector_load %arg13[%swap3A_588, %swap3A_589] {strides = array<i32>} : memref<16x1024xf32, #tpu.memory_space<vmem>>, vector<1x16xf32>,
          %swap3A_591 = vector.shape_cast %swap3A_590 : vector<1x16xf32> to vector<16xf32>
          %swap3A_592 = vector.shape_cast %broadcast_in_dim3A_587 : vector<16xf32> to vector<1x16xf32>
          tpu.vector_store %arg13[%swap3A_588, %swap3A_589], %swap3A_592 {strides = array<i32>} : memref<16x1024xf32, #tpu.memory_space<vmem>>, vector<1x16xf32>,
          %broadcast_in_dim3A_593 = arith.constant 0.000000e+00 : f32
          %broadcast_in_dim3A_594 = vector.broadcast %broadcast_in_dim3A_593 : f32 to vector<16xf32>
          %swap3A_595 = arith.index_cast %while3A_451 : i32 to index
          %swap3A_596 = arith.constant 320 : index
          %swap3A_597 = tpu.vector_load %arg13[%swap3A_595, %swap3A_596] {strides = array<i32>} : memref<16x1024xf32, #tpu.memory_space<vmem>>, vector<1x16xf32>,
          %swap3A_598 = vector.shape_cast %swap3A_597 : vector<1x16xf32> to vector<16xf32>
          %swap3A_599 = vector.shape_cast %broadcast_in_dim3A_594 : vector<16xf32> to vector<1x16xf32>
          tpu.vector_store %arg13[%swap3A_595, %swap3A_596], %swap3A_599 {strides = array<i32>} : memref<16x1024xf32, #tpu.memory_space<vmem>>, vector<1x16xf32>,
          %broadcast_in_dim3A_600 = arith.constant 0.000000e+00 : f32
          %broadcast_in_dim3A_601 = vector.broadcast %broadcast_in_dim3A_600 : f32 to vector<16xf32>
          %swap3A_602 = arith.index_cast %while3A_451 : i32 to index
          %swap3A_603 = arith.constant 336 : index
          %swap3A_604 = tpu.vector_load %arg13[%swap3A_602, %swap3A_603] {strides = array<i32>} : memref<16x1024xf32, #tpu.memory_space<vmem>>, vector<1x16xf32>,
          %swap3A_605 = vector.shape_cast %swap3A_604 : vector<1x16xf32> to vector<16xf32>
          %swap3A_606 = vector.shape_cast %broadcast_in_dim3A_601 : vector<16xf32> to vector<1x16xf32>
          tpu.vector_store %arg13[%swap3A_602, %swap3A_603], %swap3A_606 {strides = array<i32>} : memref<16x1024xf32, #tpu.memory_space<vmem>>, vector<1x16xf32>,
          %broadcast_in_dim3A_607 = arith.constant 0.000000e+00 : f32
          %broadcast_in_dim3A_608 = vector.broadcast %broadcast_in_dim3A_607 : f32 to vector<16xf32>
          %swap3A_609 = arith.index_cast %while3A_451 : i32 to index
          %swap3A_610 = arith.constant 352 : index
          %swap3A_611 = tpu.vector_load %arg13[%swap3A_609, %swap3A_610] {strides = array<i32>} : memref<16x1024xf32, #tpu.memory_space<vmem>>, vector<1x16xf32>,
          %swap3A_612 = vector.shape_cast %swap3A_611 : vector<1x16xf32> to vector<16xf32>
          %swap3A_613 = vector.shape_cast %broadcast_in_dim3A_608 : vector<16xf32> to vector<1x16xf32>
          tpu.vector_store %arg13[%swap3A_609, %swap3A_610], %swap3A_613 {strides = array<i32>} : memref<16x1024xf32, #tpu.memory_space<vmem>>, vector<1x16xf32>,
          %broadcast_in_dim3A_614 = arith.constant 0.000000e+00 : f32
          %broadcast_in_dim3A_615 = vector.broadcast %broadcast_in_dim3A_614 : f32 to vector<16xf32>
          %swap3A_616 = arith.index_cast %while3A_451 : i32 to index
          %swap3A_617 = arith.constant 368 : index
          %swap3A_618 = tpu.vector_load %arg13[%swap3A_616, %swap3A_617] {strides = array<i32>} : memref<16x1024xf32, #tpu.memory_space<vmem>>, vector<1x16xf32>,
          %swap3A_619 = vector.shape_cast %swap3A_618 : vector<1x16xf32> to vector<16xf32>
          %swap3A_620 = vector.shape_cast %broadcast_in_dim3A_615 : vector<16xf32> to vector<1x16xf32>
          tpu.vector_store %arg13[%swap3A_616, %swap3A_617], %swap3A_620 {strides = array<i32>} : memref<16x1024xf32, #tpu.memory_space<vmem>>, vector<1x16xf32>,
          %broadcast_in_dim3A_621 = arith.constant 0.000000e+00 : f32
          %broadcast_in_dim3A_622 = vector.broadcast %broadcast_in_dim3A_621 : f32 to vector<16xf32>
          %swap3A_623 = arith.index_cast %while3A_451 : i32 to index
          %swap3A_624 = arith.constant 384 : index
          %swap3A_625 = tpu.vector_load %arg13[%swap3A_623, %swap3A_624] {strides = array<i32>} : memref<16x1024xf32, #tpu.memory_space<vmem>>, vector<1x16xf32>,
          %swap3A_626 = vector.shape_cast %swap3A_625 : vector<1x16xf32> to vector<16xf32>
          %swap3A_627 = vector.shape_cast %broadcast_in_dim3A_622 : vector<16xf32> to vector<1x16xf32>
          tpu.vector_store %arg13[%swap3A_623, %swap3A_624], %swap3A_627 {strides = array<i32>} : memref<16x1024xf32, #tpu.memory_space<vmem>>, vector<1x16xf32>,
          %broadcast_in_dim3A_628 = arith.constant 0.000000e+00 : f32
          %broadcast_in_dim3A_629 = vector.broadcast %broadcast_in_dim3A_628 : f32 to vector<16xf32>
          %swap3A_630 = arith.index_cast %while3A_451 : i32 to index
          %swap3A_631 = arith.constant 400 : index
          %swap3A_632 = tpu.vector_load %arg13[%swap3A_630, %swap3A_631] {strides = array<i32>} : memref<16x1024xf32, #tpu.memory_space<vmem>>, vector<1x16xf32>,
          %swap3A_633 = vector.shape_cast %swap3A_632 : vector<1x16xf32> to vector<16xf32>
          %swap3A_634 = vector.shape_cast %broadcast_in_dim3A_629 : vector<16xf32> to vector<1x16xf32>
          tpu.vector_store %arg13[%swap3A_630, %swap3A_631], %swap3A_634 {strides = array<i32>} : memref<16x1024xf32, #tpu.memory_space<vmem>>, vector<1x16xf32>,
          %broadcast_in_dim3A_635 = arith.constant 0.000000e+00 : f32
          %broadcast_in_dim3A_636 = vector.broadcast %broadcast_in_dim3A_635 : f32 to vector<16xf32>
          %swap3A_637 = arith.index_cast %while3A_451 : i32 to index
          %swap3A_638 = arith.constant 416 : index
          %swap3A_639 = tpu.vector_load %arg13[%swap3A_637, %swap3A_638] {strides = array<i32>} : memref<16x1024xf32, #tpu.memory_space<vmem>>, vector<1x16xf32>,
          %swap3A_640 = vector.shape_cast %swap3A_639 : vector<1x16xf32> to vector<16xf32>
          %swap3A_641 = vector.shape_cast %broadcast_in_dim3A_636 : vector<16xf32> to vector<1x16xf32>
          tpu.vector_store %arg13[%swap3A_637, %swap3A_638], %swap3A_641 {strides = array<i32>} : memref<16x1024xf32, #tpu.memory_space<vmem>>, vector<1x16xf32>,
          %broadcast_in_dim3A_642 = arith.constant 0.000000e+00 : f32
          %broadcast_in_dim3A_643 = vector.broadcast %broadcast_in_dim3A_642 : f32 to vector<16xf32>
          %swap3A_644 = arith.index_cast %while3A_451 : i32 to index
          %swap3A_645 = arith.constant 432 : index
          %swap3A_646 = tpu.vector_load %arg13[%swap3A_644, %swap3A_645] {strides = array<i32>} : memref<16x1024xf32, #tpu.memory_space<vmem>>, vector<1x16xf32>,
          %swap3A_647 = vector.shape_cast %swap3A_646 : vector<1x16xf32> to vector<16xf32>
          %swap3A_648 = vector.shape_cast %broadcast_in_dim3A_643 : vector<16xf32> to vector<1x16xf32>
          tpu.vector_store %arg13[%swap3A_644, %swap3A_645], %swap3A_648 {strides = array<i32>} : memref<16x1024xf32, #tpu.memory_space<vmem>>, vector<1x16xf32>,
          %broadcast_in_dim3A_649 = arith.constant 0.000000e+00 : f32
          %broadcast_in_dim3A_650 = vector.broadcast %broadcast_in_dim3A_649 : f32 to vector<16xf32>
          %swap3A_651 = arith.index_cast %while3A_451 : i32 to index
          %swap3A_652 = arith.constant 448 : index
          %swap3A_653 = tpu.vector_load %arg13[%swap3A_651, %swap3A_652] {strides = array<i32>} : memref<16x1024xf32, #tpu.memory_space<vmem>>, vector<1x16xf32>,
          %swap3A_654 = vector.shape_cast %swap3A_653 : vector<1x16xf32> to vector<16xf32>
          %swap3A_655 = vector.shape_cast %broadcast_in_dim3A_650 : vector<16xf32> to vector<1x16xf32>
          tpu.vector_store %arg13[%swap3A_651, %swap3A_652], %swap3A_655 {strides = array<i32>} : memref<16x1024xf32, #tpu.memory_space<vmem>>, vector<1x16xf32>,
          %broadcast_in_dim3A_656 = arith.constant 0.000000e+00 : f32
          %broadcast_in_dim3A_657 = vector.broadcast %broadcast_in_dim3A_656 : f32 to vector<16xf32>
          %swap3A_658 = arith.index_cast %while3A_451 : i32 to index
          %swap3A_659 = arith.constant 464 : index
          %swap3A_660 = tpu.vector_load %arg13[%swap3A_658, %swap3A_659] {strides = array<i32>} : memref<16x1024xf32, #tpu.memory_space<vmem>>, vector<1x16xf32>,
          %swap3A_661 = vector.shape_cast %swap3A_660 : vector<1x16xf32> to vector<16xf32>
          %swap3A_662 = vector.shape_cast %broadcast_in_dim3A_657 : vector<16xf32> to vector<1x16xf32>
          tpu.vector_store %arg13[%swap3A_658, %swap3A_659], %swap3A_662 {strides = array<i32>} : memref<16x1024xf32, #tpu.memory_space<vmem>>, vector<1x16xf32>,
          %broadcast_in_dim3A_663 = arith.constant 0.000000e+00 : f32
          %broadcast_in_dim3A_664 = vector.broadcast %broadcast_in_dim3A_663 : f32 to vector<16xf32>
          %swap3A_665 = arith.index_cast %while3A_451 : i32 to index
          %swap3A_666 = arith.constant 480 : index
          %swap3A_667 = tpu.vector_load %arg13[%swap3A_665, %swap3A_666] {strides = array<i32>} : memref<16x1024xf32, #tpu.memory_space<vmem>>, vector<1x16xf32>,
          %swap3A_668 = vector.shape_cast %swap3A_667 : vector<1x16xf32> to vector<16xf32>
          %swap3A_669 = vector.shape_cast %broadcast_in_dim3A_664 : vector<16xf32> to vector<1x16xf32>
          tpu.vector_store %arg13[%swap3A_665, %swap3A_666], %swap3A_669 {strides = array<i32>} : memref<16x1024xf32, #tpu.memory_space<vmem>>, vector<1x16xf32>,
          %broadcast_in_dim3A_670 = arith.constant 0.000000e+00 : f32
          %broadcast_in_dim3A_671 = vector.broadcast %broadcast_in_dim3A_670 : f32 to vector<16xf32>
          %swap3A_672 = arith.index_cast %while3A_451 : i32 to index
          %swap3A_673 = arith.constant 496 : index
          %swap3A_674 = tpu.vector_load %arg13[%swap3A_672, %swap3A_673] {strides = array<i32>} : memref<16x1024xf32, #tpu.memory_space<vmem>>, vector<1x16xf32>,
          %swap3A_675 = vector.shape_cast %swap3A_674 : vector<1x16xf32> to vector<16xf32>
          %swap3A_676 = vector.shape_cast %broadcast_in_dim3A_671 : vector<16xf32> to vector<1x16xf32>
          tpu.vector_store %arg13[%swap3A_672, %swap3A_673], %swap3A_676 {strides = array<i32>} : memref<16x1024xf32, #tpu.memory_space<vmem>>, vector<1x16xf32>,
          %broadcast_in_dim3A_677 = arith.constant 0.000000e+00 : f32
          %broadcast_in_dim3A_678 = vector.broadcast %broadcast_in_dim3A_677 : f32 to vector<16xf32>
          %swap3A_679 = arith.index_cast %while3A_451 : i32 to index
          %swap3A_680 = arith.constant 512 : index
          %swap3A_681 = tpu.vector_load %arg13[%swap3A_679, %swap3A_680] {strides = array<i32>} : memref<16x1024xf32, #tpu.memory_space<vmem>>, vector<1x16xf32>,
          %swap3A_682 = vector.shape_cast %swap3A_681 : vector<1x16xf32> to vector<16xf32>
          %swap3A_683 = vector.shape_cast %broadcast_in_dim3A_678 : vector<16xf32> to vector<1x16xf32>
          tpu.vector_store %arg13[%swap3A_679, %swap3A_680], %swap3A_683 {strides = array<i32>} : memref<16x1024xf32, #tpu.memory_space<vmem>>, vector<1x16xf32>,
          %broadcast_in_dim3A_684 = arith.constant 0.000000e+00 : f32
          %broadcast_in_dim3A_685 = vector.broadcast %broadcast_in_dim3A_684 : f32 to vector<16xf32>
          %swap3A_686 = arith.index_cast %while3A_451 : i32 to index
          %swap3A_687 = arith.constant 528 : index
          %swap3A_688 = tpu.vector_load %arg13[%swap3A_686, %swap3A_687] {strides = array<i32>} : memref<16x1024xf32, #tpu.memory_space<vmem>>, vector<1x16xf32>,
          %swap3A_689 = vector.shape_cast %swap3A_688 : vector<1x16xf32> to vector<16xf32>
          %swap3A_690 = vector.shape_cast %broadcast_in_dim3A_685 : vector<16xf32> to vector<1x16xf32>
          tpu.vector_store %arg13[%swap3A_686, %swap3A_687], %swap3A_690 {strides = array<i32>} : memref<16x1024xf32, #tpu.memory_space<vmem>>, vector<1x16xf32>,
          %broadcast_in_dim3A_691 = arith.constant 0.000000e+00 : f32
          %broadcast_in_dim3A_692 = vector.broadcast %broadcast_in_dim3A_691 : f32 to vector<16xf32>
          %swap3A_693 = arith.index_cast %while3A_451 : i32 to index
          %swap3A_694 = arith.constant 544 : index
          %swap3A_695 = tpu.vector_load %arg13[%swap3A_693, %swap3A_694] {strides = array<i32>} : memref<16x1024xf32, #tpu.memory_space<vmem>>, vector<1x16xf32>,
          %swap3A_696 = vector.shape_cast %swap3A_695 : vector<1x16xf32> to vector<16xf32>
          %swap3A_697 = vector.shape_cast %broadcast_in_dim3A_692 : vector<16xf32> to vector<1x16xf32>
          tpu.vector_store %arg13[%swap3A_693, %swap3A_694], %swap3A_697 {strides = array<i32>} : memref<16x1024xf32, #tpu.memory_space<vmem>>, vector<1x16xf32>,
          %broadcast_in_dim3A_698 = arith.constant 0.000000e+00 : f32
          %broadcast_in_dim3A_699 = vector.broadcast %broadcast_in_dim3A_698 : f32 to vector<16xf32>
          %swap3A_700 = arith.index_cast %while3A_451 : i32 to index
          %swap3A_701 = arith.constant 560 : index
          %swap3A_702 = tpu.vector_load %arg13[%swap3A_700, %swap3A_701] {strides = array<i32>} : memref<16x1024xf32, #tpu.memory_space<vmem>>, vector<1x16xf32>,
          %swap3A_703 = vector.shape_cast %swap3A_702 : vector<1x16xf32> to vector<16xf32>
          %swap3A_704 = vector.shape_cast %broadcast_in_dim3A_699 : vector<16xf32> to vector<1x16xf32>
          tpu.vector_store %arg13[%swap3A_700, %swap3A_701], %swap3A_704 {strides = array<i32>} : memref<16x1024xf32, #tpu.memory_space<vmem>>, vector<1x16xf32>,
          %broadcast_in_dim3A_705 = arith.constant 0.000000e+00 : f32
          %broadcast_in_dim3A_706 = vector.broadcast %broadcast_in_dim3A_705 : f32 to vector<16xf32>
          %swap3A_707 = arith.index_cast %while3A_451 : i32 to index
          %swap3A_708 = arith.constant 576 : index
          %swap3A_709 = tpu.vector_load %arg13[%swap3A_707, %swap3A_708] {strides = array<i32>} : memref<16x1024xf32, #tpu.memory_space<vmem>>, vector<1x16xf32>,
          %swap3A_710 = vector.shape_cast %swap3A_709 : vector<1x16xf32> to vector<16xf32>
          %swap3A_711 = vector.shape_cast %broadcast_in_dim3A_706 : vector<16xf32> to vector<1x16xf32>
          tpu.vector_store %arg13[%swap3A_707, %swap3A_708], %swap3A_711 {strides = array<i32>} : memref<16x1024xf32, #tpu.memory_space<vmem>>, vector<1x16xf32>,
          %broadcast_in_dim3A_712 = arith.constant 0.000000e+00 : f32
          %broadcast_in_dim3A_713 = vector.broadcast %broadcast_in_dim3A_712 : f32 to vector<16xf32>
          %swap3A_714 = arith.index_cast %while3A_451 : i32 to index
          %swap3A_715 = arith.constant 592 : index
          %swap3A_716 = tpu.vector_load %arg13[%swap3A_714, %swap3A_715] {strides = array<i32>} : memref<16x1024xf32, #tpu.memory_space<vmem>>, vector<1x16xf32>,
          %swap3A_717 = vector.shape_cast %swap3A_716 : vector<1x16xf32> to vector<16xf32>
          %swap3A_718 = vector.shape_cast %broadcast_in_dim3A_713 : vector<16xf32> to vector<1x16xf32>
          tpu.vector_store %arg13[%swap3A_714, %swap3A_715], %swap3A_718 {strides = array<i32>} : memref<16x1024xf32, #tpu.memory_space<vmem>>, vector<1x16xf32>,
          %broadcast_in_dim3A_719 = arith.constant 0.000000e+00 : f32
          %broadcast_in_dim3A_720 = vector.broadcast %broadcast_in_dim3A_719 : f32 to vector<16xf32>
          %swap3A_721 = arith.index_cast %while3A_451 : i32 to index
          %swap3A_722 = arith.constant 608 : index
          %swap3A_723 = tpu.vector_load %arg13[%swap3A_721, %swap3A_722] {strides = array<i32>} : memref<16x1024xf32, #tpu.memory_space<vmem>>, vector<1x16xf32>,
          %swap3A_724 = vector.shape_cast %swap3A_723 : vector<1x16xf32> to vector<16xf32>
          %swap3A_725 = vector.shape_cast %broadcast_in_dim3A_720 : vector<16xf32> to vector<1x16xf32>
          tpu.vector_store %arg13[%swap3A_721, %swap3A_722], %swap3A_725 {strides = array<i32>} : memref<16x1024xf32, #tpu.memory_space<vmem>>, vector<1x16xf32>,
          %broadcast_in_dim3A_726 = arith.constant 0.000000e+00 : f32
          %broadcast_in_dim3A_727 = vector.broadcast %broadcast_in_dim3A_726 : f32 to vector<16xf32>
          %swap3A_728 = arith.index_cast %while3A_451 : i32 to index
          %swap3A_729 = arith.constant 624 : index
          %swap3A_730 = tpu.vector_load %arg13[%swap3A_728, %swap3A_729] {strides = array<i32>} : memref<16x1024xf32, #tpu.memory_space<vmem>>, vector<1x16xf32>,
          %swap3A_731 = vector.shape_cast %swap3A_730 : vector<1x16xf32> to vector<16xf32>
          %swap3A_732 = vector.shape_cast %broadcast_in_dim3A_727 : vector<16xf32> to vector<1x16xf32>
          tpu.vector_store %arg13[%swap3A_728, %swap3A_729], %swap3A_732 {strides = array<i32>} : memref<16x1024xf32, #tpu.memory_space<vmem>>, vector<1x16xf32>,
          %broadcast_in_dim3A_733 = arith.constant 0.000000e+00 : f32
          %broadcast_in_dim3A_734 = vector.broadcast %broadcast_in_dim3A_733 : f32 to vector<16xf32>
          %swap3A_735 = arith.index_cast %while3A_451 : i32 to index
          %swap3A_736 = arith.constant 640 : index
          %swap3A_737 = tpu.vector_load %arg13[%swap3A_735, %swap3A_736] {strides = array<i32>} : memref<16x1024xf32, #tpu.memory_space<vmem>>, vector<1x16xf32>,
          %swap3A_738 = vector.shape_cast %swap3A_737 : vector<1x16xf32> to vector<16xf32>
          %swap3A_739 = vector.shape_cast %broadcast_in_dim3A_734 : vector<16xf32> to vector<1x16xf32>
          tpu.vector_store %arg13[%swap3A_735, %swap3A_736], %swap3A_739 {strides = array<i32>} : memref<16x1024xf32, #tpu.memory_space<vmem>>, vector<1x16xf32>,
          %broadcast_in_dim3A_740 = arith.constant 0.000000e+00 : f32
          %broadcast_in_dim3A_741 = vector.broadcast %broadcast_in_dim3A_740 : f32 to vector<16xf32>
          %swap3A_742 = arith.index_cast %while3A_451 : i32 to index
          %swap3A_743 = arith.constant 656 : index
          %swap3A_744 = tpu.vector_load %arg13[%swap3A_742, %swap3A_743] {strides = array<i32>} : memref<16x1024xf32, #tpu.memory_space<vmem>>, vector<1x16xf32>,
          %swap3A_745 = vector.shape_cast %swap3A_744 : vector<1x16xf32> to vector<16xf32>
          %swap3A_746 = vector.shape_cast %broadcast_in_dim3A_741 : vector<16xf32> to vector<1x16xf32>
          tpu.vector_store %arg13[%swap3A_742, %swap3A_743], %swap3A_746 {strides = array<i32>} : memref<16x1024xf32, #tpu.memory_space<vmem>>, vector<1x16xf32>,
          %broadcast_in_dim3A_747 = arith.constant 0.000000e+00 : f32
          %broadcast_in_dim3A_748 = vector.broadcast %broadcast_in_dim3A_747 : f32 to vector<16xf32>
          %swap3A_749 = arith.index_cast %while3A_451 : i32 to index
          %swap3A_750 = arith.constant 672 : index
          %swap3A_751 = tpu.vector_load %arg13[%swap3A_749, %swap3A_750] {strides = array<i32>} : memref<16x1024xf32, #tpu.memory_space<vmem>>, vector<1x16xf32>,
          %swap3A_752 = vector.shape_cast %swap3A_751 : vector<1x16xf32> to vector<16xf32>
          %swap3A_753 = vector.shape_cast %broadcast_in_dim3A_748 : vector<16xf32> to vector<1x16xf32>
          tpu.vector_store %arg13[%swap3A_749, %swap3A_750], %swap3A_753 {strides = array<i32>} : memref<16x1024xf32, #tpu.memory_space<vmem>>, vector<1x16xf32>,
          %broadcast_in_dim3A_754 = arith.constant 0.000000e+00 : f32
          %broadcast_in_dim3A_755 = vector.broadcast %broadcast_in_dim3A_754 : f32 to vector<16xf32>
          %swap3A_756 = arith.index_cast %while3A_451 : i32 to index
          %swap3A_757 = arith.constant 688 : index
          %swap3A_758 = tpu.vector_load %arg13[%swap3A_756, %swap3A_757] {strides = array<i32>} : memref<16x1024xf32, #tpu.memory_space<vmem>>, vector<1x16xf32>,
          %swap3A_759 = vector.shape_cast %swap3A_758 : vector<1x16xf32> to vector<16xf32>
          %swap3A_760 = vector.shape_cast %broadcast_in_dim3A_755 : vector<16xf32> to vector<1x16xf32>
          tpu.vector_store %arg13[%swap3A_756, %swap3A_757], %swap3A_760 {strides = array<i32>} : memref<16x1024xf32, #tpu.memory_space<vmem>>, vector<1x16xf32>,
          %broadcast_in_dim3A_761 = arith.constant 0.000000e+00 : f32
          %broadcast_in_dim3A_762 = vector.broadcast %broadcast_in_dim3A_761 : f32 to vector<16xf32>
          %swap3A_763 = arith.index_cast %while3A_451 : i32 to index
          %swap3A_764 = arith.constant 704 : index
          %swap3A_765 = tpu.vector_load %arg13[%swap3A_763, %swap3A_764] {strides = array<i32>} : memref<16x1024xf32, #tpu.memory_space<vmem>>, vector<1x16xf32>,
          %swap3A_766 = vector.shape_cast %swap3A_765 : vector<1x16xf32> to vector<16xf32>
          %swap3A_767 = vector.shape_cast %broadcast_in_dim3A_762 : vector<16xf32> to vector<1x16xf32>
          tpu.vector_store %arg13[%swap3A_763, %swap3A_764], %swap3A_767 {strides = array<i32>} : memref<16x1024xf32, #tpu.memory_space<vmem>>, vector<1x16xf32>,
          %broadcast_in_dim3A_768 = arith.constant 0.000000e+00 : f32
          %broadcast_in_dim3A_769 = vector.broadcast %broadcast_in_dim3A_768 : f32 to vector<16xf32>
          %swap3A_770 = arith.index_cast %while3A_451 : i32 to index
          %swap3A_771 = arith.constant 720 : index
          %swap3A_772 = tpu.vector_load %arg13[%swap3A_770, %swap3A_771] {strides = array<i32>} : memref<16x1024xf32, #tpu.memory_space<vmem>>, vector<1x16xf32>,
          %swap3A_773 = vector.shape_cast %swap3A_772 : vector<1x16xf32> to vector<16xf32>
          %swap3A_774 = vector.shape_cast %broadcast_in_dim3A_769 : vector<16xf32> to vector<1x16xf32>
          tpu.vector_store %arg13[%swap3A_770, %swap3A_771], %swap3A_774 {strides = array<i32>} : memref<16x1024xf32, #tpu.memory_space<vmem>>, vector<1x16xf32>,
          %broadcast_in_dim3A_775 = arith.constant 0.000000e+00 : f32
          %broadcast_in_dim3A_776 = vector.broadcast %broadcast_in_dim3A_775 : f32 to vector<16xf32>
          %swap3A_777 = arith.index_cast %while3A_451 : i32 to index
          %swap3A_778 = arith.constant 736 : index
          %swap3A_779 = tpu.vector_load %arg13[%swap3A_777, %swap3A_778] {strides = array<i32>} : memref<16x1024xf32, #tpu.memory_space<vmem>>, vector<1x16xf32>,
          %swap3A_780 = vector.shape_cast %swap3A_779 : vector<1x16xf32> to vector<16xf32>
          %swap3A_781 = vector.shape_cast %broadcast_in_dim3A_776 : vector<16xf32> to vector<1x16xf32>
          tpu.vector_store %arg13[%swap3A_777, %swap3A_778], %swap3A_781 {strides = array<i32>} : memref<16x1024xf32, #tpu.memory_space<vmem>>, vector<1x16xf32>,
          %broadcast_in_dim3A_782 = arith.constant 0.000000e+00 : f32
          %broadcast_in_dim3A_783 = vector.broadcast %broadcast_in_dim3A_782 : f32 to vector<16xf32>
          %swap3A_784 = arith.index_cast %while3A_451 : i32 to index
          %swap3A_785 = arith.constant 752 : index
          %swap3A_786 = tpu.vector_load %arg13[%swap3A_784, %swap3A_785] {strides = array<i32>} : memref<16x1024xf32, #tpu.memory_space<vmem>>, vector<1x16xf32>,
          %swap3A_787 = vector.shape_cast %swap3A_786 : vector<1x16xf32> to vector<16xf32>
          %swap3A_788 = vector.shape_cast %broadcast_in_dim3A_783 : vector<16xf32> to vector<1x16xf32>
          tpu.vector_store %arg13[%swap3A_784, %swap3A_785], %swap3A_788 {strides = array<i32>} : memref<16x1024xf32, #tpu.memory_space<vmem>>, vector<1x16xf32>,
          %broadcast_in_dim3A_789 = arith.constant 0.000000e+00 : f32
          %broadcast_in_dim3A_790 = vector.broadcast %broadcast_in_dim3A_789 : f32 to vector<16xf32>
          %swap3A_791 = arith.index_cast %while3A_451 : i32 to index
          %swap3A_792 = arith.constant 768 : index
          %swap3A_793 = tpu.vector_load %arg13[%swap3A_791, %swap3A_792] {strides = array<i32>} : memref<16x1024xf32, #tpu.memory_space<vmem>>, vector<1x16xf32>,
          %swap3A_794 = vector.shape_cast %swap3A_793 : vector<1x16xf32> to vector<16xf32>
          %swap3A_795 = vector.shape_cast %broadcast_in_dim3A_790 : vector<16xf32> to vector<1x16xf32>
          tpu.vector_store %arg13[%swap3A_791, %swap3A_792], %swap3A_795 {strides = array<i32>} : memref<16x1024xf32, #tpu.memory_space<vmem>>, vector<1x16xf32>,
          %broadcast_in_dim3A_796 = arith.constant 0.000000e+00 : f32
          %broadcast_in_dim3A_797 = vector.broadcast %broadcast_in_dim3A_796 : f32 to vector<16xf32>
          %swap3A_798 = arith.index_cast %while3A_451 : i32 to index
          %swap3A_799 = arith.constant 784 : index
          %swap3A_800 = tpu.vector_load %arg13[%swap3A_798, %swap3A_799] {strides = array<i32>} : memref<16x1024xf32, #tpu.memory_space<vmem>>, vector<1x16xf32>,
          %swap3A_801 = vector.shape_cast %swap3A_800 : vector<1x16xf32> to vector<16xf32>
          %swap3A_802 = vector.shape_cast %broadcast_in_dim3A_797 : vector<16xf32> to vector<1x16xf32>
          tpu.vector_store %arg13[%swap3A_798, %swap3A_799], %swap3A_802 {strides = array<i32>} : memref<16x1024xf32, #tpu.memory_space<vmem>>, vector<1x16xf32>,
          %broadcast_in_dim3A_803 = arith.constant 0.000000e+00 : f32
          %broadcast_in_dim3A_804 = vector.broadcast %broadcast_in_dim3A_803 : f32 to vector<16xf32>
          %swap3A_805 = arith.index_cast %while3A_451 : i32 to index
          %swap3A_806 = arith.constant 800 : index
          %swap3A_807 = tpu.vector_load %arg13[%swap3A_805, %swap3A_806] {strides = array<i32>} : memref<16x1024xf32, #tpu.memory_space<vmem>>, vector<1x16xf32>,
          %swap3A_808 = vector.shape_cast %swap3A_807 : vector<1x16xf32> to vector<16xf32>
          %swap3A_809 = vector.shape_cast %broadcast_in_dim3A_804 : vector<16xf32> to vector<1x16xf32>
          tpu.vector_store %arg13[%swap3A_805, %swap3A_806], %swap3A_809 {strides = array<i32>} : memref<16x1024xf32, #tpu.memory_space<vmem>>, vector<1x16xf32>,
          %broadcast_in_dim3A_810 = arith.constant 0.000000e+00 : f32
          %broadcast_in_dim3A_811 = vector.broadcast %broadcast_in_dim3A_810 : f32 to vector<16xf32>
          %swap3A_812 = arith.index_cast %while3A_451 : i32 to index
          %swap3A_813 = arith.constant 816 : index
          %swap3A_814 = tpu.vector_load %arg13[%swap3A_812, %swap3A_813] {strides = array<i32>} : memref<16x1024xf32, #tpu.memory_space<vmem>>, vector<1x16xf32>,
          %swap3A_815 = vector.shape_cast %swap3A_814 : vector<1x16xf32> to vector<16xf32>
          %swap3A_816 = vector.shape_cast %broadcast_in_dim3A_811 : vector<16xf32> to vector<1x16xf32>
          tpu.vector_store %arg13[%swap3A_812, %swap3A_813], %swap3A_816 {strides = array<i32>} : memref<16x1024xf32, #tpu.memory_space<vmem>>, vector<1x16xf32>,
          %broadcast_in_dim3A_817 = arith.constant 0.000000e+00 : f32
          %broadcast_in_dim3A_818 = vector.broadcast %broadcast_in_dim3A_817 : f32 to vector<16xf32>
          %swap3A_819 = arith.index_cast %while3A_451 : i32 to index
          %swap3A_820 = arith.constant 832 : index
          %swap3A_821 = tpu.vector_load %arg13[%swap3A_819, %swap3A_820] {strides = array<i32>} : memref<16x1024xf32, #tpu.memory_space<vmem>>, vector<1x16xf32>,
          %swap3A_822 = vector.shape_cast %swap3A_821 : vector<1x16xf32> to vector<16xf32>
          %swap3A_823 = vector.shape_cast %broadcast_in_dim3A_818 : vector<16xf32> to vector<1x16xf32>
          tpu.vector_store %arg13[%swap3A_819, %swap3A_820], %swap3A_823 {strides = array<i32>} : memref<16x1024xf32, #tpu.memory_space<vmem>>, vector<1x16xf32>,
          %broadcast_in_dim3A_824 = arith.constant 0.000000e+00 : f32
          %broadcast_in_dim3A_825 = vector.broadcast %broadcast_in_dim3A_824 : f32 to vector<16xf32>
          %swap3A_826 = arith.index_cast %while3A_451 : i32 to index
          %swap3A_827 = arith.constant 848 : index
          %swap3A_828 = tpu.vector_load %arg13[%swap3A_826, %swap3A_827] {strides = array<i32>} : memref<16x1024xf32, #tpu.memory_space<vmem>>, vector<1x16xf32>,
          %swap3A_829 = vector.shape_cast %swap3A_828 : vector<1x16xf32> to vector<16xf32>
          %swap3A_830 = vector.shape_cast %broadcast_in_dim3A_825 : vector<16xf32> to vector<1x16xf32>
          tpu.vector_store %arg13[%swap3A_826, %swap3A_827], %swap3A_830 {strides = array<i32>} : memref<16x1024xf32, #tpu.memory_space<vmem>>, vector<1x16xf32>,
          %broadcast_in_dim3A_831 = arith.constant 0.000000e+00 : f32
          %broadcast_in_dim3A_832 = vector.broadcast %broadcast_in_dim3A_831 : f32 to vector<16xf32>
          %swap3A_833 = arith.index_cast %while3A_451 : i32 to index
          %swap3A_834 = arith.constant 864 : index
          %swap3A_835 = tpu.vector_load %arg13[%swap3A_833, %swap3A_834] {strides = array<i32>} : memref<16x1024xf32, #tpu.memory_space<vmem>>, vector<1x16xf32>,
          %swap3A_836 = vector.shape_cast %swap3A_835 : vector<1x16xf32> to vector<16xf32>
          %swap3A_837 = vector.shape_cast %broadcast_in_dim3A_832 : vector<16xf32> to vector<1x16xf32>
          tpu.vector_store %arg13[%swap3A_833, %swap3A_834], %swap3A_837 {strides = array<i32>} : memref<16x1024xf32, #tpu.memory_space<vmem>>, vector<1x16xf32>,
          %broadcast_in_dim3A_838 = arith.constant 0.000000e+00 : f32
          %broadcast_in_dim3A_839 = vector.broadcast %broadcast_in_dim3A_838 : f32 to vector<16xf32>
          %swap3A_840 = arith.index_cast %while3A_451 : i32 to index
          %swap3A_841 = arith.constant 880 : index
          %swap3A_842 = tpu.vector_load %arg13[%swap3A_840, %swap3A_841] {strides = array<i32>} : memref<16x1024xf32, #tpu.memory_space<vmem>>, vector<1x16xf32>,
          %swap3A_843 = vector.shape_cast %swap3A_842 : vector<1x16xf32> to vector<16xf32>
          %swap3A_844 = vector.shape_cast %broadcast_in_dim3A_839 : vector<16xf32> to vector<1x16xf32>
          tpu.vector_store %arg13[%swap3A_840, %swap3A_841], %swap3A_844 {strides = array<i32>} : memref<16x1024xf32, #tpu.memory_space<vmem>>, vector<1x16xf32>,
          %broadcast_in_dim3A_845 = arith.constant 0.000000e+00 : f32
          %broadcast_in_dim3A_846 = vector.broadcast %broadcast_in_dim3A_845 : f32 to vector<16xf32>
          %swap3A_847 = arith.index_cast %while3A_451 : i32 to index
          %swap3A_848 = arith.constant 896 : index
          %swap3A_849 = tpu.vector_load %arg13[%swap3A_847, %swap3A_848] {strides = array<i32>} : memref<16x1024xf32, #tpu.memory_space<vmem>>, vector<1x16xf32>,
          %swap3A_850 = vector.shape_cast %swap3A_849 : vector<1x16xf32> to vector<16xf32>
          %swap3A_851 = vector.shape_cast %broadcast_in_dim3A_846 : vector<16xf32> to vector<1x16xf32>
          tpu.vector_store %arg13[%swap3A_847, %swap3A_848], %swap3A_851 {strides = array<i32>} : memref<16x1024xf32, #tpu.memory_space<vmem>>, vector<1x16xf32>,
          %broadcast_in_dim3A_852 = arith.constant 0.000000e+00 : f32
          %broadcast_in_dim3A_853 = vector.broadcast %broadcast_in_dim3A_852 : f32 to vector<16xf32>
          %swap3A_854 = arith.index_cast %while3A_451 : i32 to index
          %swap3A_855 = arith.constant 912 : index
          %swap3A_856 = tpu.vector_load %arg13[%swap3A_854, %swap3A_855] {strides = array<i32>} : memref<16x1024xf32, #tpu.memory_space<vmem>>, vector<1x16xf32>,
          %swap3A_857 = vector.shape_cast %swap3A_856 : vector<1x16xf32> to vector<16xf32>
          %swap3A_858 = vector.shape_cast %broadcast_in_dim3A_853 : vector<16xf32> to vector<1x16xf32>
          tpu.vector_store %arg13[%swap3A_854, %swap3A_855], %swap3A_858 {strides = array<i32>} : memref<16x1024xf32, #tpu.memory_space<vmem>>, vector<1x16xf32>,
          %broadcast_in_dim3A_859 = arith.constant 0.000000e+00 : f32
          %broadcast_in_dim3A_860 = vector.broadcast %broadcast_in_dim3A_859 : f32 to vector<16xf32>
          %swap3A_861 = arith.index_cast %while3A_451 : i32 to index
          %swap3A_862 = arith.constant 928 : index
          %swap3A_863 = tpu.vector_load %arg13[%swap3A_861, %swap3A_862] {strides = array<i32>} : memref<16x1024xf32, #tpu.memory_space<vmem>>, vector<1x16xf32>,
          %swap3A_864 = vector.shape_cast %swap3A_863 : vector<1x16xf32> to vector<16xf32>
          %swap3A_865 = vector.shape_cast %broadcast_in_dim3A_860 : vector<16xf32> to vector<1x16xf32>
          tpu.vector_store %arg13[%swap3A_861, %swap3A_862], %swap3A_865 {strides = array<i32>} : memref<16x1024xf32, #tpu.memory_space<vmem>>, vector<1x16xf32>,
          %broadcast_in_dim3A_866 = arith.constant 0.000000e+00 : f32
          %broadcast_in_dim3A_867 = vector.broadcast %broadcast_in_dim3A_866 : f32 to vector<16xf32>
          %swap3A_868 = arith.index_cast %while3A_451 : i32 to index
          %swap3A_869 = arith.constant 944 : index
          %swap3A_870 = tpu.vector_load %arg13[%swap3A_868, %swap3A_869] {strides = array<i32>} : memref<16x1024xf32, #tpu.memory_space<vmem>>, vector<1x16xf32>,
          %swap3A_871 = vector.shape_cast %swap3A_870 : vector<1x16xf32> to vector<16xf32>
          %swap3A_872 = vector.shape_cast %broadcast_in_dim3A_867 : vector<16xf32> to vector<1x16xf32>
          tpu.vector_store %arg13[%swap3A_868, %swap3A_869], %swap3A_872 {strides = array<i32>} : memref<16x1024xf32, #tpu.memory_space<vmem>>, vector<1x16xf32>,
          %broadcast_in_dim3A_873 = arith.constant 0.000000e+00 : f32
          %broadcast_in_dim3A_874 = vector.broadcast %broadcast_in_dim3A_873 : f32 to vector<16xf32>
          %swap3A_875 = arith.index_cast %while3A_451 : i32 to index
          %swap3A_876 = arith.constant 960 : index
          %swap3A_877 = tpu.vector_load %arg13[%swap3A_875, %swap3A_876] {strides = array<i32>} : memref<16x1024xf32, #tpu.memory_space<vmem>>, vector<1x16xf32>,
          %swap3A_878 = vector.shape_cast %swap3A_877 : vector<1x16xf32> to vector<16xf32>
          %swap3A_879 = vector.shape_cast %broadcast_in_dim3A_874 : vector<16xf32> to vector<1x16xf32>
          tpu.vector_store %arg13[%swap3A_875, %swap3A_876], %swap3A_879 {strides = array<i32>} : memref<16x1024xf32, #tpu.memory_space<vmem>>, vector<1x16xf32>,
          %broadcast_in_dim3A_880 = arith.constant 0.000000e+00 : f32
          %broadcast_in_dim3A_881 = vector.broadcast %broadcast_in_dim3A_880 : f32 to vector<16xf32>
          %swap3A_882 = arith.index_cast %while3A_451 : i32 to index
          %swap3A_883 = arith.constant 976 : index
          %swap3A_884 = tpu.vector_load %arg13[%swap3A_882, %swap3A_883] {strides = array<i32>} : memref<16x1024xf32, #tpu.memory_space<vmem>>, vector<1x16xf32>,
          %swap3A_885 = vector.shape_cast %swap3A_884 : vector<1x16xf32> to vector<16xf32>
          %swap3A_886 = vector.shape_cast %broadcast_in_dim3A_881 : vector<16xf32> to vector<1x16xf32>
          tpu.vector_store %arg13[%swap3A_882, %swap3A_883], %swap3A_886 {strides = array<i32>} : memref<16x1024xf32, #tpu.memory_space<vmem>>, vector<1x16xf32>,
          %broadcast_in_dim3A_887 = arith.constant 0.000000e+00 : f32
          %broadcast_in_dim3A_888 = vector.broadcast %broadcast_in_dim3A_887 : f32 to vector<16xf32>
          %swap3A_889 = arith.index_cast %while3A_451 : i32 to index
          %swap3A_890 = arith.constant 992 : index
          %swap3A_891 = tpu.vector_load %arg13[%swap3A_889, %swap3A_890] {strides = array<i32>} : memref<16x1024xf32, #tpu.memory_space<vmem>>, vector<1x16xf32>,
          %swap3A_892 = vector.shape_cast %swap3A_891 : vector<1x16xf32> to vector<16xf32>
          %swap3A_893 = vector.shape_cast %broadcast_in_dim3A_888 : vector<16xf32> to vector<1x16xf32>
          tpu.vector_store %arg13[%swap3A_889, %swap3A_890], %swap3A_893 {strides = array<i32>} : memref<16x1024xf32, #tpu.memory_space<vmem>>, vector<1x16xf32>,
          %broadcast_in_dim3A_894 = arith.constant 0.000000e+00 : f32
          %broadcast_in_dim3A_895 = vector.broadcast %broadcast_in_dim3A_894 : f32 to vector<16xf32>
          %swap3A_896 = arith.index_cast %while3A_451 : i32 to index
          %swap3A_897 = arith.constant 1008 : index
          %swap3A_898 = tpu.vector_load %arg13[%swap3A_896, %swap3A_897] {strides = array<i32>} : memref<16x1024xf32, #tpu.memory_space<vmem>>, vector<1x16xf32>,
          %swap3A_899 = vector.shape_cast %swap3A_898 : vector<1x16xf32> to vector<16xf32>
          %swap3A_900 = vector.shape_cast %broadcast_in_dim3A_895 : vector<16xf32> to vector<1x16xf32>
          tpu.vector_store %arg13[%swap3A_896, %swap3A_897], %swap3A_900 {strides = array<i32>} : memref<16x1024xf32, #tpu.memory_space<vmem>>, vector<1x16xf32>,
          %while3A_901 = arith.constant 0 : i32
          scf.yield %while3A_901 : i32
        }
        %while3A_449 = arith.constant 1 : i32
        %while3A_450 = scf.for %while3A_451 = %while3A_446 to %while3A_442 step %while3A_449 iter_args(%while3A_452 = %while3A_448) -> (i32)  : i32 {
          %broadcast_in_dim3A_453 = arith.constant 0.000000e+00 : f32
          %broadcast_in_dim3A_454 = vector.broadcast %broadcast_in_dim3A_453 : f32 to vector<16xf32>
          %swap3A_455 = arith.index_cast %while3A_451 : i32 to index
          %swap3A_456 = arith.constant 0 : index
          %swap3A_457 = tpu.vector_load %arg13[%swap3A_455, %swap3A_456] {strides = array<i32>} : memref<16x1024xf32, #tpu.memory_space<vmem>>, vector<1x16xf32>,
          %swap3A_458 = vector.shape_cast %swap3A_457 : vector<1x16xf32> to vector<16xf32>
          %swap3A_459 = vector.shape_cast %broadcast_in_dim3A_454 : vector<16xf32> to vector<1x16xf32>
          tpu.vector_store %arg13[%swap3A_455, %swap3A_456], %swap3A_459 {strides = array<i32>} : memref<16x1024xf32, #tpu.memory_space<vmem>>, vector<1x16xf32>,
          %broadcast_in_dim3A_460 = arith.constant 0.000000e+00 : f32
          %broadcast_in_dim3A_461 = vector.broadcast %broadcast_in_dim3A_460 : f32 to vector<16xf32>
          %swap3A_462 = arith.index_cast %while3A_451 : i32 to index
          %swap3A_463 = arith.constant 16 : index
          %swap3A_464 = tpu.vector_load %arg13[%swap3A_462, %swap3A_463] {strides = array<i32>} : memref<16x1024xf32, #tpu.memory_space<vmem>>, vector<1x16xf32>,
          %swap3A_465 = vector.shape_cast %swap3A_464 : vector<1x16xf32> to vector<16xf32>
          %swap3A_466 = vector.shape_cast %broadcast_in_dim3A_461 : vector<16xf32> to vector<1x16xf32>
          tpu.vector_store %arg13[%swap3A_462, %swap3A_463], %swap3A_466 {strides = array<i32>} : memref<16x1024xf32, #tpu.memory_space<vmem>>, vector<1x16xf32>,
          %broadcast_in_dim3A_467 = arith.constant 0.000000e+00 : f32
          %broadcast_in_dim3A_468 = vector.broadcast %broadcast_in_dim3A_467 : f32 to vector<16xf32>
          %swap3A_469 = arith.index_cast %while3A_451 : i32 to index
          %swap3A_470 = arith.constant 32 : index
          %swap3A_471 = tpu.vector_load %arg13[%swap3A_469, %swap3A_470] {strides = array<i32>} : memref<16x1024xf32, #tpu.memory_space<vmem>>, vector<1x16xf32>,
          %swap3A_472 = vector.shape_cast %swap3A_471 : vector<1x16xf32> to vector<16xf32>
          %swap3A_473 = vector.shape_cast %broadcast_in_dim3A_468 : vector<16xf32> to vector<1x16xf32>
          tpu.vector_store %arg13[%swap3A_469, %swap3A_470], %swap3A_473 {strides = array<i32>} : memref<16x1024xf32, #tpu.memory_space<vmem>>, vector<1x16xf32>,
          %broadcast_in_dim3A_474 = arith.constant 0.000000e+00 : f32
          %broadcast_in_dim3A_475 = vector.broadcast %broadcast_in_dim3A_474 : f32 to vector<16xf32>
          %swap3A_476 = arith.index_cast %while3A_451 : i32 to index
          %swap3A_477 = arith.constant 48 : index
          %swap3A_478 = tpu.vector_load %arg13[%swap3A_476, %swap3A_477] {strides = array<i32>} : memref<16x1024xf32, #tpu.memory_space<vmem>>, vector<1x16xf32>,
          %swap3A_479 = vector.shape_cast %swap3A_478 : vector<1x16xf32> to vector<16xf32>
          %swap3A_480 = vector.shape_cast %broadcast_in_dim3A_475 : vector<16xf32> to vector<1x16xf32>
          tpu.vector_store %arg13[%swap3A_476, %swap3A_477], %swap3A_480 {strides = array<i32>} : memref<16x1024xf32, #tpu.memory_space<vmem>>, vector<1x16xf32>,
          %broadcast_in_dim3A_481 = arith.constant 0.000000e+00 : f32
          %broadcast_in_dim3A_482 = vector.broadcast %broadcast_in_dim3A_481 : f32 to vector<16xf32>
          %swap3A_483 = arith.index_cast %while3A_451 : i32 to index
          %swap3A_484 = arith.constant 64 : index
          %swap3A_485 = tpu.vector_load %arg13[%swap3A_483, %swap3A_484] {strides = array<i32>} : memref<16x1024xf32, #tpu.memory_space<vmem>>, vector<1x16xf32>,
          %swap3A_486 = vector.shape_cast %swap3A_485 : vector<1x16xf32> to vector<16xf32>
          %swap3A_487 = vector.shape_cast %broadcast_in_dim3A_482 : vector<16xf32> to vector<1x16xf32>
          tpu.vector_store %arg13[%swap3A_483, %swap3A_484], %swap3A_487 {strides = array<i32>} : memref<16x1024xf32, #tpu.memory_space<vmem>>, vector<1x16xf32>,
          %broadcast_in_dim3A_488 = arith.constant 0.000000e+00 : f32
          %broadcast_in_dim3A_489 = vector.broadcast %broadcast_in_dim3A_488 : f32 to vector<16xf32>
          %swap3A_490 = arith.index_cast %while3A_451 : i32 to index
          %swap3A_491 = arith.constant 80 : index
          %swap3A_492 = tpu.vector_load %arg13[%swap3A_490, %swap3A_491] {strides = array<i32>} : memref<16x1024xf32, #tpu.memory_space<vmem>>, vector<1x16xf32>,
          %swap3A_493 = vector.shape_cast %swap3A_492 : vector<1x16xf32> to vector<16xf32>
          %swap3A_494 = vector.shape_cast %broadcast_in_dim3A_489 : vector<16xf32> to vector<1x16xf32>
          tpu.vector_store %arg13[%swap3A_490, %swap3A_491], %swap3A_494 {strides = array<i32>} : memref<16x1024xf32, #tpu.memory_space<vmem>>, vector<1x16xf32>,
          %broadcast_in_dim3A_495 = arith.constant 0.000000e+00 : f32
          %broadcast_in_dim3A_496 = vector.broadcast %broadcast_in_dim3A_495 : f32 to vector<16xf32>
          %swap3A_497 = arith.index_cast %while3A_451 : i32 to index
          %swap3A_498 = arith.constant 96 : index
          %swap3A_499 = tpu.vector_load %arg13[%swap3A_497, %swap3A_498] {strides = array<i32>} : memref<16x1024xf32, #tpu.memory_space<vmem>>, vector<1x16xf32>,
          %swap3A_500 = vector.shape_cast %swap3A_499 : vector<1x16xf32> to vector<16xf32>
          %swap3A_501 = vector.shape_cast %broadcast_in_dim3A_496 : vector<16xf32> to vector<1x16xf32>
          tpu.vector_store %arg13[%swap3A_497, %swap3A_498], %swap3A_501 {strides = array<i32>} : memref<16x1024xf32, #tpu.memory_space<vmem>>, vector<1x16xf32>,
          %broadcast_in_dim3A_502 = arith.constant 0.000000e+00 : f32
          %broadcast_in_dim3A_503 = vector.broadcast %broadcast_in_dim3A_502 : f32 to vector<16xf32>
          %swap3A_504 = arith.index_cast %while3A_451 : i32 to index
          %swap3A_505 = arith.constant 112 : index
          %swap3A_506 = tpu.vector_load %arg13[%swap3A_504, %swap3A_505] {strides = array<i32>} : memref<16x1024xf32, #tpu.memory_space<vmem>>, vector<1x16xf32>,
          %swap3A_507 = vector.shape_cast %swap3A_506 : vector<1x16xf32> to vector<16xf32>
          %swap3A_508 = vector.shape_cast %broadcast_in_dim3A_503 : vector<16xf32> to vector<1x16xf32>
          tpu.vector_store %arg13[%swap3A_504, %swap3A_505], %swap3A_508 {strides = array<i32>} : memref<16x1024xf32, #tpu.memory_space<vmem>>, vector<1x16xf32>,
          %broadcast_in_dim3A_509 = arith.constant 0.000000e+00 : f32
          %broadcast_in_dim3A_510 = vector.broadcast %broadcast_in_dim3A_509 : f32 to vector<16xf32>
          %swap3A_511 = arith.index_cast %while3A_451 : i32 to index
          %swap3A_512 = arith.constant 128 : index
          %swap3A_513 = tpu.vector_load %arg13[%swap3A_511, %swap3A_512] {strides = array<i32>} : memref<16x1024xf32, #tpu.memory_space<vmem>>, vector<1x16xf32>,
          %swap3A_514 = vector.shape_cast %swap3A_513 : vector<1x16xf32> to vector<16xf32>
          %swap3A_515 = vector.shape_cast %broadcast_in_dim3A_510 : vector<16xf32> to vector<1x16xf32>
          tpu.vector_store %arg13[%swap3A_511, %swap3A_512], %swap3A_515 {strides = array<i32>} : memref<16x1024xf32, #tpu.memory_space<vmem>>, vector<1x16xf32>,
          %broadcast_in_dim3A_516 = arith.constant 0.000000e+00 : f32
          %broadcast_in_dim3A_517 = vector.broadcast %broadcast_in_dim3A_516 : f32 to vector<16xf32>
          %swap3A_518 = arith.index_cast %while3A_451 : i32 to index
          %swap3A_519 = arith.constant 144 : index
          %swap3A_520 = tpu.vector_load %arg13[%swap3A_518, %swap3A_519] {strides = array<i32>} : memref<16x1024xf32, #tpu.memory_space<vmem>>, vector<1x16xf32>,
          %swap3A_521 = vector.shape_cast %swap3A_520 : vector<1x16xf32> to vector<16xf32>
          %swap3A_522 = vector.shape_cast %broadcast_in_dim3A_517 : vector<16xf32> to vector<1x16xf32>
          tpu.vector_store %arg13[%swap3A_518, %swap3A_519], %swap3A_522 {strides = array<i32>} : memref<16x1024xf32, #tpu.memory_space<vmem>>, vector<1x16xf32>,
          %broadcast_in_dim3A_523 = arith.constant 0.000000e+00 : f32
          %broadcast_in_dim3A_524 = vector.broadcast %broadcast_in_dim3A_523 : f32 to vector<16xf32>
          %swap3A_525 = arith.index_cast %while3A_451 : i32 to index
          %swap3A_526 = arith.constant 160 : index
          %swap3A_527 = tpu.vector_load %arg13[%swap3A_525, %swap3A_526] {strides = array<i32>} : memref<16x1024xf32, #tpu.memory_space<vmem>>, vector<1x16xf32>,
          %swap3A_528 = vector.shape_cast %swap3A_527 : vector<1x16xf32> to vector<16xf32>
          %swap3A_529 = vector.shape_cast %broadcast_in_dim3A_524 : vector<16xf32> to vector<1x16xf32>
          tpu.vector_store %arg13[%swap3A_525, %swap3A_526], %swap3A_529 {strides = array<i32>} : memref<16x1024xf32, #tpu.memory_space<vmem>>, vector<1x16xf32>,
          %broadcast_in_dim3A_530 = arith.constant 0.000000e+00 : f32
          %broadcast_in_dim3A_531 = vector.broadcast %broadcast_in_dim3A_530 : f32 to vector<16xf32>
          %swap3A_532 = arith.index_cast %while3A_451 : i32 to index
          %swap3A_533 = arith.constant 176 : index
          %swap3A_534 = tpu.vector_load %arg13[%swap3A_532, %swap3A_533] {strides = array<i32>} : memref<16x1024xf32, #tpu.memory_space<vmem>>, vector<1x16xf32>,
          %swap3A_535 = vector.shape_cast %swap3A_534 : vector<1x16xf32> to vector<16xf32>
          %swap3A_536 = vector.shape_cast %broadcast_in_dim3A_531 : vector<16xf32> to vector<1x16xf32>
          tpu.vector_store %arg13[%swap3A_532, %swap3A_533], %swap3A_536 {strides = array<i32>} : memref<16x1024xf32, #tpu.memory_space<vmem>>, vector<1x16xf32>,
          %broadcast_in_dim3A_537 = arith.constant 0.000000e+00 : f32
          %broadcast_in_dim3A_538 = vector.broadcast %broadcast_in_dim3A_537 : f32 to vector<16xf32>
          %swap3A_539 = arith.index_cast %while3A_451 : i32 to index
          %swap3A_540 = arith.constant 192 : index
          %swap3A_541 = tpu.vector_load %arg13[%swap3A_539, %swap3A_540] {strides = array<i32>} : memref<16x1024xf32, #tpu.memory_space<vmem>>, vector<1x16xf32>,
          %swap3A_542 = vector.shape_cast %swap3A_541 : vector<1x16xf32> to vector<16xf32>
          %swap3A_543 = vector.shape_cast %broadcast_in_dim3A_538 : vector<16xf32> to vector<1x16xf32>
          tpu.vector_store %arg13[%swap3A_539, %swap3A_540], %swap3A_543 {strides = array<i32>} : memref<16x1024xf32, #tpu.memory_space<vmem>>, vector<1x16xf32>,
          %broadcast_in_dim3A_544 = arith.constant 0.000000e+00 : f32
          %broadcast_in_dim3A_545 = vector.broadcast %broadcast_in_dim3A_544 : f32 to vector<16xf32>
          %swap3A_546 = arith.index_cast %while3A_451 : i32 to index
          %swap3A_547 = arith.constant 208 : index
          %swap3A_548 = tpu.vector_load %arg13[%swap3A_546, %swap3A_547] {strides = array<i32>} : memref<16x1024xf32, #tpu.memory_space<vmem>>, vector<1x16xf32>,
          %swap3A_549 = vector.shape_cast %swap3A_548 : vector<1x16xf32> to vector<16xf32>
          %swap3A_550 = vector.shape_cast %broadcast_in_dim3A_545 : vector<16xf32> to vector<1x16xf32>
          tpu.vector_store %arg13[%swap3A_546, %swap3A_547], %swap3A_550 {strides = array<i32>} : memref<16x1024xf32, #tpu.memory_space<vmem>>, vector<1x16xf32>,
          %broadcast_in_dim3A_551 = arith.constant 0.000000e+00 : f32
          %broadcast_in_dim3A_552 = vector.broadcast %broadcast_in_dim3A_551 : f32 to vector<16xf32>
          %swap3A_553 = arith.index_cast %while3A_451 : i32 to index
          %swap3A_554 = arith.constant 224 : index
          %swap3A_555 = tpu.vector_load %arg13[%swap3A_553, %swap3A_554] {strides = array<i32>} : memref<16x1024xf32, #tpu.memory_space<vmem>>, vector<1x16xf32>,
          %swap3A_556 = vector.shape_cast %swap3A_555 : vector<1x16xf32> to vector<16xf32>
          %swap3A_557 = vector.shape_cast %broadcast_in_dim3A_552 : vector<16xf32> to vector<1x16xf32>
          tpu.vector_store %arg13[%swap3A_553, %swap3A_554], %swap3A_557 {strides = array<i32>} : memref<16x1024xf32, #tpu.memory_space<vmem>>, vector<1x16xf32>,
          %broadcast_in_dim3A_558 = arith.constant 0.000000e+00 : f32
          %broadcast_in_dim3A_559 = vector.broadcast %broadcast_in_dim3A_558 : f32 to vector<16xf32>
          %swap3A_560 = arith.index_cast %while3A_451 : i32 to index
          %swap3A_561 = arith.constant 240 : index
          %swap3A_562 = tpu.vector_load %arg13[%swap3A_560, %swap3A_561] {strides = array<i32>} : memref<16x1024xf32, #tpu.memory_space<vmem>>, vector<1x16xf32>,
          %swap3A_563 = vector.shape_cast %swap3A_562 : vector<1x16xf32> to vector<16xf32>
          %swap3A_564 = vector.shape_cast %broadcast_in_dim3A_559 : vector<16xf32> to vector<1x16xf32>
          tpu.vector_store %arg13[%swap3A_560, %swap3A_561], %swap3A_564 {strides = array<i32>} : memref<16x1024xf32, #tpu.memory_space<vmem>>, vector<1x16xf32>,
          %broadcast_in_dim3A_565 = arith.constant 0.000000e+00 : f32
          %broadcast_in_dim3A_566 = vector.broadcast %broadcast_in_dim3A_565 : f32 to vector<16xf32>
          %swap3A_567 = arith.index_cast %while3A_451 : i32 to index
          %swap3A_568 = arith.constant 256 : index
          %swap3A_569 = tpu.vector_load %arg13[%swap3A_567, %swap3A_568] {strides = array<i32>} : memref<16x1024xf32, #tpu.memory_space<vmem>>, vector<1x16xf32>,
          %swap3A_570 = vector.shape_cast %swap3A_569 : vector<1x16xf32> to vector<16xf32>
          %swap3A_571 = vector.shape_cast %broadcast_in_dim3A_566 : vector<16xf32> to vector<1x16xf32>
          tpu.vector_store %arg13[%swap3A_567, %swap3A_568], %swap3A_571 {strides = array<i32>} : memref<16x1024xf32, #tpu.memory_space<vmem>>, vector<1x16xf32>,
          %broadcast_in_dim3A_572 = arith.constant 0.000000e+00 : f32
          %broadcast_in_dim3A_573 = vector.broadcast %broadcast_in_dim3A_572 : f32 to vector<16xf32>
          %swap3A_574 = arith.index_cast %while3A_451 : i32 to index
          %swap3A_575 = arith.constant 272 : index
          %swap3A_576 = tpu.vector_load %arg13[%swap3A_574, %swap3A_575] {strides = array<i32>} : memref<16x1024xf32, #tpu.memory_space<vmem>>, vector<1x16xf32>,
          %swap3A_577 = vector.shape_cast %swap3A_576 : vector<1x16xf32> to vector<16xf32>
          %swap3A_578 = vector.shape_cast %broadcast_in_dim3A_573 : vector<16xf32> to vector<1x16xf32>
          tpu.vector_store %arg13[%swap3A_574, %swap3A_575], %swap3A_578 {strides = array<i32>} : memref<16x1024xf32, #tpu.memory_space<vmem>>, vector<1x16xf32>,
          %broadcast_in_dim3A_579 = arith.constant 0.000000e+00 : f32
          %broadcast_in_dim3A_580 = vector.broadcast %broadcast_in_dim3A_579 : f32 to vector<16xf32>
          %swap3A_581 = arith.index_cast %while3A_451 : i32 to index
          %swap3A_582 = arith.constant 288 : index
          %swap3A_583 = tpu.vector_load %arg13[%swap3A_581, %swap3A_582] {strides = array<i32>} : memref<16x1024xf32, #tpu.memory_space<vmem>>, vector<1x16xf32>,
          %swap3A_584 = vector.shape_cast %swap3A_583 : vector<1x16xf32> to vector<16xf32>
          %swap3A_585 = vector.shape_cast %broadcast_in_dim3A_580 : vector<16xf32> to vector<1x16xf32>
          tpu.vector_store %arg13[%swap3A_581, %swap3A_582], %swap3A_585 {strides = array<i32>} : memref<16x1024xf32, #tpu.memory_space<vmem>>, vector<1x16xf32>,
          %broadcast_in_dim3A_586 = arith.constant 0.000000e+00 : f32
          %broadcast_in_dim3A_587 = vector.broadcast %broadcast_in_dim3A_586 : f32 to vector<16xf32>
          %swap3A_588 = arith.index_cast %while3A_451 : i32 to index
          %swap3A_589 = arith.constant 304 : index
          %swap3A_590 = tpu.vector_load %arg13[%swap3A_588, %swap3A_589] {strides = array<i32>} : memref<16x1024xf32, #tpu.memory_space<vmem>>, vector<1x16xf32>,
          %swap3A_591 = vector.shape_cast %swap3A_590 : vector<1x16xf32> to vector<16xf32>
          %swap3A_592 = vector.shape_cast %broadcast_in_dim3A_587 : vector<16xf32> to vector<1x16xf32>
          tpu.vector_store %arg13[%swap3A_588, %swap3A_589], %swap3A_592 {strides = array<i32>} : memref<16x1024xf32, #tpu.memory_space<vmem>>, vector<1x16xf32>,
          %broadcast_in_dim3A_593 = arith.constant 0.000000e+00 : f32
          %broadcast_in_dim3A_594 = vector.broadcast %broadcast_in_dim3A_593 : f32 to vector<16xf32>
          %swap3A_595 = arith.index_cast %while3A_451 : i32 to index
          %swap3A_596 = arith.constant 320 : index
          %swap3A_597 = tpu.vector_load %arg13[%swap3A_595, %swap3A_596] {strides = array<i32>} : memref<16x1024xf32, #tpu.memory_space<vmem>>, vector<1x16xf32>,
          %swap3A_598 = vector.shape_cast %swap3A_597 : vector<1x16xf32> to vector<16xf32>
          %swap3A_599 = vector.shape_cast %broadcast_in_dim3A_594 : vector<16xf32> to vector<1x16xf32>
          tpu.vector_store %arg13[%swap3A_595, %swap3A_596], %swap3A_599 {strides = array<i32>} : memref<16x1024xf32, #tpu.memory_space<vmem>>, vector<1x16xf32>,
          %broadcast_in_dim3A_600 = arith.constant 0.000000e+00 : f32
          %broadcast_in_dim3A_601 = vector.broadcast %broadcast_in_dim3A_600 : f32 to vector<16xf32>
          %swap3A_602 = arith.index_cast %while3A_451 : i32 to index
          %swap3A_603 = arith.constant 336 : index
          %swap3A_604 = tpu.vector_load %arg13[%swap3A_602, %swap3A_603] {strides = array<i32>} : memref<16x1024xf32, #tpu.memory_space<vmem>>, vector<1x16xf32>,
          %swap3A_605 = vector.shape_cast %swap3A_604 : vector<1x16xf32> to vector<16xf32>
          %swap3A_606 = vector.shape_cast %broadcast_in_dim3A_601 : vector<16xf32> to vector<1x16xf32>
          tpu.vector_store %arg13[%swap3A_602, %swap3A_603], %swap3A_606 {strides = array<i32>} : memref<16x1024xf32, #tpu.memory_space<vmem>>, vector<1x16xf32>,
          %broadcast_in_dim3A_607 = arith.constant 0.000000e+00 : f32
          %broadcast_in_dim3A_608 = vector.broadcast %broadcast_in_dim3A_607 : f32 to vector<16xf32>
          %swap3A_609 = arith.index_cast %while3A_451 : i32 to index
          %swap3A_610 = arith.constant 352 : index
          %swap3A_611 = tpu.vector_load %arg13[%swap3A_609, %swap3A_610] {strides = array<i32>} : memref<16x1024xf32, #tpu.memory_space<vmem>>, vector<1x16xf32>,
          %swap3A_612 = vector.shape_cast %swap3A_611 : vector<1x16xf32> to vector<16xf32>
          %swap3A_613 = vector.shape_cast %broadcast_in_dim3A_608 : vector<16xf32> to vector<1x16xf32>
          tpu.vector_store %arg13[%swap3A_609, %swap3A_610], %swap3A_613 {strides = array<i32>} : memref<16x1024xf32, #tpu.memory_space<vmem>>, vector<1x16xf32>,
          %broadcast_in_dim3A_614 = arith.constant 0.000000e+00 : f32
          %broadcast_in_dim3A_615 = vector.broadcast %broadcast_in_dim3A_614 : f32 to vector<16xf32>
          %swap3A_616 = arith.index_cast %while3A_451 : i32 to index
          %swap3A_617 = arith.constant 368 : index
          %swap3A_618 = tpu.vector_load %arg13[%swap3A_616, %swap3A_617] {strides = array<i32>} : memref<16x1024xf32, #tpu.memory_space<vmem>>, vector<1x16xf32>,
          %swap3A_619 = vector.shape_cast %swap3A_618 : vector<1x16xf32> to vector<16xf32>
          %swap3A_620 = vector.shape_cast %broadcast_in_dim3A_615 : vector<16xf32> to vector<1x16xf32>
          tpu.vector_store %arg13[%swap3A_616, %swap3A_617], %swap3A_620 {strides = array<i32>} : memref<16x1024xf32, #tpu.memory_space<vmem>>, vector<1x16xf32>,
          %broadcast_in_dim3A_621 = arith.constant 0.000000e+00 : f32
          %broadcast_in_dim3A_622 = vector.broadcast %broadcast_in_dim3A_621 : f32 to vector<16xf32>
          %swap3A_623 = arith.index_cast %while3A_451 : i32 to index
          %swap3A_624 = arith.constant 384 : index
          %swap3A_625 = tpu.vector_load %arg13[%swap3A_623, %swap3A_624] {strides = array<i32>} : memref<16x1024xf32, #tpu.memory_space<vmem>>, vector<1x16xf32>,
          %swap3A_626 = vector.shape_cast %swap3A_625 : vector<1x16xf32> to vector<16xf32>
          %swap3A_627 = vector.shape_cast %broadcast_in_dim3A_622 : vector<16xf32> to vector<1x16xf32>
          tpu.vector_store %arg13[%swap3A_623, %swap3A_624], %swap3A_627 {strides = array<i32>} : memref<16x1024xf32, #tpu.memory_space<vmem>>, vector<1x16xf32>,
          %broadcast_in_dim3A_628 = arith.constant 0.000000e+00 : f32
          %broadcast_in_dim3A_629 = vector.broadcast %broadcast_in_dim3A_628 : f32 to vector<16xf32>
          %swap3A_630 = arith.index_cast %while3A_451 : i32 to index
          %swap3A_631 = arith.constant 400 : index
          %swap3A_632 = tpu.vector_load %arg13[%swap3A_630, %swap3A_631] {strides = array<i32>} : memref<16x1024xf32, #tpu.memory_space<vmem>>, vector<1x16xf32>,
          %swap3A_633 = vector.shape_cast %swap3A_632 : vector<1x16xf32> to vector<16xf32>
          %swap3A_634 = vector.shape_cast %broadcast_in_dim3A_629 : vector<16xf32> to vector<1x16xf32>
          tpu.vector_store %arg13[%swap3A_630, %swap3A_631], %swap3A_634 {strides = array<i32>} : memref<16x1024xf32, #tpu.memory_space<vmem>>, vector<1x16xf32>,
          %broadcast_in_dim3A_635 = arith.constant 0.000000e+00 : f32
          %broadcast_in_dim3A_636 = vector.broadcast %broadcast_in_dim3A_635 : f32 to vector<16xf32>
          %swap3A_637 = arith.index_cast %while3A_451 : i32 to index
          %swap3A_638 = arith.constant 416 : index
          %swap3A_639 = tpu.vector_load %arg13[%swap3A_637, %swap3A_638] {strides = array<i32>} : memref<16x1024xf32, #tpu.memory_space<vmem>>, vector<1x16xf32>,
          %swap3A_640 = vector.shape_cast %swap3A_639 : vector<1x16xf32> to vector<16xf32>
          %swap3A_641 = vector.shape_cast %broadcast_in_dim3A_636 : vector<16xf32> to vector<1x16xf32>
          tpu.vector_store %arg13[%swap3A_637, %swap3A_638], %swap3A_641 {strides = array<i32>} : memref<16x1024xf32, #tpu.memory_space<vmem>>, vector<1x16xf32>,
          %broadcast_in_dim3A_642 = arith.constant 0.000000e+00 : f32
          %broadcast_in_dim3A_643 = vector.broadcast %broadcast_in_dim3A_642 : f32 to vector<16xf32>
          %swap3A_644 = arith.index_cast %while3A_451 : i32 to index
          %swap3A_645 = arith.constant 432 : index
          %swap3A_646 = tpu.vector_load %arg13[%swap3A_644, %swap3A_645] {strides = array<i32>} : memref<16x1024xf32, #tpu.memory_space<vmem>>, vector<1x16xf32>,
          %swap3A_647 = vector.shape_cast %swap3A_646 : vector<1x16xf32> to vector<16xf32>
          %swap3A_648 = vector.shape_cast %broadcast_in_dim3A_643 : vector<16xf32> to vector<1x16xf32>
          tpu.vector_store %arg13[%swap3A_644, %swap3A_645], %swap3A_648 {strides = array<i32>} : memref<16x1024xf32, #tpu.memory_space<vmem>>, vector<1x16xf32>,
          %broadcast_in_dim3A_649 = arith.constant 0.000000e+00 : f32
          %broadcast_in_dim3A_650 = vector.broadcast %broadcast_in_dim3A_649 : f32 to vector<16xf32>
          %swap3A_651 = arith.index_cast %while3A_451 : i32 to index
          %swap3A_652 = arith.constant 448 : index
          %swap3A_653 = tpu.vector_load %arg13[%swap3A_651, %swap3A_652] {strides = array<i32>} : memref<16x1024xf32, #tpu.memory_space<vmem>>, vector<1x16xf32>,
          %swap3A_654 = vector.shape_cast %swap3A_653 : vector<1x16xf32> to vector<16xf32>
          %swap3A_655 = vector.shape_cast %broadcast_in_dim3A_650 : vector<16xf32> to vector<1x16xf32>
          tpu.vector_store %arg13[%swap3A_651, %swap3A_652], %swap3A_655 {strides = array<i32>} : memref<16x1024xf32, #tpu.memory_space<vmem>>, vector<1x16xf32>,
          %broadcast_in_dim3A_656 = arith.constant 0.000000e+00 : f32
          %broadcast_in_dim3A_657 = vector.broadcast %broadcast_in_dim3A_656 : f32 to vector<16xf32>
          %swap3A_658 = arith.index_cast %while3A_451 : i32 to index
          %swap3A_659 = arith.constant 464 : index
          %swap3A_660 = tpu.vector_load %arg13[%swap3A_658, %swap3A_659] {strides = array<i32>} : memref<16x1024xf32, #tpu.memory_space<vmem>>, vector<1x16xf32>,
          %swap3A_661 = vector.shape_cast %swap3A_660 : vector<1x16xf32> to vector<16xf32>
          %swap3A_662 = vector.shape_cast %broadcast_in_dim3A_657 : vector<16xf32> to vector<1x16xf32>
          tpu.vector_store %arg13[%swap3A_658, %swap3A_659], %swap3A_662 {strides = array<i32>} : memref<16x1024xf32, #tpu.memory_space<vmem>>, vector<1x16xf32>,
          %broadcast_in_dim3A_663 = arith.constant 0.000000e+00 : f32
          %broadcast_in_dim3A_664 = vector.broadcast %broadcast_in_dim3A_663 : f32 to vector<16xf32>
          %swap3A_665 = arith.index_cast %while3A_451 : i32 to index
          %swap3A_666 = arith.constant 480 : index
          %swap3A_667 = tpu.vector_load %arg13[%swap3A_665, %swap3A_666] {strides = array<i32>} : memref<16x1024xf32, #tpu.memory_space<vmem>>, vector<1x16xf32>,
          %swap3A_668 = vector.shape_cast %swap3A_667 : vector<1x16xf32> to vector<16xf32>
          %swap3A_669 = vector.shape_cast %broadcast_in_dim3A_664 : vector<16xf32> to vector<1x16xf32>
          tpu.vector_store %arg13[%swap3A_665, %swap3A_666], %swap3A_669 {strides = array<i32>} : memref<16x1024xf32, #tpu.memory_space<vmem>>, vector<1x16xf32>,
          %broadcast_in_dim3A_670 = arith.constant 0.000000e+00 : f32
          %broadcast_in_dim3A_671 = vector.broadcast %broadcast_in_dim3A_670 : f32 to vector<16xf32>
          %swap3A_672 = arith.index_cast %while3A_451 : i32 to index
          %swap3A_673 = arith.constant 496 : index
          %swap3A_674 = tpu.vector_load %arg13[%swap3A_672, %swap3A_673] {strides = array<i32>} : memref<16x1024xf32, #tpu.memory_space<vmem>>, vector<1x16xf32>,
          %swap3A_675 = vector.shape_cast %swap3A_674 : vector<1x16xf32> to vector<16xf32>
          %swap3A_676 = vector.shape_cast %broadcast_in_dim3A_671 : vector<16xf32> to vector<1x16xf32>
          tpu.vector_store %arg13[%swap3A_672, %swap3A_673], %swap3A_676 {strides = array<i32>} : memref<16x1024xf32, #tpu.memory_space<vmem>>, vector<1x16xf32>,
          %broadcast_in_dim3A_677 = arith.constant 0.000000e+00 : f32
          %broadcast_in_dim3A_678 = vector.broadcast %broadcast_in_dim3A_677 : f32 to vector<16xf32>
          %swap3A_679 = arith.index_cast %while3A_451 : i32 to index
          %swap3A_680 = arith.constant 512 : index
          %swap3A_681 = tpu.vector_load %arg13[%swap3A_679, %swap3A_680] {strides = array<i32>} : memref<16x1024xf32, #tpu.memory_space<vmem>>, vector<1x16xf32>,
          %swap3A_682 = vector.shape_cast %swap3A_681 : vector<1x16xf32> to vector<16xf32>
          %swap3A_683 = vector.shape_cast %broadcast_in_dim3A_678 : vector<16xf32> to vector<1x16xf32>
          tpu.vector_store %arg13[%swap3A_679, %swap3A_680], %swap3A_683 {strides = array<i32>} : memref<16x1024xf32, #tpu.memory_space<vmem>>, vector<1x16xf32>,
          %broadcast_in_dim3A_684 = arith.constant 0.000000e+00 : f32
          %broadcast_in_dim3A_685 = vector.broadcast %broadcast_in_dim3A_684 : f32 to vector<16xf32>
          %swap3A_686 = arith.index_cast %while3A_451 : i32 to index
          %swap3A_687 = arith.constant 528 : index
          %swap3A_688 = tpu.vector_load %arg13[%swap3A_686, %swap3A_687] {strides = array<i32>} : memref<16x1024xf32, #tpu.memory_space<vmem>>, vector<1x16xf32>,
          %swap3A_689 = vector.shape_cast %swap3A_688 : vector<1x16xf32> to vector<16xf32>
          %swap3A_690 = vector.shape_cast %broadcast_in_dim3A_685 : vector<16xf32> to vector<1x16xf32>
          tpu.vector_store %arg13[%swap3A_686, %swap3A_687], %swap3A_690 {strides = array<i32>} : memref<16x1024xf32, #tpu.memory_space<vmem>>, vector<1x16xf32>,
          %broadcast_in_dim3A_691 = arith.constant 0.000000e+00 : f32
          %broadcast_in_dim3A_692 = vector.broadcast %broadcast_in_dim3A_691 : f32 to vector<16xf32>
          %swap3A_693 = arith.index_cast %while3A_451 : i32 to index
          %swap3A_694 = arith.constant 544 : index
          %swap3A_695 = tpu.vector_load %arg13[%swap3A_693, %swap3A_694] {strides = array<i32>} : memref<16x1024xf32, #tpu.memory_space<vmem>>, vector<1x16xf32>,
          %swap3A_696 = vector.shape_cast %swap3A_695 : vector<1x16xf32> to vector<16xf32>
          %swap3A_697 = vector.shape_cast %broadcast_in_dim3A_692 : vector<16xf32> to vector<1x16xf32>
          tpu.vector_store %arg13[%swap3A_693, %swap3A_694], %swap3A_697 {strides = array<i32>} : memref<16x1024xf32, #tpu.memory_space<vmem>>, vector<1x16xf32>,
          %broadcast_in_dim3A_698 = arith.constant 0.000000e+00 : f32
          %broadcast_in_dim3A_699 = vector.broadcast %broadcast_in_dim3A_698 : f32 to vector<16xf32>
          %swap3A_700 = arith.index_cast %while3A_451 : i32 to index
          %swap3A_701 = arith.constant 560 : index
          %swap3A_702 = tpu.vector_load %arg13[%swap3A_700, %swap3A_701] {strides = array<i32>} : memref<16x1024xf32, #tpu.memory_space<vmem>>, vector<1x16xf32>,
          %swap3A_703 = vector.shape_cast %swap3A_702 : vector<1x16xf32> to vector<16xf32>
          %swap3A_704 = vector.shape_cast %broadcast_in_dim3A_699 : vector<16xf32> to vector<1x16xf32>
          tpu.vector_store %arg13[%swap3A_700, %swap3A_701], %swap3A_704 {strides = array<i32>} : memref<16x1024xf32, #tpu.memory_space<vmem>>, vector<1x16xf32>,
          %broadcast_in_dim3A_705 = arith.constant 0.000000e+00 : f32
          %broadcast_in_dim3A_706 = vector.broadcast %broadcast_in_dim3A_705 : f32 to vector<16xf32>
          %swap3A_707 = arith.index_cast %while3A_451 : i32 to index
          %swap3A_708 = arith.constant 576 : index
          %swap3A_709 = tpu.vector_load %arg13[%swap3A_707, %swap3A_708] {strides = array<i32>} : memref<16x1024xf32, #tpu.memory_space<vmem>>, vector<1x16xf32>,
          %swap3A_710 = vector.shape_cast %swap3A_709 : vector<1x16xf32> to vector<16xf32>
          %swap3A_711 = vector.shape_cast %broadcast_in_dim3A_706 : vector<16xf32> to vector<1x16xf32>
          tpu.vector_store %arg13[%swap3A_707, %swap3A_708], %swap3A_711 {strides = array<i32>} : memref<16x1024xf32, #tpu.memory_space<vmem>>, vector<1x16xf32>,
          %broadcast_in_dim3A_712 = arith.constant 0.000000e+00 : f32
          %broadcast_in_dim3A_713 = vector.broadcast %broadcast_in_dim3A_712 : f32 to vector<16xf32>
          %swap3A_714 = arith.index_cast %while3A_451 : i32 to index
          %swap3A_715 = arith.constant 592 : index
          %swap3A_716 = tpu.vector_load %arg13[%swap3A_714, %swap3A_715] {strides = array<i32>} : memref<16x1024xf32, #tpu.memory_space<vmem>>, vector<1x16xf32>,
          %swap3A_717 = vector.shape_cast %swap3A_716 : vector<1x16xf32> to vector<16xf32>
          %swap3A_718 = vector.shape_cast %broadcast_in_dim3A_713 : vector<16xf32> to vector<1x16xf32>
          tpu.vector_store %arg13[%swap3A_714, %swap3A_715], %swap3A_718 {strides = array<i32>} : memref<16x1024xf32, #tpu.memory_space<vmem>>, vector<1x16xf32>,
          %broadcast_in_dim3A_719 = arith.constant 0.000000e+00 : f32
          %broadcast_in_dim3A_720 = vector.broadcast %broadcast_in_dim3A_719 : f32 to vector<16xf32>
          %swap3A_721 = arith.index_cast %while3A_451 : i32 to index
          %swap3A_722 = arith.constant 608 : index
          %swap3A_723 = tpu.vector_load %arg13[%swap3A_721, %swap3A_722] {strides = array<i32>} : memref<16x1024xf32, #tpu.memory_space<vmem>>, vector<1x16xf32>,
          %swap3A_724 = vector.shape_cast %swap3A_723 : vector<1x16xf32> to vector<16xf32>
          %swap3A_725 = vector.shape_cast %broadcast_in_dim3A_720 : vector<16xf32> to vector<1x16xf32>
          tpu.vector_store %arg13[%swap3A_721, %swap3A_722], %swap3A_725 {strides = array<i32>} : memref<16x1024xf32, #tpu.memory_space<vmem>>, vector<1x16xf32>,
          %broadcast_in_dim3A_726 = arith.constant 0.000000e+00 : f32
          %broadcast_in_dim3A_727 = vector.broadcast %broadcast_in_dim3A_726 : f32 to vector<16xf32>
          %swap3A_728 = arith.index_cast %while3A_451 : i32 to index
          %swap3A_729 = arith.constant 624 : index
          %swap3A_730 = tpu.vector_load %arg13[%swap3A_728, %swap3A_729] {strides = array<i32>} : memref<16x1024xf32, #tpu.memory_space<vmem>>, vector<1x16xf32>,
          %swap3A_731 = vector.shape_cast %swap3A_730 : vector<1x16xf32> to vector<16xf32>
          %swap3A_732 = vector.shape_cast %broadcast_in_dim3A_727 : vector<16xf32> to vector<1x16xf32>
          tpu.vector_store %arg13[%swap3A_728, %swap3A_729], %swap3A_732 {strides = array<i32>} : memref<16x1024xf32, #tpu.memory_space<vmem>>, vector<1x16xf32>,
          %broadcast_in_dim3A_733 = arith.constant 0.000000e+00 : f32
          %broadcast_in_dim3A_734 = vector.broadcast %broadcast_in_dim3A_733 : f32 to vector<16xf32>
          %swap3A_735 = arith.index_cast %while3A_451 : i32 to index
          %swap3A_736 = arith.constant 640 : index
          %swap3A_737 = tpu.vector_load %arg13[%swap3A_735, %swap3A_736] {strides = array<i32>} : memref<16x1024xf32, #tpu.memory_space<vmem>>, vector<1x16xf32>,
          %swap3A_738 = vector.shape_cast %swap3A_737 : vector<1x16xf32> to vector<16xf32>
          %swap3A_739 = vector.shape_cast %broadcast_in_dim3A_734 : vector<16xf32> to vector<1x16xf32>
          tpu.vector_store %arg13[%swap3A_735, %swap3A_736], %swap3A_739 {strides = array<i32>} : memref<16x1024xf32, #tpu.memory_space<vmem>>, vector<1x16xf32>,
          %broadcast_in_dim3A_740 = arith.constant 0.000000e+00 : f32
          %broadcast_in_dim3A_741 = vector.broadcast %broadcast_in_dim3A_740 : f32 to vector<16xf32>
          %swap3A_742 = arith.index_cast %while3A_451 : i32 to index
          %swap3A_743 = arith.constant 656 : index
          %swap3A_744 = tpu.vector_load %arg13[%swap3A_742, %swap3A_743] {strides = array<i32>} : memref<16x1024xf32, #tpu.memory_space<vmem>>, vector<1x16xf32>,
          %swap3A_745 = vector.shape_cast %swap3A_744 : vector<1x16xf32> to vector<16xf32>
          %swap3A_746 = vector.shape_cast %broadcast_in_dim3A_741 : vector<16xf32> to vector<1x16xf32>
          tpu.vector_store %arg13[%swap3A_742, %swap3A_743], %swap3A_746 {strides = array<i32>} : memref<16x1024xf32, #tpu.memory_space<vmem>>, vector<1x16xf32>,
          %broadcast_in_dim3A_747 = arith.constant 0.000000e+00 : f32
          %broadcast_in_dim3A_748 = vector.broadcast %broadcast_in_dim3A_747 : f32 to vector<16xf32>
          %swap3A_749 = arith.index_cast %while3A_451 : i32 to index
          %swap3A_750 = arith.constant 672 : index
          %swap3A_751 = tpu.vector_load %arg13[%swap3A_749, %swap3A_750] {strides = array<i32>} : memref<16x1024xf32, #tpu.memory_space<vmem>>, vector<1x16xf32>,
          %swap3A_752 = vector.shape_cast %swap3A_751 : vector<1x16xf32> to vector<16xf32>
          %swap3A_753 = vector.shape_cast %broadcast_in_dim3A_748 : vector<16xf32> to vector<1x16xf32>
          tpu.vector_store %arg13[%swap3A_749, %swap3A_750], %swap3A_753 {strides = array<i32>} : memref<16x1024xf32, #tpu.memory_space<vmem>>, vector<1x16xf32>,
          %broadcast_in_dim3A_754 = arith.constant 0.000000e+00 : f32
          %broadcast_in_dim3A_755 = vector.broadcast %broadcast_in_dim3A_754 : f32 to vector<16xf32>
          %swap3A_756 = arith.index_cast %while3A_451 : i32 to index
          %swap3A_757 = arith.constant 688 : index
          %swap3A_758 = tpu.vector_load %arg13[%swap3A_756, %swap3A_757] {strides = array<i32>} : memref<16x1024xf32, #tpu.memory_space<vmem>>, vector<1x16xf32>,
          %swap3A_759 = vector.shape_cast %swap3A_758 : vector<1x16xf32> to vector<16xf32>
          %swap3A_760 = vector.shape_cast %broadcast_in_dim3A_755 : vector<16xf32> to vector<1x16xf32>
          tpu.vector_store %arg13[%swap3A_756, %swap3A_757], %swap3A_760 {strides = array<i32>} : memref<16x1024xf32, #tpu.memory_space<vmem>>, vector<1x16xf32>,
          %broadcast_in_dim3A_761 = arith.constant 0.000000e+00 : f32
          %broadcast_in_dim3A_762 = vector.broadcast %broadcast_in_dim3A_761 : f32 to vector<16xf32>
          %swap3A_763 = arith.index_cast %while3A_451 : i32 to index
          %swap3A_764 = arith.constant 704 : index
          %swap3A_765 = tpu.vector_load %arg13[%swap3A_763, %swap3A_764] {strides = array<i32>} : memref<16x1024xf32, #tpu.memory_space<vmem>>, vector<1x16xf32>,
          %swap3A_766 = vector.shape_cast %swap3A_765 : vector<1x16xf32> to vector<16xf32>
          %swap3A_767 = vector.shape_cast %broadcast_in_dim3A_762 : vector<16xf32> to vector<1x16xf32>
          tpu.vector_store %arg13[%swap3A_763, %swap3A_764], %swap3A_767 {strides = array<i32>} : memref<16x1024xf32, #tpu.memory_space<vmem>>, vector<1x16xf32>,
          %broadcast_in_dim3A_768 = arith.constant 0.000000e+00 : f32
          %broadcast_in_dim3A_769 = vector.broadcast %broadcast_in_dim3A_768 : f32 to vector<16xf32>
          %swap3A_770 = arith.index_cast %while3A_451 : i32 to index
          %swap3A_771 = arith.constant 720 : index
          %swap3A_772 = tpu.vector_load %arg13[%swap3A_770, %swap3A_771] {strides = array<i32>} : memref<16x1024xf32, #tpu.memory_space<vmem>>, vector<1x16xf32>,
          %swap3A_773 = vector.shape_cast %swap3A_772 : vector<1x16xf32> to vector<16xf32>
          %swap3A_774 = vector.shape_cast %broadcast_in_dim3A_769 : vector<16xf32> to vector<1x16xf32>
          tpu.vector_store %arg13[%swap3A_770, %swap3A_771], %swap3A_774 {strides = array<i32>} : memref<16x1024xf32, #tpu.memory_space<vmem>>, vector<1x16xf32>,
          %broadcast_in_dim3A_775 = arith.constant 0.000000e+00 : f32
          %broadcast_in_dim3A_776 = vector.broadcast %broadcast_in_dim3A_775 : f32 to vector<16xf32>
          %swap3A_777 = arith.index_cast %while3A_451 : i32 to index
          %swap3A_778 = arith.constant 736 : index
          %swap3A_779 = tpu.vector_load %arg13[%swap3A_777, %swap3A_778] {strides = array<i32>} : memref<16x1024xf32, #tpu.memory_space<vmem>>, vector<1x16xf32>,
          %swap3A_780 = vector.shape_cast %swap3A_779 : vector<1x16xf32> to vector<16xf32>
          %swap3A_781 = vector.shape_cast %broadcast_in_dim3A_776 : vector<16xf32> to vector<1x16xf32>
          tpu.vector_store %arg13[%swap3A_777, %swap3A_778], %swap3A_781 {strides = array<i32>} : memref<16x1024xf32, #tpu.memory_space<vmem>>, vector<1x16xf32>,
          %broadcast_in_dim3A_782 = arith.constant 0.000000e+00 : f32
          %broadcast_in_dim3A_783 = vector.broadcast %broadcast_in_dim3A_782 : f32 to vector<16xf32>
          %swap3A_784 = arith.index_cast %while3A_451 : i32 to index
          %swap3A_785 = arith.constant 752 : index
          %swap3A_786 = tpu.vector_load %arg13[%swap3A_784, %swap3A_785] {strides = array<i32>} : memref<16x1024xf32, #tpu.memory_space<vmem>>, vector<1x16xf32>,
          %swap3A_787 = vector.shape_cast %swap3A_786 : vector<1x16xf32> to vector<16xf32>
          %swap3A_788 = vector.shape_cast %broadcast_in_dim3A_783 : vector<16xf32> to vector<1x16xf32>
          tpu.vector_store %arg13[%swap3A_784, %swap3A_785], %swap3A_788 {strides = array<i32>} : memref<16x1024xf32, #tpu.memory_space<vmem>>, vector<1x16xf32>,
          %broadcast_in_dim3A_789 = arith.constant 0.000000e+00 : f32
          %broadcast_in_dim3A_790 = vector.broadcast %broadcast_in_dim3A_789 : f32 to vector<16xf32>
          %swap3A_791 = arith.index_cast %while3A_451 : i32 to index
          %swap3A_792 = arith.constant 768 : index
          %swap3A_793 = tpu.vector_load %arg13[%swap3A_791, %swap3A_792] {strides = array<i32>} : memref<16x1024xf32, #tpu.memory_space<vmem>>, vector<1x16xf32>,
          %swap3A_794 = vector.shape_cast %swap3A_793 : vector<1x16xf32> to vector<16xf32>
          %swap3A_795 = vector.shape_cast %broadcast_in_dim3A_790 : vector<16xf32> to vector<1x16xf32>
          tpu.vector_store %arg13[%swap3A_791, %swap3A_792], %swap3A_795 {strides = array<i32>} : memref<16x1024xf32, #tpu.memory_space<vmem>>, vector<1x16xf32>,
          %broadcast_in_dim3A_796 = arith.constant 0.000000e+00 : f32
          %broadcast_in_dim3A_797 = vector.broadcast %broadcast_in_dim3A_796 : f32 to vector<16xf32>
          %swap3A_798 = arith.index_cast %while3A_451 : i32 to index
          %swap3A_799 = arith.constant 784 : index
          %swap3A_800 = tpu.vector_load %arg13[%swap3A_798, %swap3A_799] {strides = array<i32>} : memref<16x1024xf32, #tpu.memory_space<vmem>>, vector<1x16xf32>,
          %swap3A_801 = vector.shape_cast %swap3A_800 : vector<1x16xf32> to vector<16xf32>
          %swap3A_802 = vector.shape_cast %broadcast_in_dim3A_797 : vector<16xf32> to vector<1x16xf32>
          tpu.vector_store %arg13[%swap3A_798, %swap3A_799], %swap3A_802 {strides = array<i32>} : memref<16x1024xf32, #tpu.memory_space<vmem>>, vector<1x16xf32>,
          %broadcast_in_dim3A_803 = arith.constant 0.000000e+00 : f32
          %broadcast_in_dim3A_804 = vector.broadcast %broadcast_in_dim3A_803 : f32 to vector<16xf32>
          %swap3A_805 = arith.index_cast %while3A_451 : i32 to index
          %swap3A_806 = arith.constant 800 : index
          %swap3A_807 = tpu.vector_load %arg13[%swap3A_805, %swap3A_806] {strides = array<i32>} : memref<16x1024xf32, #tpu.memory_space<vmem>>, vector<1x16xf32>,
          %swap3A_808 = vector.shape_cast %swap3A_807 : vector<1x16xf32> to vector<16xf32>
          %swap3A_809 = vector.shape_cast %broadcast_in_dim3A_804 : vector<16xf32> to vector<1x16xf32>
          tpu.vector_store %arg13[%swap3A_805, %swap3A_806], %swap3A_809 {strides = array<i32>} : memref<16x1024xf32, #tpu.memory_space<vmem>>, vector<1x16xf32>,
          %broadcast_in_dim3A_810 = arith.constant 0.000000e+00 : f32
          %broadcast_in_dim3A_811 = vector.broadcast %broadcast_in_dim3A_810 : f32 to vector<16xf32>
          %swap3A_812 = arith.index_cast %while3A_451 : i32 to index
          %swap3A_813 = arith.constant 816 : index
          %swap3A_814 = tpu.vector_load %arg13[%swap3A_812, %swap3A_813] {strides = array<i32>} : memref<16x1024xf32, #tpu.memory_space<vmem>>, vector<1x16xf32>,
          %swap3A_815 = vector.shape_cast %swap3A_814 : vector<1x16xf32> to vector<16xf32>
          %swap3A_816 = vector.shape_cast %broadcast_in_dim3A_811 : vector<16xf32> to vector<1x16xf32>
          tpu.vector_store %arg13[%swap3A_812, %swap3A_813], %swap3A_816 {strides = array<i32>} : memref<16x1024xf32, #tpu.memory_space<vmem>>, vector<1x16xf32>,
          %broadcast_in_dim3A_817 = arith.constant 0.000000e+00 : f32
          %broadcast_in_dim3A_818 = vector.broadcast %broadcast_in_dim3A_817 : f32 to vector<16xf32>
          %swap3A_819 = arith.index_cast %while3A_451 : i32 to index
          %swap3A_820 = arith.constant 832 : index
          %swap3A_821 = tpu.vector_load %arg13[%swap3A_819, %swap3A_820] {strides = array<i32>} : memref<16x1024xf32, #tpu.memory_space<vmem>>, vector<1x16xf32>,
          %swap3A_822 = vector.shape_cast %swap3A_821 : vector<1x16xf32> to vector<16xf32>
          %swap3A_823 = vector.shape_cast %broadcast_in_dim3A_818 : vector<16xf32> to vector<1x16xf32>
          tpu.vector_store %arg13[%swap3A_819, %swap3A_820], %swap3A_823 {strides = array<i32>} : memref<16x1024xf32, #tpu.memory_space<vmem>>, vector<1x16xf32>,
          %broadcast_in_dim3A_824 = arith.constant 0.000000e+00 : f32
          %broadcast_in_dim3A_825 = vector.broadcast %broadcast_in_dim3A_824 : f32 to vector<16xf32>
          %swap3A_826 = arith.index_cast %while3A_451 : i32 to index
          %swap3A_827 = arith.constant 848 : index
          %swap3A_828 = tpu.vector_load %arg13[%swap3A_826, %swap3A_827] {strides = array<i32>} : memref<16x1024xf32, #tpu.memory_space<vmem>>, vector<1x16xf32>,
          %swap3A_829 = vector.shape_cast %swap3A_828 : vector<1x16xf32> to vector<16xf32>
          %swap3A_830 = vector.shape_cast %broadcast_in_dim3A_825 : vector<16xf32> to vector<1x16xf32>
          tpu.vector_store %arg13[%swap3A_826, %swap3A_827], %swap3A_830 {strides = array<i32>} : memref<16x1024xf32, #tpu.memory_space<vmem>>, vector<1x16xf32>,
          %broadcast_in_dim3A_831 = arith.constant 0.000000e+00 : f32
          %broadcast_in_dim3A_832 = vector.broadcast %broadcast_in_dim3A_831 : f32 to vector<16xf32>
          %swap3A_833 = arith.index_cast %while3A_451 : i32 to index
          %swap3A_834 = arith.constant 864 : index
          %swap3A_835 = tpu.vector_load %arg13[%swap3A_833, %swap3A_834] {strides = array<i32>} : memref<16x1024xf32, #tpu.memory_space<vmem>>, vector<1x16xf32>,
          %swap3A_836 = vector.shape_cast %swap3A_835 : vector<1x16xf32> to vector<16xf32>
          %swap3A_837 = vector.shape_cast %broadcast_in_dim3A_832 : vector<16xf32> to vector<1x16xf32>
          tpu.vector_store %arg13[%swap3A_833, %swap3A_834], %swap3A_837 {strides = array<i32>} : memref<16x1024xf32, #tpu.memory_space<vmem>>, vector<1x16xf32>,
          %broadcast_in_dim3A_838 = arith.constant 0.000000e+00 : f32
          %broadcast_in_dim3A_839 = vector.broadcast %broadcast_in_dim3A_838 : f32 to vector<16xf32>
          %swap3A_840 = arith.index_cast %while3A_451 : i32 to index
          %swap3A_841 = arith.constant 880 : index
          %swap3A_842 = tpu.vector_load %arg13[%swap3A_840, %swap3A_841] {strides = array<i32>} : memref<16x1024xf32, #tpu.memory_space<vmem>>, vector<1x16xf32>,
          %swap3A_843 = vector.shape_cast %swap3A_842 : vector<1x16xf32> to vector<16xf32>
          %swap3A_844 = vector.shape_cast %broadcast_in_dim3A_839 : vector<16xf32> to vector<1x16xf32>
          tpu.vector_store %arg13[%swap3A_840, %swap3A_841], %swap3A_844 {strides = array<i32>} : memref<16x1024xf32, #tpu.memory_space<vmem>>, vector<1x16xf32>,
          %broadcast_in_dim3A_845 = arith.constant 0.000000e+00 : f32
          %broadcast_in_dim3A_846 = vector.broadcast %broadcast_in_dim3A_845 : f32 to vector<16xf32>
          %swap3A_847 = arith.index_cast %while3A_451 : i32 to index
          %swap3A_848 = arith.constant 896 : index
          %swap3A_849 = tpu.vector_load %arg13[%swap3A_847, %swap3A_848] {strides = array<i32>} : memref<16x1024xf32, #tpu.memory_space<vmem>>, vector<1x16xf32>,
          %swap3A_850 = vector.shape_cast %swap3A_849 : vector<1x16xf32> to vector<16xf32>
          %swap3A_851 = vector.shape_cast %broadcast_in_dim3A_846 : vector<16xf32> to vector<1x16xf32>
          tpu.vector_store %arg13[%swap3A_847, %swap3A_848], %swap3A_851 {strides = array<i32>} : memref<16x1024xf32, #tpu.memory_space<vmem>>, vector<1x16xf32>,
          %broadcast_in_dim3A_852 = arith.constant 0.000000e+00 : f32
          %broadcast_in_dim3A_853 = vector.broadcast %broadcast_in_dim3A_852 : f32 to vector<16xf32>
          %swap3A_854 = arith.index_cast %while3A_451 : i32 to index
          %swap3A_855 = arith.constant 912 : index
          %swap3A_856 = tpu.vector_load %arg13[%swap3A_854, %swap3A_855] {strides = array<i32>} : memref<16x1024xf32, #tpu.memory_space<vmem>>, vector<1x16xf32>,
          %swap3A_857 = vector.shape_cast %swap3A_856 : vector<1x16xf32> to vector<16xf32>
          %swap3A_858 = vector.shape_cast %broadcast_in_dim3A_853 : vector<16xf32> to vector<1x16xf32>
          tpu.vector_store %arg13[%swap3A_854, %swap3A_855], %swap3A_858 {strides = array<i32>} : memref<16x1024xf32, #tpu.memory_space<vmem>>, vector<1x16xf32>,
          %broadcast_in_dim3A_859 = arith.constant 0.000000e+00 : f32
          %broadcast_in_dim3A_860 = vector.broadcast %broadcast_in_dim3A_859 : f32 to vector<16xf32>
          %swap3A_861 = arith.index_cast %while3A_451 : i32 to index
          %swap3A_862 = arith.constant 928 : index
          %swap3A_863 = tpu.vector_load %arg13[%swap3A_861, %swap3A_862] {strides = array<i32>} : memref<16x1024xf32, #tpu.memory_space<vmem>>, vector<1x16xf32>,
          %swap3A_864 = vector.shape_cast %swap3A_863 : vector<1x16xf32> to vector<16xf32>
          %swap3A_865 = vector.shape_cast %broadcast_in_dim3A_860 : vector<16xf32> to vector<1x16xf32>
          tpu.vector_store %arg13[%swap3A_861, %swap3A_862], %swap3A_865 {strides = array<i32>} : memref<16x1024xf32, #tpu.memory_space<vmem>>, vector<1x16xf32>,
          %broadcast_in_dim3A_866 = arith.constant 0.000000e+00 : f32
          %broadcast_in_dim3A_867 = vector.broadcast %broadcast_in_dim3A_866 : f32 to vector<16xf32>
          %swap3A_868 = arith.index_cast %while3A_451 : i32 to index
          %swap3A_869 = arith.constant 944 : index
          %swap3A_870 = tpu.vector_load %arg13[%swap3A_868, %swap3A_869] {strides = array<i32>} : memref<16x1024xf32, #tpu.memory_space<vmem>>, vector<1x16xf32>,
          %swap3A_871 = vector.shape_cast %swap3A_870 : vector<1x16xf32> to vector<16xf32>
          %swap3A_872 = vector.shape_cast %broadcast_in_dim3A_867 : vector<16xf32> to vector<1x16xf32>
          tpu.vector_store %arg13[%swap3A_868, %swap3A_869], %swap3A_872 {strides = array<i32>} : memref<16x1024xf32, #tpu.memory_space<vmem>>, vector<1x16xf32>,
          %broadcast_in_dim3A_873 = arith.constant 0.000000e+00 : f32
          %broadcast_in_dim3A_874 = vector.broadcast %broadcast_in_dim3A_873 : f32 to vector<16xf32>
          %swap3A_875 = arith.index_cast %while3A_451 : i32 to index
          %swap3A_876 = arith.constant 960 : index
          %swap3A_877 = tpu.vector_load %arg13[%swap3A_875, %swap3A_876] {strides = array<i32>} : memref<16x1024xf32, #tpu.memory_space<vmem>>, vector<1x16xf32>,
          %swap3A_878 = vector.shape_cast %swap3A_877 : vector<1x16xf32> to vector<16xf32>
          %swap3A_879 = vector.shape_cast %broadcast_in_dim3A_874 : vector<16xf32> to vector<1x16xf32>
          tpu.vector_store %arg13[%swap3A_875, %swap3A_876], %swap3A_879 {strides = array<i32>} : memref<16x1024xf32, #tpu.memory_space<vmem>>, vector<1x16xf32>,
          %broadcast_in_dim3A_880 = arith.constant 0.000000e+00 : f32
          %broadcast_in_dim3A_881 = vector.broadcast %broadcast_in_dim3A_880 : f32 to vector<16xf32>
          %swap3A_882 = arith.index_cast %while3A_451 : i32 to index
          %swap3A_883 = arith.constant 976 : index
          %swap3A_884 = tpu.vector_load %arg13[%swap3A_882, %swap3A_883] {strides = array<i32>} : memref<16x1024xf32, #tpu.memory_space<vmem>>, vector<1x16xf32>,
          %swap3A_885 = vector.shape_cast %swap3A_884 : vector<1x16xf32> to vector<16xf32>
          %swap3A_886 = vector.shape_cast %broadcast_in_dim3A_881 : vector<16xf32> to vector<1x16xf32>
          tpu.vector_store %arg13[%swap3A_882, %swap3A_883], %swap3A_886 {strides = array<i32>} : memref<16x1024xf32, #tpu.memory_space<vmem>>, vector<1x16xf32>,
          %broadcast_in_dim3A_887 = arith.constant 0.000000e+00 : f32
          %broadcast_in_dim3A_888 = vector.broadcast %broadcast_in_dim3A_887 : f32 to vector<16xf32>
          %swap3A_889 = arith.index_cast %while3A_451 : i32 to index
          %swap3A_890 = arith.constant 992 : index
          %swap3A_891 = tpu.vector_load %arg13[%swap3A_889, %swap3A_890] {strides = array<i32>} : memref<16x1024xf32, #tpu.memory_space<vmem>>, vector<1x16xf32>,
          %swap3A_892 = vector.shape_cast %swap3A_891 : vector<1x16xf32> to vector<16xf32>
          %swap3A_893 = vector.shape_cast %broadcast_in_dim3A_888 : vector<16xf32> to vector<1x16xf32>
          tpu.vector_store %arg13[%swap3A_889, %swap3A_890], %swap3A_893 {strides = array<i32>} : memref<16x1024xf32, #tpu.memory_space<vmem>>, vector<1x16xf32>,
          %broadcast_in_dim3A_894 = arith.constant 0.000000e+00 : f32
          %broadcast_in_dim3A_895 = vector.broadcast %broadcast_in_dim3A_894 : f32 to vector<16xf32>
          %swap3A_896 = arith.index_cast %while3A_451 : i32 to index
          %swap3A_897 = arith.constant 1008 : index
          %swap3A_898 = tpu.vector_load %arg13[%swap3A_896, %swap3A_897] {strides = array<i32>} : memref<16x1024xf32, #tpu.memory_space<vmem>>, vector<1x16xf32>,
          %swap3A_899 = vector.shape_cast %swap3A_898 : vector<1x16xf32> to vector<16xf32>
          %swap3A_900 = vector.shape_cast %broadcast_in_dim3A_895 : vector<16xf32> to vector<1x16xf32>
          tpu.vector_store %arg13[%swap3A_896, %swap3A_897], %swap3A_900 {strides = array<i32>} : memref<16x1024xf32, #tpu.memory_space<vmem>>, vector<1x16xf32>,
          %while3A_901 = arith.constant 0 : i32
          scf.yield %while3A_901 : i32
        }
      } else {
      }
      %mul3A_416 = arith.constant 2048 : i32
      %mul3A_417 = arith.muli %select_n3A, %mul3A_416 : i32
      %add3A_418 = arith.addi %mul3A_417, %mul3A_32 : i32
      %mul3A_419 = arith.constant 16 : i32
      %mul3A_420 = arith.muli %add3A_399, %mul3A_419 : i32
      %add3A_421 = arith.addi %add3A_418, %mul3A_420 : i32
      %multiple_of3A_422 = tpu.assume_multiple %add3A_421, 8 : i32
      %dma_start3A_423 = arith.constant 0 : i32
      %dma_start3A_424 = tpu.memref_slice %arg4[%multiple_of3A_422, %dma_start3A_423] : memref<32768x1024xf32, #tpu.memory_space<hbm>> -> memref<16x1024xf32, #tpu.memory_space<hbm>>
      %dma_start3A_425 = arith.constant 0 : i32
      %dma_start3A_426 = tpu.memref_slice %arg4[%multiple_of3A_422, %dma_start3A_425] : memref<32768x1024xf32, #tpu.memory_space<hbm>> -> memref<16x1024xf32, #tpu.memory_space<hbm>>
      tpu.enqueue_dma source(%arg13 : memref<16x1024xf32, #tpu.memory_space<vmem>>) target(%dma_start3A_426 : memref<16x1024xf32, #tpu.memory_space<hbm>>) target_semaphore(%arg21 : memref<!tpu.dma_semaphore, #tpu.memory_space<semaphore_mem>>)
      %sub3A_427 = arith.constant 2 : i32
      %sub3A_428 = arith.subi %add3A_399, %sub3A_427 : i32
      %ge3A_429 = arith.constant 0 : i32
      %ge3A_430 = arith.cmpi sge, %sub3A_428, %ge3A_429 : i32
      %add3A_431 = arith.constant 4 : i32
      %add3A_432 = arith.addi %sub3A_428, %add3A_431 : i32
      %lt3A_433 = arith.constant 64 : i32
      %lt3A_434 = arith.cmpi slt, %add3A_432, %lt3A_433 : i32
      %and3A_435 = arith.andi %ge3A_430, %lt3A_434 : i1
      %convert_element_type3A_436 = arith.extui %and3A_435 : i1 to i32
      %cond3A_437 = arith.constant 0 : i32
      %cond3A_438 = arith.cmpi ne, %convert_element_type3A_436, %cond3A_437 : i32
      scf.if %cond3A_438 {
        %mul3A_440 = arith.constant 2048 : i32
        %mul3A_441 = arith.muli %select_n3A, %mul3A_440 : i32
        %add3A_442 = arith.addi %mul3A_441, %mul3A_32 : i32
        %mul3A_443 = arith.constant 16 : i32
        %mul3A_444 = arith.muli %sub3A_428, %mul3A_443 : i32
        %add3A_445 = arith.addi %add3A_442, %mul3A_444 : i32
        %multiple_of3A_446 = tpu.assume_multiple %add3A_445, 8 : i32
        %dma_wait3A_447 = arith.constant 0 : i32
        %dma_wait3A_448 = tpu.memref_slice %arg4[%multiple_of3A_446, %dma_wait3A_447] : memref<32768x1024xf32, #tpu.memory_space<hbm>> -> memref<16x1024xf32, #tpu.memory_space<hbm>>
        %dma_wait3A_449 = arith.constant 0 : i32
        %dma_wait3A_450 = tpu.memref_slice %arg4[%multiple_of3A_446, %dma_wait3A_449] : memref<32768x1024xf32, #tpu.memory_space<hbm>> -> memref<16x1024xf32, #tpu.memory_space<hbm>>
        tpu.wait_dma2 semaphore(%arg19 : memref<!tpu.dma_semaphore, #tpu.memory_space<semaphore_mem>>) src(%arg11 : memref<16x1024xf32, #tpu.memory_space<vmem>>) dst(%dma_wait3A_450 : memref<16x1024xf32, #tpu.memory_space<hbm>>)
        %add3A_451 = arith.constant 4 : i32
        %add3A_452 = arith.addi %sub3A_428, %add3A_451 : i32
        %mul3A_453 = arith.constant 16 : i32
        %mul3A_454 = arith.muli %add3A_452, %mul3A_453 : i32
        %add3A_455 = arith.addi %sub3A_141, %mul3A_454 : i32
        %iota3A_456 = tpu.iota {dimensions = array<i32: 0>} : vector<16xi32>
        %add3A_457 = vector.broadcast %add3A_455 : i32 to vector<16xi32>
        %add3A_458 = arith.addi %iota3A_456, %add3A_457 : vector<16xi32>
        %add3A_459 = arith.constant 0 : i32
        %add3A_460 = vector.broadcast %add3A_459 : i32 to vector<16xi32>
        %add3A_461 = arith.addi %add3A_458, %add3A_460 : vector<16xi32>
        %jit3A_462 = arith.constant 0 : i32
        %jit3A_463 = arith.constant 2047 : i32
        %max3A_464 = vector.broadcast %jit3A_462 : i32 to vector<16xi32>
        %max3A_465 = arith.maxsi %max3A_464, %add3A_461 : vector<16xi32>
        %min3A_466 = vector.broadcast %jit3A_463 : i32 to vector<16xi32>
        %min3A_467 = arith.minsi %min3A_466, %max3A_465 : vector<16xi32>
        %swap3A_468 = arith.constant 0 : index
        %swap3A_469 = tpu.vector_load %arg7[%swap3A_468] {strides = array<i32>} : memref<16xi32, #tpu.memory_space<vmem>>, vector<16xi32>,
        %swap3A_470 = vector.shape_cast %swap3A_469 : vector<16xi32> to vector<16xi32>
        %swap3A_471 = vector.shape_cast %min3A_467 : vector<16xi32> to vector<16xi32>
        tpu.vector_store %arg7[%swap3A_468], %swap3A_471 {strides = array<i32>} : memref<16xi32, #tpu.memory_space<vmem>>, vector<16xi32>,
        %dma_start3A_472 = arith.constant 0 : i32
        %dma_start3A_473 = arith.constant 0 : i32
        %dma_start3A_474 = tpu.memref_slice %arg3[%dma_start3A_472, %dma_start3A_473] : memref<2048x1024xf32, #tpu.memory_space<hbm>> -> memref<2048x1024xf32, #tpu.memory_space<hbm>>
        tpu.enqueue_indirect_dma source(%dma_start3A_474 : memref<2048x1024xf32, #tpu.memory_space<hbm>>) target(%arg11 : memref<16x1024xf32, #tpu.memory_space<vmem>>) offsets(%arg7 : memref<16xi32, #tpu.memory_space<vmem>>) semaphore(%arg15 : memref<!tpu.dma_semaphore, #tpu.memory_space<semaphore_mem>>)
      } else {
      }
      %scan3A_439 = arith.constant 0 : i32
      scf.yield %scan3A_439 : i32
    }
    %scan3A_228 = arith.constant 16 : i32
    %mul3A_229 = arith.constant 2048 : i32
    %mul3A_230 = arith.muli %select_n3A, %mul3A_229 : i32
    %add3A_231 = arith.addi %mul3A_230, %mul3A_32 : i32
    %add3A_232 = arith.constant 960 : i32
    %add3A_233 = arith.addi %add3A_231, %add3A_232 : i32
    %multiple_of3A_234 = tpu.assume_multiple %add3A_233, 8 : i32
    %dma_wait3A = arith.constant 0 : i32
    %dma_wait3A_235 = tpu.memref_slice %arg4[%multiple_of3A_234, %dma_wait3A] : memref<32768x1024xf32, #tpu.memory_space<hbm>> -> memref<16x1024xf32, #tpu.memory_space<hbm>>
    %dma_wait3A_236 = arith.constant 0 : i32
    %dma_wait3A_237 = tpu.memref_slice %arg4[%multiple_of3A_234, %dma_wait3A_236] : memref<32768x1024xf32, #tpu.memory_space<hbm>> -> memref<16x1024xf32, #tpu.memory_space<hbm>>
    tpu.wait_dma2 semaphore(%arg18 : memref<!tpu.dma_semaphore, #tpu.memory_space<semaphore_mem>>) src(%arg10 : memref<16x1024xf32, #tpu.memory_space<vmem>>) dst(%dma_wait3A_237 : memref<16x1024xf32, #tpu.memory_space<hbm>>)
    %mul3A_238 = arith.constant 2048 : i32
    %mul3A_239 = arith.muli %select_n3A, %mul3A_238 : i32
    %add3A_240 = arith.addi %mul3A_239, %mul3A_32 : i32
    %add3A_241 = arith.constant 976 : i32
    %add3A_242 = arith.addi %add3A_240, %add3A_241 : i32
    %multiple_of3A_243 = tpu.assume_multiple %add3A_242, 8 : i32
    %dma_wait3A_244 = arith.constant 0 : i32
    %dma_wait3A_245 = tpu.memref_slice %arg4[%multiple_of3A_243, %dma_wait3A_244] : memref<32768x1024xf32, #tpu.memory_space<hbm>> -> memref<16x1024xf32, #tpu.memory_space<hbm>>
    %dma_wait3A_246 = arith.constant 0 : i32
    %dma_wait3A_247 = tpu.memref_slice %arg4[%multiple_of3A_243, %dma_wait3A_246] : memref<32768x1024xf32, #tpu.memory_space<hbm>> -> memref<16x1024xf32, #tpu.memory_space<hbm>>
    tpu.wait_dma2 semaphore(%arg19 : memref<!tpu.dma_semaphore, #tpu.memory_space<semaphore_mem>>) src(%arg11 : memref<16x1024xf32, #tpu.memory_space<vmem>>) dst(%dma_wait3A_247 : memref<16x1024xf32, #tpu.memory_space<hbm>>)
    %mul3A_248 = arith.constant 2048 : i32
    %mul3A_249 = arith.muli %select_n3A, %mul3A_248 : i32
    %add3A_250 = arith.addi %mul3A_249, %mul3A_32 : i32
    %add3A_251 = arith.constant 992 : i32
    %add3A_252 = arith.addi %add3A_250, %add3A_251 : i32
    %multiple_of3A_253 = tpu.assume_multiple %add3A_252, 8 : i32
    %dma_wait3A_254 = arith.constant 0 : i32
    %dma_wait3A_255 = tpu.memref_slice %arg4[%multiple_of3A_253, %dma_wait3A_254] : memref<32768x1024xf32, #tpu.memory_space<hbm>> -> memref<16x1024xf32, #tpu.memory_space<hbm>>
    %dma_wait3A_256 = arith.constant 0 : i32
    %dma_wait3A_257 = tpu.memref_slice %arg4[%multiple_of3A_253, %dma_wait3A_256] : memref<32768x1024xf32, #tpu.memory_space<hbm>> -> memref<16x1024xf32, #tpu.memory_space<hbm>>
    tpu.wait_dma2 semaphore(%arg20 : memref<!tpu.dma_semaphore, #tpu.memory_space<semaphore_mem>>) src(%arg12 : memref<16x1024xf32, #tpu.memory_space<vmem>>) dst(%dma_wait3A_257 : memref<16x1024xf32, #tpu.memory_space<hbm>>)
    %mul3A_258 = arith.constant 2048 : i32
    %mul3A_259 = arith.muli %select_n3A, %mul3A_258 : i32
    %add3A_260 = arith.addi %mul3A_259, %mul3A_32 : i32
    %add3A_261 = arith.constant 1008 : i32
    %add3A_262 = arith.addi %add3A_260, %add3A_261 : i32
    %multiple_of3A_263 = tpu.assume_multiple %add3A_262, 8 : i32
    %dma_wait3A_264 = arith.constant 0 : i32
    %dma_wait3A_265 = tpu.memref_slice %arg4[%multiple_of3A_263, %dma_wait3A_264] : memref<32768x1024xf32, #tpu.memory_space<hbm>> -> memref<16x1024xf32, #tpu.memory_space<hbm>>
    %dma_wait3A_266 = arith.constant 0 : i32
    %dma_wait3A_267 = tpu.memref_slice %arg4[%multiple_of3A_263, %dma_wait3A_266] : memref<32768x1024xf32, #tpu.memory_space<hbm>> -> memref<16x1024xf32, #tpu.memory_space<hbm>>
    tpu.wait_dma2 semaphore(%arg21 : memref<!tpu.dma_semaphore, #tpu.memory_space<semaphore_mem>>) src(%arg13 : memref<16x1024xf32, #tpu.memory_space<vmem>>) dst(%dma_wait3A_267 : memref<16x1024xf32, #tpu.memory_space<hbm>>)
    return
  }
}

</mosaic_0001>

<sc_bundles>
// kernel: kernel.3.cloned.1.call-start
scs
__scs_entry_jumppad:
0x0: {  	(pc) =	sbr.rel $0x88, $3  }
0x1: {  	(tag) =	ssettag $0x0;
	lr =	simm.s32 $0x1  }
0x2: {  	[smem:$0x3F9F] =	sst lr;
	_ =	strace $0xD0000000  }
0x3: {  	_ = 	snop  }
0x4: {  	_ = 	snop  }
0x5: {  	_ = 	snop  }
0x6: {  	_ = 	snop  }
0x7: {  	_ = 	snop  }
__scs_overlays_trampoline_lowered:
0x8: {  	[smem:$0x3FAE] =	sst s0  }
0x9: {  	[smem:$0x3FAF] =	sst s1  }
0xa: {  	[smem:$0x3FB0] =	sst s2  }
0xb: {  	[smem:$0x3FB1] =	sst s3  }
0xc: {  	[smem:$0x3FB2] =	sst s4  }
0xd: {  	[smem:$0x3FB3] =	sst s5  }
0xe: {  	[smem:$0x3FB4] =	sst s6  }
0xf: {  	[smem:$0x3FB5] =	sst s7  }
0x10: {  	[smem:$0x3FB6] =	sst s8  }
0x11: {  	[smem:$0x3FB7] =	sst s9;
	s0 =	simm.s32 @!p0 $0x0  }
0x12: {  	s1 =	sld [smem:$0x3F9D];
	s0 =	simm.s32 @p0 $0x1  }
0x13: {  	[smem:$0x3FB8] =	sst s0;
	s0 =	simm.s32 @!p1 $0x0  }
0x14: {  	s2 =	sld [smem:$0x3F9C];
	s0 =	simm.s32 @p1 $0x1  }
0x15: {  	[smem:$0x3FB9] =	sst s0;
	s0 =	simm.s32 @!p2 $0x0  }
0x16: {  	s3 =	sld [smem:$0x3FDB];
	s0 =	simm.s32 @p2 $0x1  }
0x17: {  	s4 =	simm.s32 $0x1BF5;
	[smem:$0x3FBB] =	sst s0  }
0x18: {  	s0 =	sld [smem:$0x3F9E];
	_ =	swait.ge [sflag:s4], $0x0  }
0x19: {  	s7 =	sld [smem:$0x3F9F]  }
0x1a: {  	s8 =	sadd.s32 $0xFFFFE003, lr  }
0x1b: {  	s9 =	sadd.s32 $0xFFFFFEF7, lr;
	s5 =	simm.s32 $0xFFFFFFFF;
	p2 =	slt.u32 s8, $0xFFFFF086  }
0x1c: {  	p1 =	slt.u32 s9, $0xF7A;
	s5 =	simm.s32 @!p2 $0x0  }
0x1d: {  	s5 =	simm.s32 @p1 $0x1;
	p0 =	seq.s32 s7, s2  }
0x1e: {  	s7 =	smul.u32 @!p0 $0xF7A, s2;
	p2 =	seq.s32 @!p0 s5, $0x0  }
0x1f: {  	s9 =	smul.u32 $0xF7A, s1;
	s8 =	simm.s32 @!p0 $0x1BF5;
	p2 =	por !p2, p0  }
0x20: {  	[sflag:s8] =	ssyncset.s32 @!p0 $0xFFFFF086;
	s6 =	sadd.s32 @!p0 s3, s7;
	s7 =	simm.s32 @!p0 $0x108  }
0x21: {  	s3 =	sadd.s32 s3, s9;
	s6 =	sadd.s32 @!p0 $0x88, s6;
	s7 =	simm.s32 @p2 $0x1082  }
0x22: {  	[simem:s7], [sflag:s8] =	dma.local @!p0 [hbm:s6], $0xF7A  }
0x23: {  	s9 =	sor.u32 $0xD0000000, s2;
	s6 =	simm.s32 $0x108;
	_ =	swait.ge @!p0 [sflag:s8], $0x0  }
0x24: {  	s3 =	sadd.s32 $0x88, s3;
	s6 =	simm.s32 @!p1 $0x1082;
	[sflag:s4] =	ssyncset.s32 $0xFFFFF086  }
0x25: {  	[simem:s6], [sflag:s4] =	dma.local [hbm:s3], $0xF7A  }
0x26: {  	[smem:$0x3F9F] =	sst s1;
	(tag) =	ssettag s2;
	_ =	strace s9  }
0x27: {  	s1 =	sld [smem:$0x3FAF]  }
0x28: {  	s2 =	sld [smem:$0x3FB0]  }
0x29: {  	s4 =	sld [smem:$0x3FB2]  }
0x2a: {  	p0 =	seq.s32 s5, $0x0;
	s5 =	sld [smem:$0x3FB3]  }
0x2b: {  	s6 =	sld [smem:$0x3FB4]  }
0x2c: {  	s7 =	sld [smem:$0x3FB5]  }
0x2d: {  	s3 =	simm.s32 $0x108;
	s8 =	sld [smem:$0x3FB6]  }
0x2e: {  	s3 =	simm.s32 @!p0 $0x1082;
	s9 =	sld [smem:$0x3FB7]  }
0x2f: {  	lr =	sadd.s32 s0, s3;
	s0 =	sld [smem:$0x3FAE]  }
0x30: {  	s3 =	sld [smem:$0x3FB1]  }
0x31: {  	[smem:$0x3FBA] =	sst s10  }
0x32: {  	s10 =	sld [smem:$0x3FB8];
	_ =	sdelay $0x3  }
0x33: {  	p0 =	seq.s32 s10, $0x1;
	s10 =	sld [smem:$0x3FBA];
	_ =	sdelay $0x3  }
0x34: {  	[smem:$0x3FBA] =	sst s10  }
0x35: {  	s10 =	sld [smem:$0x3FB9];
	_ =	sdelay $0x3  }
0x36: {  	p1 =	seq.s32 s10, $0x1;
	s10 =	sld [smem:$0x3FBA];
	_ =	sdelay $0x3  }
0x37: {  	[smem:$0x3FBA] =	sst s10  }
0x38: {  	s10 =	sld [smem:$0x3FBB]  }
0x39: {  	_ = 	snop;
	(pc) =	sbr.ind lr, $3  }
0x3a: {  	_ = 	snop  }
0x3b: {  	_ = 	snop  }
0x3c: {  	p2 =	seq.s32 s10, $0x1;
	s10 =	sld [smem:$0x3FBA]  }
0x3d: {  	_ =	shalt  }
0x3e: {  	_ =	shalt  }
0x3f: {  	_ =	shalt  }
0x40: {  	_ =	shalt  }
0x41: {  	_ =	shalt  }
0x42: {  	_ =	shalt  }
0x43: {  	_ =	shalt  }
0x44: {  	_ =	shalt  }
0x45: {  	_ =	shalt  }
0x46: {  	_ =	shalt  }
0x47: {  	_ =	shalt  }
0x48: {  	_ =	shalt  }
0x49: {  	_ =	shalt  }
0x4a: {  	_ =	shalt  }
0x4b: {  	_ =	shalt  }
0x4c: {  	_ =	shalt  }
0x4d: {  	_ =	shalt  }
0x4e: {  	_ =	shalt  }
0x4f: {  	_ =	shalt  }
0x50: {  	_ =	shalt  }
0x51: {  	_ =	shalt  }
0x52: {  	_ =	shalt  }
0x53: {  	_ =	shalt  }
0x54: {  	_ =	shalt  }
0x55: {  	_ =	shalt  }
0x56: {  	_ =	shalt  }
0x57: {  	_ =	shalt  }
0x58: {  	_ =	shalt  }
0x59: {  	_ =	shalt  }
0x5a: {  	_ =	shalt  }
0x5b: {  	_ =	shalt  }
0x5c: {  	_ =	shalt  }
0x5d: {  	_ =	shalt  }
0x5e: {  	_ =	shalt  }
0x5f: {  	_ =	shalt  }
0x60: {  	_ =	shalt  }
0x61: {  	_ =	shalt  }
0x62: {  	_ =	shalt  }
0x63: {  	_ =	shalt  }
0x64: {  	_ =	shalt  }
0x65: {  	_ =	shalt  }
0x66: {  	_ =	shalt  }
0x67: {  	_ =	shalt  }
0x68: {  	_ =	shalt  }
0x69: {  	_ =	shalt  }
0x6a: {  	_ =	shalt  }
0x6b: {  	_ =	shalt  }
0x6c: {  	_ =	shalt  }
0x6d: {  	_ =	shalt  }
0x6e: {  	_ =	shalt  }
0x6f: {  	_ =	shalt  }
0x70: {  	_ =	shalt  }
0x71: {  	_ =	shalt  }
0x72: {  	_ =	shalt  }
0x73: {  	_ =	shalt  }
0x74: {  	_ =	shalt  }
0x75: {  	_ =	shalt  }
0x76: {  	_ =	shalt  }
0x77: {  	_ =	shalt  }
0x78: {  	_ =	shalt  }
0x79: {  	_ =	shalt  }
0x7a: {  	_ =	shalt  }
0x7b: {  	_ =	shalt  }
0x7c: {  	_ =	shalt  }
0x7d: {  	_ =	shalt  }
0x7e: {  	_ =	shalt  }
0x7f: {  	_ =	shalt  }
0x80: {  	_ =	shalt  }
0x81: {  	_ =	shalt  }
0x82: {  	_ =	shalt  }
0x83: {  	_ =	shalt  }
0x84: {  	_ =	shalt  }
0x85: {  	_ =	shalt  }
0x86: {  	_ =	shalt  }
0x87: {  	_ =	shalt  }
.Lfunc_end0:
.L_simem_size_0:
called_computation_lowered:
.L_overlay_start_0:
0x88: {  	s2 =	sld [smem:$0x3FD9]  }
0x89: {  	s3 =	sld [smem:$0x3FFE];
	_ =	sdelay $0x1  }
0x8a: {  	s1 =	srdreg.scid  }
0x8b: {  	s0 =	sand.u32 $0x1, s1  }
0x8c: {  	s18 =	sshll.u32 s0, $0xA;
	s2 =	sadd.s32 s3, s2  }
0x8d: {  	s2 =	sadd.s32 s2, s18  }
0x8e: {  	[smem:$0x3FC6] =	sst s2  }
0x8f: {  	_ = 	snop  }
0x90: {  	s2 =	sld [smem:$0x3FC9]  }
0x91: {  	s19 =	sld [smem:$0x3FC8]  }
0x92: {  	s4 =	sld [smem:$0x3FD0];
	(tm) =	ssettm $0x1  }
0x93: {  	s5 =	sld [smem:$0x3FFB];
	_ =	sdelay $0x3  }
0x94: {  	_ =	strace s5  }
0x95: {  	s5 =	sld [smem:$0x3FFC];
	_ =	sdelay $0x3  }
0x96: {  	_ =	strace s5  }
0x97: {  	s5 =	sld [smem:$0x3FFD];
	_ =	sdelay $0x3  }
0x98: {  	_ =	strace s5  }
0x99: {  	_ =	strace $0x8FFFFFFF  }
0x9a: {  	s20 =	sld [smem:$0x3FDB];
	_ =	sdelay $0x1  }
0x9b: {  	s6 =	simm.s32 $_scs_section_size  }
0x9c: {  	s7 =	simm.s32 $_size__tile_overlayer_lowered;
	s8 =	simm.s32 $_tile_overlayer_lowered  }
0x9d: {  	s23 =	simm.s32 $0x1BFF;
	s22 =	sshll.u32 s8, $0x1;
	s5 =	sadd.s32 s6, s20  }
0x9e: {  	s9 =	simm.s32 $0x0;
	s21 =	sshll.u32 s7, $0x1;
	s7 =	sadd.s32 s22, s5  }
0x9f: {  	[timem:s9], [sflag:s23] =	dma.local [hbm:s7], s21  }
0xa0: {  	_ =	swait.ge [sflag:s23], s21  }
0xa1: {  	s6 =	ssub.s32 $0x0, s21;
	[sflag:s23] =	ssyncset.done $0x0  }
0xa2: {  	[sflag:s23] =	ssyncadd.s32 s6;
	_ =	sdelay $0x1  }
0xa3: {  	s24 =	simm.s32 $0x1B8B  }
0xa4: {  	_ =	swait.ge [sflag:s24], $0x1  }
0xa5: {  	[sflag:s24] =	ssyncset.done $0x0  }
0xa6: {  	s25 =	simm.s32 $0x1B8E;
	[sflag:s24] =	ssyncadd.s32 $0xFFFFFFFF  }
0xa7: {  	s26 =	simm.s32 $execute0_lowered;
	[smem:$0x3FD2] =	sst s25  }
0xa8: {  	s6 =	sshll.u32 s26, $0x1;
	_ =	strace $0x80000046;
	[dreg:$0x1] =	wrdreg $0xFFFFFFFF  }
0xa9: {  	s28 =	simm.s32 $_size_execute0_lowered;
	s5 =	sadd.s32 s5, s6;
	[dreg:$0x0] =	wrdreg $0x0  }
0xaa: {  	s6 =	sshll.u32 s28, $0x1;
	[dreg:$0x2] =	wrdreg s5  }
0xab: {  	[dreg:$0x3] =	wrdreg s6  }
0xac: {  	[dreg:$0x4] =	wrdreg $0xC0  }
0xad: {  	_ =	task [dreg:s9], $0x5FFFF  }
0xae: {  	[dreg:$0x1] =	wrdreg $0xFFFFFFFF  }
0xaf: {  	[dreg:$0x0] =	wrdreg $0x60  }
0xb0: {  	[dreg:$0x2] =	wrdreg s2  }
0xb1: {  	[dreg:$0x3] =	wrdreg s19  }
0xb2: {  	[dreg:$0x4] =	wrdreg s4  }
0xb3: {  	[dreg:$0x5] =	wrdreg $0x9  }
0xb4: {  	_ =	task.clear_ibuf [dreg:s9], $0x6FFFF;
	_ =	strace $0x90000046  }
0xb5: {  	s29 =	simm.s32 $0x9;
	_ =	strace $0x80000048  }
0xb6: {  	_ =	swait.ge [sflag:s29], $0x1  }
0xb7: {  	[sflag:s29] =	ssyncadd.s32 $0xFFFFFFFF  }
0xb8: {  	_ =	strace $0x90000048  }
0xb9: {  	_ =	sfence  }
0xba: {  	s30 =	sld [smem:$0x0];
	_ =	sdelay $0x2  }
0xbb: {  	s31 =	sshll.u32 s1, $0xD;
	s1 =	sshrl.u32 s1, $0x2  }
0xbc: {  	s3 =	sand.u32 $0x4000, s31;
	s1 =	sadd.s32 s1, s30  }
0xbd: {  	s0 =	sor.u32 s3, s0;
	s1 =	sshll.u32 s1, $0x11  }
0xbe: {  	s0 =	sor.u32 s1, s0  }
0xbf: {  	s0 =	sadd.s32 $0x8F2B, s0  }
0xc0: {  	[sflag:s0] =	ssyncadd.remote.s32 $0x1  }
0xc1: {  	_ =	sfence.sel $0xFFFF  }
0xc2: {  	[dreg:$0x0] =	wrdreg $0xFFFFFFFF;
	(pc) =	sbr.abs _section_cstart, $3  }
0xc3: {  	[dreg:$0x1] =	wrdreg $0xFFFFFFFF  }
0xc4: {  	_ =	task.clear_ibuf [dreg:s9], $0x2FFFF;
	_ =	strace $0x9FFFFFFF  }
0xc5: {  	(tm) =	ssettm $0x7FFFFFFF  }
tec
execute0_lowered:
.L_overlay_start_1:
0x0: {  	(tag) =	ssettag $0x1  }
0x1: {  	s0 =	srdreg.scid  }
0x2: {  	s9 =	stileid.u32;
	s0 =	sand.u32 $0x1, s0  }
0x3: {  	s7 =	rddreg [dreg:$0x0];
	s5 =	simm.s32 $0x1;
	s1 =	sshll.u32 s0, $0x4  }
0x4: {  	s3 =	rddreg [dreg:$0x2];
	s2 =	sand.u32 $0x1, s9;
	s1 =	sor.u32 s9, s1  }
0x5: {  	s4 =	simm.s32 $0x0;
	p0 =	seq.s32 s2, $0x1;
	p1 =	seq.s32 s1, $0x0  }
0x6: {  	s6 =	simm.s32 $0x1;
	s24 =	simm.s32 $0x8200;
	p1 =	por !p1, !p0  }
0x7: {  	s20 =	simm.s32 $0x3;
	s21 =	simm.s32 $0x4;
	p1 =	por !p1, !p1  }
0x8: {  	s23 =	simm.s32 $0x6;
	s1 =	sshrl.u32 s1, $0x1;
	s5 =	simm.s32 @!p1 $0x0  }
0x9: {  	[smem:$0x7FF] =	sst s4;
	s25 =	sshll.u32 s9, $0xA;
	s1 =	ssub.s32 s1, s5  }
0xa: {  	s2 =	rddreg [dreg:$0x1];
	s0 =	ssub.s32 $0x2, s0;
	s11 =	sand.u32 $0x7, s1  }
0xb: {  	s5 =	sshrl.u32 s1, $0xC;
	p6 =	slt.s32 s1, $0x1;
	p2 =	sne.s32 s11, $0x0  }
0xc: {  	_ =	strace $0x80000047;
	s5 =	sand.u32 $0x7, s5;
	p1 =	por !p6, !p2  }
0xd: {  	s8 =	sshrl.u32 s0, $0x1;
	s5 =	sadd.s32 s5, s1;
	p1 =	por !p1, !p1  }
0xe: {  	s0 =	ssub.s32 s0, s8;
	s5 =	sshra.s32 s5, $0x3;
	s6 =	simm.s32 @!p1 $0x0  }
0xf: {  	s8 =	sadd.s32 $0x100, s2;
	s0 =	smax.u32 s0, $0x1;
	s6 =	ssub.s32 s5, s6  }
0x10: {  	s1 =	sshll.u32 s1, $0xB;
	s26 =	sshll.u32 s6, $0xB;
	s10 =	sshll.u32 s6, $0xE  }
0x11: {  	[dreg:$0x6] =	wrdreg s0;
	s9 =	sand.u32 $0x1FFFF800, s26;
	s29 =	ssub.s32 s1, s10  }
0x12: {  	s12 =	sshll.u32 s11, $0x9;
	s28 =	sadd.s32 s7, s9;
	s7 =	sshll.u32 s29, $0x2  }
.Ltmp0:
0x13: {  	s5 =	simm.s32 $0xFFFFFC00;
	s7 =	sand.u32 $0xFFFF0000, s7;
	(pc) =	sbr.rel .LBB2_1-.Ltmp0, $4  }
0x14: {  	s6 =	sand.u32 $0x400, s25;
	s5 =	simm.s32 @!p0 $0x0;
	s30 =	sor.u32 s12, s7  }
0x15: {  	v0 =	vlaneseq.u32;
	s10 =	sadd.s32 $0x300, s2;
	[dreg:$0x5] =	wrdreg s5;
	s31 =	sor.u32 $0x100, s30  }
0x16: {  	vm0 =	vmmov $0xffff;
	v4 =	vimm.f32 $0.0e+00;
	v2 =	vshrl.u32 v0, $0x3;
	s11 =	sor.u32 s6, s1;
	[dreg:$0x4] =	wrdreg s28;
	s0 =	sshra.s32 s31, $0x2  }
0x17: {  	v1 =	vand.u32 $0x7, v0;
	v3 =	vor.u32 $0x8, v0;
	v2 =	vmul.u32 $0x8, v2;
	s5 =	simm.s32 $0x0;
	s9 =	sadd.s32 $0x200, s2;
	[dreg:$0x7] =	wrdreg s0  }
.LBB2_18:
0x18: {  	s0 =	simm.s32 $0x5  }
0x19: {  	_ =	swait.ge [sflag:s0], $0x4000  }
0x1a: {  	[sflag:s0] =	ssyncset.done $0x0  }
0x1b: {  	[sflag:s0] =	ssyncadd.s32 $0xFFFFC000  }
0x1c: {  	_ =	swait.ge [sflag:s23], $0x4000  }
0x1d: {  	[sflag:s23] =	ssyncset.done $0x0  }
0x1e: {  	s30 =	simm.s32 $0x7;
	[sflag:s23] =	ssyncadd.s32 $0xFFFFC000  }
0x1f: {  	_ =	swait.ge [sflag:s30], $0x4000  }
0x20: {  	[sflag:s30] =	ssyncset.done $0x0  }
0x21: {  	s1 =	simm.s32 $0x8;
	[sflag:s30] =	ssyncadd.s32 $0xFFFFC000  }
0x22: {  	_ =	swait.ge [sflag:s1], $0x4000  }
0x23: {  	s5 =	rddreg [dreg:$0x8]  }
0x24: {  	s31 =	rddreg [dreg:$0x6];
	s5 =	sadd.s32 $0x1, s5  }
0x25: {  	p0 =	sne.s32 s5, s31  }
.Ltmp1:
0x26: {  	_ = 	snop;
	(pc) =	sbr.rel @!p0 .LBB2_19-.Ltmp1, $3  }
0x27: {  	_ =	sdelay $0x1  }
0x28: {  	[sflag:s1] =	ssyncset.done $0x0  }
0x29: {  	[sflag:s1] =	ssyncadd.s32 $0xFFFFC000  }
.LBB2_1:
0x2a: {  	[dreg:$0x8] =	wrdreg s5  }
0x2b: {  	s0 =	rddreg [dreg:$0x4];
	s25 =	simm.s32 $0x9  }
0x2c: {  	[tilespmem:s4], [sflag:$0x9] =	stream.linear.gather [hbm4b:s0+s4], $0x4000, $0x38;
	[tilespmem:$0x14200] =	vst v63  }
0x2d: {  	_ =	swait.ge [sflag:s25], $0x4000  }
0x2e: {  	[sflag:s25] =	ssyncset.done $0x0  }
0x2f: {  	s26 =	rddreg [dreg:$0x7];
	[sflag:s25] =	ssyncadd.s32 $0xFFFFC000  }
0x30: {  	v5 =	vld [tilespmem:s26+$0xFFFFFFC0];
	_ =	sdelay $0x1  }
0x31: {  	v6 =	vld [tilespmem:s26+$0xFFFFFFD0];
	_ =	sdelay $0x1  }
0x32: {  	v7 =	vld [tilespmem:s26+$0xFFFFFFE0]  }
0x33: {  	vm1 =	veq.s32 v5, $0x0;
	v5 =	vor.u32 s4, v0  }
0x34: {  	v8 =	vimm.s32 $0x800;
	s28 =	simm.s32 $0x10;
	v9 =	vld [tilespmem:s26+$0xFFFFFFF0];
	v5 =	vsel vm1, $0x800, v5  }
0x35: {  	vm2 =	veq.s32 v6, $0x0;
	v6 =	vor.u32 s28, v0;
	vm1 =	vlt.s32 v8, v5  }
0x36: {  	s29 =	simm.s32 $0x20;
	v6 =	vsel vm2, $0x800, v6;
	v5 =	vsel vm1, v8, v5;
	v8 =	vld [tilespmem:s26+$0x0]  }
0x37: {  	vm2 =	veq.s32 v7, $0x0;
	v7 =	vor.u32 s29, v0;
	vm1 =	vlt.s32 v5, v6  }
0x38: {  	s30 =	simm.s32 $0x30;
	v10 =	vld [tilespmem:s26+$0x10];
	v5 =	vsel vm1, v5, v6;
	v6 =	vsel vm2, $0x800, v7  }
0x39: {  	vm2 =	veq.s32 v9, $0x0;
	v7 =	vor.u32 s30, v0;
	vm1 =	vlt.s32 v5, v6  }
0x3a: {  	s31 =	simm.s32 $0x40;
	v7 =	vsel vm2, $0x800, v7;
	v5 =	vsel vm1, v5, v6;
	v6 =	vld [tilespmem:s26+$0x20]  }
0x3b: {  	vm1 =	vlt.s32 v5, v7;
	vm2 =	veq.s32 v8, $0x0;
	v8 =	vor.u32 s31, v0  }
0x3c: {  	s1 =	simm.s32 $0x50;
	v7 =	vsel vm1, v5, v7;
	v8 =	vsel vm2, $0x800, v8;
	v5 =	vld [tilespmem:s26+$0x30]  }
0x3d: {  	s0 =	simm.s32 $0x0;
	s7 =	sadd.s32 $0x400, s26;
	v9 =	vor.u32 s1, v0;
	s1 =	simm.s32 $0x0;
	vm2 =	veq.s32 v10, $0x0;
	vm1 =	vlt.s32 v7, v8  }
.LBB2_2:
0x3e: {  	v10 =	vld [tilespmem:s7+$0xFFFFFFC0];
	s0 =	sadd.s32 $0x8, s0;
	v7 =	vsel vm1, v7, v8;
	v8 =	vsel vm2, $0x800, v9;
	s12 =	sadd.s32 $0x60, s1  }
0x3f: {  	p0 =	slt.u32 s0, $0x78;
	vm1 =	vlt.s32 v7, v8;
	vm2 =	veq.s32 v6, $0x0;
	v6 =	vor.u32 s12, v0  }
0x40: {  	s12 =	sadd.s32 $0x70, s1;
	v9 =	vld [tilespmem:s7+$0xFFFFFFD0];
	v7 =	vsel vm1, v7, v8;
	v6 =	vsel vm2, $0x800, v6  }
0x41: {  	vm1 =	vlt.s32 v7, v6;
	vm2 =	veq.s32 v5, $0x0;
	v5 =	vor.u32 s12, v0  }
0x42: {  	s1 =	sadd.s32 $0x80, s1;
	v8 =	vld [tilespmem:s7+$0xFFFFFFE0];
	v6 =	vsel vm1, v7, v6;
	v5 =	vsel vm2, $0x800, v5  }
0x43: {  	v7 =	vor.u32 s1, v0;
	vm1 =	veq.s32 v10, $0x0;
	vm2 =	vlt.s32 v6, v5  }
0x44: {  	s12 =	sadd.s32 $0x10, s1;
	v7 =	vsel vm1, $0x800, v7;
	v10 =	vld [tilespmem:s7+$0xFFFFFFF0];
	v5 =	vsel vm2, v6, v5  }
0x45: {  	v6 =	vor.u32 s12, v0;
	vm1 =	vlt.s32 v5, v7;
	vm2 =	veq.s32 v9, $0x0  }
0x46: {  	s12 =	sadd.s32 $0x20, s1;
	v5 =	vsel vm1, v5, v7;
	v6 =	vsel vm2, $0x800, v6;
	v7 =	vld [tilespmem:s7+$0x0]  }
0x47: {  	vm1 =	vlt.s32 v5, v6;
	vm2 =	veq.s32 v8, $0x0;
	v8 =	vor.u32 s12, v0  }
0x48: {  	s12 =	sadd.s32 $0x30, s1;
	v5 =	vsel vm1, v5, v6;
	v6 =	vsel vm2, $0x800, v8;
	v9 =	vld [tilespmem:s7+$0x10]  }
.Ltmp2:
0x49: {  	v8 =	vor.u32 s12, v0;
	vm1 =	vlt.s32 v5, v6;
	vm2 =	veq.s32 v10, $0x0;
	(pc) =	sbr.rel @p0 .LBB2_2-.Ltmp2, $4  }
0x4a: {  	s12 =	sadd.s32 $0x40, s1;
	v5 =	vsel vm1, v5, v6;
	v8 =	vsel vm2, $0x800, v8;
	v6 =	vld [tilespmem:s7+$0x20]  }
0x4b: {  	v10 =	vor.u32 s12, v0;
	vm1 =	vlt.s32 v5, v8;
	vm2 =	veq.s32 v7, $0x0  }
0x4c: {  	s12 =	sadd.s32 $0x50, s1;
	v7 =	vsel vm1, v5, v8;
	v8 =	vsel vm2, $0x800, v10;
	v5 =	vld [tilespmem:s7+$0x30]  }
0x4d: {  	s7 =	sadd.s32 $0x400, s7;
	vm1 =	vlt.s32 v7, v8;
	vm2 =	veq.s32 v9, $0x0;
	v9 =	vor.u32 s12, v0  }
0x4e: {  	v7 =	vsel vm1, v7, v8;
	v60 =	vsel vm2, $0x800, v9;
	s0 =	sadd.s32 $0x60, s1  }
0x4f: {  	vm1 =	vlt.s32 v7, v60;
	vm2 =	veq.s32 v6, $0x0;
	v6 =	vor.u32 s0, v0  }
0x50: {  	s26 =	sadd.s32 $0x70, s1;
	v7 =	vsel vm1, v7, v60;
	v6 =	vsel vm2, $0x800, v6  }
0x51: {  	vm1 =	vlt.s32 v7, v6;
	vm2 =	veq.s32 v5, $0x0;
	v5 =	vor.u32 s26, v0  }
0x52: {  	v6 =	vsel vm1, v7, v6;
	v5 =	vsel vm2, $0x800, v5  }
0x53: {  	vm1 =	vlt.s32 v6, v5  }
0x54: {  	v5 =	vsel vm1, v6, v5  }
0x55: {  	(v2sf) =	vpush v5, $0x0  }
0x56: {  	(v2sf) =	vpush v5, $0x1;
	_ =	sdelay $0x1  }
0x57: {  	(v2sf) =	vpush v5, $0x2;
	_ =	sdelay $0x1  }
0x58: {  	(v2sf) =	vpush v5, $0x3;
	_ =	sdelay $0x1  }
0x59: {  	(v2sf) =	vpush v5, $0x4;
	_ =	sdelay $0x1  }
0x5a: {  	(v2sf) =	vpush v5, $0x5;
	_ =	sdelay $0x1  }
0x5b: {  	(v2sf) =	vpush v5, $0x6;
	_ =	sdelay $0x1  }
0x5c: {  	(v2sf) =	vpush v5, $0x7;
	_ =	sdelay $0x1  }
0x5d: {  	s0 =	spop (v2sf);
	(v2sf) =	vpush v5, $0x8  }
0x5e: {  	s1 =	spop (v2sf)  }
0x5f: {  	(v2sf) =	vpush v5, $0x9;
	p0 =	slt.s32 s0, s1  }
0x60: {  	s1 =	smov.u32 @p0 s0;
	s0 =	spop (v2sf)  }
0x61: {  	(v2sf) =	vpush v5, $0xA;
	p0 =	slt.s32 s1, s0  }
0x62: {  	s0 =	smov.u32 @p0 s1;
	s1 =	spop (v2sf)  }
0x63: {  	(v2sf) =	vpush v5, $0xB;
	p0 =	slt.s32 s0, s1  }
0x64: {  	s1 =	smov.u32 @p0 s0;
	s0 =	spop (v2sf)  }
0x65: {  	(v2sf) =	vpush v5, $0xC;
	p0 =	slt.s32 s1, s0  }
0x66: {  	s0 =	smov.u32 @p0 s1;
	s1 =	spop (v2sf)  }
0x67: {  	(v2sf) =	vpush v5, $0xD;
	p0 =	slt.s32 s0, s1  }
0x68: {  	s1 =	smov.u32 @p0 s0;
	s0 =	spop (v2sf)  }
0x69: {  	(v2sf) =	vpush v5, $0xE;
	p0 =	slt.s32 s1, s0  }
0x6a: {  	s0 =	smov.u32 @p0 s1;
	s1 =	spop (v2sf)  }
0x6b: {  	(v2sf) =	vpush v5, $0xF;
	p0 =	slt.s32 s0, s1  }
0x6c: {  	s7 =	spop (v2sf);
	s1 =	smov.u32 @p0 s0  }
0x6d: {  	p0 =	slt.s32 s1, s7  }
0x6e: {  	s0 =	spop (v2sf);
	s7 =	smov.u32 @p0 s1  }
0x6f: {  	p0 =	slt.s32 s7, s0  }
0x70: {  	s1 =	spop (v2sf);
	s0 =	smov.u32 @p0 s7  }
0x71: {  	p0 =	slt.s32 s0, s1  }
0x72: {  	s7 =	spop (v2sf);
	s1 =	smov.u32 @p0 s0  }
0x73: {  	p0 =	slt.s32 s1, s7  }
0x74: {  	s0 =	spop (v2sf);
	s7 =	smov.u32 @p0 s1  }
0x75: {  	p0 =	slt.s32 s7, s0  }
0x76: {  	s1 =	spop (v2sf);
	s0 =	smov.u32 @p0 s7  }
0x77: {  	p0 =	slt.s32 s0, s1  }
0x78: {  	s7 =	spop (v2sf);
	s1 =	smov.u32 @p0 s0  }
0x79: {  	p0 =	slt.s32 s1, s7  }
0x7a: {  	s12 =	spop (v2sf);
	s7 =	smov.u32 @p0 s1  }
0x7b: {  	p0 =	slt.s32 s7, s12  }
0x7c: {  	s12 =	smov.u32 @p0 s7  }
0x7d: {  	p0 =	slt.s32 s12, $0x800  }
0x7e: {  	p1 =	sgt.s32 s12, $0x7FF;
	s12 =	simm.s32 @!p0 $0x800  }
0x7f: {  	s12 =	simm.s32 @p1 $0x0  }
0x80: {  	s15 =	ssub.s32 s6, s12  }
0x81: {  	v5 =	vadd.s32 s15, v0  }
0x82: {  	vm1 =	vgt.s32 v5, $0x0  }
0x83: {  	v5 =	vnsel vm1, $0x0, v5  }
0x84: {  	v5 =	vmin.u32 v5, $0x7FF  }
0x85: {  	v6 =	vshll.u32 v5, $0x3  }
0x86: {  	v7 =	vand.u32 $0x7, v5;
	v6 =	vand.u32 $0x3FC0, v6  }
0x87: {  	v6 =	vor.u32 v7, v6  }
0x88: {  	v7 =	vperm.xlane v6, v1;
	_ =	sdelay $0x1  }
0x89: {  	v7 =	vadd.s32 v2, v7;
	_ =	sdelay $0x3  }
0x8a: {  	s22 =	simm.s32 $0x0;
	s28 =	simm.s32 $0x4200;
	[tilespmem:$0x4000] =	vst v5  }
0x8b: {  	[tilespmem:s28], [sflag:$0x1] =	stream.indirect_vreg.gather [hbm4b:s2+s22], $0x80, v7, vm0, $0xb8;
	[tilespmem:$0x14200] =	vst v63  }
0x8c: {  	s30 =	simm.s32 $0x4A00;
	s29 =	sadd.s32 $0x10, s15;
	v5 =	vperm.xlane v6, v3  }
0x8d: {  	v6 =	vadd.s32 s29, v0;
	[tilespmem:s30], [sflag:$0x1] =	stream.indirect_vreg.gather [hbm4b:s8+s22], $0x80, v7, vm0, $0xb8;
	[tilespmem:$0x14200] =	vst v63  }
0x8e: {  	s31 =	simm.s32 $0x5200;
	vm1 =	vgt.s32 v6, $0x0;
	v5 =	vadd.s32 v2, v5  }
0x8f: {  	v6 =	vnsel vm1, $0x0, v6;
	[tilespmem:s31], [sflag:$0x1] =	stream.indirect_vreg.gather [hbm4b:s9+s22], $0x80, v7, vm0, $0xb8;
	[tilespmem:$0x14200] =	vst v63  }
0x90: {  	s1 =	simm.s32 $0x5A00;
	v6 =	vmin.u32 v6, $0x7FF  }
0x91: {  	[tilespmem:s1], [sflag:$0x1] =	stream.indirect_vreg.gather [hbm4b:s10+s22], $0x80, v7, vm0, $0xb8;
	v7 =	vshll.u32 v6, $0x3;
	[tilespmem:$0x14200] =	vst v63  }
0x92: {  	s5 =	simm.s32 $0x6200;
	v61 =	vand.u32 $0x7, v6;
	v7 =	vand.u32 $0x3FC0, v7  }
0x93: {  	[tilespmem:s5], [sflag:$0x1] =	stream.indirect_vreg.gather [hbm4b:s2+s22], $0x80, v5, vm0, $0xb8;
	v7 =	vor.u32 v61, v7;
	[tilespmem:$0x14200] =	vst v63  }
0x94: {  	s7 =	simm.s32 $0x6A00;
	v8 =	vperm.xlane v7, v1  }
0x95: {  	[tilespmem:s7], [sflag:$0x1] =	stream.indirect_vreg.gather [hbm4b:s8+s22], $0x80, v5, vm0, $0xb8;
	[tilespmem:$0x14200] =	vst v63  }
0x96: {  	s13 =	simm.s32 $0x7200;
	v8 =	vadd.s32 v2, v8  }
0x97: {  	[tilespmem:s13], [sflag:$0x1] =	stream.indirect_vreg.gather [hbm4b:s9+s22], $0x80, v5, vm0, $0xb8;
	[tilespmem:$0x14200] =	vst v63  }
0x98: {  	s14 =	simm.s32 $0x7A00  }
0x99: {  	[tilespmem:s14], [sflag:$0x1] =	stream.indirect_vreg.gather [hbm4b:s10+s22], $0x80, v5, vm0, $0xb8;
	[tilespmem:$0x14200] =	vst v63  }
0x9a: {  	[tilespmem:$0x4080] =	vst v6  }
0x9b: {  	[tilespmem:s24], [sflag:$0x2] =	stream.indirect_vreg.gather [hbm4b:s2+s22], $0x80, v8, vm0, $0xb8;
	[tilespmem:$0x14200] =	vst v63  }
0x9c: {  	s17 =	simm.s32 $0x8A00;
	s16 =	sadd.s32 $0x20, s15;
	v5 =	vperm.xlane v7, v3  }
0x9d: {  	v6 =	vadd.s32 s16, v0;
	[tilespmem:s17], [sflag:$0x2] =	stream.indirect_vreg.gather [hbm4b:s8+s22], $0x80, v8, vm0, $0xb8;
	[tilespmem:$0x14200] =	vst v63  }
0x9e: {  	s18 =	simm.s32 $0x9200;
	v5 =	vadd.s32 v2, v5;
	vm1 =	vgt.s32 v6, $0x0  }
0x9f: {  	v6 =	vnsel vm1, $0x0, v6;
	[tilespmem:s18], [sflag:$0x2] =	stream.indirect_vreg.gather [hbm4b:s9+s22], $0x80, v8, vm0, $0xb8;
	[tilespmem:$0x14200] =	vst v63  }
0xa0: {  	s19 =	simm.s32 $0x9A00;
	v6 =	vmin.u32 v6, $0x7FF  }
0xa1: {  	v7 =	vshll.u32 v6, $0x3;
	[tilespmem:s19], [sflag:$0x2] =	stream.indirect_vreg.gather [hbm4b:s10+s22], $0x80, v8, vm0, $0xb8;
	[tilespmem:$0x14200] =	vst v63  }
0xa2: {  	s24 =	simm.s32 $0xA200;
	v62 =	vand.u32 $0x7, v6;
	v7 =	vand.u32 $0x3FC0, v7  }
0xa3: {  	v7 =	vor.u32 v62, v7;
	[tilespmem:s24], [sflag:$0x2] =	stream.indirect_vreg.gather [hbm4b:s2+s22], $0x80, v5, vm0, $0xb8;
	[tilespmem:$0x14200] =	vst v63  }
0xa4: {  	s25 =	simm.s32 $0xAA00;
	v8 =	vperm.xlane v7, v1  }
0xa5: {  	[tilespmem:s25], [sflag:$0x2] =	stream.indirect_vreg.gather [hbm4b:s8+s22], $0x80, v5, vm0, $0xb8;
	[tilespmem:$0x14200] =	vst v63  }
0xa6: {  	s26 =	simm.s32 $0xB200;
	v8 =	vadd.s32 v2, v8  }
0xa7: {  	[tilespmem:s26], [sflag:$0x2] =	stream.indirect_vreg.gather [hbm4b:s9+s22], $0x80, v5, vm0, $0xb8;
	[tilespmem:$0x14200] =	vst v63  }
0xa8: {  	s28 =	simm.s32 $0xBA00  }
0xa9: {  	[tilespmem:s28], [sflag:$0x2] =	stream.indirect_vreg.gather [hbm4b:s10+s22], $0x80, v5, vm0, $0xb8;
	[tilespmem:$0x14200] =	vst v63  }
0xaa: {  	s29 =	simm.s32 $0xC200;
	[tilespmem:$0x4100] =	vst v6  }
0xab: {  	[tilespmem:s29], [sflag:$0x3] =	stream.indirect_vreg.gather [hbm4b:s2+s22], $0x80, v8, vm0, $0xb8;
	[tilespmem:$0x14200] =	vst v63  }
0xac: {  	s30 =	sadd.s32 $0x30, s15;
	s31 =	simm.s32 $0xCA00;
	v5 =	vperm.xlane v7, v3  }
0xad: {  	v6 =	vadd.s32 s30, v0;
	[tilespmem:s31], [sflag:$0x3] =	stream.indirect_vreg.gather [hbm4b:s8+s22], $0x80, v8, vm0, $0xb8;
	[tilespmem:$0x14200] =	vst v63  }
0xae: {  	s1 =	simm.s32 $0xD200;
	v5 =	vadd.s32 v2, v5;
	vm1 =	vgt.s32 v6, $0x0  }
0xaf: {  	v6 =	vnsel vm1, $0x0, v6;
	[tilespmem:s1], [sflag:$0x3] =	stream.indirect_vreg.gather [hbm4b:s9+s22], $0x80, v8, vm0, $0xb8;
	[tilespmem:$0x14200] =	vst v63  }
0xb0: {  	s5 =	simm.s32 $0xDA00;
	v6 =	vmin.u32 v6, $0x7FF  }
0xb1: {  	v7 =	vshll.u32 v6, $0x3;
	[tilespmem:s5], [sflag:$0x3] =	stream.indirect_vreg.gather [hbm4b:s10+s22], $0x80, v8, vm0, $0xb8;
	[tilespmem:$0x14200] =	vst v63  }
0xb2: {  	s7 =	simm.s32 $0xE200;
	v63 =	vand.u32 $0x7, v6;
	v7 =	vand.u32 $0x3FC0, v7  }
0xb3: {  	v7 =	vor.u32 v63, v7;
	[tilespmem:s7], [sflag:$0x3] =	stream.indirect_vreg.gather [hbm4b:s2+s22], $0x80, v5, vm0, $0xb8;
	[tilespmem:$0x14200] =	vst v63  }
0xb4: {  	s13 =	simm.s32 $0xEA00;
	v8 =	vperm.xlane v7, v1  }
0xb5: {  	[tilespmem:s13], [sflag:$0x3] =	stream.indirect_vreg.gather [hbm4b:s8+s22], $0x80, v5, vm0, $0xb8;
	[tilespmem:$0x14200] =	vst v63  }
0xb6: {  	s14 =	simm.s32 $0xF200;
	v8 =	vadd.s32 v2, v8  }
0xb7: {  	[tilespmem:s14], [sflag:$0x3] =	stream.indirect_vreg.gather [hbm4b:s9+s22], $0x80, v5, vm0, $0xb8;
	[tilespmem:$0x14200] =	vst v63  }
0xb8: {  	s16 =	simm.s32 $0xFA00  }
0xb9: {  	[tilespmem:s16], [sflag:$0x3] =	stream.indirect_vreg.gather [hbm4b:s10+s22], $0x80, v5, vm0, $0xb8;
	[tilespmem:$0x14200] =	vst v63  }
0xba: {  	s17 =	simm.s32 $0x10200;
	[tilespmem:$0x4180] =	vst v6  }
0xbb: {  	[tilespmem:s17], [sflag:$0x4] =	stream.indirect_vreg.gather [hbm4b:s2+s22], $0x80, v8, vm0, $0xb8;
	[tilespmem:$0x14200] =	vst v63  }
0xbc: {  	s18 =	simm.s32 $0x10A00;
	v5 =	vperm.xlane v7, v3  }
0xbd: {  	[tilespmem:s18], [sflag:$0x4] =	stream.indirect_vreg.gather [hbm4b:s8+s22], $0x80, v8, vm0, $0xb8;
	[tilespmem:$0x14200] =	vst v63  }
0xbe: {  	s19 =	simm.s32 $0x11200;
	v5 =	vadd.s32 v2, v5  }
0xbf: {  	[tilespmem:s19], [sflag:$0x4] =	stream.indirect_vreg.gather [hbm4b:s9+s22], $0x80, v8, vm0, $0xb8;
	[tilespmem:$0x14200] =	vst v63  }
0xc0: {  	s24 =	simm.s32 $0x11A00  }
0xc1: {  	[tilespmem:s24], [sflag:$0x4] =	stream.indirect_vreg.gather [hbm4b:s10+s22], $0x80, v8, vm0, $0xb8;
	[tilespmem:$0x14200] =	vst v63  }
0xc2: {  	s25 =	simm.s32 $0x12200;
	s26 =	simm.s32 $0x12A00;
	s28 =	simm.s32 $0x13200  }
0xc3: {  	[tilespmem:s25], [sflag:$0x4] =	stream.indirect_vreg.gather [hbm4b:s2+s22], $0x80, v5, vm0, $0xb8;
	[tilespmem:$0x14200] =	vst v63  }
0xc4: {  	s30 =	rddreg [dreg:$0x5];
	s29 =	simm.s32 $0x13A00;
	s31 =	ssub.s32 s12, s6  }
0xc5: {  	[tilespmem:s26], [sflag:$0x4] =	stream.indirect_vreg.gather [hbm4b:s8+s22], $0x80, v5, vm0, $0xb8;
	[tilespmem:$0x14200] =	vst v63  }
0xc6: {  	s7 =	sadd.s32 $0x50, s15;
	s13 =	sadd.s32 s12, s30;
	s14 =	sadd.s32 $0xFFFFFFF0, s31  }
0xc7: {  	[tilespmem:s28], [sflag:$0x4] =	stream.indirect_vreg.gather [hbm4b:s9+s22], $0x80, v5, vm0, $0xb8;
	[tilespmem:$0x14200] =	vst v63  }
0xc8: {  	s18 =	sadd.s32 $0x40, s15;
	s25 =	sadd.s32 $0xFFFFFFE0, s31;
	s26 =	sadd.s32 $0xFFFFFFD0, s31  }
0xc9: {  	[tilespmem:s29], [sflag:$0x4] =	stream.indirect_vreg.gather [hbm4b:s10+s22], $0x80, v5, vm0, $0xb8;
	[tilespmem:$0x14200] =	vst v63  }
.LBB2_4:
0xca: {  	s28 =	sshll.u32 s22, $0x6  }
0xcb: {  	s0 =	sor.u32 s6, s28  }
0xcc: {  	s0 =	ssub.s32 s12, s0  }
0xcd: {  	p0 =	slt.s32 s0, $0x1  }
.Ltmp3:
0xce: {  	_ = 	snop;
	(pc) =	sbr.rel @p0 .LBB2_7-.Ltmp3, $4  }
0xcf: {  	s1 =	simm.s32 $0x1  }
0xd0: {  	_ =	swait.ge [sflag:s1], $0x4000  }
0xd1: {  	[sflag:s1] =	ssyncset.done $0x0  }
0xd2: {  	[sflag:s1] =	ssyncadd.s32 $0xFFFFC000  }
0xd3: {  	p0 =	sgt.s32 s13, $0x1;
	s0 =	smov.u32 s13  }
0xd4: {  	s0 =	simm.s32 @!p0 $0x1  }
0xd5: {  	s16 =	simm.s32 $0x0;
	s0 =	smin.u32 s0, $0x10  }
0xd6: {  	s17 =	simm.s32 $0x0;
	s1 =	sshll.u32 s0, $0x7;
	s0 =	simm.s32 $0x0  }
.LBB2_6:
0xd7: {  	s24 =	sand.u32 $0xFFFFE000, s0;
	s29 =	sand.u32 $0x380, s17  }
0xd8: {  	s24 =	sor.u32 s29, s24  }
0xd9: {  	[tilespmem:s24+$0x4200] =	vst v4  }
0xda: {  	[tilespmem:s24+$0x4210] =	vst v4  }
0xdb: {  	[tilespmem:s24+$0x4220] =	vst v4  }
0xdc: {  	[tilespmem:s24+$0x4230] =	vst v4  }
0xdd: {  	[tilespmem:s24+$0x4240] =	vst v4  }
0xde: {  	[tilespmem:s24+$0x4250] =	vst v4  }
0xdf: {  	[tilespmem:s24+$0x4260] =	vst v4  }
0xe0: {  	[tilespmem:s24+$0x4270] =	vst v4  }
0xe1: {  	[tilespmem:s24+$0x4600] =	vst v4  }
0xe2: {  	[tilespmem:s24+$0x4610] =	vst v4  }
0xe3: {  	[tilespmem:s24+$0x4620] =	vst v4  }
0xe4: {  	[tilespmem:s24+$0x4630] =	vst v4  }
0xe5: {  	[tilespmem:s24+$0x4640] =	vst v4  }
0xe6: {  	[tilespmem:s24+$0x4650] =	vst v4  }
0xe7: {  	[tilespmem:s24+$0x4660] =	vst v4  }
0xe8: {  	[tilespmem:s24+$0x4670] =	vst v4  }
0xe9: {  	[tilespmem:s24+$0x4A00] =	vst v4  }
0xea: {  	[tilespmem:s24+$0x4A10] =	vst v4  }
0xeb: {  	[tilespmem:s24+$0x4A20] =	vst v4  }
0xec: {  	[tilespmem:s24+$0x4A30] =	vst v4  }
0xed: {  	[tilespmem:s24+$0x4A40] =	vst v4  }
0xee: {  	[tilespmem:s24+$0x4A50] =	vst v4  }
0xef: {  	[tilespmem:s24+$0x4A60] =	vst v4  }
0xf0: {  	[tilespmem:s24+$0x4A70] =	vst v4  }
0xf1: {  	[tilespmem:s24+$0x4E00] =	vst v4  }
0xf2: {  	[tilespmem:s24+$0x4E10] =	vst v4  }
0xf3: {  	[tilespmem:s24+$0x4E20] =	vst v4  }
0xf4: {  	[tilespmem:s24+$0x4E30] =	vst v4  }
0xf5: {  	[tilespmem:s24+$0x4E40] =	vst v4  }
0xf6: {  	[tilespmem:s24+$0x4E50] =	vst v4  }
0xf7: {  	[tilespmem:s24+$0x4E60] =	vst v4  }
0xf8: {  	[tilespmem:s24+$0x4E70] =	vst v4  }
0xf9: {  	[tilespmem:s24+$0x5200] =	vst v4  }
0xfa: {  	[tilespmem:s24+$0x5210] =	vst v4  }
0xfb: {  	[tilespmem:s24+$0x5220] =	vst v4  }
0xfc: {  	[tilespmem:s24+$0x5230] =	vst v4  }
0xfd: {  	[tilespmem:s24+$0x5240] =	vst v4  }
0xfe: {  	[tilespmem:s24+$0x5250] =	vst v4  }
0xff: {  	[tilespmem:s24+$0x5260] =	vst v4  }
0x100: {  	[tilespmem:s24+$0x5270] =	vst v4  }
0x101: {  	[tilespmem:s24+$0x5600] =	vst v4  }
0x102: {  	[tilespmem:s24+$0x5610] =	vst v4  }
0x103: {  	[tilespmem:s24+$0x5620] =	vst v4  }
0x104: {  	[tilespmem:s24+$0x5630] =	vst v4  }
0x105: {  	[tilespmem:s24+$0x5640] =	vst v4  }
0x106: {  	[tilespmem:s24+$0x5650] =	vst v4  }
0x107: {  	[tilespmem:s24+$0x5660] =	vst v4  }
0x108: {  	[tilespmem:s24+$0x5670] =	vst v4  }
0x109: {  	[tilespmem:s24+$0x5A00] =	vst v4  }
0x10a: {  	[tilespmem:s24+$0x5A10] =	vst v4  }
0x10b: {  	[tilespmem:s24+$0x5A20] =	vst v4  }
0x10c: {  	[tilespmem:s24+$0x5A30] =	vst v4  }
0x10d: {  	s31 =	sand.u32 $0x7, s16;
	[tilespmem:s24+$0x5A40] =	vst v4  }
0x10e: {  	s29 =	sshll.u32 s31, $0x7;
	[tilespmem:s24+$0x5A50] =	vst v4  }
0x10f: {  	s29 =	sadd.s32 s29, s0;
	[tilespmem:s24+$0x5A60] =	vst v4  }
0x110: {  	[tilespmem:s24+$0x5A70] =	vst v4;
	s5 =	sor.u32 $0x1C00, s29  }
0x111: {  	s19 =	sor.u32 $0x1C10, s29;
	[tilespmem:s5+$0x4200] =	vst v4  }
0x112: {  	s17 =	sadd.s32 $0x80, s17;
	s30 =	sor.u32 $0x1C20, s29;
	[tilespmem:s19+$0x4200] =	vst v4  }
0x113: {  	p0 =	sne.s32 s1, s17;
	s31 =	sor.u32 $0x1C30, s29;
	[tilespmem:s30+$0x4200] =	vst v4  }
.Ltmp4:
0x114: {  	s5 =	sor.u32 $0x1C40, s29;
	[tilespmem:s31+$0x4200] =	vst v4;
	(pc) =	sbr.rel @p0 .LBB2_6-.Ltmp4, $4  }
0x115: {  	s19 =	sor.u32 $0x1C50, s29;
	[tilespmem:s5+$0x4200] =	vst v4  }
0x116: {  	s30 =	sor.u32 $0x1C60, s29;
	[tilespmem:s19+$0x4200] =	vst v4  }
0x117: {  	s31 =	sor.u32 $0x1C70, s29;
	[tilespmem:s30+$0x4200] =	vst v4  }
0x118: {  	s16 =	sadd.s32 $0x1, s16;
	s0 =	sadd.s32 $0x400, s0;
	[tilespmem:s31+$0x4200] =	vst v4  }
.LBB2_7:
0x119: {  	s30 =	sshll.u32 s22, $0x2  }
0x11a: {  	p0 =	seq.s32 s22, $0x0;
	s29 =	sor.u32 $0x2, s30  }
0x11b: {  	s0 =	sshll.u32 @!p0 s29, $0x4  }
0x11c: {  	v6 =	vlaneseq.u32 @!p0;
	s0 =	sadd.s32 @!p0 s15, s0  }
0x11d: {  	v5 =	vadd.s32 @!p0 s0, v6  }
0x11e: {  	vm1 =	vgt.s32 @!p0 v5, $0x0  }
0x11f: {  	v5 =	vnsel @!p0 vm1, $0x0, v5  }
0x120: {  	v8 =	vmin.u32 @!p0 v5, $0x7FF  }
0x121: {  	v5 =	vshll.u32 @!p0 v8, $0x3  }
0x122: {  	s19 =	sadd.s32 s11, s28;
	v7 =	vand.u32 @!p0 $0x7, v8;
	v5 =	vand.u32 @!p0 $0x3FC0, v5  }
0x123: {  	s0 =	sshll.u32 s19, $0x7;
	v9 =	vor.u32 @!p0 v7, v5;
	v7 =	vand.u32 @!p0 $0x7, v6;
	v5 =	vshrl.u32 @!p0 v6, $0x3  }
0x124: {  	s1 =	simm.s32 $0x4200;
	s0 =	sadd.s32 s3, s0;
	v10 =	vperm.xlane @!p0 v9, v7;
	v5 =	vmul.u32 @!p0 $0x8, v5  }
0x125: {  	[hbm4b:s0+s4] =	stream.linear.scatter [tilespmem:s1], [sflag:$0x5], $0x4000, $0x38;
	[tilespmem:$0x14200] =	vst v63  }
0x126: {  	s0 =	simm.s32 @!p0 $0x7;
	v10 =	vadd.s32 @!p0 v5, v10  }
0x127: {  	_ =	swait.ge @!p0 [sflag:s0], $0x4000  }
0x128: {  	[sflag:s0] =	ssyncset.done @!p0 $0x0  }
0x129: {  	[sflag:s0] =	ssyncadd.s32 @!p0 $0xFFFFC000  }
0x12a: {  	s31 =	simm.s32 @!p0 $0x0;
	vm1 =	vmmov @!p0 $0xffff;
	s0 =	simm.s32 @!p0 $0xC200;
	[tilespmem:$0x4100] =	vst @!p0 v8  }
0x12b: {  	v8 =	vor.u32 @!p0 $0x8, v6;
	[tilespmem:s0], [sflag:$0x3] =	stream.indirect_vreg.gather @!p0 [hbm4b:s2+s31], $0x80, v10, vm1, $0xb8;
	[tilespmem:$0x14200] =	vst v63  }
0x12c: {  	v9 =	vperm.xlane @!p0 v9, v8;
	s0 =	simm.s32 @!p0 $0xCA00  }
0x12d: {  	[tilespmem:s0], [sflag:$0x3] =	stream.indirect_vreg.gather @!p0 [hbm4b:s8+s31], $0x80, v10, vm1, $0xb8;
	[tilespmem:$0x14200] =	vst v63  }
0x12e: {  	v9 =	vadd.s32 @!p0 v5, v9;
	s0 =	simm.s32 @!p0 $0xD200  }
0x12f: {  	[tilespmem:s0], [sflag:$0x3] =	stream.indirect_vreg.gather @!p0 [hbm4b:s9+s31], $0x80, v10, vm1, $0xb8;
	[tilespmem:$0x14200] =	vst v63  }
0x130: {  	s0 =	simm.s32 @!p0 $0xDA00  }
0x131: {  	[tilespmem:s0], [sflag:$0x3] =	stream.indirect_vreg.gather @!p0 [hbm4b:s10+s31], $0x80, v10, vm1, $0xb8;
	[tilespmem:$0x14200] =	vst v63  }
0x132: {  	s0 =	simm.s32 @!p0 $0xE200  }
0x133: {  	[tilespmem:s0], [sflag:$0x3] =	stream.indirect_vreg.gather @!p0 [hbm4b:s2+s31], $0x80, v9, vm1, $0xb8;
	[tilespmem:$0x14200] =	vst v63  }
0x134: {  	s0 =	simm.s32 @!p0 $0xEA00  }
0x135: {  	[tilespmem:s0], [sflag:$0x3] =	stream.indirect_vreg.gather @!p0 [hbm4b:s8+s31], $0x80, v9, vm1, $0xb8;
	[tilespmem:$0x14200] =	vst v63  }
0x136: {  	s1 =	sor.u32 $0x10, s28;
	s0 =	simm.s32 @!p0 $0xF200  }
0x137: {  	[tilespmem:s0], [sflag:$0x3] =	stream.indirect_vreg.gather @!p0 [hbm4b:s9+s31], $0x80, v9, vm1, $0xb8;
	[tilespmem:$0x14200] =	vst v63  }
0x138: {  	s24 =	sor.u32 s6, s1;
	s0 =	simm.s32 @!p0 $0xFA00  }
0x139: {  	[tilespmem:s0], [sflag:$0x3] =	stream.indirect_vreg.gather @!p0 [hbm4b:s10+s31], $0x80, v9, vm1, $0xb8;
	[tilespmem:$0x14200] =	vst v63  }
0x13a: {  	s0 =	ssub.s32 s12, s24  }
0x13b: {  	p1 =	slt.s32 s0, $0x1  }
.Ltmp5:
0x13c: {  	_ = 	snop;
	(pc) =	sbr.rel @p1 .LBB2_10-.Ltmp5, $4  }
0x13d: {  	s5 =	simm.s32 $0x2  }
0x13e: {  	_ =	swait.ge [sflag:s5], $0x4000  }
0x13f: {  	[sflag:s5] =	ssyncset.done $0x0  }
0x140: {  	[sflag:s5] =	ssyncadd.s32 $0xFFFFC000  }
0x141: {  	p1 =	sgt.s32 s14, $0x1;
	s0 =	smov.u32 s14  }
0x142: {  	s0 =	simm.s32 @!p1 $0x1  }
0x143: {  	s17 =	simm.s32 $0x0;
	s0 =	smin.u32 s0, $0x10  }
0x144: {  	s24 =	simm.s32 $0x0;
	s16 =	sshll.u32 s0, $0x7;
	s0 =	simm.s32 $0x0  }
.LBB2_9:
0x145: {  	s5 =	sand.u32 $0xFFFFE000, s17;
	s19 =	sand.u32 $0x380, s24  }
0x146: {  	s5 =	sor.u32 s19, s5  }
0x147: {  	[tilespmem:s5+$0x8200] =	vst v4  }
0x148: {  	[tilespmem:s5+$0x8210] =	vst v4  }
0x149: {  	[tilespmem:s5+$0x8220] =	vst v4  }
0x14a: {  	[tilespmem:s5+$0x8230] =	vst v4  }
0x14b: {  	[tilespmem:s5+$0x8240] =	vst v4  }
0x14c: {  	[tilespmem:s5+$0x8250] =	vst v4  }
0x14d: {  	[tilespmem:s5+$0x8260] =	vst v4  }
0x14e: {  	[tilespmem:s5+$0x8270] =	vst v4  }
0x14f: {  	[tilespmem:s5+$0x8600] =	vst v4  }
0x150: {  	[tilespmem:s5+$0x8610] =	vst v4  }
0x151: {  	[tilespmem:s5+$0x8620] =	vst v4  }
0x152: {  	[tilespmem:s5+$0x8630] =	vst v4  }
0x153: {  	[tilespmem:s5+$0x8640] =	vst v4  }
0x154: {  	[tilespmem:s5+$0x8650] =	vst v4  }
0x155: {  	[tilespmem:s5+$0x8660] =	vst v4  }
0x156: {  	[tilespmem:s5+$0x8670] =	vst v4  }
0x157: {  	[tilespmem:s5+$0x8A00] =	vst v4  }
0x158: {  	[tilespmem:s5+$0x8A10] =	vst v4  }
0x159: {  	[tilespmem:s5+$0x8A20] =	vst v4  }
0x15a: {  	[tilespmem:s5+$0x8A30] =	vst v4  }
0x15b: {  	[tilespmem:s5+$0x8A40] =	vst v4  }
0x15c: {  	[tilespmem:s5+$0x8A50] =	vst v4  }
0x15d: {  	[tilespmem:s5+$0x8A60] =	vst v4  }
0x15e: {  	[tilespmem:s5+$0x8A70] =	vst v4  }
0x15f: {  	[tilespmem:s5+$0x8E00] =	vst v4  }
0x160: {  	[tilespmem:s5+$0x8E10] =	vst v4  }
0x161: {  	[tilespmem:s5+$0x8E20] =	vst v4  }
0x162: {  	[tilespmem:s5+$0x8E30] =	vst v4  }
0x163: {  	[tilespmem:s5+$0x8E40] =	vst v4  }
0x164: {  	[tilespmem:s5+$0x8E50] =	vst v4  }
0x165: {  	[tilespmem:s5+$0x8E60] =	vst v4  }
0x166: {  	[tilespmem:s5+$0x8E70] =	vst v4  }
0x167: {  	[tilespmem:s5+$0x9200] =	vst v4  }
0x168: {  	[tilespmem:s5+$0x9210] =	vst v4  }
0x169: {  	[tilespmem:s5+$0x9220] =	vst v4  }
0x16a: {  	[tilespmem:s5+$0x9230] =	vst v4  }
0x16b: {  	[tilespmem:s5+$0x9240] =	vst v4  }
0x16c: {  	[tilespmem:s5+$0x9250] =	vst v4  }
0x16d: {  	[tilespmem:s5+$0x9260] =	vst v4  }
0x16e: {  	[tilespmem:s5+$0x9270] =	vst v4  }
0x16f: {  	[tilespmem:s5+$0x9600] =	vst v4  }
0x170: {  	[tilespmem:s5+$0x9610] =	vst v4  }
0x171: {  	[tilespmem:s5+$0x9620] =	vst v4  }
0x172: {  	[tilespmem:s5+$0x9630] =	vst v4  }
0x173: {  	[tilespmem:s5+$0x9640] =	vst v4  }
0x174: {  	[tilespmem:s5+$0x9650] =	vst v4  }
0x175: {  	[tilespmem:s5+$0x9660] =	vst v4  }
0x176: {  	[tilespmem:s5+$0x9670] =	vst v4  }
0x177: {  	[tilespmem:s5+$0x9A00] =	vst v4  }
0x178: {  	[tilespmem:s5+$0x9A10] =	vst v4  }
0x179: {  	[tilespmem:s5+$0x9A20] =	vst v4  }
0x17a: {  	[tilespmem:s5+$0x9A30] =	vst v4  }
0x17b: {  	s19 =	sand.u32 $0x7, s0;
	[tilespmem:s5+$0x9A40] =	vst v4  }
0x17c: {  	s19 =	sshll.u32 s19, $0x7;
	[tilespmem:s5+$0x9A50] =	vst v4  }
0x17d: {  	[tilespmem:s5+$0x9A60] =	vst v4;
	s19 =	sadd.s32 s19, s17  }
0x17e: {  	[tilespmem:s5+$0x9A70] =	vst v4;
	s5 =	sor.u32 $0x1C00, s19  }
0x17f: {  	[tilespmem:s5+$0x8200] =	vst v4;
	s5 =	sor.u32 $0x1C10, s19  }
0x180: {  	s24 =	sadd.s32 $0x80, s24;
	[tilespmem:s5+$0x8200] =	vst v4;
	s5 =	sor.u32 $0x1C20, s19  }
0x181: {  	p1 =	sne.s32 s16, s24;
	[tilespmem:s5+$0x8200] =	vst v4;
	s5 =	sor.u32 $0x1C30, s19  }
.Ltmp6:
0x182: {  	[tilespmem:s5+$0x8200] =	vst v4;
	s5 =	sor.u32 $0x1C40, s19;
	(pc) =	sbr.rel @p1 .LBB2_9-.Ltmp6, $4  }
0x183: {  	[tilespmem:s5+$0x8200] =	vst v4;
	s5 =	sor.u32 $0x1C50, s19  }
0x184: {  	[tilespmem:s5+$0x8200] =	vst v4;
	s5 =	sor.u32 $0x1C60, s19  }
0x185: {  	s19 =	sor.u32 $0x1C70, s19;
	[tilespmem:s5+$0x8200] =	vst v4  }
0x186: {  	s0 =	sadd.s32 $0x1, s0;
	s17 =	sadd.s32 $0x400, s17;
	[tilespmem:s19+$0x8200] =	vst v4  }
.LBB2_10:
0x187: {  	s30 =	sor.u32 $0x3, s30  }
0x188: {  	s0 =	sshll.u32 @!p0 s30, $0x4  }
0x189: {  	s0 =	sadd.s32 @!p0 s15, s0  }
0x18a: {  	v6 =	vadd.s32 @!p0 s0, v6  }
0x18b: {  	vm2 =	vgt.s32 @!p0 v6, $0x0  }
0x18c: {  	v6 =	vnsel @!p0 vm2, $0x0, v6  }
0x18d: {  	v6 =	vmin.u32 @!p0 v6, $0x7FF  }
0x18e: {  	v9 =	vshll.u32 @!p0 v6, $0x3  }
0x18f: {  	s24 =	sadd.s32 s11, s1;
	v10 =	vand.u32 @!p0 $0x7, v6;
	v9 =	vand.u32 @!p0 $0x3FC0, v9  }
0x190: {  	s0 =	sshll.u32 s24, $0x7;
	v9 =	vor.u32 @!p0 v10, v9  }
0x191: {  	s24 =	simm.s32 $0x8200;
	s0 =	sadd.s32 s3, s0;
	v7 =	vperm.xlane @!p0 v9, v7  }
0x192: {  	[hbm4b:s0+s4] =	stream.linear.scatter [tilespmem:s24], [sflag:$0x6], $0x4000, $0x38;
	[tilespmem:$0x14200] =	vst v63  }
0x193: {  	s0 =	simm.s32 @!p0 $0x8;
	v7 =	vadd.s32 @!p0 v5, v7  }
0x194: {  	_ =	swait.ge @!p0 [sflag:s0], $0x4000  }
0x195: {  	[sflag:s0] =	ssyncset.done @!p0 $0x0  }
0x196: {  	[sflag:s0] =	ssyncadd.s32 @!p0 $0xFFFFC000  }
0x197: {  	s0 =	simm.s32 @!p0 $0x10200;
	[tilespmem:$0x4180] =	vst @!p0 v6  }
0x198: {  	[tilespmem:s0], [sflag:$0x4] =	stream.indirect_vreg.gather @!p0 [hbm4b:s2+s31], $0x80, v7, vm1, $0xb8;
	[tilespmem:$0x14200] =	vst v63  }
0x199: {  	v6 =	vperm.xlane @!p0 v9, v8;
	s0 =	simm.s32 @!p0 $0x10A00  }
0x19a: {  	[tilespmem:s0], [sflag:$0x4] =	stream.indirect_vreg.gather @!p0 [hbm4b:s8+s31], $0x80, v7, vm1, $0xb8;
	[tilespmem:$0x14200] =	vst v63  }
0x19b: {  	v5 =	vadd.s32 @!p0 v5, v6;
	s0 =	simm.s32 @!p0 $0x11200  }
0x19c: {  	[tilespmem:s0], [sflag:$0x4] =	stream.indirect_vreg.gather @!p0 [hbm4b:s9+s31], $0x80, v7, vm1, $0xb8;
	[tilespmem:$0x14200] =	vst v63  }
0x19d: {  	s0 =	simm.s32 @!p0 $0x11A00  }
0x19e: {  	[tilespmem:s0], [sflag:$0x4] =	stream.indirect_vreg.gather @!p0 [hbm4b:s10+s31], $0x80, v7, vm1, $0xb8;
	[tilespmem:$0x14200] =	vst v63  }
0x19f: {  	s0 =	simm.s32 @!p0 $0x12200  }
0x1a0: {  	[tilespmem:s0], [sflag:$0x4] =	stream.indirect_vreg.gather @!p0 [hbm4b:s2+s31], $0x80, v5, vm1, $0xb8;
	[tilespmem:$0x14200] =	vst v63  }
0x1a1: {  	s0 =	simm.s32 @!p0 $0x12A00  }
0x1a2: {  	[tilespmem:s0], [sflag:$0x4] =	stream.indirect_vreg.gather @!p0 [hbm4b:s8+s31], $0x80, v5, vm1, $0xb8;
	[tilespmem:$0x14200] =	vst v63  }
0x1a3: {  	s0 =	simm.s32 @!p0 $0x13200  }
0x1a4: {  	[tilespmem:s0], [sflag:$0x4] =	stream.indirect_vreg.gather @!p0 [hbm4b:s9+s31], $0x80, v5, vm1, $0xb8;
	[tilespmem:$0x14200] =	vst v63  }
0x1a5: {  	s1 =	sshll.u32 s29, $0x4;
	s0 =	simm.s32 @!p0 $0x13A00  }
0x1a6: {  	[tilespmem:s0], [sflag:$0x4] =	stream.indirect_vreg.gather @!p0 [hbm4b:s10+s31], $0x80, v5, vm1, $0xb8;
	[tilespmem:$0x14200] =	vst v63  }
0x1a7: {  	s31 =	sor.u32 s6, s1  }
0x1a8: {  	s0 =	ssub.s32 s12, s31  }
0x1a9: {  	p0 =	slt.s32 s0, $0x1  }
.Ltmp7:
0x1aa: {  	_ = 	snop;
	(pc) =	sbr.rel @p0 .LBB2_13-.Ltmp7, $4  }
0x1ab: {  	_ = 	snop  }
0x1ac: {  	_ =	swait.ge [sflag:s20], $0x4000  }
0x1ad: {  	[sflag:s20] =	ssyncset.done $0x0  }
0x1ae: {  	[sflag:s20] =	ssyncadd.s32 $0xFFFFC000  }
0x1af: {  	p0 =	sgt.s32 s25, $0x1;
	s0 =	smov.u32 s25  }
0x1b0: {  	s0 =	simm.s32 @!p0 $0x1  }
0x1b1: {  	s16 =	simm.s32 $0x0;
	s0 =	smin.u32 s0, $0x10  }
0x1b2: {  	s17 =	simm.s32 $0x0;
	s29 =	sshll.u32 s0, $0x7;
	s0 =	simm.s32 $0x0  }
.LBB2_12:
0x1b3: {  	s5 =	sand.u32 $0xFFFFE000, s16;
	s19 =	sand.u32 $0x380, s17  }
0x1b4: {  	s5 =	sor.u32 s19, s5  }
0x1b5: {  	[tilespmem:s5+$0xC200] =	vst v4  }
0x1b6: {  	[tilespmem:s5+$0xC210] =	vst v4  }
0x1b7: {  	[tilespmem:s5+$0xC220] =	vst v4  }
0x1b8: {  	[tilespmem:s5+$0xC230] =	vst v4  }
0x1b9: {  	[tilespmem:s5+$0xC240] =	vst v4  }
0x1ba: {  	[tilespmem:s5+$0xC250] =	vst v4  }
0x1bb: {  	[tilespmem:s5+$0xC260] =	vst v4  }
0x1bc: {  	[tilespmem:s5+$0xC270] =	vst v4  }
0x1bd: {  	[tilespmem:s5+$0xC600] =	vst v4  }
0x1be: {  	[tilespmem:s5+$0xC610] =	vst v4  }
0x1bf: {  	[tilespmem:s5+$0xC620] =	vst v4  }
0x1c0: {  	[tilespmem:s5+$0xC630] =	vst v4  }
0x1c1: {  	[tilespmem:s5+$0xC640] =	vst v4  }
0x1c2: {  	[tilespmem:s5+$0xC650] =	vst v4  }
0x1c3: {  	[tilespmem:s5+$0xC660] =	vst v4  }
0x1c4: {  	[tilespmem:s5+$0xC670] =	vst v4  }
0x1c5: {  	[tilespmem:s5+$0xCA00] =	vst v4  }
0x1c6: {  	[tilespmem:s5+$0xCA10] =	vst v4  }
0x1c7: {  	[tilespmem:s5+$0xCA20] =	vst v4  }
0x1c8: {  	[tilespmem:s5+$0xCA30] =	vst v4  }
0x1c9: {  	[tilespmem:s5+$0xCA40] =	vst v4  }
0x1ca: {  	[tilespmem:s5+$0xCA50] =	vst v4  }
0x1cb: {  	[tilespmem:s5+$0xCA60] =	vst v4  }
0x1cc: {  	[tilespmem:s5+$0xCA70] =	vst v4  }
0x1cd: {  	[tilespmem:s5+$0xCE00] =	vst v4  }
0x1ce: {  	[tilespmem:s5+$0xCE10] =	vst v4  }
0x1cf: {  	[tilespmem:s5+$0xCE20] =	vst v4  }
0x1d0: {  	[tilespmem:s5+$0xCE30] =	vst v4  }
0x1d1: {  	[tilespmem:s5+$0xCE40] =	vst v4  }
0x1d2: {  	[tilespmem:s5+$0xCE50] =	vst v4  }
0x1d3: {  	[tilespmem:s5+$0xCE60] =	vst v4  }
0x1d4: {  	[tilespmem:s5+$0xCE70] =	vst v4  }
0x1d5: {  	[tilespmem:s5+$0xD200] =	vst v4  }
0x1d6: {  	[tilespmem:s5+$0xD210] =	vst v4  }
0x1d7: {  	[tilespmem:s5+$0xD220] =	vst v4  }
0x1d8: {  	[tilespmem:s5+$0xD230] =	vst v4  }
0x1d9: {  	[tilespmem:s5+$0xD240] =	vst v4  }
0x1da: {  	[tilespmem:s5+$0xD250] =	vst v4  }
0x1db: {  	[tilespmem:s5+$0xD260] =	vst v4  }
0x1dc: {  	[tilespmem:s5+$0xD270] =	vst v4  }
0x1dd: {  	[tilespmem:s5+$0xD600] =	vst v4  }
0x1de: {  	[tilespmem:s5+$0xD610] =	vst v4  }
0x1df: {  	[tilespmem:s5+$0xD620] =	vst v4  }
0x1e0: {  	[tilespmem:s5+$0xD630] =	vst v4  }
0x1e1: {  	[tilespmem:s5+$0xD640] =	vst v4  }
0x1e2: {  	[tilespmem:s5+$0xD650] =	vst v4  }
0x1e3: {  	[tilespmem:s5+$0xD660] =	vst v4  }
0x1e4: {  	[tilespmem:s5+$0xD670] =	vst v4  }
0x1e5: {  	[tilespmem:s5+$0xDA00] =	vst v4  }
0x1e6: {  	[tilespmem:s5+$0xDA10] =	vst v4  }
0x1e7: {  	[tilespmem:s5+$0xDA20] =	vst v4  }
0x1e8: {  	[tilespmem:s5+$0xDA30] =	vst v4  }
0x1e9: {  	s31 =	sand.u32 $0x7, s0;
	[tilespmem:s5+$0xDA40] =	vst v4  }
0x1ea: {  	s19 =	sshll.u32 s31, $0x7;
	[tilespmem:s5+$0xDA50] =	vst v4  }
0x1eb: {  	s19 =	sadd.s32 s19, s16;
	[tilespmem:s5+$0xDA60] =	vst v4  }
0x1ec: {  	[tilespmem:s5+$0xDA70] =	vst v4;
	s31 =	sor.u32 $0x1C00, s19  }
0x1ed: {  	[tilespmem:s31+$0xC200] =	vst v4;
	s31 =	sor.u32 $0x1C10, s19  }
0x1ee: {  	s17 =	sadd.s32 $0x80, s17;
	[tilespmem:s31+$0xC200] =	vst v4;
	s31 =	sor.u32 $0x1C20, s19  }
0x1ef: {  	p0 =	sne.s32 s29, s17;
	[tilespmem:s31+$0xC200] =	vst v4;
	s31 =	sor.u32 $0x1C30, s19  }
.Ltmp8:
0x1f0: {  	[tilespmem:s31+$0xC200] =	vst v4;
	s31 =	sor.u32 $0x1C40, s19;
	(pc) =	sbr.rel @p0 .LBB2_12-.Ltmp8, $4  }
0x1f1: {  	[tilespmem:s31+$0xC200] =	vst v4;
	s31 =	sor.u32 $0x1C50, s19  }
0x1f2: {  	[tilespmem:s31+$0xC200] =	vst v4;
	s31 =	sor.u32 $0x1C60, s19  }
0x1f3: {  	[tilespmem:s31+$0xC200] =	vst v4;
	s31 =	sor.u32 $0x1C70, s19  }
0x1f4: {  	s0 =	sadd.s32 $0x1, s0;
	s16 =	sadd.s32 $0x400, s16;
	[tilespmem:s31+$0xC200] =	vst v4  }
.LBB2_13:
0x1f5: {  	p0 =	seq.s32 s22, $0xF  }
0x1f6: {  	s0 =	sadd.s32 @!p0 s28, s18;
	v5 =	vlaneseq.u32 @!p0  }
0x1f7: {  	v6 =	vadd.s32 @!p0 s0, v5  }
0x1f8: {  	vm1 =	vgt.s32 @!p0 v6, $0x0  }
0x1f9: {  	v6 =	vnsel @!p0 vm1, $0x0, v6  }
0x1fa: {  	v6 =	vmin.u32 @!p0 v6, $0x7FF  }
0x1fb: {  	v7 =	vshll.u32 @!p0 v6, $0x3  }
0x1fc: {  	s19 =	sadd.s32 s11, s1;
	v8 =	vand.u32 @!p0 $0x7, v6;
	v7 =	vand.u32 @!p0 $0x3FC0, v7  }
0x1fd: {  	s0 =	sshll.u32 s19, $0x7;
	v9 =	vshrl.u32 @!p0 v5, $0x3;
	v7 =	vor.u32 @!p0 v8, v7;
	v8 =	vand.u32 @!p0 $0x7, v5  }
0x1fe: {  	s29 =	simm.s32 $0xC200;
	s0 =	sadd.s32 s3, s0;
	v9 =	vmul.u32 @!p0 $0x8, v9;
	v8 =	vperm.xlane @!p0 v7, v8  }
0x1ff: {  	[hbm4b:s0+s4] =	stream.linear.scatter [tilespmem:s29], [sflag:$0x7], $0x4000, $0x38;
	[tilespmem:$0x14200] =	vst v63  }
0x200: {  	s0 =	simm.s32 @!p0 $0x5;
	v8 =	vadd.s32 @!p0 v9, v8  }
0x201: {  	_ =	swait.ge @!p0 [sflag:s0], $0x4000  }
0x202: {  	[sflag:s0] =	ssyncset.done @!p0 $0x0  }
0x203: {  	[sflag:s0] =	ssyncadd.s32 @!p0 $0xFFFFC000  }
0x204: {  	s1 =	simm.s32 @!p0 $0x4200;
	vm1 =	vmmov @!p0 $0xffff;
	s0 =	simm.s32 @!p0 $0x0;
	[tilespmem:$0x4000] =	vst @!p0 v6  }
0x205: {  	v5 =	vor.u32 @!p0 $0x8, v5;
	[tilespmem:s1], [sflag:$0x1] =	stream.indirect_vreg.gather @!p0 [hbm4b:s2+s0], $0x80, v8, vm1, $0xb8;
	[tilespmem:$0x14200] =	vst v63  }
0x206: {  	v5 =	vperm.xlane @!p0 v7, v5;
	s1 =	simm.s32 @!p0 $0x4A00  }
0x207: {  	[tilespmem:s1], [sflag:$0x1] =	stream.indirect_vreg.gather @!p0 [hbm4b:s8+s0], $0x80, v8, vm1, $0xb8;
	[tilespmem:$0x14200] =	vst v63  }
0x208: {  	v5 =	vadd.s32 @!p0 v9, v5;
	s1 =	simm.s32 @!p0 $0x5200  }
0x209: {  	[tilespmem:s1], [sflag:$0x1] =	stream.indirect_vreg.gather @!p0 [hbm4b:s9+s0], $0x80, v8, vm1, $0xb8;
	[tilespmem:$0x14200] =	vst v63  }
0x20a: {  	s1 =	simm.s32 @!p0 $0x5A00  }
0x20b: {  	[tilespmem:s1], [sflag:$0x1] =	stream.indirect_vreg.gather @!p0 [hbm4b:s10+s0], $0x80, v8, vm1, $0xb8;
	[tilespmem:$0x14200] =	vst v63  }
0x20c: {  	s1 =	simm.s32 @!p0 $0x6200  }
0x20d: {  	[tilespmem:s1], [sflag:$0x1] =	stream.indirect_vreg.gather @!p0 [hbm4b:s2+s0], $0x80, v5, vm1, $0xb8;
	[tilespmem:$0x14200] =	vst v63  }
0x20e: {  	s1 =	simm.s32 @!p0 $0x6A00  }
0x20f: {  	[tilespmem:s1], [sflag:$0x1] =	stream.indirect_vreg.gather @!p0 [hbm4b:s8+s0], $0x80, v5, vm1, $0xb8;
	[tilespmem:$0x14200] =	vst v63  }
0x210: {  	s1 =	simm.s32 @!p0 $0x7200  }
0x211: {  	[tilespmem:s1], [sflag:$0x1] =	stream.indirect_vreg.gather @!p0 [hbm4b:s9+s0], $0x80, v5, vm1, $0xb8;
	[tilespmem:$0x14200] =	vst v63  }
0x212: {  	s1 =	simm.s32 @!p0 $0x7A00  }
0x213: {  	[tilespmem:s1], [sflag:$0x1] =	stream.indirect_vreg.gather @!p0 [hbm4b:s10+s0], $0x80, v5, vm1, $0xb8;
	[tilespmem:$0x14200] =	vst v63  }
0x214: {  	s1 =	sshll.u32 s30, $0x4  }
0x215: {  	s31 =	sor.u32 s6, s1  }
0x216: {  	s0 =	ssub.s32 s12, s31  }
0x217: {  	p1 =	slt.s32 s0, $0x1  }
.Ltmp9:
0x218: {  	_ = 	snop;
	(pc) =	sbr.rel @p1 .LBB2_16-.Ltmp9, $4  }
0x219: {  	_ = 	snop  }
0x21a: {  	_ =	swait.ge [sflag:s21], $0x4000  }
0x21b: {  	[sflag:s21] =	ssyncset.done $0x0  }
0x21c: {  	[sflag:s21] =	ssyncadd.s32 $0xFFFFC000  }
0x21d: {  	p1 =	sgt.s32 s26, $0x1;
	s0 =	smov.u32 s26  }
0x21e: {  	s0 =	simm.s32 @!p1 $0x1  }
0x21f: {  	s16 =	simm.s32 $0x0;
	s0 =	smin.u32 s0, $0x10  }
0x220: {  	s17 =	simm.s32 $0x0;
	s29 =	sshll.u32 s0, $0x7;
	s0 =	simm.s32 $0x0  }
.LBB2_15:
0x221: {  	s5 =	sand.u32 $0xFFFFE000, s0;
	s19 =	sand.u32 $0x380, s17  }
0x222: {  	s5 =	sor.u32 s19, s5  }
0x223: {  	s19 =	sadd.s32 $0x10200, s5;
	[tilespmem:s5+$0x10200] =	vst v4  }
0x224: {  	[tilespmem:s19+$0x10] =	vst v4  }
0x225: {  	[tilespmem:s19+$0x20] =	vst v4  }
0x226: {  	[tilespmem:s19+$0x30] =	vst v4  }
0x227: {  	[tilespmem:s19+$0x40] =	vst v4  }
0x228: {  	[tilespmem:s19+$0x50] =	vst v4  }
0x229: {  	[tilespmem:s19+$0x60] =	vst v4  }
0x22a: {  	[tilespmem:s19+$0x70] =	vst v4  }
0x22b: {  	[tilespmem:s19+$0x400] =	vst v4  }
0x22c: {  	[tilespmem:s19+$0x410] =	vst v4  }
0x22d: {  	[tilespmem:s19+$0x420] =	vst v4  }
0x22e: {  	[tilespmem:s19+$0x430] =	vst v4  }
0x22f: {  	[tilespmem:s19+$0x440] =	vst v4  }
0x230: {  	[tilespmem:s19+$0x450] =	vst v4  }
0x231: {  	[tilespmem:s19+$0x460] =	vst v4  }
0x232: {  	[tilespmem:s19+$0x470] =	vst v4  }
0x233: {  	[tilespmem:s19+$0x800] =	vst v4  }
0x234: {  	[tilespmem:s19+$0x810] =	vst v4  }
0x235: {  	[tilespmem:s19+$0x820] =	vst v4  }
0x236: {  	[tilespmem:s19+$0x830] =	vst v4  }
0x237: {  	[tilespmem:s19+$0x840] =	vst v4  }
0x238: {  	[tilespmem:s19+$0x850] =	vst v4  }
0x239: {  	[tilespmem:s19+$0x860] =	vst v4  }
0x23a: {  	[tilespmem:s19+$0x870] =	vst v4  }
0x23b: {  	[tilespmem:s19+$0xC00] =	vst v4  }
0x23c: {  	[tilespmem:s19+$0xC10] =	vst v4  }
0x23d: {  	[tilespmem:s19+$0xC20] =	vst v4  }
0x23e: {  	[tilespmem:s19+$0xC30] =	vst v4  }
0x23f: {  	[tilespmem:s19+$0xC40] =	vst v4  }
0x240: {  	[tilespmem:s19+$0xC50] =	vst v4  }
0x241: {  	[tilespmem:s19+$0xC60] =	vst v4  }
0x242: {  	[tilespmem:s19+$0xC70] =	vst v4  }
0x243: {  	[tilespmem:s19+$0x1000] =	vst v4  }
0x244: {  	[tilespmem:s19+$0x1010] =	vst v4  }
0x245: {  	[tilespmem:s19+$0x1020] =	vst v4  }
0x246: {  	[tilespmem:s19+$0x1030] =	vst v4  }
0x247: {  	[tilespmem:s19+$0x1040] =	vst v4  }
0x248: {  	[tilespmem:s19+$0x1050] =	vst v4  }
0x249: {  	[tilespmem:s19+$0x1060] =	vst v4  }
0x24a: {  	[tilespmem:s19+$0x1070] =	vst v4  }
0x24b: {  	[tilespmem:s19+$0x1400] =	vst v4  }
0x24c: {  	[tilespmem:s19+$0x1410] =	vst v4  }
0x24d: {  	[tilespmem:s19+$0x1420] =	vst v4  }
0x24e: {  	[tilespmem:s19+$0x1430] =	vst v4  }
0x24f: {  	[tilespmem:s19+$0x1440] =	vst v4  }
0x250: {  	[tilespmem:s19+$0x1450] =	vst v4  }
0x251: {  	[tilespmem:s19+$0x1460] =	vst v4  }
0x252: {  	[tilespmem:s19+$0x1470] =	vst v4  }
0x253: {  	[tilespmem:s19+$0x1800] =	vst v4  }
0x254: {  	[tilespmem:s19+$0x1810] =	vst v4  }
0x255: {  	[tilespmem:s19+$0x1820] =	vst v4  }
0x256: {  	[tilespmem:s19+$0x1830] =	vst v4  }
0x257: {  	s30 =	sand.u32 $0x7, s16;
	[tilespmem:s19+$0x1840] =	vst v4  }
0x258: {  	s5 =	sshll.u32 s30, $0x7;
	[tilespmem:s19+$0x1850] =	vst v4  }
0x259: {  	s5 =	sadd.s32 s5, s0;
	[tilespmem:s19+$0x1860] =	vst v4  }
0x25a: {  	[tilespmem:s19+$0x1870] =	vst v4;
	s31 =	sor.u32 $0x1C00, s5  }
0x25b: {  	s30 =	sor.u32 $0x1C10, s5;
	[tilespmem:s31+$0x10200] =	vst v4  }
0x25c: {  	s17 =	sadd.s32 $0x80, s17;
	s31 =	sor.u32 $0x1C20, s5;
	[tilespmem:s30+$0x10200] =	vst v4  }
0x25d: {  	p1 =	sne.s32 s29, s17;
	s30 =	sor.u32 $0x1C30, s5;
	[tilespmem:s31+$0x10200] =	vst v4  }
.Ltmp10:
0x25e: {  	s31 =	sor.u32 $0x1C40, s5;
	[tilespmem:s30+$0x10200] =	vst v4;
	(pc) =	sbr.rel @p1 .LBB2_15-.Ltmp10, $4  }
0x25f: {  	s30 =	sor.u32 $0x1C50, s5;
	[tilespmem:s31+$0x10200] =	vst v4  }
0x260: {  	s31 =	sor.u32 $0x1C60, s5;
	[tilespmem:s30+$0x10200] =	vst v4  }
0x261: {  	s5 =	sor.u32 $0x1C70, s5;
	[tilespmem:s31+$0x10200] =	vst v4  }
0x262: {  	s16 =	sadd.s32 $0x1, s16;
	s0 =	sadd.s32 $0x400, s0;
	[tilespmem:s5+$0x10200] =	vst v4  }
.LBB2_16:
.Ltmp11:
0x263: {  	(pc) =	sbr.rel @p0 .LBB2_18-.Ltmp11, $4  }
0x264: {  	s0 =	sadd.s32 s11, s1  }
0x265: {  	s0 =	sshll.u32 s0, $0x7  }
0x266: {  	s31 =	simm.s32 $0x10200;
	s0 =	sadd.s32 s3, s0  }
0x267: {  	[hbm4b:s0+s4] =	stream.linear.scatter [tilespmem:s31], [sflag:$0x8], $0x4000, $0x38;
	[tilespmem:$0x14200] =	vst v63  }
0x268: {  	s0 =	sadd.s32 s28, s7  }
0x269: {  	v5 =	vadd.s32 s0, v0  }
0x26a: {  	vm1 =	vgt.s32 v5, $0x0  }
0x26b: {  	v5 =	vnsel vm1, $0x0, v5  }
0x26c: {  	v5 =	vmin.u32 v5, $0x7FF  }
0x26d: {  	v6 =	vshll.u32 v5, $0x3  }
0x26e: {  	v7 =	vand.u32 $0x7, v5;
	v6 =	vand.u32 $0x3FC0, v6  }
0x26f: {  	v6 =	vor.u32 v7, v6  }
0x270: {  	v7 =	vperm.xlane v6, v1;
	_ =	sdelay $0x1  }
0x271: {  	v7 =	vadd.s32 v2, v7  }
0x272: {  	_ =	swait.ge [sflag:s23], $0x4000  }
0x273: {  	[sflag:s23] =	ssyncset.done $0x0  }
0x274: {  	[sflag:s23] =	ssyncadd.s32 $0xFFFFC000  }
0x275: {  	[tilespmem:$0x4080] =	vst v5  }
0x276: {  	[tilespmem:s24], [sflag:$0x2] =	stream.indirect_vreg.gather [hbm4b:s2+s4], $0x80, v7, vm0, $0xb8;
	[tilespmem:$0x14200] =	vst v63  }
0x277: {  	s17 =	simm.s32 $0x8A00;
	v5 =	vperm.xlane v6, v3  }
0x278: {  	[tilespmem:s17], [sflag:$0x2] =	stream.indirect_vreg.gather [hbm4b:s8+s4], $0x80, v7, vm0, $0xb8;
	[tilespmem:$0x14200] =	vst v63  }
0x279: {  	s19 =	simm.s32 $0x9200;
	v5 =	vadd.s32 v2, v5  }
0x27a: {  	[tilespmem:s19], [sflag:$0x2] =	stream.indirect_vreg.gather [hbm4b:s9+s4], $0x80, v7, vm0, $0xb8;
	[tilespmem:$0x14200] =	vst v63  }
0x27b: {  	s24 =	simm.s32 $0x9A00  }
0x27c: {  	[tilespmem:s24], [sflag:$0x2] =	stream.indirect_vreg.gather [hbm4b:s10+s4], $0x80, v7, vm0, $0xb8;
	[tilespmem:$0x14200] =	vst v63  }
0x27d: {  	s28 =	simm.s32 $0xA200  }
0x27e: {  	[tilespmem:s28], [sflag:$0x2] =	stream.indirect_vreg.gather [hbm4b:s2+s4], $0x80, v5, vm0, $0xb8;
	[tilespmem:$0x14200] =	vst v63  }
0x27f: {  	s29 =	simm.s32 $0xAA00  }
0x280: {  	[tilespmem:s29], [sflag:$0x2] =	stream.indirect_vreg.gather [hbm4b:s8+s4], $0x80, v5, vm0, $0xb8;
	[tilespmem:$0x14200] =	vst v63  }
.Ltmp12:
0x281: {  	s30 =	simm.s32 $0xB200;
	(pc) =	sbr.rel .LBB2_4-.Ltmp12, $4  }
0x282: {  	s31 =	simm.s32 $0xBA00;
	s22 =	sadd.s32 $0x1, s22;
	s13 =	sadd.s32 $0xFFFFFFC0, s13  }
0x283: {  	[tilespmem:s30], [sflag:$0x2] =	stream.indirect_vreg.gather [hbm4b:s9+s4], $0x80, v5, vm0, $0xb8;
	[tilespmem:$0x14200] =	vst v63  }
0x284: {  	s14 =	sadd.s32 $0xFFFFFFC0, s14;
	s25 =	sadd.s32 $0xFFFFFFC0, s25;
	s26 =	sadd.s32 $0xFFFFFFC0, s26  }
0x285: {  	[tilespmem:s31], [sflag:$0x2] =	stream.indirect_vreg.gather [hbm4b:s10+s4], $0x80, v5, vm0, $0xb8;
	[tilespmem:$0x14200] =	vst v63  }
.LBB2_19:
0x286: {  	_ =	sfence.sel $0x180000  }
0x287: {  	[bflag:$0x0] =	sbarrier.arrive $0xFFFF  }
0x288: {  	_ =	strace $0x90000047  }
0x289: {  	s0 =	stileid.u32;
	[bflag:$0x2] =	sbarrier.arrive $0xFFFF  }
0x28a: {  	p0 =	sne.s32 s0, $0x0;
	s0 =	rddreg [dreg:$0x3]  }
0x28b: {  	s0 =	sadd.s32 @!p0 $0x100000, s0  }
0x28c: {  	[sflag:s0] =	ssyncadd.tile.s32 @!p0 $0x1;
	_ =	shalt  }
.Lfunc_end2:
_tile_overlayer_lowered:
.L_overlay_start_2:
0x28d: {  	(tag) =	ssettag $0x2  }
0x28e: {  	s0 =	rddreg [dreg:$0x0];
	s2 =	stileid.u32  }
0x28f: {  	s1 =	rddreg [dreg:$0x1];
	p0 =	sne.s32 s2, $0x0  }
0x290: {  	s3 =	rddreg [dreg:$0x2];
	[bflag:$0x3] =	sbarrier.arrive $0xFFFF;
	s2 =	simm.s32 @!p0 $0x1C09  }
0x291: {  	[timem:s3], [sflag:s2] =	dma.local @!p0 [hbm:s0], s1  }
0x292: {  	s0 =	simm.s32 @!p0 $0x9  }
0x293: {  	_ =	swait.ge @!p0 [sflag:s0], s1  }
0x294: {  	s1 =	ssub.s32 @!p0 $0x0, s1;
	[sflag:s0] =	ssyncset.done @!p0 $0x0  }
0x295: {  	[sflag:s0] =	ssyncadd.s32 @!p0 s1  }
0x296: {  	[bflag:$0x3] =	sbarrier.arrive $0xFFFF  }
0x297: {  	_ =	shalt  }

</sc_bundles>
